<compile_context>
chip_gen: v7x
topology: tpu7x:2x2x1
jax: 0.10.2.dev20260603
libtpu: 0.0.44.dev20260713+nightly
codegen_flags: <defaults>
</compile_context>

<pallas_src>
import dataclasses
import functools

import jax
import jax.numpy as jnp
from jax import lax
from jax.experimental import pallas as pl
from jax.experimental.pallas import tpu as pltpu
from jax.experimental.pallas import tpu_sc as plsc

N_NODES = 10000
N_EDGES = 320000
D_IN = 128
N_CLASSES = 64

NC = 2
NS = 16
L = 16
NW = NC * NS

NPAD = 10240
K = 128
EPT = 10240
EPAD = NW * EPT
NCHUNK = EPT // K
ROWS_PT = NPAD // NS

_MESH = plsc.VectorSubcoreMesh(
    core_axis_name="c", subcore_axis_name="s", num_cores=NC, num_subcores=NS
)


def _make_scatter(d, ks, nslot, cp=None):
    nchunk = EPT // ks
    assert nchunk % nslot == 0 and nslot >= 4

    @functools.partial(
        pl.kernel,
        out_type=jax.ShapeDtypeStruct((NC, NPAD, d), jnp.float32),
        mesh=_MESH,
        compiler_params=cp,
        scratch_types=(
            [pltpu.VMEM((EPT,), jnp.int32)]
            + [pltpu.VMEM((ks,), jnp.int32) for _ in range(nslot)]
            + [pltpu.VMEM((ks, d), jnp.float32) for _ in range(nslot)]
            + [pltpu.VMEM_SHARED((NPAD, d), jnp.float32)]
            + [pltpu.SemaphoreType.DMA for _ in range(3 * nslot)]
        ),
    )
    def scatter_kernel(xp_hbm, ep_hbm, out_hbm, src_v, *rest):
        dstb = rest[0:nslot]
        rows = rest[nslot:2 * nslot]
        acc_sh = rest[2 * nslot]
        isem = rest[2 * nslot + 1:3 * nslot + 1]
        gsem = rest[3 * nslot + 1:4 * nslot + 1]
        ssem = rest[4 * nslot + 1:5 * nslot + 1]
        cid = lax.axis_index("c")
        sid = lax.axis_index("s")
        wid = cid * NS + sid
        r0 = rows[0]

        ebase = wid * EPT
        i_src = pltpu.async_copy(
            ep_hbm.at[0, pl.ds(ebase, EPT)], src_v, gsem[0])
        i_src.wait()

        def fetch(cc, b):
            pltpu.async_copy(
                ep_hbm.at[1, pl.ds(ebase + cc * ks, ks)], dstb[b], isem[b])
            pltpu.async_copy(
                xp_hbm.at[src_v.at[pl.ds(cc * ks, ks)]], rows[b], gsem[b])

        def wait_fetch(b):
            pltpu.make_async_copy(
                ep_hbm.at[1, pl.ds(ebase, ks)], dstb[b], isem[b]).wait()
            pltpu.make_async_copy(
                xp_hbm.at[src_v.at[pl.ds(0, ks)]], rows[b], gsem[b]).wait()

        def scat(b):
            pltpu.async_copy(rows[b], acc_sh.at[dstb[b]], ssem[b], add=True)

        def wait_scat(b):
            pltpu.make_async_copy(rows[b], acc_sh.at[dstb[b]], ssem[b]).wait()

        for cc in range(1, nslot):
            fetch(cc, cc)

        zeros = jnp.zeros((L,), jnp.float32)

        @pl.loop(0, ks)
        def _(r):
            @pl.loop(0, d // L)
            def _(j):
                r0[r, pl.ds(j * L, L)] = zeros

        rbase = sid * ROWS_PT
        for j in range(ROWS_PT // ks):
            pltpu.async_copy(
                r0, acc_sh.at[pl.ds(rbase + j * ks, ks)], ssem[0])
        for j in range(ROWS_PT // ks):
            pltpu.make_async_copy(
                r0, acc_sh.at[pl.ds(rbase, ks)], ssem[0]).wait()
        fetch(0, 0)
        plsc.subcore_barrier()

        wait_fetch(0)
        scat(0)
        wait_fetch(1)
        scat(1)

        @pl.loop(2, 2 + (nchunk - nslot), step=nslot)
        def _(c):
            for j in range(nslot):
                b = (2 + j) % nslot
                b2 = j
                wait_fetch(b)
                wait_scat(b2)
                fetch_c = c + j + (nslot - 2)
                pltpu.async_copy(
                    ep_hbm.at[1, pl.ds(ebase + fetch_c * ks, ks)],
                    dstb[b2], isem[b2])
                pltpu.async_copy(
                    xp_hbm.at[src_v.at[pl.ds(fetch_c * ks, ks)]],
                    rows[b2], gsem[b2])
                scat(b)

        for cc in range(nchunk - nslot + 2, nchunk):
            wait_fetch(cc % nslot)
            wait_scat((cc - 2) % nslot)
            scat(cc % nslot)
        for cc in (nchunk - 2, nchunk - 1):
            wait_scat(cc % nslot)

        plsc.subcore_barrier()
        pltpu.sync_copy(acc_sh.at[pl.ds(rbase, ROWS_PT)],
                        out_hbm.at[cid, pl.ds(rbase, ROWS_PT)])

    return scatter_kernel


_CP_LINEAR = dataclasses.replace(pltpu.CompilerParams(),
                                 use_tc_tiling_on_sc=False)

_scatter128 = _make_scatter(D_IN, 32, 8)
_scatter64 = _make_scatter(N_CLASSES, 128, 8, cp=_CP_LINEAR)


_CP = pltpu.CompilerParams()
if "needs_layout_passes" in pltpu.CompilerParams.__dataclass_fields__:
    _CP = dataclasses.replace(_CP, needs_layout_passes=False)


@functools.partial(
    pl.kernel,
    out_type=(
        jax.ShapeDtypeStruct((NW, NPAD), jnp.float32),
        jax.ShapeDtypeStruct((NW, NPAD), jnp.float32),
    ),
    mesh=_MESH,
    compiler_params=_CP,
    scratch_types=[
        pltpu.VMEM((NPAD,), jnp.float32),
        pltpu.VMEM((NPAD,), jnp.float32),
        pltpu.VMEM((EPT,), jnp.int32),
        pltpu.VMEM((EPT,), jnp.int32),
        pltpu.SemaphoreType.DMA,
        pltpu.SemaphoreType.DMA,
    ],
)
def _deg_kernel(ep_hbm, osrc_hbm, odst_hbm, hs_v, hd_v,
                src_v, dst_v, sem_a, sem_b):
    cid = lax.axis_index("c")
    sid = lax.axis_index("s")
    wid = cid * NS + sid

    ebase = wid * EPT
    i_src = pltpu.async_copy(ep_hbm.at[0, pl.ds(ebase, EPT)], src_v, sem_a)
    i_dst = pltpu.async_copy(ep_hbm.at[1, pl.ds(ebase, EPT)], dst_v, sem_b)

    zeros = jnp.zeros((L,), jnp.float32)

    @pl.loop(0, NPAD // L)
    def _(i):
        hs_v[pl.ds(i * L, L)] = zeros
        hd_v[pl.ds(i * L, L)] = zeros

    ones = jnp.ones((L,), jnp.float32)
    i_src.wait()
    i_dst.wait()

    @pl.loop(0, EPT // L)
    def _(i):
        sv = src_v[pl.ds(i * L, L)]
        dv = dst_v[pl.ds(i * L, L)]
        plsc.addupdate_scatter(hs_v, [sv], ones)
        plsc.addupdate_scatter(hd_v, [dv], ones)

    pltpu.sync_copy(hs_v, osrc_hbm.at[wid])
    pltpu.sync_copy(hd_v, odst_hbm.at[wid])


def _prologue_body(x_ref, dsp_ref, ddp_ref, xp_ref, ns_ref, nd_ref):
    deg_out = jnp.sum(dsp_ref[...], axis=0)
    deg_in = jnp.sum(ddp_ref[...], axis=0)
    ns = lax.rsqrt(jnp.clip(deg_out, 1.0, None))
    nd = lax.rsqrt(jnp.clip(deg_in, 1.0, None))
    ns_ref[...] = ns[:, None]
    nd_ref[...] = nd[:, None]
    xs = x_ref[...] * ns[:N_NODES, None]
    xp_ref[...] = jnp.concatenate(
        [xs, jnp.zeros((NPAD - N_NODES, D_IN), jnp.float32)], axis=0)


_prologue = pl.pallas_call(
    _prologue_body,
    out_shape=(
        jax.ShapeDtypeStruct((NPAD, D_IN), jnp.float32),
        jax.ShapeDtypeStruct((NPAD, 1), jnp.float32),
        jax.ShapeDtypeStruct((NPAD, 1), jnp.float32),
    ),
)


def _mid_body(a_ref, nd_ref, ns_ref, w1_ref, b1_ref, w2_ref, g_ref):
    agg = a_ref[0] + a_ref[1]
    h = jnp.dot(agg * nd_ref[...], w1_ref[...],
                preferred_element_type=jnp.float32)
    h = jnp.maximum(h + b1_ref[...], 0.0)
    g_ref[...] = jnp.dot(h * ns_ref[...], w2_ref[...],
                         preferred_element_type=jnp.float32)


_MBLK = 1280

_mid = pl.pallas_call(
    _mid_body,
    grid=(NPAD // _MBLK,),
    in_specs=[
        pl.BlockSpec((NC, _MBLK, D_IN), lambda i: (0, i, 0)),
        pl.BlockSpec((_MBLK, 1), lambda i: (i, 0)),
        pl.BlockSpec((_MBLK, 1), lambda i: (i, 0)),
        pl.BlockSpec((D_IN, D_IN), lambda i: (0, 0)),
        pl.BlockSpec((D_IN,), lambda i: (0,)),
        pl.BlockSpec((D_IN, N_CLASSES), lambda i: (0, 0)),
    ],
    out_specs=pl.BlockSpec((_MBLK, N_CLASSES), lambda i: (i, 0)),
    out_shape=jax.ShapeDtypeStruct((NPAD, N_CLASSES), jnp.float32),
)


def _final_body(a_ref, nd_ref, b2_ref, o_ref):
    agg = a_ref[0] + a_ref[1]
    o_ref[...] = jnp.maximum(agg * nd_ref[...] + b2_ref[...], 0.0)


_FBLK = 2000

_final = pl.pallas_call(
    _final_body,
    grid=(N_NODES // _FBLK,),
    in_specs=[
        pl.BlockSpec((NC, _FBLK, N_CLASSES), lambda i: (0, i, 0)),
        pl.BlockSpec((_FBLK, 1), lambda i: (i, 0)),
        pl.BlockSpec((N_CLASSES,), lambda i: (0,)),
    ],
    out_specs=pl.BlockSpec((_FBLK, N_CLASSES), lambda i: (i, 0)),
    out_shape=jax.ShapeDtypeStruct((N_NODES, N_CLASSES), jnp.float32),
)


def kernel(x, edge_index, W1, b1, W2, b2):
    pad = N_NODES + jnp.arange(EPAD - N_EDGES, dtype=jnp.int32) % (NPAD - N_NODES)
    ep = jnp.concatenate(
        [edge_index.astype(jnp.int32),
         jnp.broadcast_to(pad, (2, EPAD - N_EDGES))], axis=1)

    dsp, ddp = _deg_kernel(ep)
    xp, ns, nd = _prologue(x, dsp, ddp)
    agg1 = _scatter128(xp, ep)
    g = _mid(agg1, nd, ns, W1, b1, W2)
    agg2 = _scatter64(g, ep)
    return _final(agg2, nd, b2)

# --- scband reference (transcript-rebuilt; emitter-appended) ---
"""Pipeline reference for scband-data-parallel-stage-18141941859024 (READ-ONLY COPY).

The authoritative reference and input builder live on the scoring server;
editing this copy changes nothing except your own understanding.
"""

import jax, jax.numpy as jnp
import numpy as np

N_NODES = 10000
N_EDGES = 320000
D_IN = 128
N_CLASSES = 64


def _gcn_layer(x, src, dst, W, b):
    # DGL GraphConv with norm='both', allow_zero_in_degree=True:
    # h = D_in^{-1/2} A D_out^{-1/2} x W + b
    ones = jnp.ones((src.shape[0],), dtype=x.dtype)
    deg_out = jax.ops.segment_sum(ones, src, num_segments=N_NODES)
    deg_in = jax.ops.segment_sum(ones, dst, num_segments=N_NODES)
    norm_src = jax.lax.rsqrt(jnp.clip(deg_out, 1.0, None))
    norm_dst = jax.lax.rsqrt(jnp.clip(deg_in, 1.0, None))
    m = (x * norm_src[:, None])[src]              # gather source features
    agg = jax.ops.segment_sum(m, dst, num_segments=N_NODES)  # scatter-add to dst
    h = agg * norm_dst[:, None]
    return h @ W + b


def setup_inputs(seed: int = 0) -> dict:
    key = jax.random.key(seed)
    k1, k2, k3, k4, k5, k6 = jax.random.split(key, 6)
    x = jax.random.normal(k1, (N_NODES, D_IN), dtype=jnp.float32)
    edge_index = jax.random.randint(k2, (2, N_EDGES), 0, N_NODES)
    W1 = jax.random.normal(k3, (D_IN, D_IN), dtype=jnp.float32) * (1.0 / np.sqrt(D_IN))
    b1 = jnp.zeros((D_IN,), dtype=jnp.float32)
    W2 = jax.random.normal(k4, (D_IN, N_CLASSES), dtype=jnp.float32) * (1.0 / np.sqrt(D_IN))
    b2 = jnp.zeros((N_CLASSES,), dtype=jnp.float32)
    return {"x": x, "edge_index": edge_index, "W1": W1, "b1": b1, "W2": W2, "b2": b2}


def reference(x, edge_index, W1, b1, W2, b2):
    src = edge_index[0]
    dst = edge_index[1]
    # layer 1: GCNConv(n_hidden, n_hidden) with relu activation, then dropout (identity in eval)
    h = jax.nn.relu(_gcn_layer(x, src, dst, W1, b1))
    # layer 2 (final): GCNConv(n_hidden, n_classes) with relu activation, no dropout after
    out = jax.nn.relu(_gcn_layer(h, src, dst, W2, b2))
    return out

if __name__ == "__main__":
    import jax
    _d = setup_inputs()
    print(jax.jit(kernel)(*tuple(_d.values())))

</pallas_src>

<mosaic_0001>
#map = affine_map<(d0, d1) -> (0, 0)>
module attributes {stable_mosaic.version = 14 : i64} {
  func.func @_deg_kernel(%arg0: i32, %arg1: i32, %arg2: memref<2x327680xi32, #tpu.memory_space<hbm>>, %arg3: memref<32x10240xf32, #tpu.memory_space<hbm>>, %arg4: memref<32x10240xf32, #tpu.memory_space<hbm>>, %arg5: memref<10240xf32, #tpu.memory_space<vmem>>, %arg6: memref<10240xf32, #tpu.memory_space<vmem>>, %arg7: memref<10240xi32, #tpu.memory_space<vmem>>, %arg8: memref<10240xi32, #tpu.memory_space<vmem>>, %arg9: memref<!tpu.dma_semaphore, #tpu.memory_space<semaphore_mem>>, %arg10: memref<!tpu.dma_semaphore, #tpu.memory_space<semaphore_mem>>) attributes {dimension_semantics = [#tpu.dimension_semantics<core_parallel>, #tpu.dimension_semantics<subcore_parallel>], iteration_bounds = array<i64: 2, 16>, scalar_prefetch = 0 : i64, scratch_operands = 6 : i64, tpu.core_type = #tpu.core_type<sc_vector_subcore>, window_params = [{transform_indices = #map}, {transform_indices = #map}, {transform_indices = #map}]} {
    %mul3A = arith.constant 16 : i32
    %mul3A_0 = arith.muli %arg0, %mul3A : i32
    %add3A = arith.addi %mul3A_0, %arg1 : i32
    %mul3A_1 = arith.constant 10240 : i32
    %mul3A_2 = arith.muli %add3A, %mul3A_1 : i32
    %dma_start3A = arith.constant 0 : i32
    %dma_start3A_3 = tpu.memref_slice %arg2[%dma_start3A, %mul3A_2] : memref<2x327680xi32, #tpu.memory_space<hbm>> -> memref<1x10240xi32, #tpu.memory_space<hbm>>
    %dma_start3A_4 = tpu.memref_squeeze %dma_start3A_3 : memref<1x10240xi32, #tpu.memory_space<hbm>> -> memref<10240xi32, #tpu.memory_space<hbm>>
    %dma_start3A_5 = tpu.memref_slice %arg2[%dma_start3A, %mul3A_2] : memref<2x327680xi32, #tpu.memory_space<hbm>> -> memref<1x10240xi32, #tpu.memory_space<hbm>>
    %dma_start3A_6 = tpu.memref_squeeze %dma_start3A_5 : memref<1x10240xi32, #tpu.memory_space<hbm>> -> memref<10240xi32, #tpu.memory_space<hbm>>
    tpu.enqueue_dma source(%dma_start3A_6 : memref<10240xi32, #tpu.memory_space<hbm>>) target(%arg7 : memref<10240xi32, #tpu.memory_space<vmem>>) target_semaphore(%arg9 : memref<!tpu.dma_semaphore, #tpu.memory_space<semaphore_mem>>)
    %dma_start3A_7 = arith.constant 1 : i32
    %dma_start3A_8 = tpu.memref_slice %arg2[%dma_start3A_7, %mul3A_2] : memref<2x327680xi32, #tpu.memory_space<hbm>> -> memref<1x10240xi32, #tpu.memory_space<hbm>>
    %dma_start3A_9 = tpu.memref_squeeze %dma_start3A_8 : memref<1x10240xi32, #tpu.memory_space<hbm>> -> memref<10240xi32, #tpu.memory_space<hbm>>
    %dma_start3A_10 = tpu.memref_slice %arg2[%dma_start3A_7, %mul3A_2] : memref<2x327680xi32, #tpu.memory_space<hbm>> -> memref<1x10240xi32, #tpu.memory_space<hbm>>
    %dma_start3A_11 = tpu.memref_squeeze %dma_start3A_10 : memref<1x10240xi32, #tpu.memory_space<hbm>> -> memref<10240xi32, #tpu.memory_space<hbm>>
    tpu.enqueue_dma source(%dma_start3A_11 : memref<10240xi32, #tpu.memory_space<hbm>>) target(%arg8 : memref<10240xi32, #tpu.memory_space<vmem>>) target_semaphore(%arg10 : memref<!tpu.dma_semaphore, #tpu.memory_space<semaphore_mem>>)
    %broadcast_in_dim3A = arith.constant 0.000000e+00 : f32
    %broadcast_in_dim3A_12 = vector.broadcast %broadcast_in_dim3A : f32 to vector<16xf32>
    %scan3A = arith.constant 0 : i32
    %scan3A_13 = arith.constant 640 : i32
    %scan3A_14 = arith.addi %scan3A, %scan3A_13 : i32
    %scan3A_15 = arith.constant 1 : i32
    scf.for %scan3A_33 = %scan3A to %scan3A_14 step %scan3A_15  : i32 {
      %mul3A_34 = arith.constant 1 : i32
      %mul3A_35 = arith.muli %scan3A_33, %mul3A_34 : i32
      %add3A_36 = arith.constant 0 : i32
      %add3A_37 = arith.addi %add3A_36, %mul3A_35 : i32
      %mul3A_38 = arith.constant 16 : i32
      %mul3A_39 = arith.muli %add3A_37, %mul3A_38 : i32
      %swap3A = arith.index_cast %mul3A_39 : i32 to index
      %swap3A_40 = tpu.vector_load %arg5[%swap3A] {strides = array<i32>} : memref<10240xf32, #tpu.memory_space<vmem>>, vector<16xf32>,
      tpu.vector_store %arg5[%swap3A], %broadcast_in_dim3A_12 {strides = array<i32>} : memref<10240xf32, #tpu.memory_space<vmem>>, vector<16xf32>,
      %mul3A_41 = arith.constant 16 : i32
      %mul3A_42 = arith.muli %add3A_37, %mul3A_41 : i32
      %swap3A_43 = arith.index_cast %mul3A_42 : i32 to index
      %swap3A_44 = tpu.vector_load %arg6[%swap3A_43] {strides = array<i32>} : memref<10240xf32, #tpu.memory_space<vmem>>, vector<16xf32>,
      tpu.vector_store %arg6[%swap3A_43], %broadcast_in_dim3A_12 {strides = array<i32>} : memref<10240xf32, #tpu.memory_space<vmem>>, vector<16xf32>,
    }
    %scan3A_16 = arith.constant 640 : i32
    %broadcast_in_dim3A_17 = arith.constant 1.000000e+00 : f32
    %broadcast_in_dim3A_18 = vector.broadcast %broadcast_in_dim3A_17 : f32 to vector<16xf32>
    %dma_wait3A = arith.constant 0 : i32
    %dma_wait3A_19 = tpu.memref_slice %arg2[%dma_wait3A, %mul3A_2] : memref<2x327680xi32, #tpu.memory_space<hbm>> -> memref<1x10240xi32, #tpu.memory_space<hbm>>
    %dma_wait3A_20 = tpu.memref_squeeze %dma_wait3A_19 : memref<1x10240xi32, #tpu.memory_space<hbm>> -> memref<10240xi32, #tpu.memory_space<hbm>>
    %dma_wait3A_21 = tpu.memref_slice %arg2[%dma_wait3A, %mul3A_2] : memref<2x327680xi32, #tpu.memory_space<hbm>> -> memref<1x10240xi32, #tpu.memory_space<hbm>>
    %dma_wait3A_22 = tpu.memref_squeeze %dma_wait3A_21 : memref<1x10240xi32, #tpu.memory_space<hbm>> -> memref<10240xi32, #tpu.memory_space<hbm>>
    tpu.wait_dma2 semaphore(%arg9 : memref<!tpu.dma_semaphore, #tpu.memory_space<semaphore_mem>>) src(%dma_wait3A_22 : memref<10240xi32, #tpu.memory_space<hbm>>) dst(%arg7 : memref<10240xi32, #tpu.memory_space<vmem>>)
    %dma_wait3A_23 = arith.constant 1 : i32
    %dma_wait3A_24 = tpu.memref_slice %arg2[%dma_wait3A_23, %mul3A_2] : memref<2x327680xi32, #tpu.memory_space<hbm>> -> memref<1x10240xi32, #tpu.memory_space<hbm>>
    %dma_wait3A_25 = tpu.memref_squeeze %dma_wait3A_24 : memref<1x10240xi32, #tpu.memory_space<hbm>> -> memref<10240xi32, #tpu.memory_space<hbm>>
    %dma_wait3A_26 = tpu.memref_slice %arg2[%dma_wait3A_23, %mul3A_2] : memref<2x327680xi32, #tpu.memory_space<hbm>> -> memref<1x10240xi32, #tpu.memory_space<hbm>>
    %dma_wait3A_27 = tpu.memref_squeeze %dma_wait3A_26 : memref<1x10240xi32, #tpu.memory_space<hbm>> -> memref<10240xi32, #tpu.memory_space<hbm>>
    tpu.wait_dma2 semaphore(%arg10 : memref<!tpu.dma_semaphore, #tpu.memory_space<semaphore_mem>>) src(%dma_wait3A_27 : memref<10240xi32, #tpu.memory_space<hbm>>) dst(%arg8 : memref<10240xi32, #tpu.memory_space<vmem>>)
    %scan3A_28 = arith.constant 0 : i32
    %scan3A_29 = arith.constant 640 : i32
    %scan3A_30 = arith.addi %scan3A_28, %scan3A_29 : i32
    %scan3A_31 = arith.constant 1 : i32
    scf.for %scan3A_33 = %scan3A_28 to %scan3A_30 step %scan3A_31  : i32 {
      %mul3A_34 = arith.constant 1 : i32
      %mul3A_35 = arith.muli %scan3A_33, %mul3A_34 : i32
      %add3A_36 = arith.constant 0 : i32
      %add3A_37 = arith.addi %add3A_36, %mul3A_35 : i32
      %mul3A_38 = arith.constant 16 : i32
      %mul3A_39 = arith.muli %add3A_37, %mul3A_38 : i32
      %get3A = arith.index_cast %mul3A_39 : i32 to index
      %get3A_40 = tpu.vector_load %arg7[%get3A] {strides = array<i32>} : memref<10240xi32, #tpu.memory_space<vmem>>, vector<16xi32>,
      %mul3A_41 = arith.constant 16 : i32
      %mul3A_42 = arith.muli %add3A_37, %mul3A_41 : i32
      %get3A_43 = arith.index_cast %mul3A_42 : i32 to index
      %get3A_44 = tpu.vector_load %arg8[%get3A_43] {strides = array<i32>} : memref<10240xi32, #tpu.memory_space<vmem>>, vector<16xi32>,
      tpu.vector_store_idx %arg5[%get3A_40], %broadcast_in_dim3A_18 {add = true} : memref<10240xf32, #tpu.memory_space<vmem>>[vector<16xi32>], vector<16xf32>,
      tpu.vector_store_idx %arg6[%get3A_44], %broadcast_in_dim3A_18 {add = true} : memref<10240xf32, #tpu.memory_space<vmem>>[vector<16xi32>], vector<16xf32>,
    }
    %scan3A_32 = arith.constant 640 : i32
    "tpu.region"() ({
      %run_scoped3A = tpu.sem_alloc : memref<!tpu.dma_semaphore, #tpu.memory_space<semaphore_mem>>
      %dma_start3A_33 = arith.constant 0 : i32
      %dma_start3A_34 = tpu.memref_slice %arg3[%add3A, %dma_start3A_33] : memref<32x10240xf32, #tpu.memory_space<hbm>> -> memref<1x10240xf32, #tpu.memory_space<hbm>>
      %dma_start3A_35 = tpu.memref_squeeze %dma_start3A_34 : memref<1x10240xf32, #tpu.memory_space<hbm>> -> memref<10240xf32, #tpu.memory_space<hbm>>
      %dma_start3A_36 = arith.constant 0 : i32
      %dma_start3A_37 = tpu.memref_slice %arg3[%add3A, %dma_start3A_36] : memref<32x10240xf32, #tpu.memory_space<hbm>> -> memref<1x10240xf32, #tpu.memory_space<hbm>>
      %dma_start3A_38 = tpu.memref_squeeze %dma_start3A_37 : memref<1x10240xf32, #tpu.memory_space<hbm>> -> memref<10240xf32, #tpu.memory_space<hbm>>
      tpu.enqueue_dma source(%arg5 : memref<10240xf32, #tpu.memory_space<vmem>>) target(%dma_start3A_38 : memref<10240xf32, #tpu.memory_space<hbm>>) target_semaphore(%run_scoped3A : memref<!tpu.dma_semaphore, #tpu.memory_space<semaphore_mem>>)
      %dma_wait3A_39 = arith.constant 0 : i32
      %dma_wait3A_40 = tpu.memref_slice %arg3[%add3A, %dma_wait3A_39] : memref<32x10240xf32, #tpu.memory_space<hbm>> -> memref<1x10240xf32, #tpu.memory_space<hbm>>
      %dma_wait3A_41 = tpu.memref_squeeze %dma_wait3A_40 : memref<1x10240xf32, #tpu.memory_space<hbm>> -> memref<10240xf32, #tpu.memory_space<hbm>>
      %dma_wait3A_42 = arith.constant 0 : i32
      %dma_wait3A_43 = tpu.memref_slice %arg3[%add3A, %dma_wait3A_42] : memref<32x10240xf32, #tpu.memory_space<hbm>> -> memref<1x10240xf32, #tpu.memory_space<hbm>>
      %dma_wait3A_44 = tpu.memref_squeeze %dma_wait3A_43 : memref<1x10240xf32, #tpu.memory_space<hbm>> -> memref<10240xf32, #tpu.memory_space<hbm>>
      tpu.wait_dma2 semaphore(%run_scoped3A : memref<!tpu.dma_semaphore, #tpu.memory_space<semaphore_mem>>) src(%arg5 : memref<10240xf32, #tpu.memory_space<vmem>>) dst(%dma_wait3A_44 : memref<10240xf32, #tpu.memory_space<hbm>>)
      tpu.yield
    }) : () -> ()
    "tpu.region"() ({
      %run_scoped3A = tpu.sem_alloc : memref<!tpu.dma_semaphore, #tpu.memory_space<semaphore_mem>>
      %dma_start3A_33 = arith.constant 0 : i32
      %dma_start3A_34 = tpu.memref_slice %arg4[%add3A, %dma_start3A_33] : memref<32x10240xf32, #tpu.memory_space<hbm>> -> memref<1x10240xf32, #tpu.memory_space<hbm>>
      %dma_start3A_35 = tpu.memref_squeeze %dma_start3A_34 : memref<1x10240xf32, #tpu.memory_space<hbm>> -> memref<10240xf32, #tpu.memory_space<hbm>>
      %dma_start3A_36 = arith.constant 0 : i32
      %dma_start3A_37 = tpu.memref_slice %arg4[%add3A, %dma_start3A_36] : memref<32x10240xf32, #tpu.memory_space<hbm>> -> memref<1x10240xf32, #tpu.memory_space<hbm>>
      %dma_start3A_38 = tpu.memref_squeeze %dma_start3A_37 : memref<1x10240xf32, #tpu.memory_space<hbm>> -> memref<10240xf32, #tpu.memory_space<hbm>>
      tpu.enqueue_dma source(%arg6 : memref<10240xf32, #tpu.memory_space<vmem>>) target(%dma_start3A_38 : memref<10240xf32, #tpu.memory_space<hbm>>) target_semaphore(%run_scoped3A : memref<!tpu.dma_semaphore, #tpu.memory_space<semaphore_mem>>)
      %dma_wait3A_39 = arith.constant 0 : i32
      %dma_wait3A_40 = tpu.memref_slice %arg4[%add3A, %dma_wait3A_39] : memref<32x10240xf32, #tpu.memory_space<hbm>> -> memref<1x10240xf32, #tpu.memory_space<hbm>>
      %dma_wait3A_41 = tpu.memref_squeeze %dma_wait3A_40 : memref<1x10240xf32, #tpu.memory_space<hbm>> -> memref<10240xf32, #tpu.memory_space<hbm>>
      %dma_wait3A_42 = arith.constant 0 : i32
      %dma_wait3A_43 = tpu.memref_slice %arg4[%add3A, %dma_wait3A_42] : memref<32x10240xf32, #tpu.memory_space<hbm>> -> memref<1x10240xf32, #tpu.memory_space<hbm>>
      %dma_wait3A_44 = tpu.memref_squeeze %dma_wait3A_43 : memref<1x10240xf32, #tpu.memory_space<hbm>> -> memref<10240xf32, #tpu.memory_space<hbm>>
      tpu.wait_dma2 semaphore(%run_scoped3A : memref<!tpu.dma_semaphore, #tpu.memory_space<semaphore_mem>>) src(%arg6 : memref<10240xf32, #tpu.memory_space<vmem>>) dst(%dma_wait3A_44 : memref<10240xf32, #tpu.memory_space<hbm>>)
      tpu.yield
    }) : () -> ()
    return
  }
}

#map = affine_map<(d0, d1) -> (0, 0)>
#map1 = affine_map<(d0, d1) -> (0, 0, 0)>
module attributes {stable_mosaic.version = 14 : i64} {
  func.func @scatter_kernel(%arg0: i32, %arg1: i32, %arg2: memref<10240x64xf32, #tpu.memory_space<hbm>>, %arg3: memref<2x327680xi32, #tpu.memory_space<hbm>>, %arg4: memref<2x10240x64xf32, #tpu.memory_space<hbm>>, %arg5: memref<10240xi32, #tpu.memory_space<vmem>>, %arg6: memref<128xi32, #tpu.memory_space<vmem>>, %arg7: memref<128xi32, #tpu.memory_space<vmem>>, %arg8: memref<128xi32, #tpu.memory_space<vmem>>, %arg9: memref<128xi32, #tpu.memory_space<vmem>>, %arg10: memref<128xi32, #tpu.memory_space<vmem>>, %arg11: memref<128xi32, #tpu.memory_space<vmem>>, %arg12: memref<128xi32, #tpu.memory_space<vmem>>, %arg13: memref<128xi32, #tpu.memory_space<vmem>>, %arg14: memref<128x64xf32, #tpu.memory_space<vmem>>, %arg15: memref<128x64xf32, #tpu.memory_space<vmem>>, %arg16: memref<128x64xf32, #tpu.memory_space<vmem>>, %arg17: memref<128x64xf32, #tpu.memory_space<vmem>>, %arg18: memref<128x64xf32, #tpu.memory_space<vmem>>, %arg19: memref<128x64xf32, #tpu.memory_space<vmem>>, %arg20: memref<128x64xf32, #tpu.memory_space<vmem>>, %arg21: memref<128x64xf32, #tpu.memory_space<vmem>>, %arg22: memref<10240x64xf32, #tpu.memory_space<vmem_shared>>, %arg23: memref<!tpu.dma_semaphore, #tpu.memory_space<semaphore_mem>>, %arg24: memref<!tpu.dma_semaphore, #tpu.memory_space<semaphore_mem>>, %arg25: memref<!tpu.dma_semaphore, #tpu.memory_space<semaphore_mem>>, %arg26: memref<!tpu.dma_semaphore, #tpu.memory_space<semaphore_mem>>, %arg27: memref<!tpu.dma_semaphore, #tpu.memory_space<semaphore_mem>>, %arg28: memref<!tpu.dma_semaphore, #tpu.memory_space<semaphore_mem>>, %arg29: memref<!tpu.dma_semaphore, #tpu.memory_space<semaphore_mem>>, %arg30: memref<!tpu.dma_semaphore, #tpu.memory_space<semaphore_mem>>, %arg31: memref<!tpu.dma_semaphore, #tpu.memory_space<semaphore_mem>>, %arg32: memref<!tpu.dma_semaphore, #tpu.memory_space<semaphore_mem>>, %arg33: memref<!tpu.dma_semaphore, #tpu.memory_space<semaphore_mem>>, %arg34: memref<!tpu.dma_semaphore, #tpu.memory_space<semaphore_mem>>, %arg35: memref<!tpu.dma_semaphore, #tpu.memory_space<semaphore_mem>>, %arg36: memref<!tpu.dma_semaphore, #tpu.memory_space<semaphore_mem>>, %arg37: memref<!tpu.dma_semaphore, #tpu.memory_space<semaphore_mem>>, %arg38: memref<!tpu.dma_semaphore, #tpu.memory_space<semaphore_mem>>, %arg39: memref<!tpu.dma_semaphore, #tpu.memory_space<semaphore_mem>>, %arg40: memref<!tpu.dma_semaphore, #tpu.memory_space<semaphore_mem>>, %arg41: memref<!tpu.dma_semaphore, #tpu.memory_space<semaphore_mem>>, %arg42: memref<!tpu.dma_semaphore, #tpu.memory_space<semaphore_mem>>, %arg43: memref<!tpu.dma_semaphore, #tpu.memory_space<semaphore_mem>>, %arg44: memref<!tpu.dma_semaphore, #tpu.memory_space<semaphore_mem>>, %arg45: memref<!tpu.dma_semaphore, #tpu.memory_space<semaphore_mem>>, %arg46: memref<!tpu.dma_semaphore, #tpu.memory_space<semaphore_mem>>) attributes {dimension_semantics = [#tpu.dimension_semantics<core_parallel>, #tpu.dimension_semantics<subcore_parallel>], iteration_bounds = array<i64: 2, 16>, scalar_prefetch = 0 : i64, scratch_operands = 42 : i64, tpu.core_type = #tpu.core_type<sc_vector_subcore>, window_params = [{transform_indices = #map}, {transform_indices = #map}, {transform_indices = #map1}]} {
    %mul3A = arith.constant 16 : i32
    %mul3A_0 = arith.muli %arg0, %mul3A : i32
    %add3A = arith.addi %mul3A_0, %arg1 : i32
    %mul3A_1 = arith.constant 10240 : i32
    %mul3A_2 = arith.muli %add3A, %mul3A_1 : i32
    %dma_start3A = arith.constant 0 : i32
    %dma_start3A_3 = tpu.memref_slice %arg3[%dma_start3A, %mul3A_2] : memref<2x327680xi32, #tpu.memory_space<hbm>> -> memref<1x10240xi32, #tpu.memory_space<hbm>>
    %dma_start3A_4 = tpu.memref_squeeze %dma_start3A_3 : memref<1x10240xi32, #tpu.memory_space<hbm>> -> memref<10240xi32, #tpu.memory_space<hbm>>
    %dma_start3A_5 = tpu.memref_slice %arg3[%dma_start3A, %mul3A_2] : memref<2x327680xi32, #tpu.memory_space<hbm>> -> memref<1x10240xi32, #tpu.memory_space<hbm>>
    %dma_start3A_6 = tpu.memref_squeeze %dma_start3A_5 : memref<1x10240xi32, #tpu.memory_space<hbm>> -> memref<10240xi32, #tpu.memory_space<hbm>>
    tpu.enqueue_dma source(%dma_start3A_6 : memref<10240xi32, #tpu.memory_space<hbm>>) target(%arg5 : memref<10240xi32, #tpu.memory_space<vmem>>) target_semaphore(%arg31 : memref<!tpu.dma_semaphore, #tpu.memory_space<semaphore_mem>>)
    %dma_wait3A = arith.constant 0 : i32
    %dma_wait3A_7 = tpu.memref_slice %arg3[%dma_wait3A, %mul3A_2] : memref<2x327680xi32, #tpu.memory_space<hbm>> -> memref<1x10240xi32, #tpu.memory_space<hbm>>
    %dma_wait3A_8 = tpu.memref_squeeze %dma_wait3A_7 : memref<1x10240xi32, #tpu.memory_space<hbm>> -> memref<10240xi32, #tpu.memory_space<hbm>>
    %dma_wait3A_9 = tpu.memref_slice %arg3[%dma_wait3A, %mul3A_2] : memref<2x327680xi32, #tpu.memory_space<hbm>> -> memref<1x10240xi32, #tpu.memory_space<hbm>>
    %dma_wait3A_10 = tpu.memref_squeeze %dma_wait3A_9 : memref<1x10240xi32, #tpu.memory_space<hbm>> -> memref<10240xi32, #tpu.memory_space<hbm>>
    tpu.wait_dma2 semaphore(%arg31 : memref<!tpu.dma_semaphore, #tpu.memory_space<semaphore_mem>>) src(%dma_wait3A_10 : memref<10240xi32, #tpu.memory_space<hbm>>) dst(%arg5 : memref<10240xi32, #tpu.memory_space<vmem>>)
    %add3A_11 = arith.constant 128 : i32
    %add3A_12 = arith.addi %mul3A_2, %add3A_11 : i32
    %dma_start3A_13 = arith.constant 1 : i32
    %dma_start3A_14 = tpu.memref_slice %arg3[%dma_start3A_13, %add3A_12] : memref<2x327680xi32, #tpu.memory_space<hbm>> -> memref<1x128xi32, #tpu.memory_space<hbm>>
    %dma_start3A_15 = tpu.memref_squeeze %dma_start3A_14 : memref<1x128xi32, #tpu.memory_space<hbm>> -> memref<128xi32, #tpu.memory_space<hbm>>
    %dma_start3A_16 = tpu.memref_slice %arg3[%dma_start3A_13, %add3A_12] : memref<2x327680xi32, #tpu.memory_space<hbm>> -> memref<1x128xi32, #tpu.memory_space<hbm>>
    %dma_start3A_17 = tpu.memref_squeeze %dma_start3A_16 : memref<1x128xi32, #tpu.memory_space<hbm>> -> memref<128xi32, #tpu.memory_space<hbm>>
    tpu.enqueue_dma source(%dma_start3A_17 : memref<128xi32, #tpu.memory_space<hbm>>) target(%arg7 : memref<128xi32, #tpu.memory_space<vmem>>) target_semaphore(%arg24 : memref<!tpu.dma_semaphore, #tpu.memory_space<semaphore_mem>>)
    %dma_start3A_18 = arith.constant 128 : i32
    %dma_start3A_19 = tpu.memref_slice %arg5[%dma_start3A_18] : memref<10240xi32, #tpu.memory_space<vmem>> -> memref<128xi32, #tpu.memory_space<vmem>>
    %dma_start3A_20 = arith.constant 0 : i32
    %dma_start3A_21 = arith.constant 0 : i32
    %dma_start3A_22 = tpu.memref_slice %arg2[%dma_start3A_20, %dma_start3A_21] : memref<10240x64xf32, #tpu.memory_space<hbm>> -> memref<10240x64xf32, #tpu.memory_space<hbm>>
    tpu.enqueue_indirect_dma source(%dma_start3A_22 : memref<10240x64xf32, #tpu.memory_space<hbm>>) target(%arg15 : memref<128x64xf32, #tpu.memory_space<vmem>>) offsets(%dma_start3A_19 : memref<128xi32, #tpu.memory_space<vmem>>) semaphore(%arg32 : memref<!tpu.dma_semaphore, #tpu.memory_space<semaphore_mem>>)
    %add3A_23 = arith.constant 256 : i32
    %add3A_24 = arith.addi %mul3A_2, %add3A_23 : i32
    %dma_start3A_25 = arith.constant 1 : i32
    %dma_start3A_26 = tpu.memref_slice %arg3[%dma_start3A_25, %add3A_24] : memref<2x327680xi32, #tpu.memory_space<hbm>> -> memref<1x128xi32, #tpu.memory_space<hbm>>
    %dma_start3A_27 = tpu.memref_squeeze %dma_start3A_26 : memref<1x128xi32, #tpu.memory_space<hbm>> -> memref<128xi32, #tpu.memory_space<hbm>>
    %dma_start3A_28 = tpu.memref_slice %arg3[%dma_start3A_25, %add3A_24] : memref<2x327680xi32, #tpu.memory_space<hbm>> -> memref<1x128xi32, #tpu.memory_space<hbm>>
    %dma_start3A_29 = tpu.memref_squeeze %dma_start3A_28 : memref<1x128xi32, #tpu.memory_space<hbm>> -> memref<128xi32, #tpu.memory_space<hbm>>
    tpu.enqueue_dma source(%dma_start3A_29 : memref<128xi32, #tpu.memory_space<hbm>>) target(%arg8 : memref<128xi32, #tpu.memory_space<vmem>>) target_semaphore(%arg25 : memref<!tpu.dma_semaphore, #tpu.memory_space<semaphore_mem>>)
    %dma_start3A_30 = arith.constant 256 : i32
    %dma_start3A_31 = tpu.memref_slice %arg5[%dma_start3A_30] : memref<10240xi32, #tpu.memory_space<vmem>> -> memref<128xi32, #tpu.memory_space<vmem>>
    %dma_start3A_32 = arith.constant 0 : i32
    %dma_start3A_33 = arith.constant 0 : i32
    %dma_start3A_34 = tpu.memref_slice %arg2[%dma_start3A_32, %dma_start3A_33] : memref<10240x64xf32, #tpu.memory_space<hbm>> -> memref<10240x64xf32, #tpu.memory_space<hbm>>
    tpu.enqueue_indirect_dma source(%dma_start3A_34 : memref<10240x64xf32, #tpu.memory_space<hbm>>) target(%arg16 : memref<128x64xf32, #tpu.memory_space<vmem>>) offsets(%dma_start3A_31 : memref<128xi32, #tpu.memory_space<vmem>>) semaphore(%arg33 : memref<!tpu.dma_semaphore, #tpu.memory_space<semaphore_mem>>)
    %add3A_35 = arith.constant 384 : i32
    %add3A_36 = arith.addi %mul3A_2, %add3A_35 : i32
    %dma_start3A_37 = arith.constant 1 : i32
    %dma_start3A_38 = tpu.memref_slice %arg3[%dma_start3A_37, %add3A_36] : memref<2x327680xi32, #tpu.memory_space<hbm>> -> memref<1x128xi32, #tpu.memory_space<hbm>>
    %dma_start3A_39 = tpu.memref_squeeze %dma_start3A_38 : memref<1x128xi32, #tpu.memory_space<hbm>> -> memref<128xi32, #tpu.memory_space<hbm>>
    %dma_start3A_40 = tpu.memref_slice %arg3[%dma_start3A_37, %add3A_36] : memref<2x327680xi32, #tpu.memory_space<hbm>> -> memref<1x128xi32, #tpu.memory_space<hbm>>
    %dma_start3A_41 = tpu.memref_squeeze %dma_start3A_40 : memref<1x128xi32, #tpu.memory_space<hbm>> -> memref<128xi32, #tpu.memory_space<hbm>>
    tpu.enqueue_dma source(%dma_start3A_41 : memref<128xi32, #tpu.memory_space<hbm>>) target(%arg9 : memref<128xi32, #tpu.memory_space<vmem>>) target_semaphore(%arg26 : memref<!tpu.dma_semaphore, #tpu.memory_space<semaphore_mem>>)
    %dma_start3A_42 = arith.constant 384 : i32
    %dma_start3A_43 = tpu.memref_slice %arg5[%dma_start3A_42] : memref<10240xi32, #tpu.memory_space<vmem>> -> memref<128xi32, #tpu.memory_space<vmem>>
    %dma_start3A_44 = arith.constant 0 : i32
    %dma_start3A_45 = arith.constant 0 : i32
    %dma_start3A_46 = tpu.memref_slice %arg2[%dma_start3A_44, %dma_start3A_45] : memref<10240x64xf32, #tpu.memory_space<hbm>> -> memref<10240x64xf32, #tpu.memory_space<hbm>>
    tpu.enqueue_indirect_dma source(%dma_start3A_46 : memref<10240x64xf32, #tpu.memory_space<hbm>>) target(%arg17 : memref<128x64xf32, #tpu.memory_space<vmem>>) offsets(%dma_start3A_43 : memref<128xi32, #tpu.memory_space<vmem>>) semaphore(%arg34 : memref<!tpu.dma_semaphore, #tpu.memory_space<semaphore_mem>>)
    %add3A_47 = arith.constant 512 : i32
    %add3A_48 = arith.addi %mul3A_2, %add3A_47 : i32
    %dma_start3A_49 = arith.constant 1 : i32
    %dma_start3A_50 = tpu.memref_slice %arg3[%dma_start3A_49, %add3A_48] : memref<2x327680xi32, #tpu.memory_space<hbm>> -> memref<1x128xi32, #tpu.memory_space<hbm>>
    %dma_start3A_51 = tpu.memref_squeeze %dma_start3A_50 : memref<1x128xi32, #tpu.memory_space<hbm>> -> memref<128xi32, #tpu.memory_space<hbm>>
    %dma_start3A_52 = tpu.memref_slice %arg3[%dma_start3A_49, %add3A_48] : memref<2x327680xi32, #tpu.memory_space<hbm>> -> memref<1x128xi32, #tpu.memory_space<hbm>>
    %dma_start3A_53 = tpu.memref_squeeze %dma_start3A_52 : memref<1x128xi32, #tpu.memory_space<hbm>> -> memref<128xi32, #tpu.memory_space<hbm>>
    tpu.enqueue_dma source(%dma_start3A_53 : memref<128xi32, #tpu.memory_space<hbm>>) target(%arg10 : memref<128xi32, #tpu.memory_space<vmem>>) target_semaphore(%arg27 : memref<!tpu.dma_semaphore, #tpu.memory_space<semaphore_mem>>)
    %dma_start3A_54 = arith.constant 512 : i32
    %dma_start3A_55 = tpu.memref_slice %arg5[%dma_start3A_54] : memref<10240xi32, #tpu.memory_space<vmem>> -> memref<128xi32, #tpu.memory_space<vmem>>
    %dma_start3A_56 = arith.constant 0 : i32
    %dma_start3A_57 = arith.constant 0 : i32
    %dma_start3A_58 = tpu.memref_slice %arg2[%dma_start3A_56, %dma_start3A_57] : memref<10240x64xf32, #tpu.memory_space<hbm>> -> memref<10240x64xf32, #tpu.memory_space<hbm>>
    tpu.enqueue_indirect_dma source(%dma_start3A_58 : memref<10240x64xf32, #tpu.memory_space<hbm>>) target(%arg18 : memref<128x64xf32, #tpu.memory_space<vmem>>) offsets(%dma_start3A_55 : memref<128xi32, #tpu.memory_space<vmem>>) semaphore(%arg35 : memref<!tpu.dma_semaphore, #tpu.memory_space<semaphore_mem>>)
    %add3A_59 = arith.constant 640 : i32
    %add3A_60 = arith.addi %mul3A_2, %add3A_59 : i32
    %dma_start3A_61 = arith.constant 1 : i32
    %dma_start3A_62 = tpu.memref_slice %arg3[%dma_start3A_61, %add3A_60] : memref<2x327680xi32, #tpu.memory_space<hbm>> -> memref<1x128xi32, #tpu.memory_space<hbm>>
    %dma_start3A_63 = tpu.memref_squeeze %dma_start3A_62 : memref<1x128xi32, #tpu.memory_space<hbm>> -> memref<128xi32, #tpu.memory_space<hbm>>
    %dma_start3A_64 = tpu.memref_slice %arg3[%dma_start3A_61, %add3A_60] : memref<2x327680xi32, #tpu.memory_space<hbm>> -> memref<1x128xi32, #tpu.memory_space<hbm>>
    %dma_start3A_65 = tpu.memref_squeeze %dma_start3A_64 : memref<1x128xi32, #tpu.memory_space<hbm>> -> memref<128xi32, #tpu.memory_space<hbm>>
    tpu.enqueue_dma source(%dma_start3A_65 : memref<128xi32, #tpu.memory_space<hbm>>) target(%arg11 : memref<128xi32, #tpu.memory_space<vmem>>) target_semaphore(%arg28 : memref<!tpu.dma_semaphore, #tpu.memory_space<semaphore_mem>>)
    %dma_start3A_66 = arith.constant 640 : i32
    %dma_start3A_67 = tpu.memref_slice %arg5[%dma_start3A_66] : memref<10240xi32, #tpu.memory_space<vmem>> -> memref<128xi32, #tpu.memory_space<vmem>>
    %dma_start3A_68 = arith.constant 0 : i32
    %dma_start3A_69 = arith.constant 0 : i32
    %dma_start3A_70 = tpu.memref_slice %arg2[%dma_start3A_68, %dma_start3A_69] : memref<10240x64xf32, #tpu.memory_space<hbm>> -> memref<10240x64xf32, #tpu.memory_space<hbm>>
    tpu.enqueue_indirect_dma source(%dma_start3A_70 : memref<10240x64xf32, #tpu.memory_space<hbm>>) target(%arg19 : memref<128x64xf32, #tpu.memory_space<vmem>>) offsets(%dma_start3A_67 : memref<128xi32, #tpu.memory_space<vmem>>) semaphore(%arg36 : memref<!tpu.dma_semaphore, #tpu.memory_space<semaphore_mem>>)
    %add3A_71 = arith.constant 768 : i32
    %add3A_72 = arith.addi %mul3A_2, %add3A_71 : i32
    %dma_start3A_73 = arith.constant 1 : i32
    %dma_start3A_74 = tpu.memref_slice %arg3[%dma_start3A_73, %add3A_72] : memref<2x327680xi32, #tpu.memory_space<hbm>> -> memref<1x128xi32, #tpu.memory_space<hbm>>
    %dma_start3A_75 = tpu.memref_squeeze %dma_start3A_74 : memref<1x128xi32, #tpu.memory_space<hbm>> -> memref<128xi32, #tpu.memory_space<hbm>>
    %dma_start3A_76 = tpu.memref_slice %arg3[%dma_start3A_73, %add3A_72] : memref<2x327680xi32, #tpu.memory_space<hbm>> -> memref<1x128xi32, #tpu.memory_space<hbm>>
    %dma_start3A_77 = tpu.memref_squeeze %dma_start3A_76 : memref<1x128xi32, #tpu.memory_space<hbm>> -> memref<128xi32, #tpu.memory_space<hbm>>
    tpu.enqueue_dma source(%dma_start3A_77 : memref<128xi32, #tpu.memory_space<hbm>>) target(%arg12 : memref<128xi32, #tpu.memory_space<vmem>>) target_semaphore(%arg29 : memref<!tpu.dma_semaphore, #tpu.memory_space<semaphore_mem>>)
    %dma_start3A_78 = arith.constant 768 : i32
    %dma_start3A_79 = tpu.memref_slice %arg5[%dma_start3A_78] : memref<10240xi32, #tpu.memory_space<vmem>> -> memref<128xi32, #tpu.memory_space<vmem>>
    %dma_start3A_80 = arith.constant 0 : i32
    %dma_start3A_81 = arith.constant 0 : i32
    %dma_start3A_82 = tpu.memref_slice %arg2[%dma_start3A_80, %dma_start3A_81] : memref<10240x64xf32, #tpu.memory_space<hbm>> -> memref<10240x64xf32, #tpu.memory_space<hbm>>
    tpu.enqueue_indirect_dma source(%dma_start3A_82 : memref<10240x64xf32, #tpu.memory_space<hbm>>) target(%arg20 : memref<128x64xf32, #tpu.memory_space<vmem>>) offsets(%dma_start3A_79 : memref<128xi32, #tpu.memory_space<vmem>>) semaphore(%arg37 : memref<!tpu.dma_semaphore, #tpu.memory_space<semaphore_mem>>)
    %add3A_83 = arith.constant 896 : i32
    %add3A_84 = arith.addi %mul3A_2, %add3A_83 : i32
    %dma_start3A_85 = arith.constant 1 : i32
    %dma_start3A_86 = tpu.memref_slice %arg3[%dma_start3A_85, %add3A_84] : memref<2x327680xi32, #tpu.memory_space<hbm>> -> memref<1x128xi32, #tpu.memory_space<hbm>>
    %dma_start3A_87 = tpu.memref_squeeze %dma_start3A_86 : memref<1x128xi32, #tpu.memory_space<hbm>> -> memref<128xi32, #tpu.memory_space<hbm>>
    %dma_start3A_88 = tpu.memref_slice %arg3[%dma_start3A_85, %add3A_84] : memref<2x327680xi32, #tpu.memory_space<hbm>> -> memref<1x128xi32, #tpu.memory_space<hbm>>
    %dma_start3A_89 = tpu.memref_squeeze %dma_start3A_88 : memref<1x128xi32, #tpu.memory_space<hbm>> -> memref<128xi32, #tpu.memory_space<hbm>>
    tpu.enqueue_dma source(%dma_start3A_89 : memref<128xi32, #tpu.memory_space<hbm>>) target(%arg13 : memref<128xi32, #tpu.memory_space<vmem>>) target_semaphore(%arg30 : memref<!tpu.dma_semaphore, #tpu.memory_space<semaphore_mem>>)
    %dma_start3A_90 = arith.constant 896 : i32
    %dma_start3A_91 = tpu.memref_slice %arg5[%dma_start3A_90] : memref<10240xi32, #tpu.memory_space<vmem>> -> memref<128xi32, #tpu.memory_space<vmem>>
    %dma_start3A_92 = arith.constant 0 : i32
    %dma_start3A_93 = arith.constant 0 : i32
    %dma_start3A_94 = tpu.memref_slice %arg2[%dma_start3A_92, %dma_start3A_93] : memref<10240x64xf32, #tpu.memory_space<hbm>> -> memref<10240x64xf32, #tpu.memory_space<hbm>>
    tpu.enqueue_indirect_dma source(%dma_start3A_94 : memref<10240x64xf32, #tpu.memory_space<hbm>>) target(%arg21 : memref<128x64xf32, #tpu.memory_space<vmem>>) offsets(%dma_start3A_91 : memref<128xi32, #tpu.memory_space<vmem>>) semaphore(%arg38 : memref<!tpu.dma_semaphore, #tpu.memory_space<semaphore_mem>>)
    %broadcast_in_dim3A = arith.constant 0.000000e+00 : f32
    %broadcast_in_dim3A_95 = vector.broadcast %broadcast_in_dim3A : f32 to vector<16xf32>
    %scan3A = arith.constant 0 : i32
    %scan3A_96 = arith.constant 128 : i32
    %scan3A_97 = arith.addi %scan3A, %scan3A_96 : i32
    %scan3A_98 = arith.constant 1 : i32
    scf.for %scan3A_298 = %scan3A to %scan3A_97 step %scan3A_98  : i32 {
      %mul3A_299 = arith.constant 1 : i32
      %mul3A_300 = arith.muli %scan3A_298, %mul3A_299 : i32
      %add3A_301 = arith.constant 0 : i32
      %add3A_302 = arith.addi %add3A_301, %mul3A_300 : i32
      %scan3A_303 = arith.constant 0 : i32
      %scan3A_304 = arith.constant 4 : i32
      %scan3A_305 = arith.addi %scan3A_303, %scan3A_304 : i32
      %scan3A_306 = arith.constant 1 : i32
      scf.for %scan3A_308 = %scan3A_303 to %scan3A_305 step %scan3A_306  : i32 {
        %mul3A_309 = arith.constant 1 : i32
        %mul3A_310 = arith.muli %scan3A_308, %mul3A_309 : i32
        %add3A_311 = arith.constant 0 : i32
        %add3A_312 = arith.addi %add3A_311, %mul3A_310 : i32
        %mul3A_313 = arith.constant 16 : i32
        %mul3A_314 = arith.muli %add3A_312, %mul3A_313 : i32
        %swap3A = arith.index_cast %add3A_302 : i32 to index
        %swap3A_315 = arith.index_cast %mul3A_314 : i32 to index
        %swap3A_316 = tpu.vector_load %arg14[%swap3A, %swap3A_315] {strides = array<i32>} : memref<128x64xf32, #tpu.memory_space<vmem>>, vector<1x16xf32>,
        %swap3A_317 = vector.shape_cast %swap3A_316 : vector<1x16xf32> to vector<16xf32>
        %swap3A_318 = vector.shape_cast %broadcast_in_dim3A_95 : vector<16xf32> to vector<1x16xf32>
        tpu.vector_store %arg14[%swap3A, %swap3A_315], %swap3A_318 {strides = array<i32>} : memref<128x64xf32, #tpu.memory_space<vmem>>, vector<1x16xf32>,
      }
      %scan3A_307 = arith.constant 4 : i32
    }
    %scan3A_99 = arith.constant 128 : i32
    %mul3A_100 = arith.constant 640 : i32
    %mul3A_101 = arith.muli %arg1, %mul3A_100 : i32
    %add3A_102 = arith.constant 0 : i32
    %add3A_103 = arith.addi %mul3A_101, %add3A_102 : i32
    %dma_start3A_104 = arith.constant 0 : i32
    %dma_start3A_105 = tpu.memref_slice %arg22[%add3A_103, %dma_start3A_104] : memref<10240x64xf32, #tpu.memory_space<vmem_shared>> -> memref<128x64xf32, #tpu.memory_space<vmem_shared>>
    %dma_start3A_106 = arith.constant 0 : i32
    %dma_start3A_107 = tpu.memref_slice %arg22[%add3A_103, %dma_start3A_106] : memref<10240x64xf32, #tpu.memory_space<vmem_shared>> -> memref<128x64xf32, #tpu.memory_space<vmem_shared>>
    tpu.enqueue_dma source(%arg14 : memref<128x64xf32, #tpu.memory_space<vmem>>) target(%dma_start3A_107 : memref<128x64xf32, #tpu.memory_space<vmem_shared>>) target_semaphore(%arg39 : memref<!tpu.dma_semaphore, #tpu.memory_space<semaphore_mem>>)
    %add3A_108 = arith.constant 128 : i32
    %add3A_109 = arith.addi %mul3A_101, %add3A_108 : i32
    %dma_start3A_110 = arith.constant 0 : i32
    %dma_start3A_111 = tpu.memref_slice %arg22[%add3A_109, %dma_start3A_110] : memref<10240x64xf32, #tpu.memory_space<vmem_shared>> -> memref<128x64xf32, #tpu.memory_space<vmem_shared>>
    %dma_start3A_112 = arith.constant 0 : i32
    %dma_start3A_113 = tpu.memref_slice %arg22[%add3A_109, %dma_start3A_112] : memref<10240x64xf32, #tpu.memory_space<vmem_shared>> -> memref<128x64xf32, #tpu.memory_space<vmem_shared>>
    tpu.enqueue_dma source(%arg14 : memref<128x64xf32, #tpu.memory_space<vmem>>) target(%dma_start3A_113 : memref<128x64xf32, #tpu.memory_space<vmem_shared>>) target_semaphore(%arg39 : memref<!tpu.dma_semaphore, #tpu.memory_space<semaphore_mem>>)
    %add3A_114 = arith.constant 256 : i32
    %add3A_115 = arith.addi %mul3A_101, %add3A_114 : i32
    %dma_start3A_116 = arith.constant 0 : i32
    %dma_start3A_117 = tpu.memref_slice %arg22[%add3A_115, %dma_start3A_116] : memref<10240x64xf32, #tpu.memory_space<vmem_shared>> -> memref<128x64xf32, #tpu.memory_space<vmem_shared>>
    %dma_start3A_118 = arith.constant 0 : i32
    %dma_start3A_119 = tpu.memref_slice %arg22[%add3A_115, %dma_start3A_118] : memref<10240x64xf32, #tpu.memory_space<vmem_shared>> -> memref<128x64xf32, #tpu.memory_space<vmem_shared>>
    tpu.enqueue_dma source(%arg14 : memref<128x64xf32, #tpu.memory_space<vmem>>) target(%dma_start3A_119 : memref<128x64xf32, #tpu.memory_space<vmem_shared>>) target_semaphore(%arg39 : memref<!tpu.dma_semaphore, #tpu.memory_space<semaphore_mem>>)
    %add3A_120 = arith.constant 384 : i32
    %add3A_121 = arith.addi %mul3A_101, %add3A_120 : i32
    %dma_start3A_122 = arith.constant 0 : i32
    %dma_start3A_123 = tpu.memref_slice %arg22[%add3A_121, %dma_start3A_122] : memref<10240x64xf32, #tpu.memory_space<vmem_shared>> -> memref<128x64xf32, #tpu.memory_space<vmem_shared>>
    %dma_start3A_124 = arith.constant 0 : i32
    %dma_start3A_125 = tpu.memref_slice %arg22[%add3A_121, %dma_start3A_124] : memref<10240x64xf32, #tpu.memory_space<vmem_shared>> -> memref<128x64xf32, #tpu.memory_space<vmem_shared>>
    tpu.enqueue_dma source(%arg14 : memref<128x64xf32, #tpu.memory_space<vmem>>) target(%dma_start3A_125 : memref<128x64xf32, #tpu.memory_space<vmem_shared>>) target_semaphore(%arg39 : memref<!tpu.dma_semaphore, #tpu.memory_space<semaphore_mem>>)
    %add3A_126 = arith.constant 512 : i32
    %add3A_127 = arith.addi %mul3A_101, %add3A_126 : i32
    %dma_start3A_128 = arith.constant 0 : i32
    %dma_start3A_129 = tpu.memref_slice %arg22[%add3A_127, %dma_start3A_128] : memref<10240x64xf32, #tpu.memory_space<vmem_shared>> -> memref<128x64xf32, #tpu.memory_space<vmem_shared>>
    %dma_start3A_130 = arith.constant 0 : i32
    %dma_start3A_131 = tpu.memref_slice %arg22[%add3A_127, %dma_start3A_130] : memref<10240x64xf32, #tpu.memory_space<vmem_shared>> -> memref<128x64xf32, #tpu.memory_space<vmem_shared>>
    tpu.enqueue_dma source(%arg14 : memref<128x64xf32, #tpu.memory_space<vmem>>) target(%dma_start3A_131 : memref<128x64xf32, #tpu.memory_space<vmem_shared>>) target_semaphore(%arg39 : memref<!tpu.dma_semaphore, #tpu.memory_space<semaphore_mem>>)
    %dma_wait3A_132 = arith.constant 0 : i32
    %dma_wait3A_133 = tpu.memref_slice %arg22[%mul3A_101, %dma_wait3A_132] : memref<10240x64xf32, #tpu.memory_space<vmem_shared>> -> memref<128x64xf32, #tpu.memory_space<vmem_shared>>
    %dma_wait3A_134 = arith.constant 0 : i32
    %dma_wait3A_135 = tpu.memref_slice %arg22[%mul3A_101, %dma_wait3A_134] : memref<10240x64xf32, #tpu.memory_space<vmem_shared>> -> memref<128x64xf32, #tpu.memory_space<vmem_shared>>
    tpu.wait_dma2 semaphore(%arg39 : memref<!tpu.dma_semaphore, #tpu.memory_space<semaphore_mem>>) src(%arg14 : memref<128x64xf32, #tpu.memory_space<vmem>>) dst(%dma_wait3A_135 : memref<128x64xf32, #tpu.memory_space<vmem_shared>>)
    %dma_wait3A_136 = arith.constant 0 : i32
    %dma_wait3A_137 = tpu.memref_slice %arg22[%mul3A_101, %dma_wait3A_136] : memref<10240x64xf32, #tpu.memory_space<vmem_shared>> -> memref<128x64xf32, #tpu.memory_space<vmem_shared>>
    %dma_wait3A_138 = arith.constant 0 : i32
    %dma_wait3A_139 = tpu.memref_slice %arg22[%mul3A_101, %dma_wait3A_138] : memref<10240x64xf32, #tpu.memory_space<vmem_shared>> -> memref<128x64xf32, #tpu.memory_space<vmem_shared>>
    tpu.wait_dma2 semaphore(%arg39 : memref<!tpu.dma_semaphore, #tpu.memory_space<semaphore_mem>>) src(%arg14 : memref<128x64xf32, #tpu.memory_space<vmem>>) dst(%dma_wait3A_139 : memref<128x64xf32, #tpu.memory_space<vmem_shared>>)
    %dma_wait3A_140 = arith.constant 0 : i32
    %dma_wait3A_141 = tpu.memref_slice %arg22[%mul3A_101, %dma_wait3A_140] : memref<10240x64xf32, #tpu.memory_space<vmem_shared>> -> memref<128x64xf32, #tpu.memory_space<vmem_shared>>
    %dma_wait3A_142 = arith.constant 0 : i32
    %dma_wait3A_143 = tpu.memref_slice %arg22[%mul3A_101, %dma_wait3A_142] : memref<10240x64xf32, #tpu.memory_space<vmem_shared>> -> memref<128x64xf32, #tpu.memory_space<vmem_shared>>
    tpu.wait_dma2 semaphore(%arg39 : memref<!tpu.dma_semaphore, #tpu.memory_space<semaphore_mem>>) src(%arg14 : memref<128x64xf32, #tpu.memory_space<vmem>>) dst(%dma_wait3A_143 : memref<128x64xf32, #tpu.memory_space<vmem_shared>>)
    %dma_wait3A_144 = arith.constant 0 : i32
    %dma_wait3A_145 = tpu.memref_slice %arg22[%mul3A_101, %dma_wait3A_144] : memref<10240x64xf32, #tpu.memory_space<vmem_shared>> -> memref<128x64xf32, #tpu.memory_space<vmem_shared>>
    %dma_wait3A_146 = arith.constant 0 : i32
    %dma_wait3A_147 = tpu.memref_slice %arg22[%mul3A_101, %dma_wait3A_146] : memref<10240x64xf32, #tpu.memory_space<vmem_shared>> -> memref<128x64xf32, #tpu.memory_space<vmem_shared>>
    tpu.wait_dma2 semaphore(%arg39 : memref<!tpu.dma_semaphore, #tpu.memory_space<semaphore_mem>>) src(%arg14 : memref<128x64xf32, #tpu.memory_space<vmem>>) dst(%dma_wait3A_147 : memref<128x64xf32, #tpu.memory_space<vmem_shared>>)
    %dma_wait3A_148 = arith.constant 0 : i32
    %dma_wait3A_149 = tpu.memref_slice %arg22[%mul3A_101, %dma_wait3A_148] : memref<10240x64xf32, #tpu.memory_space<vmem_shared>> -> memref<128x64xf32, #tpu.memory_space<vmem_shared>>
    %dma_wait3A_150 = arith.constant 0 : i32
    %dma_wait3A_151 = tpu.memref_slice %arg22[%mul3A_101, %dma_wait3A_150] : memref<10240x64xf32, #tpu.memory_space<vmem_shared>> -> memref<128x64xf32, #tpu.memory_space<vmem_shared>>
    tpu.wait_dma2 semaphore(%arg39 : memref<!tpu.dma_semaphore, #tpu.memory_space<semaphore_mem>>) src(%arg14 : memref<128x64xf32, #tpu.memory_space<vmem>>) dst(%dma_wait3A_151 : memref<128x64xf32, #tpu.memory_space<vmem_shared>>)
    %add3A_152 = arith.constant 0 : i32
    %add3A_153 = arith.addi %mul3A_2, %add3A_152 : i32
    %dma_start3A_154 = arith.constant 1 : i32
    %dma_start3A_155 = tpu.memref_slice %arg3[%dma_start3A_154, %add3A_153] : memref<2x327680xi32, #tpu.memory_space<hbm>> -> memref<1x128xi32, #tpu.memory_space<hbm>>
    %dma_start3A_156 = tpu.memref_squeeze %dma_start3A_155 : memref<1x128xi32, #tpu.memory_space<hbm>> -> memref<128xi32, #tpu.memory_space<hbm>>
    %dma_start3A_157 = tpu.memref_slice %arg3[%dma_start3A_154, %add3A_153] : memref<2x327680xi32, #tpu.memory_space<hbm>> -> memref<1x128xi32, #tpu.memory_space<hbm>>
    %dma_start3A_158 = tpu.memref_squeeze %dma_start3A_157 : memref<1x128xi32, #tpu.memory_space<hbm>> -> memref<128xi32, #tpu.memory_space<hbm>>
    tpu.enqueue_dma source(%dma_start3A_158 : memref<128xi32, #tpu.memory_space<hbm>>) target(%arg6 : memref<128xi32, #tpu.memory_space<vmem>>) target_semaphore(%arg23 : memref<!tpu.dma_semaphore, #tpu.memory_space<semaphore_mem>>)
    %dma_start3A_159 = arith.constant 0 : i32
    %dma_start3A_160 = tpu.memref_slice %arg5[%dma_start3A_159] : memref<10240xi32, #tpu.memory_space<vmem>> -> memref<128xi32, #tpu.memory_space<vmem>>
    %dma_start3A_161 = arith.constant 0 : i32
    %dma_start3A_162 = arith.constant 0 : i32
    %dma_start3A_163 = tpu.memref_slice %arg2[%dma_start3A_161, %dma_start3A_162] : memref<10240x64xf32, #tpu.memory_space<hbm>> -> memref<10240x64xf32, #tpu.memory_space<hbm>>
    tpu.enqueue_indirect_dma source(%dma_start3A_163 : memref<10240x64xf32, #tpu.memory_space<hbm>>) target(%arg14 : memref<128x64xf32, #tpu.memory_space<vmem>>) offsets(%dma_start3A_160 : memref<128xi32, #tpu.memory_space<vmem>>) semaphore(%arg31 : memref<!tpu.dma_semaphore, #tpu.memory_space<semaphore_mem>>)
    %barrier3A = arith.constant 0 : index
    tpu.barrier barrier_id(%barrier3A)
    %dma_wait3A_164 = arith.constant 1 : i32
    %dma_wait3A_165 = tpu.memref_slice %arg3[%dma_wait3A_164, %mul3A_2] : memref<2x327680xi32, #tpu.memory_space<hbm>> -> memref<1x128xi32, #tpu.memory_space<hbm>>
    %dma_wait3A_166 = tpu.memref_squeeze %dma_wait3A_165 : memref<1x128xi32, #tpu.memory_space<hbm>> -> memref<128xi32, #tpu.memory_space<hbm>>
    %dma_wait3A_167 = tpu.memref_slice %arg3[%dma_wait3A_164, %mul3A_2] : memref<2x327680xi32, #tpu.memory_space<hbm>> -> memref<1x128xi32, #tpu.memory_space<hbm>>
    %dma_wait3A_168 = tpu.memref_squeeze %dma_wait3A_167 : memref<1x128xi32, #tpu.memory_space<hbm>> -> memref<128xi32, #tpu.memory_space<hbm>>
    tpu.wait_dma2 semaphore(%arg23 : memref<!tpu.dma_semaphore, #tpu.memory_space<semaphore_mem>>) src(%dma_wait3A_168 : memref<128xi32, #tpu.memory_space<hbm>>) dst(%arg6 : memref<128xi32, #tpu.memory_space<vmem>>)
    %dma_wait3A_169 = arith.constant 0 : i32
    %dma_wait3A_170 = tpu.memref_slice %arg5[%dma_wait3A_169] : memref<10240xi32, #tpu.memory_space<vmem>> -> memref<128xi32, #tpu.memory_space<vmem>>
    %dma_wait3A_171 = arith.constant 0 : i32
    %dma_wait3A_172 = arith.constant 0 : i32
    %dma_wait3A_173 = tpu.memref_slice %arg2[%dma_wait3A_171, %dma_wait3A_172] : memref<10240x64xf32, #tpu.memory_space<hbm>> -> memref<10240x64xf32, #tpu.memory_space<hbm>>
    tpu.wait_indirect_dma semaphore(%arg31 : memref<!tpu.dma_semaphore, #tpu.memory_space<semaphore_mem>>) src(%dma_wait3A_173 : memref<10240x64xf32, #tpu.memory_space<hbm>>) dst(%arg14 : memref<128x64xf32, #tpu.memory_space<vmem>>)
    %dma_start3A_174 = arith.constant 0 : i32
    %dma_start3A_175 = arith.constant 0 : i32
    %dma_start3A_176 = tpu.memref_slice %arg22[%dma_start3A_174, %dma_start3A_175] : memref<10240x64xf32, #tpu.memory_space<vmem_shared>> -> memref<10240x64xf32, #tpu.memory_space<vmem_shared>>
    tpu.enqueue_indirect_dma source(%arg14 : memref<128x64xf32, #tpu.memory_space<vmem>>) target(%dma_start3A_176 : memref<10240x64xf32, #tpu.memory_space<vmem_shared>>) offsets(%arg6 : memref<128xi32, #tpu.memory_space<vmem>>) semaphore(%arg39 : memref<!tpu.dma_semaphore, #tpu.memory_space<semaphore_mem>>) {add = true}
    %dma_wait3A_177 = arith.constant 1 : i32
    %dma_wait3A_178 = tpu.memref_slice %arg3[%dma_wait3A_177, %mul3A_2] : memref<2x327680xi32, #tpu.memory_space<hbm>> -> memref<1x128xi32, #tpu.memory_space<hbm>>
    %dma_wait3A_179 = tpu.memref_squeeze %dma_wait3A_178 : memref<1x128xi32, #tpu.memory_space<hbm>> -> memref<128xi32, #tpu.memory_space<hbm>>
    %dma_wait3A_180 = tpu.memref_slice %arg3[%dma_wait3A_177, %mul3A_2] : memref<2x327680xi32, #tpu.memory_space<hbm>> -> memref<1x128xi32, #tpu.memory_space<hbm>>
    %dma_wait3A_181 = tpu.memref_squeeze %dma_wait3A_180 : memref<1x128xi32, #tpu.memory_space<hbm>> -> memref<128xi32, #tpu.memory_space<hbm>>
    tpu.wait_dma2 semaphore(%arg24 : memref<!tpu.dma_semaphore, #tpu.memory_space<semaphore_mem>>) src(%dma_wait3A_181 : memref<128xi32, #tpu.memory_space<hbm>>) dst(%arg7 : memref<128xi32, #tpu.memory_space<vmem>>)
    %dma_wait3A_182 = arith.constant 0 : i32
    %dma_wait3A_183 = tpu.memref_slice %arg5[%dma_wait3A_182] : memref<10240xi32, #tpu.memory_space<vmem>> -> memref<128xi32, #tpu.memory_space<vmem>>
    %dma_wait3A_184 = arith.constant 0 : i32
    %dma_wait3A_185 = arith.constant 0 : i32
    %dma_wait3A_186 = tpu.memref_slice %arg2[%dma_wait3A_184, %dma_wait3A_185] : memref<10240x64xf32, #tpu.memory_space<hbm>> -> memref<10240x64xf32, #tpu.memory_space<hbm>>
    tpu.wait_indirect_dma semaphore(%arg32 : memref<!tpu.dma_semaphore, #tpu.memory_space<semaphore_mem>>) src(%dma_wait3A_186 : memref<10240x64xf32, #tpu.memory_space<hbm>>) dst(%arg15 : memref<128x64xf32, #tpu.memory_space<vmem>>)
    %dma_start3A_187 = arith.constant 0 : i32
    %dma_start3A_188 = arith.constant 0 : i32
    %dma_start3A_189 = tpu.memref_slice %arg22[%dma_start3A_187, %dma_start3A_188] : memref<10240x64xf32, #tpu.memory_space<vmem_shared>> -> memref<10240x64xf32, #tpu.memory_space<vmem_shared>>
    tpu.enqueue_indirect_dma source(%arg15 : memref<128x64xf32, #tpu.memory_space<vmem>>) target(%dma_start3A_189 : memref<10240x64xf32, #tpu.memory_space<vmem_shared>>) offsets(%arg7 : memref<128xi32, #tpu.memory_space<vmem>>) semaphore(%arg40 : memref<!tpu.dma_semaphore, #tpu.memory_space<semaphore_mem>>) {add = true}
    %scan3A_190 = arith.constant 0 : i32
    %scan3A_191 = arith.constant 9 : i32
    %scan3A_192 = arith.addi %scan3A_190, %scan3A_191 : i32
    %scan3A_193 = arith.constant 1 : i32
    scf.for %scan3A_298 = %scan3A_190 to %scan3A_192 step %scan3A_193  : i32 {
      %mul3A_299 = arith.constant 8 : i32
      %mul3A_300 = arith.muli %scan3A_298, %mul3A_299 : i32
      %add3A_301 = arith.constant 2 : i32
      %add3A_302 = arith.addi %add3A_301, %mul3A_300 : i32
      %dma_wait3A_303 = arith.constant 1 : i32
      %dma_wait3A_304 = tpu.memref_slice %arg3[%dma_wait3A_303, %mul3A_2] : memref<2x327680xi32, #tpu.memory_space<hbm>> -> memref<1x128xi32, #tpu.memory_space<hbm>>
      %dma_wait3A_305 = tpu.memref_squeeze %dma_wait3A_304 : memref<1x128xi32, #tpu.memory_space<hbm>> -> memref<128xi32, #tpu.memory_space<hbm>>
      %dma_wait3A_306 = tpu.memref_slice %arg3[%dma_wait3A_303, %mul3A_2] : memref<2x327680xi32, #tpu.memory_space<hbm>> -> memref<1x128xi32, #tpu.memory_space<hbm>>
      %dma_wait3A_307 = tpu.memref_squeeze %dma_wait3A_306 : memref<1x128xi32, #tpu.memory_space<hbm>> -> memref<128xi32, #tpu.memory_space<hbm>>
      tpu.wait_dma2 semaphore(%arg25 : memref<!tpu.dma_semaphore, #tpu.memory_space<semaphore_mem>>) src(%dma_wait3A_307 : memref<128xi32, #tpu.memory_space<hbm>>) dst(%arg8 : memref<128xi32, #tpu.memory_space<vmem>>)
      %dma_wait3A_308 = arith.constant 0 : i32
      %dma_wait3A_309 = tpu.memref_slice %arg5[%dma_wait3A_308] : memref<10240xi32, #tpu.memory_space<vmem>> -> memref<128xi32, #tpu.memory_space<vmem>>
      %dma_wait3A_310 = arith.constant 0 : i32
      %dma_wait3A_311 = arith.constant 0 : i32
      %dma_wait3A_312 = tpu.memref_slice %arg2[%dma_wait3A_310, %dma_wait3A_311] : memref<10240x64xf32, #tpu.memory_space<hbm>> -> memref<10240x64xf32, #tpu.memory_space<hbm>>
      tpu.wait_indirect_dma semaphore(%arg33 : memref<!tpu.dma_semaphore, #tpu.memory_space<semaphore_mem>>) src(%dma_wait3A_312 : memref<10240x64xf32, #tpu.memory_space<hbm>>) dst(%arg16 : memref<128x64xf32, #tpu.memory_space<vmem>>)
      %dma_wait3A_313 = arith.constant 0 : i32
      %dma_wait3A_314 = arith.constant 0 : i32
      %dma_wait3A_315 = tpu.memref_slice %arg22[%dma_wait3A_313, %dma_wait3A_314] : memref<10240x64xf32, #tpu.memory_space<vmem_shared>> -> memref<10240x64xf32, #tpu.memory_space<vmem_shared>>
      tpu.wait_indirect_dma semaphore(%arg39 : memref<!tpu.dma_semaphore, #tpu.memory_space<semaphore_mem>>) src(%arg14 : memref<128x64xf32, #tpu.memory_space<vmem>>) dst(%dma_wait3A_315 : memref<10240x64xf32, #tpu.memory_space<vmem_shared>>)
      %add3A_316 = arith.constant 0 : i32
      %add3A_317 = arith.addi %add3A_302, %add3A_316 : i32
      %add3A_318 = arith.constant 6 : i32
      %add3A_319 = arith.addi %add3A_317, %add3A_318 : i32
      %mul3A_320 = arith.constant 128 : i32
      %mul3A_321 = arith.muli %add3A_319, %mul3A_320 : i32
      %add3A_322 = arith.addi %mul3A_2, %mul3A_321 : i32
      %dma_start3A_323 = arith.constant 1 : i32
      %dma_start3A_324 = tpu.memref_slice %arg3[%dma_start3A_323, %add3A_322] : memref<2x327680xi32, #tpu.memory_space<hbm>> -> memref<1x128xi32, #tpu.memory_space<hbm>>
      %dma_start3A_325 = tpu.memref_squeeze %dma_start3A_324 : memref<1x128xi32, #tpu.memory_space<hbm>> -> memref<128xi32, #tpu.memory_space<hbm>>
      %dma_start3A_326 = tpu.memref_slice %arg3[%dma_start3A_323, %add3A_322] : memref<2x327680xi32, #tpu.memory_space<hbm>> -> memref<1x128xi32, #tpu.memory_space<hbm>>
      %dma_start3A_327 = tpu.memref_squeeze %dma_start3A_326 : memref<1x128xi32, #tpu.memory_space<hbm>> -> memref<128xi32, #tpu.memory_space<hbm>>
      tpu.enqueue_dma source(%dma_start3A_327 : memref<128xi32, #tpu.memory_space<hbm>>) target(%arg6 : memref<128xi32, #tpu.memory_space<vmem>>) target_semaphore(%arg23 : memref<!tpu.dma_semaphore, #tpu.memory_space<semaphore_mem>>)
      %mul3A_328 = arith.constant 128 : i32
      %mul3A_329 = arith.muli %add3A_319, %mul3A_328 : i32
      %dma_start3A_330 = tpu.memref_slice %arg5[%mul3A_329] : memref<10240xi32, #tpu.memory_space<vmem>> -> memref<128xi32, #tpu.memory_space<vmem>>
      %dma_start3A_331 = arith.constant 0 : i32
      %dma_start3A_332 = arith.constant 0 : i32
      %dma_start3A_333 = tpu.memref_slice %arg2[%dma_start3A_331, %dma_start3A_332] : memref<10240x64xf32, #tpu.memory_space<hbm>> -> memref<10240x64xf32, #tpu.memory_space<hbm>>
      tpu.enqueue_indirect_dma source(%dma_start3A_333 : memref<10240x64xf32, #tpu.memory_space<hbm>>) target(%arg14 : memref<128x64xf32, #tpu.memory_space<vmem>>) offsets(%dma_start3A_330 : memref<128xi32, #tpu.memory_space<vmem>>) semaphore(%arg31 : memref<!tpu.dma_semaphore, #tpu.memory_space<semaphore_mem>>)
      %dma_start3A_334 = arith.constant 0 : i32
      %dma_start3A_335 = arith.constant 0 : i32
      %dma_start3A_336 = tpu.memref_slice %arg22[%dma_start3A_334, %dma_start3A_335] : memref<10240x64xf32, #tpu.memory_space<vmem_shared>> -> memref<10240x64xf32, #tpu.memory_space<vmem_shared>>
      tpu.enqueue_indirect_dma source(%arg16 : memref<128x64xf32, #tpu.memory_space<vmem>>) target(%dma_start3A_336 : memref<10240x64xf32, #tpu.memory_space<vmem_shared>>) offsets(%arg8 : memref<128xi32, #tpu.memory_space<vmem>>) semaphore(%arg41 : memref<!tpu.dma_semaphore, #tpu.memory_space<semaphore_mem>>) {add = true}
      %dma_wait3A_337 = arith.constant 1 : i32
      %dma_wait3A_338 = tpu.memref_slice %arg3[%dma_wait3A_337, %mul3A_2] : memref<2x327680xi32, #tpu.memory_space<hbm>> -> memref<1x128xi32, #tpu.memory_space<hbm>>
      %dma_wait3A_339 = tpu.memref_squeeze %dma_wait3A_338 : memref<1x128xi32, #tpu.memory_space<hbm>> -> memref<128xi32, #tpu.memory_space<hbm>>
      %dma_wait3A_340 = tpu.memref_slice %arg3[%dma_wait3A_337, %mul3A_2] : memref<2x327680xi32, #tpu.memory_space<hbm>> -> memref<1x128xi32, #tpu.memory_space<hbm>>
      %dma_wait3A_341 = tpu.memref_squeeze %dma_wait3A_340 : memref<1x128xi32, #tpu.memory_space<hbm>> -> memref<128xi32, #tpu.memory_space<hbm>>
      tpu.wait_dma2 semaphore(%arg26 : memref<!tpu.dma_semaphore, #tpu.memory_space<semaphore_mem>>) src(%dma_wait3A_341 : memref<128xi32, #tpu.memory_space<hbm>>) dst(%arg9 : memref<128xi32, #tpu.memory_space<vmem>>)
      %dma_wait3A_342 = arith.constant 0 : i32
      %dma_wait3A_343 = tpu.memref_slice %arg5[%dma_wait3A_342] : memref<10240xi32, #tpu.memory_space<vmem>> -> memref<128xi32, #tpu.memory_space<vmem>>
      %dma_wait3A_344 = arith.constant 0 : i32
      %dma_wait3A_345 = arith.constant 0 : i32
      %dma_wait3A_346 = tpu.memref_slice %arg2[%dma_wait3A_344, %dma_wait3A_345] : memref<10240x64xf32, #tpu.memory_space<hbm>> -> memref<10240x64xf32, #tpu.memory_space<hbm>>
      tpu.wait_indirect_dma semaphore(%arg34 : memref<!tpu.dma_semaphore, #tpu.memory_space<semaphore_mem>>) src(%dma_wait3A_346 : memref<10240x64xf32, #tpu.memory_space<hbm>>) dst(%arg17 : memref<128x64xf32, #tpu.memory_space<vmem>>)
      %dma_wait3A_347 = arith.constant 0 : i32
      %dma_wait3A_348 = arith.constant 0 : i32
      %dma_wait3A_349 = tpu.memref_slice %arg22[%dma_wait3A_347, %dma_wait3A_348] : memref<10240x64xf32, #tpu.memory_space<vmem_shared>> -> memref<10240x64xf32, #tpu.memory_space<vmem_shared>>
      tpu.wait_indirect_dma semaphore(%arg40 : memref<!tpu.dma_semaphore, #tpu.memory_space<semaphore_mem>>) src(%arg15 : memref<128x64xf32, #tpu.memory_space<vmem>>) dst(%dma_wait3A_349 : memref<10240x64xf32, #tpu.memory_space<vmem_shared>>)
      %add3A_350 = arith.constant 1 : i32
      %add3A_351 = arith.addi %add3A_302, %add3A_350 : i32
      %add3A_352 = arith.constant 6 : i32
      %add3A_353 = arith.addi %add3A_351, %add3A_352 : i32
      %mul3A_354 = arith.constant 128 : i32
      %mul3A_355 = arith.muli %add3A_353, %mul3A_354 : i32
      %add3A_356 = arith.addi %mul3A_2, %mul3A_355 : i32
      %dma_start3A_357 = arith.constant 1 : i32
      %dma_start3A_358 = tpu.memref_slice %arg3[%dma_start3A_357, %add3A_356] : memref<2x327680xi32, #tpu.memory_space<hbm>> -> memref<1x128xi32, #tpu.memory_space<hbm>>
      %dma_start3A_359 = tpu.memref_squeeze %dma_start3A_358 : memref<1x128xi32, #tpu.memory_space<hbm>> -> memref<128xi32, #tpu.memory_space<hbm>>
      %dma_start3A_360 = tpu.memref_slice %arg3[%dma_start3A_357, %add3A_356] : memref<2x327680xi32, #tpu.memory_space<hbm>> -> memref<1x128xi32, #tpu.memory_space<hbm>>
      %dma_start3A_361 = tpu.memref_squeeze %dma_start3A_360 : memref<1x128xi32, #tpu.memory_space<hbm>> -> memref<128xi32, #tpu.memory_space<hbm>>
      tpu.enqueue_dma source(%dma_start3A_361 : memref<128xi32, #tpu.memory_space<hbm>>) target(%arg7 : memref<128xi32, #tpu.memory_space<vmem>>) target_semaphore(%arg24 : memref<!tpu.dma_semaphore, #tpu.memory_space<semaphore_mem>>)
      %mul3A_362 = arith.constant 128 : i32
      %mul3A_363 = arith.muli %add3A_353, %mul3A_362 : i32
      %dma_start3A_364 = tpu.memref_slice %arg5[%mul3A_363] : memref<10240xi32, #tpu.memory_space<vmem>> -> memref<128xi32, #tpu.memory_space<vmem>>
      %dma_start3A_365 = arith.constant 0 : i32
      %dma_start3A_366 = arith.constant 0 : i32
      %dma_start3A_367 = tpu.memref_slice %arg2[%dma_start3A_365, %dma_start3A_366] : memref<10240x64xf32, #tpu.memory_space<hbm>> -> memref<10240x64xf32, #tpu.memory_space<hbm>>
      tpu.enqueue_indirect_dma source(%dma_start3A_367 : memref<10240x64xf32, #tpu.memory_space<hbm>>) target(%arg15 : memref<128x64xf32, #tpu.memory_space<vmem>>) offsets(%dma_start3A_364 : memref<128xi32, #tpu.memory_space<vmem>>) semaphore(%arg32 : memref<!tpu.dma_semaphore, #tpu.memory_space<semaphore_mem>>)
      %dma_start3A_368 = arith.constant 0 : i32
      %dma_start3A_369 = arith.constant 0 : i32
      %dma_start3A_370 = tpu.memref_slice %arg22[%dma_start3A_368, %dma_start3A_369] : memref<10240x64xf32, #tpu.memory_space<vmem_shared>> -> memref<10240x64xf32, #tpu.memory_space<vmem_shared>>
      tpu.enqueue_indirect_dma source(%arg17 : memref<128x64xf32, #tpu.memory_space<vmem>>) target(%dma_start3A_370 : memref<10240x64xf32, #tpu.memory_space<vmem_shared>>) offsets(%arg9 : memref<128xi32, #tpu.memory_space<vmem>>) semaphore(%arg42 : memref<!tpu.dma_semaphore, #tpu.memory_space<semaphore_mem>>) {add = true}
      %dma_wait3A_371 = arith.constant 1 : i32
      %dma_wait3A_372 = tpu.memref_slice %arg3[%dma_wait3A_371, %mul3A_2] : memref<2x327680xi32, #tpu.memory_space<hbm>> -> memref<1x128xi32, #tpu.memory_space<hbm>>
      %dma_wait3A_373 = tpu.memref_squeeze %dma_wait3A_372 : memref<1x128xi32, #tpu.memory_space<hbm>> -> memref<128xi32, #tpu.memory_space<hbm>>
      %dma_wait3A_374 = tpu.memref_slice %arg3[%dma_wait3A_371, %mul3A_2] : memref<2x327680xi32, #tpu.memory_space<hbm>> -> memref<1x128xi32, #tpu.memory_space<hbm>>
      %dma_wait3A_375 = tpu.memref_squeeze %dma_wait3A_374 : memref<1x128xi32, #tpu.memory_space<hbm>> -> memref<128xi32, #tpu.memory_space<hbm>>
      tpu.wait_dma2 semaphore(%arg27 : memref<!tpu.dma_semaphore, #tpu.memory_space<semaphore_mem>>) src(%dma_wait3A_375 : memref<128xi32, #tpu.memory_space<hbm>>) dst(%arg10 : memref<128xi32, #tpu.memory_space<vmem>>)
      %dma_wait3A_376 = arith.constant 0 : i32
      %dma_wait3A_377 = tpu.memref_slice %arg5[%dma_wait3A_376] : memref<10240xi32, #tpu.memory_space<vmem>> -> memref<128xi32, #tpu.memory_space<vmem>>
      %dma_wait3A_378 = arith.constant 0 : i32
      %dma_wait3A_379 = arith.constant 0 : i32
      %dma_wait3A_380 = tpu.memref_slice %arg2[%dma_wait3A_378, %dma_wait3A_379] : memref<10240x64xf32, #tpu.memory_space<hbm>> -> memref<10240x64xf32, #tpu.memory_space<hbm>>
      tpu.wait_indirect_dma semaphore(%arg35 : memref<!tpu.dma_semaphore, #tpu.memory_space<semaphore_mem>>) src(%dma_wait3A_380 : memref<10240x64xf32, #tpu.memory_space<hbm>>) dst(%arg18 : memref<128x64xf32, #tpu.memory_space<vmem>>)
      %dma_wait3A_381 = arith.constant 0 : i32
      %dma_wait3A_382 = arith.constant 0 : i32
      %dma_wait3A_383 = tpu.memref_slice %arg22[%dma_wait3A_381, %dma_wait3A_382] : memref<10240x64xf32, #tpu.memory_space<vmem_shared>> -> memref<10240x64xf32, #tpu.memory_space<vmem_shared>>
      tpu.wait_indirect_dma semaphore(%arg41 : memref<!tpu.dma_semaphore, #tpu.memory_space<semaphore_mem>>) src(%arg16 : memref<128x64xf32, #tpu.memory_space<vmem>>) dst(%dma_wait3A_383 : memref<10240x64xf32, #tpu.memory_space<vmem_shared>>)
      %add3A_384 = arith.constant 2 : i32
      %add3A_385 = arith.addi %add3A_302, %add3A_384 : i32
      %add3A_386 = arith.constant 6 : i32
      %add3A_387 = arith.addi %add3A_385, %add3A_386 : i32
      %mul3A_388 = arith.constant 128 : i32
      %mul3A_389 = arith.muli %add3A_387, %mul3A_388 : i32
      %add3A_390 = arith.addi %mul3A_2, %mul3A_389 : i32
      %dma_start3A_391 = arith.constant 1 : i32
      %dma_start3A_392 = tpu.memref_slice %arg3[%dma_start3A_391, %add3A_390] : memref<2x327680xi32, #tpu.memory_space<hbm>> -> memref<1x128xi32, #tpu.memory_space<hbm>>
      %dma_start3A_393 = tpu.memref_squeeze %dma_start3A_392 : memref<1x128xi32, #tpu.memory_space<hbm>> -> memref<128xi32, #tpu.memory_space<hbm>>
      %dma_start3A_394 = tpu.memref_slice %arg3[%dma_start3A_391, %add3A_390] : memref<2x327680xi32, #tpu.memory_space<hbm>> -> memref<1x128xi32, #tpu.memory_space<hbm>>
      %dma_start3A_395 = tpu.memref_squeeze %dma_start3A_394 : memref<1x128xi32, #tpu.memory_space<hbm>> -> memref<128xi32, #tpu.memory_space<hbm>>
      tpu.enqueue_dma source(%dma_start3A_395 : memref<128xi32, #tpu.memory_space<hbm>>) target(%arg8 : memref<128xi32, #tpu.memory_space<vmem>>) target_semaphore(%arg25 : memref<!tpu.dma_semaphore, #tpu.memory_space<semaphore_mem>>)
      %mul3A_396 = arith.constant 128 : i32
      %mul3A_397 = arith.muli %add3A_387, %mul3A_396 : i32
      %dma_start3A_398 = tpu.memref_slice %arg5[%mul3A_397] : memref<10240xi32, #tpu.memory_space<vmem>> -> memref<128xi32, #tpu.memory_space<vmem>>
      %dma_start3A_399 = arith.constant 0 : i32
      %dma_start3A_400 = arith.constant 0 : i32
      %dma_start3A_401 = tpu.memref_slice %arg2[%dma_start3A_399, %dma_start3A_400] : memref<10240x64xf32, #tpu.memory_space<hbm>> -> memref<10240x64xf32, #tpu.memory_space<hbm>>
      tpu.enqueue_indirect_dma source(%dma_start3A_401 : memref<10240x64xf32, #tpu.memory_space<hbm>>) target(%arg16 : memref<128x64xf32, #tpu.memory_space<vmem>>) offsets(%dma_start3A_398 : memref<128xi32, #tpu.memory_space<vmem>>) semaphore(%arg33 : memref<!tpu.dma_semaphore, #tpu.memory_space<semaphore_mem>>)
      %dma_start3A_402 = arith.constant 0 : i32
      %dma_start3A_403 = arith.constant 0 : i32
      %dma_start3A_404 = tpu.memref_slice %arg22[%dma_start3A_402, %dma_start3A_403] : memref<10240x64xf32, #tpu.memory_space<vmem_shared>> -> memref<10240x64xf32, #tpu.memory_space<vmem_shared>>
      tpu.enqueue_indirect_dma source(%arg18 : memref<128x64xf32, #tpu.memory_space<vmem>>) target(%dma_start3A_404 : memref<10240x64xf32, #tpu.memory_space<vmem_shared>>) offsets(%arg10 : memref<128xi32, #tpu.memory_space<vmem>>) semaphore(%arg43 : memref<!tpu.dma_semaphore, #tpu.memory_space<semaphore_mem>>) {add = true}
      %dma_wait3A_405 = arith.constant 1 : i32
      %dma_wait3A_406 = tpu.memref_slice %arg3[%dma_wait3A_405, %mul3A_2] : memref<2x327680xi32, #tpu.memory_space<hbm>> -> memref<1x128xi32, #tpu.memory_space<hbm>>
      %dma_wait3A_407 = tpu.memref_squeeze %dma_wait3A_406 : memref<1x128xi32, #tpu.memory_space<hbm>> -> memref<128xi32, #tpu.memory_space<hbm>>
      %dma_wait3A_408 = tpu.memref_slice %arg3[%dma_wait3A_405, %mul3A_2] : memref<2x327680xi32, #tpu.memory_space<hbm>> -> memref<1x128xi32, #tpu.memory_space<hbm>>
      %dma_wait3A_409 = tpu.memref_squeeze %dma_wait3A_408 : memref<1x128xi32, #tpu.memory_space<hbm>> -> memref<128xi32, #tpu.memory_space<hbm>>
      tpu.wait_dma2 semaphore(%arg28 : memref<!tpu.dma_semaphore, #tpu.memory_space<semaphore_mem>>) src(%dma_wait3A_409 : memref<128xi32, #tpu.memory_space<hbm>>) dst(%arg11 : memref<128xi32, #tpu.memory_space<vmem>>)
      %dma_wait3A_410 = arith.constant 0 : i32
      %dma_wait3A_411 = tpu.memref_slice %arg5[%dma_wait3A_410] : memref<10240xi32, #tpu.memory_space<vmem>> -> memref<128xi32, #tpu.memory_space<vmem>>
      %dma_wait3A_412 = arith.constant 0 : i32
      %dma_wait3A_413 = arith.constant 0 : i32
      %dma_wait3A_414 = tpu.memref_slice %arg2[%dma_wait3A_412, %dma_wait3A_413] : memref<10240x64xf32, #tpu.memory_space<hbm>> -> memref<10240x64xf32, #tpu.memory_space<hbm>>
      tpu.wait_indirect_dma semaphore(%arg36 : memref<!tpu.dma_semaphore, #tpu.memory_space<semaphore_mem>>) src(%dma_wait3A_414 : memref<10240x64xf32, #tpu.memory_space<hbm>>) dst(%arg19 : memref<128x64xf32, #tpu.memory_space<vmem>>)
      %dma_wait3A_415 = arith.constant 0 : i32
      %dma_wait3A_416 = arith.constant 0 : i32
      %dma_wait3A_417 = tpu.memref_slice %arg22[%dma_wait3A_415, %dma_wait3A_416] : memref<10240x64xf32, #tpu.memory_space<vmem_shared>> -> memref<10240x64xf32, #tpu.memory_space<vmem_shared>>
      tpu.wait_indirect_dma semaphore(%arg42 : memref<!tpu.dma_semaphore, #tpu.memory_space<semaphore_mem>>) src(%arg17 : memref<128x64xf32, #tpu.memory_space<vmem>>) dst(%dma_wait3A_417 : memref<10240x64xf32, #tpu.memory_space<vmem_shared>>)
      %add3A_418 = arith.constant 3 : i32
      %add3A_419 = arith.addi %add3A_302, %add3A_418 : i32
      %add3A_420 = arith.constant 6 : i32
      %add3A_421 = arith.addi %add3A_419, %add3A_420 : i32
      %mul3A_422 = arith.constant 128 : i32
      %mul3A_423 = arith.muli %add3A_421, %mul3A_422 : i32
      %add3A_424 = arith.addi %mul3A_2, %mul3A_423 : i32
      %dma_start3A_425 = arith.constant 1 : i32
      %dma_start3A_426 = tpu.memref_slice %arg3[%dma_start3A_425, %add3A_424] : memref<2x327680xi32, #tpu.memory_space<hbm>> -> memref<1x128xi32, #tpu.memory_space<hbm>>
      %dma_start3A_427 = tpu.memref_squeeze %dma_start3A_426 : memref<1x128xi32, #tpu.memory_space<hbm>> -> memref<128xi32, #tpu.memory_space<hbm>>
      %dma_start3A_428 = tpu.memref_slice %arg3[%dma_start3A_425, %add3A_424] : memref<2x327680xi32, #tpu.memory_space<hbm>> -> memref<1x128xi32, #tpu.memory_space<hbm>>
      %dma_start3A_429 = tpu.memref_squeeze %dma_start3A_428 : memref<1x128xi32, #tpu.memory_space<hbm>> -> memref<128xi32, #tpu.memory_space<hbm>>
      tpu.enqueue_dma source(%dma_start3A_429 : memref<128xi32, #tpu.memory_space<hbm>>) target(%arg9 : memref<128xi32, #tpu.memory_space<vmem>>) target_semaphore(%arg26 : memref<!tpu.dma_semaphore, #tpu.memory_space<semaphore_mem>>)
      %mul3A_430 = arith.constant 128 : i32
      %mul3A_431 = arith.muli %add3A_421, %mul3A_430 : i32
      %dma_start3A_432 = tpu.memref_slice %arg5[%mul3A_431] : memref<10240xi32, #tpu.memory_space<vmem>> -> memref<128xi32, #tpu.memory_space<vmem>>
      %dma_start3A_433 = arith.constant 0 : i32
      %dma_start3A_434 = arith.constant 0 : i32
      %dma_start3A_435 = tpu.memref_slice %arg2[%dma_start3A_433, %dma_start3A_434] : memref<10240x64xf32, #tpu.memory_space<hbm>> -> memref<10240x64xf32, #tpu.memory_space<hbm>>
      tpu.enqueue_indirect_dma source(%dma_start3A_435 : memref<10240x64xf32, #tpu.memory_space<hbm>>) target(%arg17 : memref<128x64xf32, #tpu.memory_space<vmem>>) offsets(%dma_start3A_432 : memref<128xi32, #tpu.memory_space<vmem>>) semaphore(%arg34 : memref<!tpu.dma_semaphore, #tpu.memory_space<semaphore_mem>>)
      %dma_start3A_436 = arith.constant 0 : i32
      %dma_start3A_437 = arith.constant 0 : i32
      %dma_start3A_438 = tpu.memref_slice %arg22[%dma_start3A_436, %dma_start3A_437] : memref<10240x64xf32, #tpu.memory_space<vmem_shared>> -> memref<10240x64xf32, #tpu.memory_space<vmem_shared>>
      tpu.enqueue_indirect_dma source(%arg19 : memref<128x64xf32, #tpu.memory_space<vmem>>) target(%dma_start3A_438 : memref<10240x64xf32, #tpu.memory_space<vmem_shared>>) offsets(%arg11 : memref<128xi32, #tpu.memory_space<vmem>>) semaphore(%arg44 : memref<!tpu.dma_semaphore, #tpu.memory_space<semaphore_mem>>) {add = true}
      %dma_wait3A_439 = arith.constant 1 : i32
      %dma_wait3A_440 = tpu.memref_slice %arg3[%dma_wait3A_439, %mul3A_2] : memref<2x327680xi32, #tpu.memory_space<hbm>> -> memref<1x128xi32, #tpu.memory_space<hbm>>
      %dma_wait3A_441 = tpu.memref_squeeze %dma_wait3A_440 : memref<1x128xi32, #tpu.memory_space<hbm>> -> memref<128xi32, #tpu.memory_space<hbm>>
      %dma_wait3A_442 = tpu.memref_slice %arg3[%dma_wait3A_439, %mul3A_2] : memref<2x327680xi32, #tpu.memory_space<hbm>> -> memref<1x128xi32, #tpu.memory_space<hbm>>
      %dma_wait3A_443 = tpu.memref_squeeze %dma_wait3A_442 : memref<1x128xi32, #tpu.memory_space<hbm>> -> memref<128xi32, #tpu.memory_space<hbm>>
      tpu.wait_dma2 semaphore(%arg29 : memref<!tpu.dma_semaphore, #tpu.memory_space<semaphore_mem>>) src(%dma_wait3A_443 : memref<128xi32, #tpu.memory_space<hbm>>) dst(%arg12 : memref<128xi32, #tpu.memory_space<vmem>>)
      %dma_wait3A_444 = arith.constant 0 : i32
      %dma_wait3A_445 = tpu.memref_slice %arg5[%dma_wait3A_444] : memref<10240xi32, #tpu.memory_space<vmem>> -> memref<128xi32, #tpu.memory_space<vmem>>
      %dma_wait3A_446 = arith.constant 0 : i32
      %dma_wait3A_447 = arith.constant 0 : i32
      %dma_wait3A_448 = tpu.memref_slice %arg2[%dma_wait3A_446, %dma_wait3A_447] : memref<10240x64xf32, #tpu.memory_space<hbm>> -> memref<10240x64xf32, #tpu.memory_space<hbm>>
      tpu.wait_indirect_dma semaphore(%arg37 : memref<!tpu.dma_semaphore, #tpu.memory_space<semaphore_mem>>) src(%dma_wait3A_448 : memref<10240x64xf32, #tpu.memory_space<hbm>>) dst(%arg20 : memref<128x64xf32, #tpu.memory_space<vmem>>)
      %dma_wait3A_449 = arith.constant 0 : i32
      %dma_wait3A_450 = arith.constant 0 : i32
      %dma_wait3A_451 = tpu.memref_slice %arg22[%dma_wait3A_449, %dma_wait3A_450] : memref<10240x64xf32, #tpu.memory_space<vmem_shared>> -> memref<10240x64xf32, #tpu.memory_space<vmem_shared>>
      tpu.wait_indirect_dma semaphore(%arg43 : memref<!tpu.dma_semaphore, #tpu.memory_space<semaphore_mem>>) src(%arg18 : memref<128x64xf32, #tpu.memory_space<vmem>>) dst(%dma_wait3A_451 : memref<10240x64xf32, #tpu.memory_space<vmem_shared>>)
      %add3A_452 = arith.constant 4 : i32
      %add3A_453 = arith.addi %add3A_302, %add3A_452 : i32
      %add3A_454 = arith.constant 6 : i32
      %add3A_455 = arith.addi %add3A_453, %add3A_454 : i32
      %mul3A_456 = arith.constant 128 : i32
      %mul3A_457 = arith.muli %add3A_455, %mul3A_456 : i32
      %add3A_458 = arith.addi %mul3A_2, %mul3A_457 : i32
      %dma_start3A_459 = arith.constant 1 : i32
      %dma_start3A_460 = tpu.memref_slice %arg3[%dma_start3A_459, %add3A_458] : memref<2x327680xi32, #tpu.memory_space<hbm>> -> memref<1x128xi32, #tpu.memory_space<hbm>>
      %dma_start3A_461 = tpu.memref_squeeze %dma_start3A_460 : memref<1x128xi32, #tpu.memory_space<hbm>> -> memref<128xi32, #tpu.memory_space<hbm>>
      %dma_start3A_462 = tpu.memref_slice %arg3[%dma_start3A_459, %add3A_458] : memref<2x327680xi32, #tpu.memory_space<hbm>> -> memref<1x128xi32, #tpu.memory_space<hbm>>
      %dma_start3A_463 = tpu.memref_squeeze %dma_start3A_462 : memref<1x128xi32, #tpu.memory_space<hbm>> -> memref<128xi32, #tpu.memory_space<hbm>>
      tpu.enqueue_dma source(%dma_start3A_463 : memref<128xi32, #tpu.memory_space<hbm>>) target(%arg10 : memref<128xi32, #tpu.memory_space<vmem>>) target_semaphore(%arg27 : memref<!tpu.dma_semaphore, #tpu.memory_space<semaphore_mem>>)
      %mul3A_464 = arith.constant 128 : i32
      %mul3A_465 = arith.muli %add3A_455, %mul3A_464 : i32
      %dma_start3A_466 = tpu.memref_slice %arg5[%mul3A_465] : memref<10240xi32, #tpu.memory_space<vmem>> -> memref<128xi32, #tpu.memory_space<vmem>>
      %dma_start3A_467 = arith.constant 0 : i32
      %dma_start3A_468 = arith.constant 0 : i32
      %dma_start3A_469 = tpu.memref_slice %arg2[%dma_start3A_467, %dma_start3A_468] : memref<10240x64xf32, #tpu.memory_space<hbm>> -> memref<10240x64xf32, #tpu.memory_space<hbm>>
      tpu.enqueue_indirect_dma source(%dma_start3A_469 : memref<10240x64xf32, #tpu.memory_space<hbm>>) target(%arg18 : memref<128x64xf32, #tpu.memory_space<vmem>>) offsets(%dma_start3A_466 : memref<128xi32, #tpu.memory_space<vmem>>) semaphore(%arg35 : memref<!tpu.dma_semaphore, #tpu.memory_space<semaphore_mem>>)
      %dma_start3A_470 = arith.constant 0 : i32
      %dma_start3A_471 = arith.constant 0 : i32
      %dma_start3A_472 = tpu.memref_slice %arg22[%dma_start3A_470, %dma_start3A_471] : memref<10240x64xf32, #tpu.memory_space<vmem_shared>> -> memref<10240x64xf32, #tpu.memory_space<vmem_shared>>
      tpu.enqueue_indirect_dma source(%arg20 : memref<128x64xf32, #tpu.memory_space<vmem>>) target(%dma_start3A_472 : memref<10240x64xf32, #tpu.memory_space<vmem_shared>>) offsets(%arg12 : memref<128xi32, #tpu.memory_space<vmem>>) semaphore(%arg45 : memref<!tpu.dma_semaphore, #tpu.memory_space<semaphore_mem>>) {add = true}
      %dma_wait3A_473 = arith.constant 1 : i32
      %dma_wait3A_474 = tpu.memref_slice %arg3[%dma_wait3A_473, %mul3A_2] : memref<2x327680xi32, #tpu.memory_space<hbm>> -> memref<1x128xi32, #tpu.memory_space<hbm>>
      %dma_wait3A_475 = tpu.memref_squeeze %dma_wait3A_474 : memref<1x128xi32, #tpu.memory_space<hbm>> -> memref<128xi32, #tpu.memory_space<hbm>>
      %dma_wait3A_476 = tpu.memref_slice %arg3[%dma_wait3A_473, %mul3A_2] : memref<2x327680xi32, #tpu.memory_space<hbm>> -> memref<1x128xi32, #tpu.memory_space<hbm>>
      %dma_wait3A_477 = tpu.memref_squeeze %dma_wait3A_476 : memref<1x128xi32, #tpu.memory_space<hbm>> -> memref<128xi32, #tpu.memory_space<hbm>>
      tpu.wait_dma2 semaphore(%arg30 : memref<!tpu.dma_semaphore, #tpu.memory_space<semaphore_mem>>) src(%dma_wait3A_477 : memref<128xi32, #tpu.memory_space<hbm>>) dst(%arg13 : memref<128xi32, #tpu.memory_space<vmem>>)
      %dma_wait3A_478 = arith.constant 0 : i32
      %dma_wait3A_479 = tpu.memref_slice %arg5[%dma_wait3A_478] : memref<10240xi32, #tpu.memory_space<vmem>> -> memref<128xi32, #tpu.memory_space<vmem>>
      %dma_wait3A_480 = arith.constant 0 : i32
      %dma_wait3A_481 = arith.constant 0 : i32
      %dma_wait3A_482 = tpu.memref_slice %arg2[%dma_wait3A_480, %dma_wait3A_481] : memref<10240x64xf32, #tpu.memory_space<hbm>> -> memref<10240x64xf32, #tpu.memory_space<hbm>>
      tpu.wait_indirect_dma semaphore(%arg38 : memref<!tpu.dma_semaphore, #tpu.memory_space<semaphore_mem>>) src(%dma_wait3A_482 : memref<10240x64xf32, #tpu.memory_space<hbm>>) dst(%arg21 : memref<128x64xf32, #tpu.memory_space<vmem>>)
      %dma_wait3A_483 = arith.constant 0 : i32
      %dma_wait3A_484 = arith.constant 0 : i32
      %dma_wait3A_485 = tpu.memref_slice %arg22[%dma_wait3A_483, %dma_wait3A_484] : memref<10240x64xf32, #tpu.memory_space<vmem_shared>> -> memref<10240x64xf32, #tpu.memory_space<vmem_shared>>
      tpu.wait_indirect_dma semaphore(%arg44 : memref<!tpu.dma_semaphore, #tpu.memory_space<semaphore_mem>>) src(%arg19 : memref<128x64xf32, #tpu.memory_space<vmem>>) dst(%dma_wait3A_485 : memref<10240x64xf32, #tpu.memory_space<vmem_shared>>)
      %add3A_486 = arith.constant 5 : i32
      %add3A_487 = arith.addi %add3A_302, %add3A_486 : i32
      %add3A_488 = arith.constant 6 : i32
      %add3A_489 = arith.addi %add3A_487, %add3A_488 : i32
      %mul3A_490 = arith.constant 128 : i32
      %mul3A_491 = arith.muli %add3A_489, %mul3A_490 : i32
      %add3A_492 = arith.addi %mul3A_2, %mul3A_491 : i32
      %dma_start3A_493 = arith.constant 1 : i32
      %dma_start3A_494 = tpu.memref_slice %arg3[%dma_start3A_493, %add3A_492] : memref<2x327680xi32, #tpu.memory_space<hbm>> -> memref<1x128xi32, #tpu.memory_space<hbm>>
      %dma_start3A_495 = tpu.memref_squeeze %dma_start3A_494 : memref<1x128xi32, #tpu.memory_space<hbm>> -> memref<128xi32, #tpu.memory_space<hbm>>
      %dma_start3A_496 = tpu.memref_slice %arg3[%dma_start3A_493, %add3A_492] : memref<2x327680xi32, #tpu.memory_space<hbm>> -> memref<1x128xi32, #tpu.memory_space<hbm>>
      %dma_start3A_497 = tpu.memref_squeeze %dma_start3A_496 : memref<1x128xi32, #tpu.memory_space<hbm>> -> memref<128xi32, #tpu.memory_space<hbm>>
      tpu.enqueue_dma source(%dma_start3A_497 : memref<128xi32, #tpu.memory_space<hbm>>) target(%arg11 : memref<128xi32, #tpu.memory_space<vmem>>) target_semaphore(%arg28 : memref<!tpu.dma_semaphore, #tpu.memory_space<semaphore_mem>>)
      %mul3A_498 = arith.constant 128 : i32
      %mul3A_499 = arith.muli %add3A_489, %mul3A_498 : i32
      %dma_start3A_500 = tpu.memref_slice %arg5[%mul3A_499] : memref<10240xi32, #tpu.memory_space<vmem>> -> memref<128xi32, #tpu.memory_space<vmem>>
      %dma_start3A_501 = arith.constant 0 : i32
      %dma_start3A_502 = arith.constant 0 : i32
      %dma_start3A_503 = tpu.memref_slice %arg2[%dma_start3A_501, %dma_start3A_502] : memref<10240x64xf32, #tpu.memory_space<hbm>> -> memref<10240x64xf32, #tpu.memory_space<hbm>>
      tpu.enqueue_indirect_dma source(%dma_start3A_503 : memref<10240x64xf32, #tpu.memory_space<hbm>>) target(%arg19 : memref<128x64xf32, #tpu.memory_space<vmem>>) offsets(%dma_start3A_500 : memref<128xi32, #tpu.memory_space<vmem>>) semaphore(%arg36 : memref<!tpu.dma_semaphore, #tpu.memory_space<semaphore_mem>>)
      %dma_start3A_504 = arith.constant 0 : i32
      %dma_start3A_505 = arith.constant 0 : i32
      %dma_start3A_506 = tpu.memref_slice %arg22[%dma_start3A_504, %dma_start3A_505] : memref<10240x64xf32, #tpu.memory_space<vmem_shared>> -> memref<10240x64xf32, #tpu.memory_space<vmem_shared>>
      tpu.enqueue_indirect_dma source(%arg21 : memref<128x64xf32, #tpu.memory_space<vmem>>) target(%dma_start3A_506 : memref<10240x64xf32, #tpu.memory_space<vmem_shared>>) offsets(%arg13 : memref<128xi32, #tpu.memory_space<vmem>>) semaphore(%arg46 : memref<!tpu.dma_semaphore, #tpu.memory_space<semaphore_mem>>) {add = true}
      %dma_wait3A_507 = arith.constant 1 : i32
      %dma_wait3A_508 = tpu.memref_slice %arg3[%dma_wait3A_507, %mul3A_2] : memref<2x327680xi32, #tpu.memory_space<hbm>> -> memref<1x128xi32, #tpu.memory_space<hbm>>
      %dma_wait3A_509 = tpu.memref_squeeze %dma_wait3A_508 : memref<1x128xi32, #tpu.memory_space<hbm>> -> memref<128xi32, #tpu.memory_space<hbm>>
      %dma_wait3A_510 = tpu.memref_slice %arg3[%dma_wait3A_507, %mul3A_2] : memref<2x327680xi32, #tpu.memory_space<hbm>> -> memref<1x128xi32, #tpu.memory_space<hbm>>
      %dma_wait3A_511 = tpu.memref_squeeze %dma_wait3A_510 : memref<1x128xi32, #tpu.memory_space<hbm>> -> memref<128xi32, #tpu.memory_space<hbm>>
      tpu.wait_dma2 semaphore(%arg23 : memref<!tpu.dma_semaphore, #tpu.memory_space<semaphore_mem>>) src(%dma_wait3A_511 : memref<128xi32, #tpu.memory_space<hbm>>) dst(%arg6 : memref<128xi32, #tpu.memory_space<vmem>>)
      %dma_wait3A_512 = arith.constant 0 : i32
      %dma_wait3A_513 = tpu.memref_slice %arg5[%dma_wait3A_512] : memref<10240xi32, #tpu.memory_space<vmem>> -> memref<128xi32, #tpu.memory_space<vmem>>
      %dma_wait3A_514 = arith.constant 0 : i32
      %dma_wait3A_515 = arith.constant 0 : i32
      %dma_wait3A_516 = tpu.memref_slice %arg2[%dma_wait3A_514, %dma_wait3A_515] : memref<10240x64xf32, #tpu.memory_space<hbm>> -> memref<10240x64xf32, #tpu.memory_space<hbm>>
      tpu.wait_indirect_dma semaphore(%arg31 : memref<!tpu.dma_semaphore, #tpu.memory_space<semaphore_mem>>) src(%dma_wait3A_516 : memref<10240x64xf32, #tpu.memory_space<hbm>>) dst(%arg14 : memref<128x64xf32, #tpu.memory_space<vmem>>)
      %dma_wait3A_517 = arith.constant 0 : i32
      %dma_wait3A_518 = arith.constant 0 : i32
      %dma_wait3A_519 = tpu.memref_slice %arg22[%dma_wait3A_517, %dma_wait3A_518] : memref<10240x64xf32, #tpu.memory_space<vmem_shared>> -> memref<10240x64xf32, #tpu.memory_space<vmem_shared>>
      tpu.wait_indirect_dma semaphore(%arg45 : memref<!tpu.dma_semaphore, #tpu.memory_space<semaphore_mem>>) src(%arg20 : memref<128x64xf32, #tpu.memory_space<vmem>>) dst(%dma_wait3A_519 : memref<10240x64xf32, #tpu.memory_space<vmem_shared>>)
      %add3A_520 = arith.constant 6 : i32
      %add3A_521 = arith.addi %add3A_302, %add3A_520 : i32
      %add3A_522 = arith.constant 6 : i32
      %add3A_523 = arith.addi %add3A_521, %add3A_522 : i32
      %mul3A_524 = arith.constant 128 : i32
      %mul3A_525 = arith.muli %add3A_523, %mul3A_524 : i32
      %add3A_526 = arith.addi %mul3A_2, %mul3A_525 : i32
      %dma_start3A_527 = arith.constant 1 : i32
      %dma_start3A_528 = tpu.memref_slice %arg3[%dma_start3A_527, %add3A_526] : memref<2x327680xi32, #tpu.memory_space<hbm>> -> memref<1x128xi32, #tpu.memory_space<hbm>>
      %dma_start3A_529 = tpu.memref_squeeze %dma_start3A_528 : memref<1x128xi32, #tpu.memory_space<hbm>> -> memref<128xi32, #tpu.memory_space<hbm>>
      %dma_start3A_530 = tpu.memref_slice %arg3[%dma_start3A_527, %add3A_526] : memref<2x327680xi32, #tpu.memory_space<hbm>> -> memref<1x128xi32, #tpu.memory_space<hbm>>
      %dma_start3A_531 = tpu.memref_squeeze %dma_start3A_530 : memref<1x128xi32, #tpu.memory_space<hbm>> -> memref<128xi32, #tpu.memory_space<hbm>>
      tpu.enqueue_dma source(%dma_start3A_531 : memref<128xi32, #tpu.memory_space<hbm>>) target(%arg12 : memref<128xi32, #tpu.memory_space<vmem>>) target_semaphore(%arg29 : memref<!tpu.dma_semaphore, #tpu.memory_space<semaphore_mem>>)
      %mul3A_532 = arith.constant 128 : i32
      %mul3A_533 = arith.muli %add3A_523, %mul3A_532 : i32
      %dma_start3A_534 = tpu.memref_slice %arg5[%mul3A_533] : memref<10240xi32, #tpu.memory_space<vmem>> -> memref<128xi32, #tpu.memory_space<vmem>>
      %dma_start3A_535 = arith.constant 0 : i32
      %dma_start3A_536 = arith.constant 0 : i32
      %dma_start3A_537 = tpu.memref_slice %arg2[%dma_start3A_535, %dma_start3A_536] : memref<10240x64xf32, #tpu.memory_space<hbm>> -> memref<10240x64xf32, #tpu.memory_space<hbm>>
      tpu.enqueue_indirect_dma source(%dma_start3A_537 : memref<10240x64xf32, #tpu.memory_space<hbm>>) target(%arg20 : memref<128x64xf32, #tpu.memory_space<vmem>>) offsets(%dma_start3A_534 : memref<128xi32, #tpu.memory_space<vmem>>) semaphore(%arg37 : memref<!tpu.dma_semaphore, #tpu.memory_space<semaphore_mem>>)
      %dma_start3A_538 = arith.constant 0 : i32
      %dma_start3A_539 = arith.constant 0 : i32
      %dma_start3A_540 = tpu.memref_slice %arg22[%dma_start3A_538, %dma_start3A_539] : memref<10240x64xf32, #tpu.memory_space<vmem_shared>> -> memref<10240x64xf32, #tpu.memory_space<vmem_shared>>
      tpu.enqueue_indirect_dma source(%arg14 : memref<128x64xf32, #tpu.memory_space<vmem>>) target(%dma_start3A_540 : memref<10240x64xf32, #tpu.memory_space<vmem_shared>>) offsets(%arg6 : memref<128xi32, #tpu.memory_space<vmem>>) semaphore(%arg39 : memref<!tpu.dma_semaphore, #tpu.memory_space<semaphore_mem>>) {add = true}
      %dma_wait3A_541 = arith.constant 1 : i32
      %dma_wait3A_542 = tpu.memref_slice %arg3[%dma_wait3A_541, %mul3A_2] : memref<2x327680xi32, #tpu.memory_space<hbm>> -> memref<1x128xi32, #tpu.memory_space<hbm>>
      %dma_wait3A_543 = tpu.memref_squeeze %dma_wait3A_542 : memref<1x128xi32, #tpu.memory_space<hbm>> -> memref<128xi32, #tpu.memory_space<hbm>>
      %dma_wait3A_544 = tpu.memref_slice %arg3[%dma_wait3A_541, %mul3A_2] : memref<2x327680xi32, #tpu.memory_space<hbm>> -> memref<1x128xi32, #tpu.memory_space<hbm>>
      %dma_wait3A_545 = tpu.memref_squeeze %dma_wait3A_544 : memref<1x128xi32, #tpu.memory_space<hbm>> -> memref<128xi32, #tpu.memory_space<hbm>>
      tpu.wait_dma2 semaphore(%arg24 : memref<!tpu.dma_semaphore, #tpu.memory_space<semaphore_mem>>) src(%dma_wait3A_545 : memref<128xi32, #tpu.memory_space<hbm>>) dst(%arg7 : memref<128xi32, #tpu.memory_space<vmem>>)
      %dma_wait3A_546 = arith.constant 0 : i32
      %dma_wait3A_547 = tpu.memref_slice %arg5[%dma_wait3A_546] : memref<10240xi32, #tpu.memory_space<vmem>> -> memref<128xi32, #tpu.memory_space<vmem>>
      %dma_wait3A_548 = arith.constant 0 : i32
      %dma_wait3A_549 = arith.constant 0 : i32
      %dma_wait3A_550 = tpu.memref_slice %arg2[%dma_wait3A_548, %dma_wait3A_549] : memref<10240x64xf32, #tpu.memory_space<hbm>> -> memref<10240x64xf32, #tpu.memory_space<hbm>>
      tpu.wait_indirect_dma semaphore(%arg32 : memref<!tpu.dma_semaphore, #tpu.memory_space<semaphore_mem>>) src(%dma_wait3A_550 : memref<10240x64xf32, #tpu.memory_space<hbm>>) dst(%arg15 : memref<128x64xf32, #tpu.memory_space<vmem>>)
      %dma_wait3A_551 = arith.constant 0 : i32
      %dma_wait3A_552 = arith.constant 0 : i32
      %dma_wait3A_553 = tpu.memref_slice %arg22[%dma_wait3A_551, %dma_wait3A_552] : memref<10240x64xf32, #tpu.memory_space<vmem_shared>> -> memref<10240x64xf32, #tpu.memory_space<vmem_shared>>
      tpu.wait_indirect_dma semaphore(%arg46 : memref<!tpu.dma_semaphore, #tpu.memory_space<semaphore_mem>>) src(%arg21 : memref<128x64xf32, #tpu.memory_space<vmem>>) dst(%dma_wait3A_553 : memref<10240x64xf32, #tpu.memory_space<vmem_shared>>)
      %add3A_554 = arith.constant 7 : i32
      %add3A_555 = arith.addi %add3A_302, %add3A_554 : i32
      %add3A_556 = arith.constant 6 : i32
      %add3A_557 = arith.addi %add3A_555, %add3A_556 : i32
      %mul3A_558 = arith.constant 128 : i32
      %mul3A_559 = arith.muli %add3A_557, %mul3A_558 : i32
      %add3A_560 = arith.addi %mul3A_2, %mul3A_559 : i32
      %dma_start3A_561 = arith.constant 1 : i32
      %dma_start3A_562 = tpu.memref_slice %arg3[%dma_start3A_561, %add3A_560] : memref<2x327680xi32, #tpu.memory_space<hbm>> -> memref<1x128xi32, #tpu.memory_space<hbm>>
      %dma_start3A_563 = tpu.memref_squeeze %dma_start3A_562 : memref<1x128xi32, #tpu.memory_space<hbm>> -> memref<128xi32, #tpu.memory_space<hbm>>
      %dma_start3A_564 = tpu.memref_slice %arg3[%dma_start3A_561, %add3A_560] : memref<2x327680xi32, #tpu.memory_space<hbm>> -> memref<1x128xi32, #tpu.memory_space<hbm>>
      %dma_start3A_565 = tpu.memref_squeeze %dma_start3A_564 : memref<1x128xi32, #tpu.memory_space<hbm>> -> memref<128xi32, #tpu.memory_space<hbm>>
      tpu.enqueue_dma source(%dma_start3A_565 : memref<128xi32, #tpu.memory_space<hbm>>) target(%arg13 : memref<128xi32, #tpu.memory_space<vmem>>) target_semaphore(%arg30 : memref<!tpu.dma_semaphore, #tpu.memory_space<semaphore_mem>>)
      %mul3A_566 = arith.constant 128 : i32
      %mul3A_567 = arith.muli %add3A_557, %mul3A_566 : i32
      %dma_start3A_568 = tpu.memref_slice %arg5[%mul3A_567] : memref<10240xi32, #tpu.memory_space<vmem>> -> memref<128xi32, #tpu.memory_space<vmem>>
      %dma_start3A_569 = arith.constant 0 : i32
      %dma_start3A_570 = arith.constant 0 : i32
      %dma_start3A_571 = tpu.memref_slice %arg2[%dma_start3A_569, %dma_start3A_570] : memref<10240x64xf32, #tpu.memory_space<hbm>> -> memref<10240x64xf32, #tpu.memory_space<hbm>>
      tpu.enqueue_indirect_dma source(%dma_start3A_571 : memref<10240x64xf32, #tpu.memory_space<hbm>>) target(%arg21 : memref<128x64xf32, #tpu.memory_space<vmem>>) offsets(%dma_start3A_568 : memref<128xi32, #tpu.memory_space<vmem>>) semaphore(%arg38 : memref<!tpu.dma_semaphore, #tpu.memory_space<semaphore_mem>>)
      %dma_start3A_572 = arith.constant 0 : i32
      %dma_start3A_573 = arith.constant 0 : i32
      %dma_start3A_574 = tpu.memref_slice %arg22[%dma_start3A_572, %dma_start3A_573] : memref<10240x64xf32, #tpu.memory_space<vmem_shared>> -> memref<10240x64xf32, #tpu.memory_space<vmem_shared>>
      tpu.enqueue_indirect_dma source(%arg15 : memref<128x64xf32, #tpu.memory_space<vmem>>) target(%dma_start3A_574 : memref<10240x64xf32, #tpu.memory_space<vmem_shared>>) offsets(%arg7 : memref<128xi32, #tpu.memory_space<vmem>>) semaphore(%arg40 : memref<!tpu.dma_semaphore, #tpu.memory_space<semaphore_mem>>) {add = true}
    }
    %scan3A_194 = arith.constant 9 : i32
    %dma_wait3A_195 = arith.constant 1 : i32
    %dma_wait3A_196 = tpu.memref_slice %arg3[%dma_wait3A_195, %mul3A_2] : memref<2x327680xi32, #tpu.memory_space<hbm>> -> memref<1x128xi32, #tpu.memory_space<hbm>>
    %dma_wait3A_197 = tpu.memref_squeeze %dma_wait3A_196 : memref<1x128xi32, #tpu.memory_space<hbm>> -> memref<128xi32, #tpu.memory_space<hbm>>
    %dma_wait3A_198 = tpu.memref_slice %arg3[%dma_wait3A_195, %mul3A_2] : memref<2x327680xi32, #tpu.memory_space<hbm>> -> memref<1x128xi32, #tpu.memory_space<hbm>>
    %dma_wait3A_199 = tpu.memref_squeeze %dma_wait3A_198 : memref<1x128xi32, #tpu.memory_space<hbm>> -> memref<128xi32, #tpu.memory_space<hbm>>
    tpu.wait_dma2 semaphore(%arg25 : memref<!tpu.dma_semaphore, #tpu.memory_space<semaphore_mem>>) src(%dma_wait3A_199 : memref<128xi32, #tpu.memory_space<hbm>>) dst(%arg8 : memref<128xi32, #tpu.memory_space<vmem>>)
    %dma_wait3A_200 = arith.constant 0 : i32
    %dma_wait3A_201 = tpu.memref_slice %arg5[%dma_wait3A_200] : memref<10240xi32, #tpu.memory_space<vmem>> -> memref<128xi32, #tpu.memory_space<vmem>>
    %dma_wait3A_202 = arith.constant 0 : i32
    %dma_wait3A_203 = arith.constant 0 : i32
    %dma_wait3A_204 = tpu.memref_slice %arg2[%dma_wait3A_202, %dma_wait3A_203] : memref<10240x64xf32, #tpu.memory_space<hbm>> -> memref<10240x64xf32, #tpu.memory_space<hbm>>
    tpu.wait_indirect_dma semaphore(%arg33 : memref<!tpu.dma_semaphore, #tpu.memory_space<semaphore_mem>>) src(%dma_wait3A_204 : memref<10240x64xf32, #tpu.memory_space<hbm>>) dst(%arg16 : memref<128x64xf32, #tpu.memory_space<vmem>>)
    %dma_wait3A_205 = arith.constant 0 : i32
    %dma_wait3A_206 = arith.constant 0 : i32
    %dma_wait3A_207 = tpu.memref_slice %arg22[%dma_wait3A_205, %dma_wait3A_206] : memref<10240x64xf32, #tpu.memory_space<vmem_shared>> -> memref<10240x64xf32, #tpu.memory_space<vmem_shared>>
    tpu.wait_indirect_dma semaphore(%arg39 : memref<!tpu.dma_semaphore, #tpu.memory_space<semaphore_mem>>) src(%arg14 : memref<128x64xf32, #tpu.memory_space<vmem>>) dst(%dma_wait3A_207 : memref<10240x64xf32, #tpu.memory_space<vmem_shared>>)
    %dma_start3A_208 = arith.constant 0 : i32
    %dma_start3A_209 = arith.constant 0 : i32
    %dma_start3A_210 = tpu.memref_slice %arg22[%dma_start3A_208, %dma_start3A_209] : memref<10240x64xf32, #tpu.memory_space<vmem_shared>> -> memref<10240x64xf32, #tpu.memory_space<vmem_shared>>
    tpu.enqueue_indirect_dma source(%arg16 : memref<128x64xf32, #tpu.memory_space<vmem>>) target(%dma_start3A_210 : memref<10240x64xf32, #tpu.memory_space<vmem_shared>>) offsets(%arg8 : memref<128xi32, #tpu.memory_space<vmem>>) semaphore(%arg41 : memref<!tpu.dma_semaphore, #tpu.memory_space<semaphore_mem>>) {add = true}
    %dma_wait3A_211 = arith.constant 1 : i32
    %dma_wait3A_212 = tpu.memref_slice %arg3[%dma_wait3A_211, %mul3A_2] : memref<2x327680xi32, #tpu.memory_space<hbm>> -> memref<1x128xi32, #tpu.memory_space<hbm>>
    %dma_wait3A_213 = tpu.memref_squeeze %dma_wait3A_212 : memref<1x128xi32, #tpu.memory_space<hbm>> -> memref<128xi32, #tpu.memory_space<hbm>>
    %dma_wait3A_214 = tpu.memref_slice %arg3[%dma_wait3A_211, %mul3A_2] : memref<2x327680xi32, #tpu.memory_space<hbm>> -> memref<1x128xi32, #tpu.memory_space<hbm>>
    %dma_wait3A_215 = tpu.memref_squeeze %dma_wait3A_214 : memref<1x128xi32, #tpu.memory_space<hbm>> -> memref<128xi32, #tpu.memory_space<hbm>>
    tpu.wait_dma2 semaphore(%arg26 : memref<!tpu.dma_semaphore, #tpu.memory_space<semaphore_mem>>) src(%dma_wait3A_215 : memref<128xi32, #tpu.memory_space<hbm>>) dst(%arg9 : memref<128xi32, #tpu.memory_space<vmem>>)
    %dma_wait3A_216 = arith.constant 0 : i32
    %dma_wait3A_217 = tpu.memref_slice %arg5[%dma_wait3A_216] : memref<10240xi32, #tpu.memory_space<vmem>> -> memref<128xi32, #tpu.memory_space<vmem>>
    %dma_wait3A_218 = arith.constant 0 : i32
    %dma_wait3A_219 = arith.constant 0 : i32
    %dma_wait3A_220 = tpu.memref_slice %arg2[%dma_wait3A_218, %dma_wait3A_219] : memref<10240x64xf32, #tpu.memory_space<hbm>> -> memref<10240x64xf32, #tpu.memory_space<hbm>>
    tpu.wait_indirect_dma semaphore(%arg34 : memref<!tpu.dma_semaphore, #tpu.memory_space<semaphore_mem>>) src(%dma_wait3A_220 : memref<10240x64xf32, #tpu.memory_space<hbm>>) dst(%arg17 : memref<128x64xf32, #tpu.memory_space<vmem>>)
    %dma_wait3A_221 = arith.constant 0 : i32
    %dma_wait3A_222 = arith.constant 0 : i32
    %dma_wait3A_223 = tpu.memref_slice %arg22[%dma_wait3A_221, %dma_wait3A_222] : memref<10240x64xf32, #tpu.memory_space<vmem_shared>> -> memref<10240x64xf32, #tpu.memory_space<vmem_shared>>
    tpu.wait_indirect_dma semaphore(%arg40 : memref<!tpu.dma_semaphore, #tpu.memory_space<semaphore_mem>>) src(%arg15 : memref<128x64xf32, #tpu.memory_space<vmem>>) dst(%dma_wait3A_223 : memref<10240x64xf32, #tpu.memory_space<vmem_shared>>)
    %dma_start3A_224 = arith.constant 0 : i32
    %dma_start3A_225 = arith.constant 0 : i32
    %dma_start3A_226 = tpu.memref_slice %arg22[%dma_start3A_224, %dma_start3A_225] : memref<10240x64xf32, #tpu.memory_space<vmem_shared>> -> memref<10240x64xf32, #tpu.memory_space<vmem_shared>>
    tpu.enqueue_indirect_dma source(%arg17 : memref<128x64xf32, #tpu.memory_space<vmem>>) target(%dma_start3A_226 : memref<10240x64xf32, #tpu.memory_space<vmem_shared>>) offsets(%arg9 : memref<128xi32, #tpu.memory_space<vmem>>) semaphore(%arg42 : memref<!tpu.dma_semaphore, #tpu.memory_space<semaphore_mem>>) {add = true}
    %dma_wait3A_227 = arith.constant 1 : i32
    %dma_wait3A_228 = tpu.memref_slice %arg3[%dma_wait3A_227, %mul3A_2] : memref<2x327680xi32, #tpu.memory_space<hbm>> -> memref<1x128xi32, #tpu.memory_space<hbm>>
    %dma_wait3A_229 = tpu.memref_squeeze %dma_wait3A_228 : memref<1x128xi32, #tpu.memory_space<hbm>> -> memref<128xi32, #tpu.memory_space<hbm>>
    %dma_wait3A_230 = tpu.memref_slice %arg3[%dma_wait3A_227, %mul3A_2] : memref<2x327680xi32, #tpu.memory_space<hbm>> -> memref<1x128xi32, #tpu.memory_space<hbm>>
    %dma_wait3A_231 = tpu.memref_squeeze %dma_wait3A_230 : memref<1x128xi32, #tpu.memory_space<hbm>> -> memref<128xi32, #tpu.memory_space<hbm>>
    tpu.wait_dma2 semaphore(%arg27 : memref<!tpu.dma_semaphore, #tpu.memory_space<semaphore_mem>>) src(%dma_wait3A_231 : memref<128xi32, #tpu.memory_space<hbm>>) dst(%arg10 : memref<128xi32, #tpu.memory_space<vmem>>)
    %dma_wait3A_232 = arith.constant 0 : i32
    %dma_wait3A_233 = tpu.memref_slice %arg5[%dma_wait3A_232] : memref<10240xi32, #tpu.memory_space<vmem>> -> memref<128xi32, #tpu.memory_space<vmem>>
    %dma_wait3A_234 = arith.constant 0 : i32
    %dma_wait3A_235 = arith.constant 0 : i32
    %dma_wait3A_236 = tpu.memref_slice %arg2[%dma_wait3A_234, %dma_wait3A_235] : memref<10240x64xf32, #tpu.memory_space<hbm>> -> memref<10240x64xf32, #tpu.memory_space<hbm>>
    tpu.wait_indirect_dma semaphore(%arg35 : memref<!tpu.dma_semaphore, #tpu.memory_space<semaphore_mem>>) src(%dma_wait3A_236 : memref<10240x64xf32, #tpu.memory_space<hbm>>) dst(%arg18 : memref<128x64xf32, #tpu.memory_space<vmem>>)
    %dma_wait3A_237 = arith.constant 0 : i32
    %dma_wait3A_238 = arith.constant 0 : i32
    %dma_wait3A_239 = tpu.memref_slice %arg22[%dma_wait3A_237, %dma_wait3A_238] : memref<10240x64xf32, #tpu.memory_space<vmem_shared>> -> memref<10240x64xf32, #tpu.memory_space<vmem_shared>>
    tpu.wait_indirect_dma semaphore(%arg41 : memref<!tpu.dma_semaphore, #tpu.memory_space<semaphore_mem>>) src(%arg16 : memref<128x64xf32, #tpu.memory_space<vmem>>) dst(%dma_wait3A_239 : memref<10240x64xf32, #tpu.memory_space<vmem_shared>>)
    %dma_start3A_240 = arith.constant 0 : i32
    %dma_start3A_241 = arith.constant 0 : i32
    %dma_start3A_242 = tpu.memref_slice %arg22[%dma_start3A_240, %dma_start3A_241] : memref<10240x64xf32, #tpu.memory_space<vmem_shared>> -> memref<10240x64xf32, #tpu.memory_space<vmem_shared>>
    tpu.enqueue_indirect_dma source(%arg18 : memref<128x64xf32, #tpu.memory_space<vmem>>) target(%dma_start3A_242 : memref<10240x64xf32, #tpu.memory_space<vmem_shared>>) offsets(%arg10 : memref<128xi32, #tpu.memory_space<vmem>>) semaphore(%arg43 : memref<!tpu.dma_semaphore, #tpu.memory_space<semaphore_mem>>) {add = true}
    %dma_wait3A_243 = arith.constant 1 : i32
    %dma_wait3A_244 = tpu.memref_slice %arg3[%dma_wait3A_243, %mul3A_2] : memref<2x327680xi32, #tpu.memory_space<hbm>> -> memref<1x128xi32, #tpu.memory_space<hbm>>
    %dma_wait3A_245 = tpu.memref_squeeze %dma_wait3A_244 : memref<1x128xi32, #tpu.memory_space<hbm>> -> memref<128xi32, #tpu.memory_space<hbm>>
    %dma_wait3A_246 = tpu.memref_slice %arg3[%dma_wait3A_243, %mul3A_2] : memref<2x327680xi32, #tpu.memory_space<hbm>> -> memref<1x128xi32, #tpu.memory_space<hbm>>
    %dma_wait3A_247 = tpu.memref_squeeze %dma_wait3A_246 : memref<1x128xi32, #tpu.memory_space<hbm>> -> memref<128xi32, #tpu.memory_space<hbm>>
    tpu.wait_dma2 semaphore(%arg28 : memref<!tpu.dma_semaphore, #tpu.memory_space<semaphore_mem>>) src(%dma_wait3A_247 : memref<128xi32, #tpu.memory_space<hbm>>) dst(%arg11 : memref<128xi32, #tpu.memory_space<vmem>>)
    %dma_wait3A_248 = arith.constant 0 : i32
    %dma_wait3A_249 = tpu.memref_slice %arg5[%dma_wait3A_248] : memref<10240xi32, #tpu.memory_space<vmem>> -> memref<128xi32, #tpu.memory_space<vmem>>
    %dma_wait3A_250 = arith.constant 0 : i32
    %dma_wait3A_251 = arith.constant 0 : i32
    %dma_wait3A_252 = tpu.memref_slice %arg2[%dma_wait3A_250, %dma_wait3A_251] : memref<10240x64xf32, #tpu.memory_space<hbm>> -> memref<10240x64xf32, #tpu.memory_space<hbm>>
    tpu.wait_indirect_dma semaphore(%arg36 : memref<!tpu.dma_semaphore, #tpu.memory_space<semaphore_mem>>) src(%dma_wait3A_252 : memref<10240x64xf32, #tpu.memory_space<hbm>>) dst(%arg19 : memref<128x64xf32, #tpu.memory_space<vmem>>)
    %dma_wait3A_253 = arith.constant 0 : i32
    %dma_wait3A_254 = arith.constant 0 : i32
    %dma_wait3A_255 = tpu.memref_slice %arg22[%dma_wait3A_253, %dma_wait3A_254] : memref<10240x64xf32, #tpu.memory_space<vmem_shared>> -> memref<10240x64xf32, #tpu.memory_space<vmem_shared>>
    tpu.wait_indirect_dma semaphore(%arg42 : memref<!tpu.dma_semaphore, #tpu.memory_space<semaphore_mem>>) src(%arg17 : memref<128x64xf32, #tpu.memory_space<vmem>>) dst(%dma_wait3A_255 : memref<10240x64xf32, #tpu.memory_space<vmem_shared>>)
    %dma_start3A_256 = arith.constant 0 : i32
    %dma_start3A_257 = arith.constant 0 : i32
    %dma_start3A_258 = tpu.memref_slice %arg22[%dma_start3A_256, %dma_start3A_257] : memref<10240x64xf32, #tpu.memory_space<vmem_shared>> -> memref<10240x64xf32, #tpu.memory_space<vmem_shared>>
    tpu.enqueue_indirect_dma source(%arg19 : memref<128x64xf32, #tpu.memory_space<vmem>>) target(%dma_start3A_258 : memref<10240x64xf32, #tpu.memory_space<vmem_shared>>) offsets(%arg11 : memref<128xi32, #tpu.memory_space<vmem>>) semaphore(%arg44 : memref<!tpu.dma_semaphore, #tpu.memory_space<semaphore_mem>>) {add = true}
    %dma_wait3A_259 = arith.constant 1 : i32
    %dma_wait3A_260 = tpu.memref_slice %arg3[%dma_wait3A_259, %mul3A_2] : memref<2x327680xi32, #tpu.memory_space<hbm>> -> memref<1x128xi32, #tpu.memory_space<hbm>>
    %dma_wait3A_261 = tpu.memref_squeeze %dma_wait3A_260 : memref<1x128xi32, #tpu.memory_space<hbm>> -> memref<128xi32, #tpu.memory_space<hbm>>
    %dma_wait3A_262 = tpu.memref_slice %arg3[%dma_wait3A_259, %mul3A_2] : memref<2x327680xi32, #tpu.memory_space<hbm>> -> memref<1x128xi32, #tpu.memory_space<hbm>>
    %dma_wait3A_263 = tpu.memref_squeeze %dma_wait3A_262 : memref<1x128xi32, #tpu.memory_space<hbm>> -> memref<128xi32, #tpu.memory_space<hbm>>
    tpu.wait_dma2 semaphore(%arg29 : memref<!tpu.dma_semaphore, #tpu.memory_space<semaphore_mem>>) src(%dma_wait3A_263 : memref<128xi32, #tpu.memory_space<hbm>>) dst(%arg12 : memref<128xi32, #tpu.memory_space<vmem>>)
    %dma_wait3A_264 = arith.constant 0 : i32
    %dma_wait3A_265 = tpu.memref_slice %arg5[%dma_wait3A_264] : memref<10240xi32, #tpu.memory_space<vmem>> -> memref<128xi32, #tpu.memory_space<vmem>>
    %dma_wait3A_266 = arith.constant 0 : i32
    %dma_wait3A_267 = arith.constant 0 : i32
    %dma_wait3A_268 = tpu.memref_slice %arg2[%dma_wait3A_266, %dma_wait3A_267] : memref<10240x64xf32, #tpu.memory_space<hbm>> -> memref<10240x64xf32, #tpu.memory_space<hbm>>
    tpu.wait_indirect_dma semaphore(%arg37 : memref<!tpu.dma_semaphore, #tpu.memory_space<semaphore_mem>>) src(%dma_wait3A_268 : memref<10240x64xf32, #tpu.memory_space<hbm>>) dst(%arg20 : memref<128x64xf32, #tpu.memory_space<vmem>>)
    %dma_wait3A_269 = arith.constant 0 : i32
    %dma_wait3A_270 = arith.constant 0 : i32
    %dma_wait3A_271 = tpu.memref_slice %arg22[%dma_wait3A_269, %dma_wait3A_270] : memref<10240x64xf32, #tpu.memory_space<vmem_shared>> -> memref<10240x64xf32, #tpu.memory_space<vmem_shared>>
    tpu.wait_indirect_dma semaphore(%arg43 : memref<!tpu.dma_semaphore, #tpu.memory_space<semaphore_mem>>) src(%arg18 : memref<128x64xf32, #tpu.memory_space<vmem>>) dst(%dma_wait3A_271 : memref<10240x64xf32, #tpu.memory_space<vmem_shared>>)
    %dma_start3A_272 = arith.constant 0 : i32
    %dma_start3A_273 = arith.constant 0 : i32
    %dma_start3A_274 = tpu.memref_slice %arg22[%dma_start3A_272, %dma_start3A_273] : memref<10240x64xf32, #tpu.memory_space<vmem_shared>> -> memref<10240x64xf32, #tpu.memory_space<vmem_shared>>
    tpu.enqueue_indirect_dma source(%arg20 : memref<128x64xf32, #tpu.memory_space<vmem>>) target(%dma_start3A_274 : memref<10240x64xf32, #tpu.memory_space<vmem_shared>>) offsets(%arg12 : memref<128xi32, #tpu.memory_space<vmem>>) semaphore(%arg45 : memref<!tpu.dma_semaphore, #tpu.memory_space<semaphore_mem>>) {add = true}
    %dma_wait3A_275 = arith.constant 1 : i32
    %dma_wait3A_276 = tpu.memref_slice %arg3[%dma_wait3A_275, %mul3A_2] : memref<2x327680xi32, #tpu.memory_space<hbm>> -> memref<1x128xi32, #tpu.memory_space<hbm>>
    %dma_wait3A_277 = tpu.memref_squeeze %dma_wait3A_276 : memref<1x128xi32, #tpu.memory_space<hbm>> -> memref<128xi32, #tpu.memory_space<hbm>>
    %dma_wait3A_278 = tpu.memref_slice %arg3[%dma_wait3A_275, %mul3A_2] : memref<2x327680xi32, #tpu.memory_space<hbm>> -> memref<1x128xi32, #tpu.memory_space<hbm>>
    %dma_wait3A_279 = tpu.memref_squeeze %dma_wait3A_278 : memref<1x128xi32, #tpu.memory_space<hbm>> -> memref<128xi32, #tpu.memory_space<hbm>>
    tpu.wait_dma2 semaphore(%arg30 : memref<!tpu.dma_semaphore, #tpu.memory_space<semaphore_mem>>) src(%dma_wait3A_279 : memref<128xi32, #tpu.memory_space<hbm>>) dst(%arg13 : memref<128xi32, #tpu.memory_space<vmem>>)
    %dma_wait3A_280 = arith.constant 0 : i32
    %dma_wait3A_281 = tpu.memref_slice %arg5[%dma_wait3A_280] : memref<10240xi32, #tpu.memory_space<vmem>> -> memref<128xi32, #tpu.memory_space<vmem>>
    %dma_wait3A_282 = arith.constant 0 : i32
    %dma_wait3A_283 = arith.constant 0 : i32
    %dma_wait3A_284 = tpu.memref_slice %arg2[%dma_wait3A_282, %dma_wait3A_283] : memref<10240x64xf32, #tpu.memory_space<hbm>> -> memref<10240x64xf32, #tpu.memory_space<hbm>>
    tpu.wait_indirect_dma semaphore(%arg38 : memref<!tpu.dma_semaphore, #tpu.memory_space<semaphore_mem>>) src(%dma_wait3A_284 : memref<10240x64xf32, #tpu.memory_space<hbm>>) dst(%arg21 : memref<128x64xf32, #tpu.memory_space<vmem>>)
    %dma_wait3A_285 = arith.constant 0 : i32
    %dma_wait3A_286 = arith.constant 0 : i32
    %dma_wait3A_287 = tpu.memref_slice %arg22[%dma_wait3A_285, %dma_wait3A_286] : memref<10240x64xf32, #tpu.memory_space<vmem_shared>> -> memref<10240x64xf32, #tpu.memory_space<vmem_shared>>
    tpu.wait_indirect_dma semaphore(%arg44 : memref<!tpu.dma_semaphore, #tpu.memory_space<semaphore_mem>>) src(%arg19 : memref<128x64xf32, #tpu.memory_space<vmem>>) dst(%dma_wait3A_287 : memref<10240x64xf32, #tpu.memory_space<vmem_shared>>)
    %dma_start3A_288 = arith.constant 0 : i32
    %dma_start3A_289 = arith.constant 0 : i32
    %dma_start3A_290 = tpu.memref_slice %arg22[%dma_start3A_288, %dma_start3A_289] : memref<10240x64xf32, #tpu.memory_space<vmem_shared>> -> memref<10240x64xf32, #tpu.memory_space<vmem_shared>>
    tpu.enqueue_indirect_dma source(%arg21 : memref<128x64xf32, #tpu.memory_space<vmem>>) target(%dma_start3A_290 : memref<10240x64xf32, #tpu.memory_space<vmem_shared>>) offsets(%arg13 : memref<128xi32, #tpu.memory_space<vmem>>) semaphore(%arg46 : memref<!tpu.dma_semaphore, #tpu.memory_space<semaphore_mem>>) {add = true}
    %dma_wait3A_291 = arith.constant 0 : i32
    %dma_wait3A_292 = arith.constant 0 : i32
    %dma_wait3A_293 = tpu.memref_slice %arg22[%dma_wait3A_291, %dma_wait3A_292] : memref<10240x64xf32, #tpu.memory_space<vmem_shared>> -> memref<10240x64xf32, #tpu.memory_space<vmem_shared>>
    tpu.wait_indirect_dma semaphore(%arg45 : memref<!tpu.dma_semaphore, #tpu.memory_space<semaphore_mem>>) src(%arg20 : memref<128x64xf32, #tpu.memory_space<vmem>>) dst(%dma_wait3A_293 : memref<10240x64xf32, #tpu.memory_space<vmem_shared>>)
    %dma_wait3A_294 = arith.constant 0 : i32
    %dma_wait3A_295 = arith.constant 0 : i32
    %dma_wait3A_296 = tpu.memref_slice %arg22[%dma_wait3A_294, %dma_wait3A_295] : memref<10240x64xf32, #tpu.memory_space<vmem_shared>> -> memref<10240x64xf32, #tpu.memory_space<vmem_shared>>
    tpu.wait_indirect_dma semaphore(%arg46 : memref<!tpu.dma_semaphore, #tpu.memory_space<semaphore_mem>>) src(%arg21 : memref<128x64xf32, #tpu.memory_space<vmem>>) dst(%dma_wait3A_296 : memref<10240x64xf32, #tpu.memory_space<vmem_shared>>)
    %barrier3A_297 = arith.constant 0 : index
    tpu.barrier barrier_id(%barrier3A_297)
    "tpu.region"() ({
      %run_scoped3A = tpu.sem_alloc : memref<!tpu.dma_semaphore, #tpu.memory_space<semaphore_mem>>
      %dma_start3A_298 = arith.constant 0 : i32
      %dma_start3A_299 = tpu.memref_slice %arg4[%arg0, %mul3A_101, %dma_start3A_298] : memref<2x10240x64xf32, #tpu.memory_space<hbm>> -> memref<1x640x64xf32, #tpu.memory_space<hbm>>
      %dma_start3A_300 = tpu.memref_squeeze %dma_start3A_299 : memref<1x640x64xf32, #tpu.memory_space<hbm>> -> memref<640x64xf32, #tpu.memory_space<hbm>>
      %dma_start3A_301 = arith.constant 0 : i32
      %dma_start3A_302 = tpu.memref_slice %arg22[%mul3A_101, %dma_start3A_301] : memref<10240x64xf32, #tpu.memory_space<vmem_shared>> -> memref<640x64xf32, #tpu.memory_space<vmem_shared>>
      tpu.enqueue_dma source(%dma_start3A_302 : memref<640x64xf32, #tpu.memory_space<vmem_shared>>) target(%dma_start3A_300 : memref<640x64xf32, #tpu.memory_space<hbm>>) target_semaphore(%run_scoped3A : memref<!tpu.dma_semaphore, #tpu.memory_space<semaphore_mem>>)
      %dma_wait3A_303 = arith.constant 0 : i32
      %dma_wait3A_304 = tpu.memref_slice %arg4[%arg0, %mul3A_101, %dma_wait3A_303] : memref<2x10240x64xf32, #tpu.memory_space<hbm>> -> memref<1x640x64xf32, #tpu.memory_space<hbm>>
      %dma_wait3A_305 = tpu.memref_squeeze %dma_wait3A_304 : memref<1x640x64xf32, #tpu.memory_space<hbm>> -> memref<640x64xf32, #tpu.memory_space<hbm>>
      %dma_wait3A_306 = arith.constant 0 : i32
      %dma_wait3A_307 = tpu.memref_slice %arg22[%mul3A_101, %dma_wait3A_306] : memref<10240x64xf32, #tpu.memory_space<vmem_shared>> -> memref<640x64xf32, #tpu.memory_space<vmem_shared>>
      tpu.wait_dma2 semaphore(%run_scoped3A : memref<!tpu.dma_semaphore, #tpu.memory_space<semaphore_mem>>) src(%dma_wait3A_307 : memref<640x64xf32, #tpu.memory_space<vmem_shared>>) dst(%dma_wait3A_305 : memref<640x64xf32, #tpu.memory_space<hbm>>)
      tpu.yield
    }) : () -> ()
    return
  }
}

#map = affine_map<(d0, d1) -> (0, 0)>
#map1 = affine_map<(d0, d1) -> (0, 0, 0)>
module attributes {stable_mosaic.version = 14 : i64} {
  func.func @scatter_kernel(%arg0: i32, %arg1: i32, %arg2: memref<10240x128xf32, #tpu.memory_space<hbm>>, %arg3: memref<2x327680xi32, #tpu.memory_space<hbm>>, %arg4: memref<2x10240x128xf32, #tpu.memory_space<hbm>>, %arg5: memref<10240xi32, #tpu.memory_space<vmem>>, %arg6: memref<32xi32, #tpu.memory_space<vmem>>, %arg7: memref<32xi32, #tpu.memory_space<vmem>>, %arg8: memref<32xi32, #tpu.memory_space<vmem>>, %arg9: memref<32xi32, #tpu.memory_space<vmem>>, %arg10: memref<32xi32, #tpu.memory_space<vmem>>, %arg11: memref<32xi32, #tpu.memory_space<vmem>>, %arg12: memref<32xi32, #tpu.memory_space<vmem>>, %arg13: memref<32xi32, #tpu.memory_space<vmem>>, %arg14: memref<32x128xf32, #tpu.memory_space<vmem>>, %arg15: memref<32x128xf32, #tpu.memory_space<vmem>>, %arg16: memref<32x128xf32, #tpu.memory_space<vmem>>, %arg17: memref<32x128xf32, #tpu.memory_space<vmem>>, %arg18: memref<32x128xf32, #tpu.memory_space<vmem>>, %arg19: memref<32x128xf32, #tpu.memory_space<vmem>>, %arg20: memref<32x128xf32, #tpu.memory_space<vmem>>, %arg21: memref<32x128xf32, #tpu.memory_space<vmem>>, %arg22: memref<10240x128xf32, #tpu.memory_space<vmem_shared>>, %arg23: memref<!tpu.dma_semaphore, #tpu.memory_space<semaphore_mem>>, %arg24: memref<!tpu.dma_semaphore, #tpu.memory_space<semaphore_mem>>, %arg25: memref<!tpu.dma_semaphore, #tpu.memory_space<semaphore_mem>>, %arg26: memref<!tpu.dma_semaphore, #tpu.memory_space<semaphore_mem>>, %arg27: memref<!tpu.dma_semaphore, #tpu.memory_space<semaphore_mem>>, %arg28: memref<!tpu.dma_semaphore, #tpu.memory_space<semaphore_mem>>, %arg29: memref<!tpu.dma_semaphore, #tpu.memory_space<semaphore_mem>>, %arg30: memref<!tpu.dma_semaphore, #tpu.memory_space<semaphore_mem>>, %arg31: memref<!tpu.dma_semaphore, #tpu.memory_space<semaphore_mem>>, %arg32: memref<!tpu.dma_semaphore, #tpu.memory_space<semaphore_mem>>, %arg33: memref<!tpu.dma_semaphore, #tpu.memory_space<semaphore_mem>>, %arg34: memref<!tpu.dma_semaphore, #tpu.memory_space<semaphore_mem>>, %arg35: memref<!tpu.dma_semaphore, #tpu.memory_space<semaphore_mem>>, %arg36: memref<!tpu.dma_semaphore, #tpu.memory_space<semaphore_mem>>, %arg37: memref<!tpu.dma_semaphore, #tpu.memory_space<semaphore_mem>>, %arg38: memref<!tpu.dma_semaphore, #tpu.memory_space<semaphore_mem>>, %arg39: memref<!tpu.dma_semaphore, #tpu.memory_space<semaphore_mem>>, %arg40: memref<!tpu.dma_semaphore, #tpu.memory_space<semaphore_mem>>, %arg41: memref<!tpu.dma_semaphore, #tpu.memory_space<semaphore_mem>>, %arg42: memref<!tpu.dma_semaphore, #tpu.memory_space<semaphore_mem>>, %arg43: memref<!tpu.dma_semaphore, #tpu.memory_space<semaphore_mem>>, %arg44: memref<!tpu.dma_semaphore, #tpu.memory_space<semaphore_mem>>, %arg45: memref<!tpu.dma_semaphore, #tpu.memory_space<semaphore_mem>>, %arg46: memref<!tpu.dma_semaphore, #tpu.memory_space<semaphore_mem>>) attributes {dimension_semantics = [#tpu.dimension_semantics<core_parallel>, #tpu.dimension_semantics<subcore_parallel>], iteration_bounds = array<i64: 2, 16>, scalar_prefetch = 0 : i64, scratch_operands = 42 : i64, tpu.core_type = #tpu.core_type<sc_vector_subcore>, window_params = [{transform_indices = #map}, {transform_indices = #map}, {transform_indices = #map1}]} {
    %mul3A = arith.constant 16 : i32
    %mul3A_0 = arith.muli %arg0, %mul3A : i32
    %add3A = arith.addi %mul3A_0, %arg1 : i32
    %mul3A_1 = arith.constant 10240 : i32
    %mul3A_2 = arith.muli %add3A, %mul3A_1 : i32
    %dma_start3A = arith.constant 0 : i32
    %dma_start3A_3 = tpu.memref_slice %arg3[%dma_start3A, %mul3A_2] : memref<2x327680xi32, #tpu.memory_space<hbm>> -> memref<1x10240xi32, #tpu.memory_space<hbm>>
    %dma_start3A_4 = tpu.memref_squeeze %dma_start3A_3 : memref<1x10240xi32, #tpu.memory_space<hbm>> -> memref<10240xi32, #tpu.memory_space<hbm>>
    %dma_start3A_5 = tpu.memref_slice %arg3[%dma_start3A, %mul3A_2] : memref<2x327680xi32, #tpu.memory_space<hbm>> -> memref<1x10240xi32, #tpu.memory_space<hbm>>
    %dma_start3A_6 = tpu.memref_squeeze %dma_start3A_5 : memref<1x10240xi32, #tpu.memory_space<hbm>> -> memref<10240xi32, #tpu.memory_space<hbm>>
    tpu.enqueue_dma source(%dma_start3A_6 : memref<10240xi32, #tpu.memory_space<hbm>>) target(%arg5 : memref<10240xi32, #tpu.memory_space<vmem>>) target_semaphore(%arg31 : memref<!tpu.dma_semaphore, #tpu.memory_space<semaphore_mem>>)
    %dma_wait3A = arith.constant 0 : i32
    %dma_wait3A_7 = tpu.memref_slice %arg3[%dma_wait3A, %mul3A_2] : memref<2x327680xi32, #tpu.memory_space<hbm>> -> memref<1x10240xi32, #tpu.memory_space<hbm>>
    %dma_wait3A_8 = tpu.memref_squeeze %dma_wait3A_7 : memref<1x10240xi32, #tpu.memory_space<hbm>> -> memref<10240xi32, #tpu.memory_space<hbm>>
    %dma_wait3A_9 = tpu.memref_slice %arg3[%dma_wait3A, %mul3A_2] : memref<2x327680xi32, #tpu.memory_space<hbm>> -> memref<1x10240xi32, #tpu.memory_space<hbm>>
    %dma_wait3A_10 = tpu.memref_squeeze %dma_wait3A_9 : memref<1x10240xi32, #tpu.memory_space<hbm>> -> memref<10240xi32, #tpu.memory_space<hbm>>
    tpu.wait_dma2 semaphore(%arg31 : memref<!tpu.dma_semaphore, #tpu.memory_space<semaphore_mem>>) src(%dma_wait3A_10 : memref<10240xi32, #tpu.memory_space<hbm>>) dst(%arg5 : memref<10240xi32, #tpu.memory_space<vmem>>)
    %add3A_11 = arith.constant 32 : i32
    %add3A_12 = arith.addi %mul3A_2, %add3A_11 : i32
    %dma_start3A_13 = arith.constant 1 : i32
    %dma_start3A_14 = tpu.memref_slice %arg3[%dma_start3A_13, %add3A_12] : memref<2x327680xi32, #tpu.memory_space<hbm>> -> memref<1x32xi32, #tpu.memory_space<hbm>>
    %dma_start3A_15 = tpu.memref_squeeze %dma_start3A_14 : memref<1x32xi32, #tpu.memory_space<hbm>> -> memref<32xi32, #tpu.memory_space<hbm>>
    %dma_start3A_16 = tpu.memref_slice %arg3[%dma_start3A_13, %add3A_12] : memref<2x327680xi32, #tpu.memory_space<hbm>> -> memref<1x32xi32, #tpu.memory_space<hbm>>
    %dma_start3A_17 = tpu.memref_squeeze %dma_start3A_16 : memref<1x32xi32, #tpu.memory_space<hbm>> -> memref<32xi32, #tpu.memory_space<hbm>>
    tpu.enqueue_dma source(%dma_start3A_17 : memref<32xi32, #tpu.memory_space<hbm>>) target(%arg7 : memref<32xi32, #tpu.memory_space<vmem>>) target_semaphore(%arg24 : memref<!tpu.dma_semaphore, #tpu.memory_space<semaphore_mem>>)
    %dma_start3A_18 = arith.constant 32 : i32
    %dma_start3A_19 = tpu.memref_slice %arg5[%dma_start3A_18] : memref<10240xi32, #tpu.memory_space<vmem>> -> memref<32xi32, #tpu.memory_space<vmem>>
    %dma_start3A_20 = arith.constant 0 : i32
    %dma_start3A_21 = arith.constant 0 : i32
    %dma_start3A_22 = tpu.memref_slice %arg2[%dma_start3A_20, %dma_start3A_21] : memref<10240x128xf32, #tpu.memory_space<hbm>> -> memref<10240x128xf32, #tpu.memory_space<hbm>>
    tpu.enqueue_indirect_dma source(%dma_start3A_22 : memref<10240x128xf32, #tpu.memory_space<hbm>>) target(%arg15 : memref<32x128xf32, #tpu.memory_space<vmem>>) offsets(%dma_start3A_19 : memref<32xi32, #tpu.memory_space<vmem>>) semaphore(%arg32 : memref<!tpu.dma_semaphore, #tpu.memory_space<semaphore_mem>>)
    %add3A_23 = arith.constant 64 : i32
    %add3A_24 = arith.addi %mul3A_2, %add3A_23 : i32
    %dma_start3A_25 = arith.constant 1 : i32
    %dma_start3A_26 = tpu.memref_slice %arg3[%dma_start3A_25, %add3A_24] : memref<2x327680xi32, #tpu.memory_space<hbm>> -> memref<1x32xi32, #tpu.memory_space<hbm>>
    %dma_start3A_27 = tpu.memref_squeeze %dma_start3A_26 : memref<1x32xi32, #tpu.memory_space<hbm>> -> memref<32xi32, #tpu.memory_space<hbm>>
    %dma_start3A_28 = tpu.memref_slice %arg3[%dma_start3A_25, %add3A_24] : memref<2x327680xi32, #tpu.memory_space<hbm>> -> memref<1x32xi32, #tpu.memory_space<hbm>>
    %dma_start3A_29 = tpu.memref_squeeze %dma_start3A_28 : memref<1x32xi32, #tpu.memory_space<hbm>> -> memref<32xi32, #tpu.memory_space<hbm>>
    tpu.enqueue_dma source(%dma_start3A_29 : memref<32xi32, #tpu.memory_space<hbm>>) target(%arg8 : memref<32xi32, #tpu.memory_space<vmem>>) target_semaphore(%arg25 : memref<!tpu.dma_semaphore, #tpu.memory_space<semaphore_mem>>)
    %dma_start3A_30 = arith.constant 64 : i32
    %dma_start3A_31 = tpu.memref_slice %arg5[%dma_start3A_30] : memref<10240xi32, #tpu.memory_space<vmem>> -> memref<32xi32, #tpu.memory_space<vmem>>
    %dma_start3A_32 = arith.constant 0 : i32
    %dma_start3A_33 = arith.constant 0 : i32
    %dma_start3A_34 = tpu.memref_slice %arg2[%dma_start3A_32, %dma_start3A_33] : memref<10240x128xf32, #tpu.memory_space<hbm>> -> memref<10240x128xf32, #tpu.memory_space<hbm>>
    tpu.enqueue_indirect_dma source(%dma_start3A_34 : memref<10240x128xf32, #tpu.memory_space<hbm>>) target(%arg16 : memref<32x128xf32, #tpu.memory_space<vmem>>) offsets(%dma_start3A_31 : memref<32xi32, #tpu.memory_space<vmem>>) semaphore(%arg33 : memref<!tpu.dma_semaphore, #tpu.memory_space<semaphore_mem>>)
    %add3A_35 = arith.constant 96 : i32
    %add3A_36 = arith.addi %mul3A_2, %add3A_35 : i32
    %dma_start3A_37 = arith.constant 1 : i32
    %dma_start3A_38 = tpu.memref_slice %arg3[%dma_start3A_37, %add3A_36] : memref<2x327680xi32, #tpu.memory_space<hbm>> -> memref<1x32xi32, #tpu.memory_space<hbm>>
    %dma_start3A_39 = tpu.memref_squeeze %dma_start3A_38 : memref<1x32xi32, #tpu.memory_space<hbm>> -> memref<32xi32, #tpu.memory_space<hbm>>
    %dma_start3A_40 = tpu.memref_slice %arg3[%dma_start3A_37, %add3A_36] : memref<2x327680xi32, #tpu.memory_space<hbm>> -> memref<1x32xi32, #tpu.memory_space<hbm>>
    %dma_start3A_41 = tpu.memref_squeeze %dma_start3A_40 : memref<1x32xi32, #tpu.memory_space<hbm>> -> memref<32xi32, #tpu.memory_space<hbm>>
    tpu.enqueue_dma source(%dma_start3A_41 : memref<32xi32, #tpu.memory_space<hbm>>) target(%arg9 : memref<32xi32, #tpu.memory_space<vmem>>) target_semaphore(%arg26 : memref<!tpu.dma_semaphore, #tpu.memory_space<semaphore_mem>>)
    %dma_start3A_42 = arith.constant 96 : i32
    %dma_start3A_43 = tpu.memref_slice %arg5[%dma_start3A_42] : memref<10240xi32, #tpu.memory_space<vmem>> -> memref<32xi32, #tpu.memory_space<vmem>>
    %dma_start3A_44 = arith.constant 0 : i32
    %dma_start3A_45 = arith.constant 0 : i32
    %dma_start3A_46 = tpu.memref_slice %arg2[%dma_start3A_44, %dma_start3A_45] : memref<10240x128xf32, #tpu.memory_space<hbm>> -> memref<10240x128xf32, #tpu.memory_space<hbm>>
    tpu.enqueue_indirect_dma source(%dma_start3A_46 : memref<10240x128xf32, #tpu.memory_space<hbm>>) target(%arg17 : memref<32x128xf32, #tpu.memory_space<vmem>>) offsets(%dma_start3A_43 : memref<32xi32, #tpu.memory_space<vmem>>) semaphore(%arg34 : memref<!tpu.dma_semaphore, #tpu.memory_space<semaphore_mem>>)
    %add3A_47 = arith.constant 128 : i32
    %add3A_48 = arith.addi %mul3A_2, %add3A_47 : i32
    %dma_start3A_49 = arith.constant 1 : i32
    %dma_start3A_50 = tpu.memref_slice %arg3[%dma_start3A_49, %add3A_48] : memref<2x327680xi32, #tpu.memory_space<hbm>> -> memref<1x32xi32, #tpu.memory_space<hbm>>
    %dma_start3A_51 = tpu.memref_squeeze %dma_start3A_50 : memref<1x32xi32, #tpu.memory_space<hbm>> -> memref<32xi32, #tpu.memory_space<hbm>>
    %dma_start3A_52 = tpu.memref_slice %arg3[%dma_start3A_49, %add3A_48] : memref<2x327680xi32, #tpu.memory_space<hbm>> -> memref<1x32xi32, #tpu.memory_space<hbm>>
    %dma_start3A_53 = tpu.memref_squeeze %dma_start3A_52 : memref<1x32xi32, #tpu.memory_space<hbm>> -> memref<32xi32, #tpu.memory_space<hbm>>
    tpu.enqueue_dma source(%dma_start3A_53 : memref<32xi32, #tpu.memory_space<hbm>>) target(%arg10 : memref<32xi32, #tpu.memory_space<vmem>>) target_semaphore(%arg27 : memref<!tpu.dma_semaphore, #tpu.memory_space<semaphore_mem>>)
    %dma_start3A_54 = arith.constant 128 : i32
    %dma_start3A_55 = tpu.memref_slice %arg5[%dma_start3A_54] : memref<10240xi32, #tpu.memory_space<vmem>> -> memref<32xi32, #tpu.memory_space<vmem>>
    %dma_start3A_56 = arith.constant 0 : i32
    %dma_start3A_57 = arith.constant 0 : i32
    %dma_start3A_58 = tpu.memref_slice %arg2[%dma_start3A_56, %dma_start3A_57] : memref<10240x128xf32, #tpu.memory_space<hbm>> -> memref<10240x128xf32, #tpu.memory_space<hbm>>
    tpu.enqueue_indirect_dma source(%dma_start3A_58 : memref<10240x128xf32, #tpu.memory_space<hbm>>) target(%arg18 : memref<32x128xf32, #tpu.memory_space<vmem>>) offsets(%dma_start3A_55 : memref<32xi32, #tpu.memory_space<vmem>>) semaphore(%arg35 : memref<!tpu.dma_semaphore, #tpu.memory_space<semaphore_mem>>)
    %add3A_59 = arith.constant 160 : i32
    %add3A_60 = arith.addi %mul3A_2, %add3A_59 : i32
    %dma_start3A_61 = arith.constant 1 : i32
    %dma_start3A_62 = tpu.memref_slice %arg3[%dma_start3A_61, %add3A_60] : memref<2x327680xi32, #tpu.memory_space<hbm>> -> memref<1x32xi32, #tpu.memory_space<hbm>>
    %dma_start3A_63 = tpu.memref_squeeze %dma_start3A_62 : memref<1x32xi32, #tpu.memory_space<hbm>> -> memref<32xi32, #tpu.memory_space<hbm>>
    %dma_start3A_64 = tpu.memref_slice %arg3[%dma_start3A_61, %add3A_60] : memref<2x327680xi32, #tpu.memory_space<hbm>> -> memref<1x32xi32, #tpu.memory_space<hbm>>
    %dma_start3A_65 = tpu.memref_squeeze %dma_start3A_64 : memref<1x32xi32, #tpu.memory_space<hbm>> -> memref<32xi32, #tpu.memory_space<hbm>>
    tpu.enqueue_dma source(%dma_start3A_65 : memref<32xi32, #tpu.memory_space<hbm>>) target(%arg11 : memref<32xi32, #tpu.memory_space<vmem>>) target_semaphore(%arg28 : memref<!tpu.dma_semaphore, #tpu.memory_space<semaphore_mem>>)
    %dma_start3A_66 = arith.constant 160 : i32
    %dma_start3A_67 = tpu.memref_slice %arg5[%dma_start3A_66] : memref<10240xi32, #tpu.memory_space<vmem>> -> memref<32xi32, #tpu.memory_space<vmem>>
    %dma_start3A_68 = arith.constant 0 : i32
    %dma_start3A_69 = arith.constant 0 : i32
    %dma_start3A_70 = tpu.memref_slice %arg2[%dma_start3A_68, %dma_start3A_69] : memref<10240x128xf32, #tpu.memory_space<hbm>> -> memref<10240x128xf32, #tpu.memory_space<hbm>>
    tpu.enqueue_indirect_dma source(%dma_start3A_70 : memref<10240x128xf32, #tpu.memory_space<hbm>>) target(%arg19 : memref<32x128xf32, #tpu.memory_space<vmem>>) offsets(%dma_start3A_67 : memref<32xi32, #tpu.memory_space<vmem>>) semaphore(%arg36 : memref<!tpu.dma_semaphore, #tpu.memory_space<semaphore_mem>>)
    %add3A_71 = arith.constant 192 : i32
    %add3A_72 = arith.addi %mul3A_2, %add3A_71 : i32
    %dma_start3A_73 = arith.constant 1 : i32
    %dma_start3A_74 = tpu.memref_slice %arg3[%dma_start3A_73, %add3A_72] : memref<2x327680xi32, #tpu.memory_space<hbm>> -> memref<1x32xi32, #tpu.memory_space<hbm>>
    %dma_start3A_75 = tpu.memref_squeeze %dma_start3A_74 : memref<1x32xi32, #tpu.memory_space<hbm>> -> memref<32xi32, #tpu.memory_space<hbm>>
    %dma_start3A_76 = tpu.memref_slice %arg3[%dma_start3A_73, %add3A_72] : memref<2x327680xi32, #tpu.memory_space<hbm>> -> memref<1x32xi32, #tpu.memory_space<hbm>>
    %dma_start3A_77 = tpu.memref_squeeze %dma_start3A_76 : memref<1x32xi32, #tpu.memory_space<hbm>> -> memref<32xi32, #tpu.memory_space<hbm>>
    tpu.enqueue_dma source(%dma_start3A_77 : memref<32xi32, #tpu.memory_space<hbm>>) target(%arg12 : memref<32xi32, #tpu.memory_space<vmem>>) target_semaphore(%arg29 : memref<!tpu.dma_semaphore, #tpu.memory_space<semaphore_mem>>)
    %dma_start3A_78 = arith.constant 192 : i32
    %dma_start3A_79 = tpu.memref_slice %arg5[%dma_start3A_78] : memref<10240xi32, #tpu.memory_space<vmem>> -> memref<32xi32, #tpu.memory_space<vmem>>
    %dma_start3A_80 = arith.constant 0 : i32
    %dma_start3A_81 = arith.constant 0 : i32
    %dma_start3A_82 = tpu.memref_slice %arg2[%dma_start3A_80, %dma_start3A_81] : memref<10240x128xf32, #tpu.memory_space<hbm>> -> memref<10240x128xf32, #tpu.memory_space<hbm>>
    tpu.enqueue_indirect_dma source(%dma_start3A_82 : memref<10240x128xf32, #tpu.memory_space<hbm>>) target(%arg20 : memref<32x128xf32, #tpu.memory_space<vmem>>) offsets(%dma_start3A_79 : memref<32xi32, #tpu.memory_space<vmem>>) semaphore(%arg37 : memref<!tpu.dma_semaphore, #tpu.memory_space<semaphore_mem>>)
    %add3A_83 = arith.constant 224 : i32
    %add3A_84 = arith.addi %mul3A_2, %add3A_83 : i32
    %dma_start3A_85 = arith.constant 1 : i32
    %dma_start3A_86 = tpu.memref_slice %arg3[%dma_start3A_85, %add3A_84] : memref<2x327680xi32, #tpu.memory_space<hbm>> -> memref<1x32xi32, #tpu.memory_space<hbm>>
    %dma_start3A_87 = tpu.memref_squeeze %dma_start3A_86 : memref<1x32xi32, #tpu.memory_space<hbm>> -> memref<32xi32, #tpu.memory_space<hbm>>
    %dma_start3A_88 = tpu.memref_slice %arg3[%dma_start3A_85, %add3A_84] : memref<2x327680xi32, #tpu.memory_space<hbm>> -> memref<1x32xi32, #tpu.memory_space<hbm>>
    %dma_start3A_89 = tpu.memref_squeeze %dma_start3A_88 : memref<1x32xi32, #tpu.memory_space<hbm>> -> memref<32xi32, #tpu.memory_space<hbm>>
    tpu.enqueue_dma source(%dma_start3A_89 : memref<32xi32, #tpu.memory_space<hbm>>) target(%arg13 : memref<32xi32, #tpu.memory_space<vmem>>) target_semaphore(%arg30 : memref<!tpu.dma_semaphore, #tpu.memory_space<semaphore_mem>>)
    %dma_start3A_90 = arith.constant 224 : i32
    %dma_start3A_91 = tpu.memref_slice %arg5[%dma_start3A_90] : memref<10240xi32, #tpu.memory_space<vmem>> -> memref<32xi32, #tpu.memory_space<vmem>>
    %dma_start3A_92 = arith.constant 0 : i32
    %dma_start3A_93 = arith.constant 0 : i32
    %dma_start3A_94 = tpu.memref_slice %arg2[%dma_start3A_92, %dma_start3A_93] : memref<10240x128xf32, #tpu.memory_space<hbm>> -> memref<10240x128xf32, #tpu.memory_space<hbm>>
    tpu.enqueue_indirect_dma source(%dma_start3A_94 : memref<10240x128xf32, #tpu.memory_space<hbm>>) target(%arg21 : memref<32x128xf32, #tpu.memory_space<vmem>>) offsets(%dma_start3A_91 : memref<32xi32, #tpu.memory_space<vmem>>) semaphore(%arg38 : memref<!tpu.dma_semaphore, #tpu.memory_space<semaphore_mem>>)
    %broadcast_in_dim3A = arith.constant 0.000000e+00 : f32
    %broadcast_in_dim3A_95 = vector.broadcast %broadcast_in_dim3A : f32 to vector<16xf32>
    %scan3A = arith.constant 0 : i32
    %scan3A_96 = arith.constant 32 : i32
    %scan3A_97 = arith.addi %scan3A, %scan3A_96 : i32
    %scan3A_98 = arith.constant 1 : i32
    scf.for %scan3A_448 = %scan3A to %scan3A_97 step %scan3A_98  : i32 {
      %mul3A_449 = arith.constant 1 : i32
      %mul3A_450 = arith.muli %scan3A_448, %mul3A_449 : i32
      %add3A_451 = arith.constant 0 : i32
      %add3A_452 = arith.addi %add3A_451, %mul3A_450 : i32
      %scan3A_453 = arith.constant 0 : i32
      %scan3A_454 = arith.constant 8 : i32
      %scan3A_455 = arith.addi %scan3A_453, %scan3A_454 : i32
      %scan3A_456 = arith.constant 1 : i32
      scf.for %scan3A_458 = %scan3A_453 to %scan3A_455 step %scan3A_456  : i32 {
        %mul3A_459 = arith.constant 1 : i32
        %mul3A_460 = arith.muli %scan3A_458, %mul3A_459 : i32
        %add3A_461 = arith.constant 0 : i32
        %add3A_462 = arith.addi %add3A_461, %mul3A_460 : i32
        %mul3A_463 = arith.constant 16 : i32
        %mul3A_464 = arith.muli %add3A_462, %mul3A_463 : i32
        %swap3A = arith.index_cast %add3A_452 : i32 to index
        %swap3A_465 = arith.index_cast %mul3A_464 : i32 to index
        %swap3A_466 = tpu.vector_load %arg14[%swap3A, %swap3A_465] {strides = array<i32>} : memref<32x128xf32, #tpu.memory_space<vmem>>, vector<1x16xf32>,
        %swap3A_467 = vector.shape_cast %swap3A_466 : vector<1x16xf32> to vector<16xf32>
        %swap3A_468 = vector.shape_cast %broadcast_in_dim3A_95 : vector<16xf32> to vector<1x16xf32>
        tpu.vector_store %arg14[%swap3A, %swap3A_465], %swap3A_468 {strides = array<i32>} : memref<32x128xf32, #tpu.memory_space<vmem>>, vector<1x16xf32>,
      }
      %scan3A_457 = arith.constant 8 : i32
    }
    %scan3A_99 = arith.constant 32 : i32
    %mul3A_100 = arith.constant 640 : i32
    %mul3A_101 = arith.muli %arg1, %mul3A_100 : i32
    %add3A_102 = arith.constant 0 : i32
    %add3A_103 = arith.addi %mul3A_101, %add3A_102 : i32
    %dma_start3A_104 = arith.constant 0 : i32
    %dma_start3A_105 = tpu.memref_slice %arg22[%add3A_103, %dma_start3A_104] : memref<10240x128xf32, #tpu.memory_space<vmem_shared>> -> memref<32x128xf32, #tpu.memory_space<vmem_shared>>
    %dma_start3A_106 = arith.constant 0 : i32
    %dma_start3A_107 = tpu.memref_slice %arg22[%add3A_103, %dma_start3A_106] : memref<10240x128xf32, #tpu.memory_space<vmem_shared>> -> memref<32x128xf32, #tpu.memory_space<vmem_shared>>
    tpu.enqueue_dma source(%arg14 : memref<32x128xf32, #tpu.memory_space<vmem>>) target(%dma_start3A_107 : memref<32x128xf32, #tpu.memory_space<vmem_shared>>) target_semaphore(%arg39 : memref<!tpu.dma_semaphore, #tpu.memory_space<semaphore_mem>>)
    %add3A_108 = arith.constant 32 : i32
    %add3A_109 = arith.addi %mul3A_101, %add3A_108 : i32
    %dma_start3A_110 = arith.constant 0 : i32
    %dma_start3A_111 = tpu.memref_slice %arg22[%add3A_109, %dma_start3A_110] : memref<10240x128xf32, #tpu.memory_space<vmem_shared>> -> memref<32x128xf32, #tpu.memory_space<vmem_shared>>
    %dma_start3A_112 = arith.constant 0 : i32
    %dma_start3A_113 = tpu.memref_slice %arg22[%add3A_109, %dma_start3A_112] : memref<10240x128xf32, #tpu.memory_space<vmem_shared>> -> memref<32x128xf32, #tpu.memory_space<vmem_shared>>
    tpu.enqueue_dma source(%arg14 : memref<32x128xf32, #tpu.memory_space<vmem>>) target(%dma_start3A_113 : memref<32x128xf32, #tpu.memory_space<vmem_shared>>) target_semaphore(%arg39 : memref<!tpu.dma_semaphore, #tpu.memory_space<semaphore_mem>>)
    %add3A_114 = arith.constant 64 : i32
    %add3A_115 = arith.addi %mul3A_101, %add3A_114 : i32
    %dma_start3A_116 = arith.constant 0 : i32
    %dma_start3A_117 = tpu.memref_slice %arg22[%add3A_115, %dma_start3A_116] : memref<10240x128xf32, #tpu.memory_space<vmem_shared>> -> memref<32x128xf32, #tpu.memory_space<vmem_shared>>
    %dma_start3A_118 = arith.constant 0 : i32
    %dma_start3A_119 = tpu.memref_slice %arg22[%add3A_115, %dma_start3A_118] : memref<10240x128xf32, #tpu.memory_space<vmem_shared>> -> memref<32x128xf32, #tpu.memory_space<vmem_shared>>
    tpu.enqueue_dma source(%arg14 : memref<32x128xf32, #tpu.memory_space<vmem>>) target(%dma_start3A_119 : memref<32x128xf32, #tpu.memory_space<vmem_shared>>) target_semaphore(%arg39 : memref<!tpu.dma_semaphore, #tpu.memory_space<semaphore_mem>>)
    %add3A_120 = arith.constant 96 : i32
    %add3A_121 = arith.addi %mul3A_101, %add3A_120 : i32
    %dma_start3A_122 = arith.constant 0 : i32
    %dma_start3A_123 = tpu.memref_slice %arg22[%add3A_121, %dma_start3A_122] : memref<10240x128xf32, #tpu.memory_space<vmem_shared>> -> memref<32x128xf32, #tpu.memory_space<vmem_shared>>
    %dma_start3A_124 = arith.constant 0 : i32
    %dma_start3A_125 = tpu.memref_slice %arg22[%add3A_121, %dma_start3A_124] : memref<10240x128xf32, #tpu.memory_space<vmem_shared>> -> memref<32x128xf32, #tpu.memory_space<vmem_shared>>
    tpu.enqueue_dma source(%arg14 : memref<32x128xf32, #tpu.memory_space<vmem>>) target(%dma_start3A_125 : memref<32x128xf32, #tpu.memory_space<vmem_shared>>) target_semaphore(%arg39 : memref<!tpu.dma_semaphore, #tpu.memory_space<semaphore_mem>>)
    %add3A_126 = arith.constant 128 : i32
    %add3A_127 = arith.addi %mul3A_101, %add3A_126 : i32
    %dma_start3A_128 = arith.constant 0 : i32
    %dma_start3A_129 = tpu.memref_slice %arg22[%add3A_127, %dma_start3A_128] : memref<10240x128xf32, #tpu.memory_space<vmem_shared>> -> memref<32x128xf32, #tpu.memory_space<vmem_shared>>
    %dma_start3A_130 = arith.constant 0 : i32
    %dma_start3A_131 = tpu.memref_slice %arg22[%add3A_127, %dma_start3A_130] : memref<10240x128xf32, #tpu.memory_space<vmem_shared>> -> memref<32x128xf32, #tpu.memory_space<vmem_shared>>
    tpu.enqueue_dma source(%arg14 : memref<32x128xf32, #tpu.memory_space<vmem>>) target(%dma_start3A_131 : memref<32x128xf32, #tpu.memory_space<vmem_shared>>) target_semaphore(%arg39 : memref<!tpu.dma_semaphore, #tpu.memory_space<semaphore_mem>>)
    %add3A_132 = arith.constant 160 : i32
    %add3A_133 = arith.addi %mul3A_101, %add3A_132 : i32
    %dma_start3A_134 = arith.constant 0 : i32
    %dma_start3A_135 = tpu.memref_slice %arg22[%add3A_133, %dma_start3A_134] : memref<10240x128xf32, #tpu.memory_space<vmem_shared>> -> memref<32x128xf32, #tpu.memory_space<vmem_shared>>
    %dma_start3A_136 = arith.constant 0 : i32
    %dma_start3A_137 = tpu.memref_slice %arg22[%add3A_133, %dma_start3A_136] : memref<10240x128xf32, #tpu.memory_space<vmem_shared>> -> memref<32x128xf32, #tpu.memory_space<vmem_shared>>
    tpu.enqueue_dma source(%arg14 : memref<32x128xf32, #tpu.memory_space<vmem>>) target(%dma_start3A_137 : memref<32x128xf32, #tpu.memory_space<vmem_shared>>) target_semaphore(%arg39 : memref<!tpu.dma_semaphore, #tpu.memory_space<semaphore_mem>>)
    %add3A_138 = arith.constant 192 : i32
    %add3A_139 = arith.addi %mul3A_101, %add3A_138 : i32
    %dma_start3A_140 = arith.constant 0 : i32
    %dma_start3A_141 = tpu.memref_slice %arg22[%add3A_139, %dma_start3A_140] : memref<10240x128xf32, #tpu.memory_space<vmem_shared>> -> memref<32x128xf32, #tpu.memory_space<vmem_shared>>
    %dma_start3A_142 = arith.constant 0 : i32
    %dma_start3A_143 = tpu.memref_slice %arg22[%add3A_139, %dma_start3A_142] : memref<10240x128xf32, #tpu.memory_space<vmem_shared>> -> memref<32x128xf32, #tpu.memory_space<vmem_shared>>
    tpu.enqueue_dma source(%arg14 : memref<32x128xf32, #tpu.memory_space<vmem>>) target(%dma_start3A_143 : memref<32x128xf32, #tpu.memory_space<vmem_shared>>) target_semaphore(%arg39 : memref<!tpu.dma_semaphore, #tpu.memory_space<semaphore_mem>>)
    %add3A_144 = arith.constant 224 : i32
    %add3A_145 = arith.addi %mul3A_101, %add3A_144 : i32
    %dma_start3A_146 = arith.constant 0 : i32
    %dma_start3A_147 = tpu.memref_slice %arg22[%add3A_145, %dma_start3A_146] : memref<10240x128xf32, #tpu.memory_space<vmem_shared>> -> memref<32x128xf32, #tpu.memory_space<vmem_shared>>
    %dma_start3A_148 = arith.constant 0 : i32
    %dma_start3A_149 = tpu.memref_slice %arg22[%add3A_145, %dma_start3A_148] : memref<10240x128xf32, #tpu.memory_space<vmem_shared>> -> memref<32x128xf32, #tpu.memory_space<vmem_shared>>
    tpu.enqueue_dma source(%arg14 : memref<32x128xf32, #tpu.memory_space<vmem>>) target(%dma_start3A_149 : memref<32x128xf32, #tpu.memory_space<vmem_shared>>) target_semaphore(%arg39 : memref<!tpu.dma_semaphore, #tpu.memory_space<semaphore_mem>>)
    %add3A_150 = arith.constant 256 : i32
    %add3A_151 = arith.addi %mul3A_101, %add3A_150 : i32
    %dma_start3A_152 = arith.constant 0 : i32
    %dma_start3A_153 = tpu.memref_slice %arg22[%add3A_151, %dma_start3A_152] : memref<10240x128xf32, #tpu.memory_space<vmem_shared>> -> memref<32x128xf32, #tpu.memory_space<vmem_shared>>
    %dma_start3A_154 = arith.constant 0 : i32
    %dma_start3A_155 = tpu.memref_slice %arg22[%add3A_151, %dma_start3A_154] : memref<10240x128xf32, #tpu.memory_space<vmem_shared>> -> memref<32x128xf32, #tpu.memory_space<vmem_shared>>
    tpu.enqueue_dma source(%arg14 : memref<32x128xf32, #tpu.memory_space<vmem>>) target(%dma_start3A_155 : memref<32x128xf32, #tpu.memory_space<vmem_shared>>) target_semaphore(%arg39 : memref<!tpu.dma_semaphore, #tpu.memory_space<semaphore_mem>>)
    %add3A_156 = arith.constant 288 : i32
    %add3A_157 = arith.addi %mul3A_101, %add3A_156 : i32
    %dma_start3A_158 = arith.constant 0 : i32
    %dma_start3A_159 = tpu.memref_slice %arg22[%add3A_157, %dma_start3A_158] : memref<10240x128xf32, #tpu.memory_space<vmem_shared>> -> memref<32x128xf32, #tpu.memory_space<vmem_shared>>
    %dma_start3A_160 = arith.constant 0 : i32
    %dma_start3A_161 = tpu.memref_slice %arg22[%add3A_157, %dma_start3A_160] : memref<10240x128xf32, #tpu.memory_space<vmem_shared>> -> memref<32x128xf32, #tpu.memory_space<vmem_shared>>
    tpu.enqueue_dma source(%arg14 : memref<32x128xf32, #tpu.memory_space<vmem>>) target(%dma_start3A_161 : memref<32x128xf32, #tpu.memory_space<vmem_shared>>) target_semaphore(%arg39 : memref<!tpu.dma_semaphore, #tpu.memory_space<semaphore_mem>>)
    %add3A_162 = arith.constant 320 : i32
    %add3A_163 = arith.addi %mul3A_101, %add3A_162 : i32
    %dma_start3A_164 = arith.constant 0 : i32
    %dma_start3A_165 = tpu.memref_slice %arg22[%add3A_163, %dma_start3A_164] : memref<10240x128xf32, #tpu.memory_space<vmem_shared>> -> memref<32x128xf32, #tpu.memory_space<vmem_shared>>
    %dma_start3A_166 = arith.constant 0 : i32
    %dma_start3A_167 = tpu.memref_slice %arg22[%add3A_163, %dma_start3A_166] : memref<10240x128xf32, #tpu.memory_space<vmem_shared>> -> memref<32x128xf32, #tpu.memory_space<vmem_shared>>
    tpu.enqueue_dma source(%arg14 : memref<32x128xf32, #tpu.memory_space<vmem>>) target(%dma_start3A_167 : memref<32x128xf32, #tpu.memory_space<vmem_shared>>) target_semaphore(%arg39 : memref<!tpu.dma_semaphore, #tpu.memory_space<semaphore_mem>>)
    %add3A_168 = arith.constant 352 : i32
    %add3A_169 = arith.addi %mul3A_101, %add3A_168 : i32
    %dma_start3A_170 = arith.constant 0 : i32
    %dma_start3A_171 = tpu.memref_slice %arg22[%add3A_169, %dma_start3A_170] : memref<10240x128xf32, #tpu.memory_space<vmem_shared>> -> memref<32x128xf32, #tpu.memory_space<vmem_shared>>
    %dma_start3A_172 = arith.constant 0 : i32
    %dma_start3A_173 = tpu.memref_slice %arg22[%add3A_169, %dma_start3A_172] : memref<10240x128xf32, #tpu.memory_space<vmem_shared>> -> memref<32x128xf32, #tpu.memory_space<vmem_shared>>
    tpu.enqueue_dma source(%arg14 : memref<32x128xf32, #tpu.memory_space<vmem>>) target(%dma_start3A_173 : memref<32x128xf32, #tpu.memory_space<vmem_shared>>) target_semaphore(%arg39 : memref<!tpu.dma_semaphore, #tpu.memory_space<semaphore_mem>>)
    %add3A_174 = arith.constant 384 : i32
    %add3A_175 = arith.addi %mul3A_101, %add3A_174 : i32
    %dma_start3A_176 = arith.constant 0 : i32
    %dma_start3A_177 = tpu.memref_slice %arg22[%add3A_175, %dma_start3A_176] : memref<10240x128xf32, #tpu.memory_space<vmem_shared>> -> memref<32x128xf32, #tpu.memory_space<vmem_shared>>
    %dma_start3A_178 = arith.constant 0 : i32
    %dma_start3A_179 = tpu.memref_slice %arg22[%add3A_175, %dma_start3A_178] : memref<10240x128xf32, #tpu.memory_space<vmem_shared>> -> memref<32x128xf32, #tpu.memory_space<vmem_shared>>
    tpu.enqueue_dma source(%arg14 : memref<32x128xf32, #tpu.memory_space<vmem>>) target(%dma_start3A_179 : memref<32x128xf32, #tpu.memory_space<vmem_shared>>) target_semaphore(%arg39 : memref<!tpu.dma_semaphore, #tpu.memory_space<semaphore_mem>>)
    %add3A_180 = arith.constant 416 : i32
    %add3A_181 = arith.addi %mul3A_101, %add3A_180 : i32
    %dma_start3A_182 = arith.constant 0 : i32
    %dma_start3A_183 = tpu.memref_slice %arg22[%add3A_181, %dma_start3A_182] : memref<10240x128xf32, #tpu.memory_space<vmem_shared>> -> memref<32x128xf32, #tpu.memory_space<vmem_shared>>
    %dma_start3A_184 = arith.constant 0 : i32
    %dma_start3A_185 = tpu.memref_slice %arg22[%add3A_181, %dma_start3A_184] : memref<10240x128xf32, #tpu.memory_space<vmem_shared>> -> memref<32x128xf32, #tpu.memory_space<vmem_shared>>
    tpu.enqueue_dma source(%arg14 : memref<32x128xf32, #tpu.memory_space<vmem>>) target(%dma_start3A_185 : memref<32x128xf32, #tpu.memory_space<vmem_shared>>) target_semaphore(%arg39 : memref<!tpu.dma_semaphore, #tpu.memory_space<semaphore_mem>>)
    %add3A_186 = arith.constant 448 : i32
    %add3A_187 = arith.addi %mul3A_101, %add3A_186 : i32
    %dma_start3A_188 = arith.constant 0 : i32
    %dma_start3A_189 = tpu.memref_slice %arg22[%add3A_187, %dma_start3A_188] : memref<10240x128xf32, #tpu.memory_space<vmem_shared>> -> memref<32x128xf32, #tpu.memory_space<vmem_shared>>
    %dma_start3A_190 = arith.constant 0 : i32
    %dma_start3A_191 = tpu.memref_slice %arg22[%add3A_187, %dma_start3A_190] : memref<10240x128xf32, #tpu.memory_space<vmem_shared>> -> memref<32x128xf32, #tpu.memory_space<vmem_shared>>
    tpu.enqueue_dma source(%arg14 : memref<32x128xf32, #tpu.memory_space<vmem>>) target(%dma_start3A_191 : memref<32x128xf32, #tpu.memory_space<vmem_shared>>) target_semaphore(%arg39 : memref<!tpu.dma_semaphore, #tpu.memory_space<semaphore_mem>>)
    %add3A_192 = arith.constant 480 : i32
    %add3A_193 = arith.addi %mul3A_101, %add3A_192 : i32
    %dma_start3A_194 = arith.constant 0 : i32
    %dma_start3A_195 = tpu.memref_slice %arg22[%add3A_193, %dma_start3A_194] : memref<10240x128xf32, #tpu.memory_space<vmem_shared>> -> memref<32x128xf32, #tpu.memory_space<vmem_shared>>
    %dma_start3A_196 = arith.constant 0 : i32
    %dma_start3A_197 = tpu.memref_slice %arg22[%add3A_193, %dma_start3A_196] : memref<10240x128xf32, #tpu.memory_space<vmem_shared>> -> memref<32x128xf32, #tpu.memory_space<vmem_shared>>
    tpu.enqueue_dma source(%arg14 : memref<32x128xf32, #tpu.memory_space<vmem>>) target(%dma_start3A_197 : memref<32x128xf32, #tpu.memory_space<vmem_shared>>) target_semaphore(%arg39 : memref<!tpu.dma_semaphore, #tpu.memory_space<semaphore_mem>>)
    %add3A_198 = arith.constant 512 : i32
    %add3A_199 = arith.addi %mul3A_101, %add3A_198 : i32
    %dma_start3A_200 = arith.constant 0 : i32
    %dma_start3A_201 = tpu.memref_slice %arg22[%add3A_199, %dma_start3A_200] : memref<10240x128xf32, #tpu.memory_space<vmem_shared>> -> memref<32x128xf32, #tpu.memory_space<vmem_shared>>
    %dma_start3A_202 = arith.constant 0 : i32
    %dma_start3A_203 = tpu.memref_slice %arg22[%add3A_199, %dma_start3A_202] : memref<10240x128xf32, #tpu.memory_space<vmem_shared>> -> memref<32x128xf32, #tpu.memory_space<vmem_shared>>
    tpu.enqueue_dma source(%arg14 : memref<32x128xf32, #tpu.memory_space<vmem>>) target(%dma_start3A_203 : memref<32x128xf32, #tpu.memory_space<vmem_shared>>) target_semaphore(%arg39 : memref<!tpu.dma_semaphore, #tpu.memory_space<semaphore_mem>>)
    %add3A_204 = arith.constant 544 : i32
    %add3A_205 = arith.addi %mul3A_101, %add3A_204 : i32
    %dma_start3A_206 = arith.constant 0 : i32
    %dma_start3A_207 = tpu.memref_slice %arg22[%add3A_205, %dma_start3A_206] : memref<10240x128xf32, #tpu.memory_space<vmem_shared>> -> memref<32x128xf32, #tpu.memory_space<vmem_shared>>
    %dma_start3A_208 = arith.constant 0 : i32
    %dma_start3A_209 = tpu.memref_slice %arg22[%add3A_205, %dma_start3A_208] : memref<10240x128xf32, #tpu.memory_space<vmem_shared>> -> memref<32x128xf32, #tpu.memory_space<vmem_shared>>
    tpu.enqueue_dma source(%arg14 : memref<32x128xf32, #tpu.memory_space<vmem>>) target(%dma_start3A_209 : memref<32x128xf32, #tpu.memory_space<vmem_shared>>) target_semaphore(%arg39 : memref<!tpu.dma_semaphore, #tpu.memory_space<semaphore_mem>>)
    %add3A_210 = arith.constant 576 : i32
    %add3A_211 = arith.addi %mul3A_101, %add3A_210 : i32
    %dma_start3A_212 = arith.constant 0 : i32
    %dma_start3A_213 = tpu.memref_slice %arg22[%add3A_211, %dma_start3A_212] : memref<10240x128xf32, #tpu.memory_space<vmem_shared>> -> memref<32x128xf32, #tpu.memory_space<vmem_shared>>
    %dma_start3A_214 = arith.constant 0 : i32
    %dma_start3A_215 = tpu.memref_slice %arg22[%add3A_211, %dma_start3A_214] : memref<10240x128xf32, #tpu.memory_space<vmem_shared>> -> memref<32x128xf32, #tpu.memory_space<vmem_shared>>
    tpu.enqueue_dma source(%arg14 : memref<32x128xf32, #tpu.memory_space<vmem>>) target(%dma_start3A_215 : memref<32x128xf32, #tpu.memory_space<vmem_shared>>) target_semaphore(%arg39 : memref<!tpu.dma_semaphore, #tpu.memory_space<semaphore_mem>>)
    %add3A_216 = arith.constant 608 : i32
    %add3A_217 = arith.addi %mul3A_101, %add3A_216 : i32
    %dma_start3A_218 = arith.constant 0 : i32
    %dma_start3A_219 = tpu.memref_slice %arg22[%add3A_217, %dma_start3A_218] : memref<10240x128xf32, #tpu.memory_space<vmem_shared>> -> memref<32x128xf32, #tpu.memory_space<vmem_shared>>
    %dma_start3A_220 = arith.constant 0 : i32
    %dma_start3A_221 = tpu.memref_slice %arg22[%add3A_217, %dma_start3A_220] : memref<10240x128xf32, #tpu.memory_space<vmem_shared>> -> memref<32x128xf32, #tpu.memory_space<vmem_shared>>
    tpu.enqueue_dma source(%arg14 : memref<32x128xf32, #tpu.memory_space<vmem>>) target(%dma_start3A_221 : memref<32x128xf32, #tpu.memory_space<vmem_shared>>) target_semaphore(%arg39 : memref<!tpu.dma_semaphore, #tpu.memory_space<semaphore_mem>>)
    %dma_wait3A_222 = arith.constant 0 : i32
    %dma_wait3A_223 = tpu.memref_slice %arg22[%mul3A_101, %dma_wait3A_222] : memref<10240x128xf32, #tpu.memory_space<vmem_shared>> -> memref<32x128xf32, #tpu.memory_space<vmem_shared>>
    %dma_wait3A_224 = arith.constant 0 : i32
    %dma_wait3A_225 = tpu.memref_slice %arg22[%mul3A_101, %dma_wait3A_224] : memref<10240x128xf32, #tpu.memory_space<vmem_shared>> -> memref<32x128xf32, #tpu.memory_space<vmem_shared>>
    tpu.wait_dma2 semaphore(%arg39 : memref<!tpu.dma_semaphore, #tpu.memory_space<semaphore_mem>>) src(%arg14 : memref<32x128xf32, #tpu.memory_space<vmem>>) dst(%dma_wait3A_225 : memref<32x128xf32, #tpu.memory_space<vmem_shared>>)
    %dma_wait3A_226 = arith.constant 0 : i32
    %dma_wait3A_227 = tpu.memref_slice %arg22[%mul3A_101, %dma_wait3A_226] : memref<10240x128xf32, #tpu.memory_space<vmem_shared>> -> memref<32x128xf32, #tpu.memory_space<vmem_shared>>
    %dma_wait3A_228 = arith.constant 0 : i32
    %dma_wait3A_229 = tpu.memref_slice %arg22[%mul3A_101, %dma_wait3A_228] : memref<10240x128xf32, #tpu.memory_space<vmem_shared>> -> memref<32x128xf32, #tpu.memory_space<vmem_shared>>
    tpu.wait_dma2 semaphore(%arg39 : memref<!tpu.dma_semaphore, #tpu.memory_space<semaphore_mem>>) src(%arg14 : memref<32x128xf32, #tpu.memory_space<vmem>>) dst(%dma_wait3A_229 : memref<32x128xf32, #tpu.memory_space<vmem_shared>>)
    %dma_wait3A_230 = arith.constant 0 : i32
    %dma_wait3A_231 = tpu.memref_slice %arg22[%mul3A_101, %dma_wait3A_230] : memref<10240x128xf32, #tpu.memory_space<vmem_shared>> -> memref<32x128xf32, #tpu.memory_space<vmem_shared>>
    %dma_wait3A_232 = arith.constant 0 : i32
    %dma_wait3A_233 = tpu.memref_slice %arg22[%mul3A_101, %dma_wait3A_232] : memref<10240x128xf32, #tpu.memory_space<vmem_shared>> -> memref<32x128xf32, #tpu.memory_space<vmem_shared>>
    tpu.wait_dma2 semaphore(%arg39 : memref<!tpu.dma_semaphore, #tpu.memory_space<semaphore_mem>>) src(%arg14 : memref<32x128xf32, #tpu.memory_space<vmem>>) dst(%dma_wait3A_233 : memref<32x128xf32, #tpu.memory_space<vmem_shared>>)
    %dma_wait3A_234 = arith.constant 0 : i32
    %dma_wait3A_235 = tpu.memref_slice %arg22[%mul3A_101, %dma_wait3A_234] : memref<10240x128xf32, #tpu.memory_space<vmem_shared>> -> memref<32x128xf32, #tpu.memory_space<vmem_shared>>
    %dma_wait3A_236 = arith.constant 0 : i32
    %dma_wait3A_237 = tpu.memref_slice %arg22[%mul3A_101, %dma_wait3A_236] : memref<10240x128xf32, #tpu.memory_space<vmem_shared>> -> memref<32x128xf32, #tpu.memory_space<vmem_shared>>
    tpu.wait_dma2 semaphore(%arg39 : memref<!tpu.dma_semaphore, #tpu.memory_space<semaphore_mem>>) src(%arg14 : memref<32x128xf32, #tpu.memory_space<vmem>>) dst(%dma_wait3A_237 : memref<32x128xf32, #tpu.memory_space<vmem_shared>>)
    %dma_wait3A_238 = arith.constant 0 : i32
    %dma_wait3A_239 = tpu.memref_slice %arg22[%mul3A_101, %dma_wait3A_238] : memref<10240x128xf32, #tpu.memory_space<vmem_shared>> -> memref<32x128xf32, #tpu.memory_space<vmem_shared>>
    %dma_wait3A_240 = arith.constant 0 : i32
    %dma_wait3A_241 = tpu.memref_slice %arg22[%mul3A_101, %dma_wait3A_240] : memref<10240x128xf32, #tpu.memory_space<vmem_shared>> -> memref<32x128xf32, #tpu.memory_space<vmem_shared>>
    tpu.wait_dma2 semaphore(%arg39 : memref<!tpu.dma_semaphore, #tpu.memory_space<semaphore_mem>>) src(%arg14 : memref<32x128xf32, #tpu.memory_space<vmem>>) dst(%dma_wait3A_241 : memref<32x128xf32, #tpu.memory_space<vmem_shared>>)
    %dma_wait3A_242 = arith.constant 0 : i32
    %dma_wait3A_243 = tpu.memref_slice %arg22[%mul3A_101, %dma_wait3A_242] : memref<10240x128xf32, #tpu.memory_space<vmem_shared>> -> memref<32x128xf32, #tpu.memory_space<vmem_shared>>
    %dma_wait3A_244 = arith.constant 0 : i32
    %dma_wait3A_245 = tpu.memref_slice %arg22[%mul3A_101, %dma_wait3A_244] : memref<10240x128xf32, #tpu.memory_space<vmem_shared>> -> memref<32x128xf32, #tpu.memory_space<vmem_shared>>
    tpu.wait_dma2 semaphore(%arg39 : memref<!tpu.dma_semaphore, #tpu.memory_space<semaphore_mem>>) src(%arg14 : memref<32x128xf32, #tpu.memory_space<vmem>>) dst(%dma_wait3A_245 : memref<32x128xf32, #tpu.memory_space<vmem_shared>>)
    %dma_wait3A_246 = arith.constant 0 : i32
    %dma_wait3A_247 = tpu.memref_slice %arg22[%mul3A_101, %dma_wait3A_246] : memref<10240x128xf32, #tpu.memory_space<vmem_shared>> -> memref<32x128xf32, #tpu.memory_space<vmem_shared>>
    %dma_wait3A_248 = arith.constant 0 : i32
    %dma_wait3A_249 = tpu.memref_slice %arg22[%mul3A_101, %dma_wait3A_248] : memref<10240x128xf32, #tpu.memory_space<vmem_shared>> -> memref<32x128xf32, #tpu.memory_space<vmem_shared>>
    tpu.wait_dma2 semaphore(%arg39 : memref<!tpu.dma_semaphore, #tpu.memory_space<semaphore_mem>>) src(%arg14 : memref<32x128xf32, #tpu.memory_space<vmem>>) dst(%dma_wait3A_249 : memref<32x128xf32, #tpu.memory_space<vmem_shared>>)
    %dma_wait3A_250 = arith.constant 0 : i32
    %dma_wait3A_251 = tpu.memref_slice %arg22[%mul3A_101, %dma_wait3A_250] : memref<10240x128xf32, #tpu.memory_space<vmem_shared>> -> memref<32x128xf32, #tpu.memory_space<vmem_shared>>
    %dma_wait3A_252 = arith.constant 0 : i32
    %dma_wait3A_253 = tpu.memref_slice %arg22[%mul3A_101, %dma_wait3A_252] : memref<10240x128xf32, #tpu.memory_space<vmem_shared>> -> memref<32x128xf32, #tpu.memory_space<vmem_shared>>
    tpu.wait_dma2 semaphore(%arg39 : memref<!tpu.dma_semaphore, #tpu.memory_space<semaphore_mem>>) src(%arg14 : memref<32x128xf32, #tpu.memory_space<vmem>>) dst(%dma_wait3A_253 : memref<32x128xf32, #tpu.memory_space<vmem_shared>>)
    %dma_wait3A_254 = arith.constant 0 : i32
    %dma_wait3A_255 = tpu.memref_slice %arg22[%mul3A_101, %dma_wait3A_254] : memref<10240x128xf32, #tpu.memory_space<vmem_shared>> -> memref<32x128xf32, #tpu.memory_space<vmem_shared>>
    %dma_wait3A_256 = arith.constant 0 : i32
    %dma_wait3A_257 = tpu.memref_slice %arg22[%mul3A_101, %dma_wait3A_256] : memref<10240x128xf32, #tpu.memory_space<vmem_shared>> -> memref<32x128xf32, #tpu.memory_space<vmem_shared>>
    tpu.wait_dma2 semaphore(%arg39 : memref<!tpu.dma_semaphore, #tpu.memory_space<semaphore_mem>>) src(%arg14 : memref<32x128xf32, #tpu.memory_space<vmem>>) dst(%dma_wait3A_257 : memref<32x128xf32, #tpu.memory_space<vmem_shared>>)
    %dma_wait3A_258 = arith.constant 0 : i32
    %dma_wait3A_259 = tpu.memref_slice %arg22[%mul3A_101, %dma_wait3A_258] : memref<10240x128xf32, #tpu.memory_space<vmem_shared>> -> memref<32x128xf32, #tpu.memory_space<vmem_shared>>
    %dma_wait3A_260 = arith.constant 0 : i32
    %dma_wait3A_261 = tpu.memref_slice %arg22[%mul3A_101, %dma_wait3A_260] : memref<10240x128xf32, #tpu.memory_space<vmem_shared>> -> memref<32x128xf32, #tpu.memory_space<vmem_shared>>
    tpu.wait_dma2 semaphore(%arg39 : memref<!tpu.dma_semaphore, #tpu.memory_space<semaphore_mem>>) src(%arg14 : memref<32x128xf32, #tpu.memory_space<vmem>>) dst(%dma_wait3A_261 : memref<32x128xf32, #tpu.memory_space<vmem_shared>>)
    %dma_wait3A_262 = arith.constant 0 : i32
    %dma_wait3A_263 = tpu.memref_slice %arg22[%mul3A_101, %dma_wait3A_262] : memref<10240x128xf32, #tpu.memory_space<vmem_shared>> -> memref<32x128xf32, #tpu.memory_space<vmem_shared>>
    %dma_wait3A_264 = arith.constant 0 : i32
    %dma_wait3A_265 = tpu.memref_slice %arg22[%mul3A_101, %dma_wait3A_264] : memref<10240x128xf32, #tpu.memory_space<vmem_shared>> -> memref<32x128xf32, #tpu.memory_space<vmem_shared>>
    tpu.wait_dma2 semaphore(%arg39 : memref<!tpu.dma_semaphore, #tpu.memory_space<semaphore_mem>>) src(%arg14 : memref<32x128xf32, #tpu.memory_space<vmem>>) dst(%dma_wait3A_265 : memref<32x128xf32, #tpu.memory_space<vmem_shared>>)
    %dma_wait3A_266 = arith.constant 0 : i32
    %dma_wait3A_267 = tpu.memref_slice %arg22[%mul3A_101, %dma_wait3A_266] : memref<10240x128xf32, #tpu.memory_space<vmem_shared>> -> memref<32x128xf32, #tpu.memory_space<vmem_shared>>
    %dma_wait3A_268 = arith.constant 0 : i32
    %dma_wait3A_269 = tpu.memref_slice %arg22[%mul3A_101, %dma_wait3A_268] : memref<10240x128xf32, #tpu.memory_space<vmem_shared>> -> memref<32x128xf32, #tpu.memory_space<vmem_shared>>
    tpu.wait_dma2 semaphore(%arg39 : memref<!tpu.dma_semaphore, #tpu.memory_space<semaphore_mem>>) src(%arg14 : memref<32x128xf32, #tpu.memory_space<vmem>>) dst(%dma_wait3A_269 : memref<32x128xf32, #tpu.memory_space<vmem_shared>>)
    %dma_wait3A_270 = arith.constant 0 : i32
    %dma_wait3A_271 = tpu.memref_slice %arg22[%mul3A_101, %dma_wait3A_270] : memref<10240x128xf32, #tpu.memory_space<vmem_shared>> -> memref<32x128xf32, #tpu.memory_space<vmem_shared>>
    %dma_wait3A_272 = arith.constant 0 : i32
    %dma_wait3A_273 = tpu.memref_slice %arg22[%mul3A_101, %dma_wait3A_272] : memref<10240x128xf32, #tpu.memory_space<vmem_shared>> -> memref<32x128xf32, #tpu.memory_space<vmem_shared>>
    tpu.wait_dma2 semaphore(%arg39 : memref<!tpu.dma_semaphore, #tpu.memory_space<semaphore_mem>>) src(%arg14 : memref<32x128xf32, #tpu.memory_space<vmem>>) dst(%dma_wait3A_273 : memref<32x128xf32, #tpu.memory_space<vmem_shared>>)
    %dma_wait3A_274 = arith.constant 0 : i32
    %dma_wait3A_275 = tpu.memref_slice %arg22[%mul3A_101, %dma_wait3A_274] : memref<10240x128xf32, #tpu.memory_space<vmem_shared>> -> memref<32x128xf32, #tpu.memory_space<vmem_shared>>
    %dma_wait3A_276 = arith.constant 0 : i32
    %dma_wait3A_277 = tpu.memref_slice %arg22[%mul3A_101, %dma_wait3A_276] : memref<10240x128xf32, #tpu.memory_space<vmem_shared>> -> memref<32x128xf32, #tpu.memory_space<vmem_shared>>
    tpu.wait_dma2 semaphore(%arg39 : memref<!tpu.dma_semaphore, #tpu.memory_space<semaphore_mem>>) src(%arg14 : memref<32x128xf32, #tpu.memory_space<vmem>>) dst(%dma_wait3A_277 : memref<32x128xf32, #tpu.memory_space<vmem_shared>>)
    %dma_wait3A_278 = arith.constant 0 : i32
    %dma_wait3A_279 = tpu.memref_slice %arg22[%mul3A_101, %dma_wait3A_278] : memref<10240x128xf32, #tpu.memory_space<vmem_shared>> -> memref<32x128xf32, #tpu.memory_space<vmem_shared>>
    %dma_wait3A_280 = arith.constant 0 : i32
    %dma_wait3A_281 = tpu.memref_slice %arg22[%mul3A_101, %dma_wait3A_280] : memref<10240x128xf32, #tpu.memory_space<vmem_shared>> -> memref<32x128xf32, #tpu.memory_space<vmem_shared>>
    tpu.wait_dma2 semaphore(%arg39 : memref<!tpu.dma_semaphore, #tpu.memory_space<semaphore_mem>>) src(%arg14 : memref<32x128xf32, #tpu.memory_space<vmem>>) dst(%dma_wait3A_281 : memref<32x128xf32, #tpu.memory_space<vmem_shared>>)
    %dma_wait3A_282 = arith.constant 0 : i32
    %dma_wait3A_283 = tpu.memref_slice %arg22[%mul3A_101, %dma_wait3A_282] : memref<10240x128xf32, #tpu.memory_space<vmem_shared>> -> memref<32x128xf32, #tpu.memory_space<vmem_shared>>
    %dma_wait3A_284 = arith.constant 0 : i32
    %dma_wait3A_285 = tpu.memref_slice %arg22[%mul3A_101, %dma_wait3A_284] : memref<10240x128xf32, #tpu.memory_space<vmem_shared>> -> memref<32x128xf32, #tpu.memory_space<vmem_shared>>
    tpu.wait_dma2 semaphore(%arg39 : memref<!tpu.dma_semaphore, #tpu.memory_space<semaphore_mem>>) src(%arg14 : memref<32x128xf32, #tpu.memory_space<vmem>>) dst(%dma_wait3A_285 : memref<32x128xf32, #tpu.memory_space<vmem_shared>>)
    %dma_wait3A_286 = arith.constant 0 : i32
    %dma_wait3A_287 = tpu.memref_slice %arg22[%mul3A_101, %dma_wait3A_286] : memref<10240x128xf32, #tpu.memory_space<vmem_shared>> -> memref<32x128xf32, #tpu.memory_space<vmem_shared>>
    %dma_wait3A_288 = arith.constant 0 : i32
    %dma_wait3A_289 = tpu.memref_slice %arg22[%mul3A_101, %dma_wait3A_288] : memref<10240x128xf32, #tpu.memory_space<vmem_shared>> -> memref<32x128xf32, #tpu.memory_space<vmem_shared>>
    tpu.wait_dma2 semaphore(%arg39 : memref<!tpu.dma_semaphore, #tpu.memory_space<semaphore_mem>>) src(%arg14 : memref<32x128xf32, #tpu.memory_space<vmem>>) dst(%dma_wait3A_289 : memref<32x128xf32, #tpu.memory_space<vmem_shared>>)
    %dma_wait3A_290 = arith.constant 0 : i32
    %dma_wait3A_291 = tpu.memref_slice %arg22[%mul3A_101, %dma_wait3A_290] : memref<10240x128xf32, #tpu.memory_space<vmem_shared>> -> memref<32x128xf32, #tpu.memory_space<vmem_shared>>
    %dma_wait3A_292 = arith.constant 0 : i32
    %dma_wait3A_293 = tpu.memref_slice %arg22[%mul3A_101, %dma_wait3A_292] : memref<10240x128xf32, #tpu.memory_space<vmem_shared>> -> memref<32x128xf32, #tpu.memory_space<vmem_shared>>
    tpu.wait_dma2 semaphore(%arg39 : memref<!tpu.dma_semaphore, #tpu.memory_space<semaphore_mem>>) src(%arg14 : memref<32x128xf32, #tpu.memory_space<vmem>>) dst(%dma_wait3A_293 : memref<32x128xf32, #tpu.memory_space<vmem_shared>>)
    %dma_wait3A_294 = arith.constant 0 : i32
    %dma_wait3A_295 = tpu.memref_slice %arg22[%mul3A_101, %dma_wait3A_294] : memref<10240x128xf32, #tpu.memory_space<vmem_shared>> -> memref<32x128xf32, #tpu.memory_space<vmem_shared>>
    %dma_wait3A_296 = arith.constant 0 : i32
    %dma_wait3A_297 = tpu.memref_slice %arg22[%mul3A_101, %dma_wait3A_296] : memref<10240x128xf32, #tpu.memory_space<vmem_shared>> -> memref<32x128xf32, #tpu.memory_space<vmem_shared>>
    tpu.wait_dma2 semaphore(%arg39 : memref<!tpu.dma_semaphore, #tpu.memory_space<semaphore_mem>>) src(%arg14 : memref<32x128xf32, #tpu.memory_space<vmem>>) dst(%dma_wait3A_297 : memref<32x128xf32, #tpu.memory_space<vmem_shared>>)
    %dma_wait3A_298 = arith.constant 0 : i32
    %dma_wait3A_299 = tpu.memref_slice %arg22[%mul3A_101, %dma_wait3A_298] : memref<10240x128xf32, #tpu.memory_space<vmem_shared>> -> memref<32x128xf32, #tpu.memory_space<vmem_shared>>
    %dma_wait3A_300 = arith.constant 0 : i32
    %dma_wait3A_301 = tpu.memref_slice %arg22[%mul3A_101, %dma_wait3A_300] : memref<10240x128xf32, #tpu.memory_space<vmem_shared>> -> memref<32x128xf32, #tpu.memory_space<vmem_shared>>
    tpu.wait_dma2 semaphore(%arg39 : memref<!tpu.dma_semaphore, #tpu.memory_space<semaphore_mem>>) src(%arg14 : memref<32x128xf32, #tpu.memory_space<vmem>>) dst(%dma_wait3A_301 : memref<32x128xf32, #tpu.memory_space<vmem_shared>>)
    %add3A_302 = arith.constant 0 : i32
    %add3A_303 = arith.addi %mul3A_2, %add3A_302 : i32
    %dma_start3A_304 = arith.constant 1 : i32
    %dma_start3A_305 = tpu.memref_slice %arg3[%dma_start3A_304, %add3A_303] : memref<2x327680xi32, #tpu.memory_space<hbm>> -> memref<1x32xi32, #tpu.memory_space<hbm>>
    %dma_start3A_306 = tpu.memref_squeeze %dma_start3A_305 : memref<1x32xi32, #tpu.memory_space<hbm>> -> memref<32xi32, #tpu.memory_space<hbm>>
    %dma_start3A_307 = tpu.memref_slice %arg3[%dma_start3A_304, %add3A_303] : memref<2x327680xi32, #tpu.memory_space<hbm>> -> memref<1x32xi32, #tpu.memory_space<hbm>>
    %dma_start3A_308 = tpu.memref_squeeze %dma_start3A_307 : memref<1x32xi32, #tpu.memory_space<hbm>> -> memref<32xi32, #tpu.memory_space<hbm>>
    tpu.enqueue_dma source(%dma_start3A_308 : memref<32xi32, #tpu.memory_space<hbm>>) target(%arg6 : memref<32xi32, #tpu.memory_space<vmem>>) target_semaphore(%arg23 : memref<!tpu.dma_semaphore, #tpu.memory_space<semaphore_mem>>)
    %dma_start3A_309 = arith.constant 0 : i32
    %dma_start3A_310 = tpu.memref_slice %arg5[%dma_start3A_309] : memref<10240xi32, #tpu.memory_space<vmem>> -> memref<32xi32, #tpu.memory_space<vmem>>
    %dma_start3A_311 = arith.constant 0 : i32
    %dma_start3A_312 = arith.constant 0 : i32
    %dma_start3A_313 = tpu.memref_slice %arg2[%dma_start3A_311, %dma_start3A_312] : memref<10240x128xf32, #tpu.memory_space<hbm>> -> memref<10240x128xf32, #tpu.memory_space<hbm>>
    tpu.enqueue_indirect_dma source(%dma_start3A_313 : memref<10240x128xf32, #tpu.memory_space<hbm>>) target(%arg14 : memref<32x128xf32, #tpu.memory_space<vmem>>) offsets(%dma_start3A_310 : memref<32xi32, #tpu.memory_space<vmem>>) semaphore(%arg31 : memref<!tpu.dma_semaphore, #tpu.memory_space<semaphore_mem>>)
    %barrier3A = arith.constant 0 : index
    tpu.barrier barrier_id(%barrier3A)
    %dma_wait3A_314 = arith.constant 1 : i32
    %dma_wait3A_315 = tpu.memref_slice %arg3[%dma_wait3A_314, %mul3A_2] : memref<2x327680xi32, #tpu.memory_space<hbm>> -> memref<1x32xi32, #tpu.memory_space<hbm>>
    %dma_wait3A_316 = tpu.memref_squeeze %dma_wait3A_315 : memref<1x32xi32, #tpu.memory_space<hbm>> -> memref<32xi32, #tpu.memory_space<hbm>>
    %dma_wait3A_317 = tpu.memref_slice %arg3[%dma_wait3A_314, %mul3A_2] : memref<2x327680xi32, #tpu.memory_space<hbm>> -> memref<1x32xi32, #tpu.memory_space<hbm>>
    %dma_wait3A_318 = tpu.memref_squeeze %dma_wait3A_317 : memref<1x32xi32, #tpu.memory_space<hbm>> -> memref<32xi32, #tpu.memory_space<hbm>>
    tpu.wait_dma2 semaphore(%arg23 : memref<!tpu.dma_semaphore, #tpu.memory_space<semaphore_mem>>) src(%dma_wait3A_318 : memref<32xi32, #tpu.memory_space<hbm>>) dst(%arg6 : memref<32xi32, #tpu.memory_space<vmem>>)
    %dma_wait3A_319 = arith.constant 0 : i32
    %dma_wait3A_320 = tpu.memref_slice %arg5[%dma_wait3A_319] : memref<10240xi32, #tpu.memory_space<vmem>> -> memref<32xi32, #tpu.memory_space<vmem>>
    %dma_wait3A_321 = arith.constant 0 : i32
    %dma_wait3A_322 = arith.constant 0 : i32
    %dma_wait3A_323 = tpu.memref_slice %arg2[%dma_wait3A_321, %dma_wait3A_322] : memref<10240x128xf32, #tpu.memory_space<hbm>> -> memref<10240x128xf32, #tpu.memory_space<hbm>>
    tpu.wait_indirect_dma semaphore(%arg31 : memref<!tpu.dma_semaphore, #tpu.memory_space<semaphore_mem>>) src(%dma_wait3A_323 : memref<10240x128xf32, #tpu.memory_space<hbm>>) dst(%arg14 : memref<32x128xf32, #tpu.memory_space<vmem>>)
    %dma_start3A_324 = arith.constant 0 : i32
    %dma_start3A_325 = arith.constant 0 : i32
    %dma_start3A_326 = tpu.memref_slice %arg22[%dma_start3A_324, %dma_start3A_325] : memref<10240x128xf32, #tpu.memory_space<vmem_shared>> -> memref<10240x128xf32, #tpu.memory_space<vmem_shared>>
    tpu.enqueue_indirect_dma source(%arg14 : memref<32x128xf32, #tpu.memory_space<vmem>>) target(%dma_start3A_326 : memref<10240x128xf32, #tpu.memory_space<vmem_shared>>) offsets(%arg6 : memref<32xi32, #tpu.memory_space<vmem>>) semaphore(%arg39 : memref<!tpu.dma_semaphore, #tpu.memory_space<semaphore_mem>>) {add = true}
    %dma_wait3A_327 = arith.constant 1 : i32
    %dma_wait3A_328 = tpu.memref_slice %arg3[%dma_wait3A_327, %mul3A_2] : memref<2x327680xi32, #tpu.memory_space<hbm>> -> memref<1x32xi32, #tpu.memory_space<hbm>>
    %dma_wait3A_329 = tpu.memref_squeeze %dma_wait3A_328 : memref<1x32xi32, #tpu.memory_space<hbm>> -> memref<32xi32, #tpu.memory_space<hbm>>
    %dma_wait3A_330 = tpu.memref_slice %arg3[%dma_wait3A_327, %mul3A_2] : memref<2x327680xi32, #tpu.memory_space<hbm>> -> memref<1x32xi32, #tpu.memory_space<hbm>>
    %dma_wait3A_331 = tpu.memref_squeeze %dma_wait3A_330 : memref<1x32xi32, #tpu.memory_space<hbm>> -> memref<32xi32, #tpu.memory_space<hbm>>
    tpu.wait_dma2 semaphore(%arg24 : memref<!tpu.dma_semaphore, #tpu.memory_space<semaphore_mem>>) src(%dma_wait3A_331 : memref<32xi32, #tpu.memory_space<hbm>>) dst(%arg7 : memref<32xi32, #tpu.memory_space<vmem>>)
    %dma_wait3A_332 = arith.constant 0 : i32
    %dma_wait3A_333 = tpu.memref_slice %arg5[%dma_wait3A_332] : memref<10240xi32, #tpu.memory_space<vmem>> -> memref<32xi32, #tpu.memory_space<vmem>>
    %dma_wait3A_334 = arith.constant 0 : i32
    %dma_wait3A_335 = arith.constant 0 : i32
    %dma_wait3A_336 = tpu.memref_slice %arg2[%dma_wait3A_334, %dma_wait3A_335] : memref<10240x128xf32, #tpu.memory_space<hbm>> -> memref<10240x128xf32, #tpu.memory_space<hbm>>
    tpu.wait_indirect_dma semaphore(%arg32 : memref<!tpu.dma_semaphore, #tpu.memory_space<semaphore_mem>>) src(%dma_wait3A_336 : memref<10240x128xf32, #tpu.memory_space<hbm>>) dst(%arg15 : memref<32x128xf32, #tpu.memory_space<vmem>>)
    %dma_start3A_337 = arith.constant 0 : i32
    %dma_start3A_338 = arith.constant 0 : i32
    %dma_start3A_339 = tpu.memref_slice %arg22[%dma_start3A_337, %dma_start3A_338] : memref<10240x128xf32, #tpu.memory_space<vmem_shared>> -> memref<10240x128xf32, #tpu.memory_space<vmem_shared>>
    tpu.enqueue_indirect_dma source(%arg15 : memref<32x128xf32, #tpu.memory_space<vmem>>) target(%dma_start3A_339 : memref<10240x128xf32, #tpu.memory_space<vmem_shared>>) offsets(%arg7 : memref<32xi32, #tpu.memory_space<vmem>>) semaphore(%arg40 : memref<!tpu.dma_semaphore, #tpu.memory_space<semaphore_mem>>) {add = true}
    %scan3A_340 = arith.constant 0 : i32
    %scan3A_341 = arith.constant 39 : i32
    %scan3A_342 = arith.addi %scan3A_340, %scan3A_341 : i32
    %scan3A_343 = arith.constant 1 : i32
    scf.for %scan3A_448 = %scan3A_340 to %scan3A_342 step %scan3A_343  : i32 {
      %mul3A_449 = arith.constant 8 : i32
      %mul3A_450 = arith.muli %scan3A_448, %mul3A_449 : i32
      %add3A_451 = arith.constant 2 : i32
      %add3A_452 = arith.addi %add3A_451, %mul3A_450 : i32
      %dma_wait3A_453 = arith.constant 1 : i32
      %dma_wait3A_454 = tpu.memref_slice %arg3[%dma_wait3A_453, %mul3A_2] : memref<2x327680xi32, #tpu.memory_space<hbm>> -> memref<1x32xi32, #tpu.memory_space<hbm>>
      %dma_wait3A_455 = tpu.memref_squeeze %dma_wait3A_454 : memref<1x32xi32, #tpu.memory_space<hbm>> -> memref<32xi32, #tpu.memory_space<hbm>>
      %dma_wait3A_456 = tpu.memref_slice %arg3[%dma_wait3A_453, %mul3A_2] : memref<2x327680xi32, #tpu.memory_space<hbm>> -> memref<1x32xi32, #tpu.memory_space<hbm>>
      %dma_wait3A_457 = tpu.memref_squeeze %dma_wait3A_456 : memref<1x32xi32, #tpu.memory_space<hbm>> -> memref<32xi32, #tpu.memory_space<hbm>>
      tpu.wait_dma2 semaphore(%arg25 : memref<!tpu.dma_semaphore, #tpu.memory_space<semaphore_mem>>) src(%dma_wait3A_457 : memref<32xi32, #tpu.memory_space<hbm>>) dst(%arg8 : memref<32xi32, #tpu.memory_space<vmem>>)
      %dma_wait3A_458 = arith.constant 0 : i32
      %dma_wait3A_459 = tpu.memref_slice %arg5[%dma_wait3A_458] : memref<10240xi32, #tpu.memory_space<vmem>> -> memref<32xi32, #tpu.memory_space<vmem>>
      %dma_wait3A_460 = arith.constant 0 : i32
      %dma_wait3A_461 = arith.constant 0 : i32
      %dma_wait3A_462 = tpu.memref_slice %arg2[%dma_wait3A_460, %dma_wait3A_461] : memref<10240x128xf32, #tpu.memory_space<hbm>> -> memref<10240x128xf32, #tpu.memory_space<hbm>>
      tpu.wait_indirect_dma semaphore(%arg33 : memref<!tpu.dma_semaphore, #tpu.memory_space<semaphore_mem>>) src(%dma_wait3A_462 : memref<10240x128xf32, #tpu.memory_space<hbm>>) dst(%arg16 : memref<32x128xf32, #tpu.memory_space<vmem>>)
      %dma_wait3A_463 = arith.constant 0 : i32
      %dma_wait3A_464 = arith.constant 0 : i32
      %dma_wait3A_465 = tpu.memref_slice %arg22[%dma_wait3A_463, %dma_wait3A_464] : memref<10240x128xf32, #tpu.memory_space<vmem_shared>> -> memref<10240x128xf32, #tpu.memory_space<vmem_shared>>
      tpu.wait_indirect_dma semaphore(%arg39 : memref<!tpu.dma_semaphore, #tpu.memory_space<semaphore_mem>>) src(%arg14 : memref<32x128xf32, #tpu.memory_space<vmem>>) dst(%dma_wait3A_465 : memref<10240x128xf32, #tpu.memory_space<vmem_shared>>)
      %add3A_466 = arith.constant 0 : i32
      %add3A_467 = arith.addi %add3A_452, %add3A_466 : i32
      %add3A_468 = arith.constant 6 : i32
      %add3A_469 = arith.addi %add3A_467, %add3A_468 : i32
      %mul3A_470 = arith.constant 32 : i32
      %mul3A_471 = arith.muli %add3A_469, %mul3A_470 : i32
      %add3A_472 = arith.addi %mul3A_2, %mul3A_471 : i32
      %dma_start3A_473 = arith.constant 1 : i32
      %dma_start3A_474 = tpu.memref_slice %arg3[%dma_start3A_473, %add3A_472] : memref<2x327680xi32, #tpu.memory_space<hbm>> -> memref<1x32xi32, #tpu.memory_space<hbm>>
      %dma_start3A_475 = tpu.memref_squeeze %dma_start3A_474 : memref<1x32xi32, #tpu.memory_space<hbm>> -> memref<32xi32, #tpu.memory_space<hbm>>
      %dma_start3A_476 = tpu.memref_slice %arg3[%dma_start3A_473, %add3A_472] : memref<2x327680xi32, #tpu.memory_space<hbm>> -> memref<1x32xi32, #tpu.memory_space<hbm>>
      %dma_start3A_477 = tpu.memref_squeeze %dma_start3A_476 : memref<1x32xi32, #tpu.memory_space<hbm>> -> memref<32xi32, #tpu.memory_space<hbm>>
      tpu.enqueue_dma source(%dma_start3A_477 : memref<32xi32, #tpu.memory_space<hbm>>) target(%arg6 : memref<32xi32, #tpu.memory_space<vmem>>) target_semaphore(%arg23 : memref<!tpu.dma_semaphore, #tpu.memory_space<semaphore_mem>>)
      %mul3A_478 = arith.constant 32 : i32
      %mul3A_479 = arith.muli %add3A_469, %mul3A_478 : i32
      %dma_start3A_480 = tpu.memref_slice %arg5[%mul3A_479] : memref<10240xi32, #tpu.memory_space<vmem>> -> memref<32xi32, #tpu.memory_space<vmem>>
      %dma_start3A_481 = arith.constant 0 : i32
      %dma_start3A_482 = arith.constant 0 : i32
      %dma_start3A_483 = tpu.memref_slice %arg2[%dma_start3A_481, %dma_start3A_482] : memref<10240x128xf32, #tpu.memory_space<hbm>> -> memref<10240x128xf32, #tpu.memory_space<hbm>>
      tpu.enqueue_indirect_dma source(%dma_start3A_483 : memref<10240x128xf32, #tpu.memory_space<hbm>>) target(%arg14 : memref<32x128xf32, #tpu.memory_space<vmem>>) offsets(%dma_start3A_480 : memref<32xi32, #tpu.memory_space<vmem>>) semaphore(%arg31 : memref<!tpu.dma_semaphore, #tpu.memory_space<semaphore_mem>>)
      %dma_start3A_484 = arith.constant 0 : i32
      %dma_start3A_485 = arith.constant 0 : i32
      %dma_start3A_486 = tpu.memref_slice %arg22[%dma_start3A_484, %dma_start3A_485] : memref<10240x128xf32, #tpu.memory_space<vmem_shared>> -> memref<10240x128xf32, #tpu.memory_space<vmem_shared>>
      tpu.enqueue_indirect_dma source(%arg16 : memref<32x128xf32, #tpu.memory_space<vmem>>) target(%dma_start3A_486 : memref<10240x128xf32, #tpu.memory_space<vmem_shared>>) offsets(%arg8 : memref<32xi32, #tpu.memory_space<vmem>>) semaphore(%arg41 : memref<!tpu.dma_semaphore, #tpu.memory_space<semaphore_mem>>) {add = true}
      %dma_wait3A_487 = arith.constant 1 : i32
      %dma_wait3A_488 = tpu.memref_slice %arg3[%dma_wait3A_487, %mul3A_2] : memref<2x327680xi32, #tpu.memory_space<hbm>> -> memref<1x32xi32, #tpu.memory_space<hbm>>
      %dma_wait3A_489 = tpu.memref_squeeze %dma_wait3A_488 : memref<1x32xi32, #tpu.memory_space<hbm>> -> memref<32xi32, #tpu.memory_space<hbm>>
      %dma_wait3A_490 = tpu.memref_slice %arg3[%dma_wait3A_487, %mul3A_2] : memref<2x327680xi32, #tpu.memory_space<hbm>> -> memref<1x32xi32, #tpu.memory_space<hbm>>
      %dma_wait3A_491 = tpu.memref_squeeze %dma_wait3A_490 : memref<1x32xi32, #tpu.memory_space<hbm>> -> memref<32xi32, #tpu.memory_space<hbm>>
      tpu.wait_dma2 semaphore(%arg26 : memref<!tpu.dma_semaphore, #tpu.memory_space<semaphore_mem>>) src(%dma_wait3A_491 : memref<32xi32, #tpu.memory_space<hbm>>) dst(%arg9 : memref<32xi32, #tpu.memory_space<vmem>>)
      %dma_wait3A_492 = arith.constant 0 : i32
      %dma_wait3A_493 = tpu.memref_slice %arg5[%dma_wait3A_492] : memref<10240xi32, #tpu.memory_space<vmem>> -> memref<32xi32, #tpu.memory_space<vmem>>
      %dma_wait3A_494 = arith.constant 0 : i32
      %dma_wait3A_495 = arith.constant 0 : i32
      %dma_wait3A_496 = tpu.memref_slice %arg2[%dma_wait3A_494, %dma_wait3A_495] : memref<10240x128xf32, #tpu.memory_space<hbm>> -> memref<10240x128xf32, #tpu.memory_space<hbm>>
      tpu.wait_indirect_dma semaphore(%arg34 : memref<!tpu.dma_semaphore, #tpu.memory_space<semaphore_mem>>) src(%dma_wait3A_496 : memref<10240x128xf32, #tpu.memory_space<hbm>>) dst(%arg17 : memref<32x128xf32, #tpu.memory_space<vmem>>)
      %dma_wait3A_497 = arith.constant 0 : i32
      %dma_wait3A_498 = arith.constant 0 : i32
      %dma_wait3A_499 = tpu.memref_slice %arg22[%dma_wait3A_497, %dma_wait3A_498] : memref<10240x128xf32, #tpu.memory_space<vmem_shared>> -> memref<10240x128xf32, #tpu.memory_space<vmem_shared>>
      tpu.wait_indirect_dma semaphore(%arg40 : memref<!tpu.dma_semaphore, #tpu.memory_space<semaphore_mem>>) src(%arg15 : memref<32x128xf32, #tpu.memory_space<vmem>>) dst(%dma_wait3A_499 : memref<10240x128xf32, #tpu.memory_space<vmem_shared>>)
      %add3A_500 = arith.constant 1 : i32
      %add3A_501 = arith.addi %add3A_452, %add3A_500 : i32
      %add3A_502 = arith.constant 6 : i32
      %add3A_503 = arith.addi %add3A_501, %add3A_502 : i32
      %mul3A_504 = arith.constant 32 : i32
      %mul3A_505 = arith.muli %add3A_503, %mul3A_504 : i32
      %add3A_506 = arith.addi %mul3A_2, %mul3A_505 : i32
      %dma_start3A_507 = arith.constant 1 : i32
      %dma_start3A_508 = tpu.memref_slice %arg3[%dma_start3A_507, %add3A_506] : memref<2x327680xi32, #tpu.memory_space<hbm>> -> memref<1x32xi32, #tpu.memory_space<hbm>>
      %dma_start3A_509 = tpu.memref_squeeze %dma_start3A_508 : memref<1x32xi32, #tpu.memory_space<hbm>> -> memref<32xi32, #tpu.memory_space<hbm>>
      %dma_start3A_510 = tpu.memref_slice %arg3[%dma_start3A_507, %add3A_506] : memref<2x327680xi32, #tpu.memory_space<hbm>> -> memref<1x32xi32, #tpu.memory_space<hbm>>
      %dma_start3A_511 = tpu.memref_squeeze %dma_start3A_510 : memref<1x32xi32, #tpu.memory_space<hbm>> -> memref<32xi32, #tpu.memory_space<hbm>>
      tpu.enqueue_dma source(%dma_start3A_511 : memref<32xi32, #tpu.memory_space<hbm>>) target(%arg7 : memref<32xi32, #tpu.memory_space<vmem>>) target_semaphore(%arg24 : memref<!tpu.dma_semaphore, #tpu.memory_space<semaphore_mem>>)
      %mul3A_512 = arith.constant 32 : i32
      %mul3A_513 = arith.muli %add3A_503, %mul3A_512 : i32
      %dma_start3A_514 = tpu.memref_slice %arg5[%mul3A_513] : memref<10240xi32, #tpu.memory_space<vmem>> -> memref<32xi32, #tpu.memory_space<vmem>>
      %dma_start3A_515 = arith.constant 0 : i32
      %dma_start3A_516 = arith.constant 0 : i32
      %dma_start3A_517 = tpu.memref_slice %arg2[%dma_start3A_515, %dma_start3A_516] : memref<10240x128xf32, #tpu.memory_space<hbm>> -> memref<10240x128xf32, #tpu.memory_space<hbm>>
      tpu.enqueue_indirect_dma source(%dma_start3A_517 : memref<10240x128xf32, #tpu.memory_space<hbm>>) target(%arg15 : memref<32x128xf32, #tpu.memory_space<vmem>>) offsets(%dma_start3A_514 : memref<32xi32, #tpu.memory_space<vmem>>) semaphore(%arg32 : memref<!tpu.dma_semaphore, #tpu.memory_space<semaphore_mem>>)
      %dma_start3A_518 = arith.constant 0 : i32
      %dma_start3A_519 = arith.constant 0 : i32
      %dma_start3A_520 = tpu.memref_slice %arg22[%dma_start3A_518, %dma_start3A_519] : memref<10240x128xf32, #tpu.memory_space<vmem_shared>> -> memref<10240x128xf32, #tpu.memory_space<vmem_shared>>
      tpu.enqueue_indirect_dma source(%arg17 : memref<32x128xf32, #tpu.memory_space<vmem>>) target(%dma_start3A_520 : memref<10240x128xf32, #tpu.memory_space<vmem_shared>>) offsets(%arg9 : memref<32xi32, #tpu.memory_space<vmem>>) semaphore(%arg42 : memref<!tpu.dma_semaphore, #tpu.memory_space<semaphore_mem>>) {add = true}
      %dma_wait3A_521 = arith.constant 1 : i32
      %dma_wait3A_522 = tpu.memref_slice %arg3[%dma_wait3A_521, %mul3A_2] : memref<2x327680xi32, #tpu.memory_space<hbm>> -> memref<1x32xi32, #tpu.memory_space<hbm>>
      %dma_wait3A_523 = tpu.memref_squeeze %dma_wait3A_522 : memref<1x32xi32, #tpu.memory_space<hbm>> -> memref<32xi32, #tpu.memory_space<hbm>>
      %dma_wait3A_524 = tpu.memref_slice %arg3[%dma_wait3A_521, %mul3A_2] : memref<2x327680xi32, #tpu.memory_space<hbm>> -> memref<1x32xi32, #tpu.memory_space<hbm>>
      %dma_wait3A_525 = tpu.memref_squeeze %dma_wait3A_524 : memref<1x32xi32, #tpu.memory_space<hbm>> -> memref<32xi32, #tpu.memory_space<hbm>>
      tpu.wait_dma2 semaphore(%arg27 : memref<!tpu.dma_semaphore, #tpu.memory_space<semaphore_mem>>) src(%dma_wait3A_525 : memref<32xi32, #tpu.memory_space<hbm>>) dst(%arg10 : memref<32xi32, #tpu.memory_space<vmem>>)
      %dma_wait3A_526 = arith.constant 0 : i32
      %dma_wait3A_527 = tpu.memref_slice %arg5[%dma_wait3A_526] : memref<10240xi32, #tpu.memory_space<vmem>> -> memref<32xi32, #tpu.memory_space<vmem>>
      %dma_wait3A_528 = arith.constant 0 : i32
      %dma_wait3A_529 = arith.constant 0 : i32
      %dma_wait3A_530 = tpu.memref_slice %arg2[%dma_wait3A_528, %dma_wait3A_529] : memref<10240x128xf32, #tpu.memory_space<hbm>> -> memref<10240x128xf32, #tpu.memory_space<hbm>>
      tpu.wait_indirect_dma semaphore(%arg35 : memref<!tpu.dma_semaphore, #tpu.memory_space<semaphore_mem>>) src(%dma_wait3A_530 : memref<10240x128xf32, #tpu.memory_space<hbm>>) dst(%arg18 : memref<32x128xf32, #tpu.memory_space<vmem>>)
      %dma_wait3A_531 = arith.constant 0 : i32
      %dma_wait3A_532 = arith.constant 0 : i32
      %dma_wait3A_533 = tpu.memref_slice %arg22[%dma_wait3A_531, %dma_wait3A_532] : memref<10240x128xf32, #tpu.memory_space<vmem_shared>> -> memref<10240x128xf32, #tpu.memory_space<vmem_shared>>
      tpu.wait_indirect_dma semaphore(%arg41 : memref<!tpu.dma_semaphore, #tpu.memory_space<semaphore_mem>>) src(%arg16 : memref<32x128xf32, #tpu.memory_space<vmem>>) dst(%dma_wait3A_533 : memref<10240x128xf32, #tpu.memory_space<vmem_shared>>)
      %add3A_534 = arith.constant 2 : i32
      %add3A_535 = arith.addi %add3A_452, %add3A_534 : i32
      %add3A_536 = arith.constant 6 : i32
      %add3A_537 = arith.addi %add3A_535, %add3A_536 : i32
      %mul3A_538 = arith.constant 32 : i32
      %mul3A_539 = arith.muli %add3A_537, %mul3A_538 : i32
      %add3A_540 = arith.addi %mul3A_2, %mul3A_539 : i32
      %dma_start3A_541 = arith.constant 1 : i32
      %dma_start3A_542 = tpu.memref_slice %arg3[%dma_start3A_541, %add3A_540] : memref<2x327680xi32, #tpu.memory_space<hbm>> -> memref<1x32xi32, #tpu.memory_space<hbm>>
      %dma_start3A_543 = tpu.memref_squeeze %dma_start3A_542 : memref<1x32xi32, #tpu.memory_space<hbm>> -> memref<32xi32, #tpu.memory_space<hbm>>
      %dma_start3A_544 = tpu.memref_slice %arg3[%dma_start3A_541, %add3A_540] : memref<2x327680xi32, #tpu.memory_space<hbm>> -> memref<1x32xi32, #tpu.memory_space<hbm>>
      %dma_start3A_545 = tpu.memref_squeeze %dma_start3A_544 : memref<1x32xi32, #tpu.memory_space<hbm>> -> memref<32xi32, #tpu.memory_space<hbm>>
      tpu.enqueue_dma source(%dma_start3A_545 : memref<32xi32, #tpu.memory_space<hbm>>) target(%arg8 : memref<32xi32, #tpu.memory_space<vmem>>) target_semaphore(%arg25 : memref<!tpu.dma_semaphore, #tpu.memory_space<semaphore_mem>>)
      %mul3A_546 = arith.constant 32 : i32
      %mul3A_547 = arith.muli %add3A_537, %mul3A_546 : i32
      %dma_start3A_548 = tpu.memref_slice %arg5[%mul3A_547] : memref<10240xi32, #tpu.memory_space<vmem>> -> memref<32xi32, #tpu.memory_space<vmem>>
      %dma_start3A_549 = arith.constant 0 : i32
      %dma_start3A_550 = arith.constant 0 : i32
      %dma_start3A_551 = tpu.memref_slice %arg2[%dma_start3A_549, %dma_start3A_550] : memref<10240x128xf32, #tpu.memory_space<hbm>> -> memref<10240x128xf32, #tpu.memory_space<hbm>>
      tpu.enqueue_indirect_dma source(%dma_start3A_551 : memref<10240x128xf32, #tpu.memory_space<hbm>>) target(%arg16 : memref<32x128xf32, #tpu.memory_space<vmem>>) offsets(%dma_start3A_548 : memref<32xi32, #tpu.memory_space<vmem>>) semaphore(%arg33 : memref<!tpu.dma_semaphore, #tpu.memory_space<semaphore_mem>>)
      %dma_start3A_552 = arith.constant 0 : i32
      %dma_start3A_553 = arith.constant 0 : i32
      %dma_start3A_554 = tpu.memref_slice %arg22[%dma_start3A_552, %dma_start3A_553] : memref<10240x128xf32, #tpu.memory_space<vmem_shared>> -> memref<10240x128xf32, #tpu.memory_space<vmem_shared>>
      tpu.enqueue_indirect_dma source(%arg18 : memref<32x128xf32, #tpu.memory_space<vmem>>) target(%dma_start3A_554 : memref<10240x128xf32, #tpu.memory_space<vmem_shared>>) offsets(%arg10 : memref<32xi32, #tpu.memory_space<vmem>>) semaphore(%arg43 : memref<!tpu.dma_semaphore, #tpu.memory_space<semaphore_mem>>) {add = true}
      %dma_wait3A_555 = arith.constant 1 : i32
      %dma_wait3A_556 = tpu.memref_slice %arg3[%dma_wait3A_555, %mul3A_2] : memref<2x327680xi32, #tpu.memory_space<hbm>> -> memref<1x32xi32, #tpu.memory_space<hbm>>
      %dma_wait3A_557 = tpu.memref_squeeze %dma_wait3A_556 : memref<1x32xi32, #tpu.memory_space<hbm>> -> memref<32xi32, #tpu.memory_space<hbm>>
      %dma_wait3A_558 = tpu.memref_slice %arg3[%dma_wait3A_555, %mul3A_2] : memref<2x327680xi32, #tpu.memory_space<hbm>> -> memref<1x32xi32, #tpu.memory_space<hbm>>
      %dma_wait3A_559 = tpu.memref_squeeze %dma_wait3A_558 : memref<1x32xi32, #tpu.memory_space<hbm>> -> memref<32xi32, #tpu.memory_space<hbm>>
      tpu.wait_dma2 semaphore(%arg28 : memref<!tpu.dma_semaphore, #tpu.memory_space<semaphore_mem>>) src(%dma_wait3A_559 : memref<32xi32, #tpu.memory_space<hbm>>) dst(%arg11 : memref<32xi32, #tpu.memory_space<vmem>>)
      %dma_wait3A_560 = arith.constant 0 : i32
      %dma_wait3A_561 = tpu.memref_slice %arg5[%dma_wait3A_560] : memref<10240xi32, #tpu.memory_space<vmem>> -> memref<32xi32, #tpu.memory_space<vmem>>
      %dma_wait3A_562 = arith.constant 0 : i32
      %dma_wait3A_563 = arith.constant 0 : i32
      %dma_wait3A_564 = tpu.memref_slice %arg2[%dma_wait3A_562, %dma_wait3A_563] : memref<10240x128xf32, #tpu.memory_space<hbm>> -> memref<10240x128xf32, #tpu.memory_space<hbm>>
      tpu.wait_indirect_dma semaphore(%arg36 : memref<!tpu.dma_semaphore, #tpu.memory_space<semaphore_mem>>) src(%dma_wait3A_564 : memref<10240x128xf32, #tpu.memory_space<hbm>>) dst(%arg19 : memref<32x128xf32, #tpu.memory_space<vmem>>)
      %dma_wait3A_565 = arith.constant 0 : i32
      %dma_wait3A_566 = arith.constant 0 : i32
      %dma_wait3A_567 = tpu.memref_slice %arg22[%dma_wait3A_565, %dma_wait3A_566] : memref<10240x128xf32, #tpu.memory_space<vmem_shared>> -> memref<10240x128xf32, #tpu.memory_space<vmem_shared>>
      tpu.wait_indirect_dma semaphore(%arg42 : memref<!tpu.dma_semaphore, #tpu.memory_space<semaphore_mem>>) src(%arg17 : memref<32x128xf32, #tpu.memory_space<vmem>>) dst(%dma_wait3A_567 : memref<10240x128xf32, #tpu.memory_space<vmem_shared>>)
      %add3A_568 = arith.constant 3 : i32
      %add3A_569 = arith.addi %add3A_452, %add3A_568 : i32
      %add3A_570 = arith.constant 6 : i32
      %add3A_571 = arith.addi %add3A_569, %add3A_570 : i32
      %mul3A_572 = arith.constant 32 : i32
      %mul3A_573 = arith.muli %add3A_571, %mul3A_572 : i32
      %add3A_574 = arith.addi %mul3A_2, %mul3A_573 : i32
      %dma_start3A_575 = arith.constant 1 : i32
      %dma_start3A_576 = tpu.memref_slice %arg3[%dma_start3A_575, %add3A_574] : memref<2x327680xi32, #tpu.memory_space<hbm>> -> memref<1x32xi32, #tpu.memory_space<hbm>>
      %dma_start3A_577 = tpu.memref_squeeze %dma_start3A_576 : memref<1x32xi32, #tpu.memory_space<hbm>> -> memref<32xi32, #tpu.memory_space<hbm>>
      %dma_start3A_578 = tpu.memref_slice %arg3[%dma_start3A_575, %add3A_574] : memref<2x327680xi32, #tpu.memory_space<hbm>> -> memref<1x32xi32, #tpu.memory_space<hbm>>
      %dma_start3A_579 = tpu.memref_squeeze %dma_start3A_578 : memref<1x32xi32, #tpu.memory_space<hbm>> -> memref<32xi32, #tpu.memory_space<hbm>>
      tpu.enqueue_dma source(%dma_start3A_579 : memref<32xi32, #tpu.memory_space<hbm>>) target(%arg9 : memref<32xi32, #tpu.memory_space<vmem>>) target_semaphore(%arg26 : memref<!tpu.dma_semaphore, #tpu.memory_space<semaphore_mem>>)
      %mul3A_580 = arith.constant 32 : i32
      %mul3A_581 = arith.muli %add3A_571, %mul3A_580 : i32
      %dma_start3A_582 = tpu.memref_slice %arg5[%mul3A_581] : memref<10240xi32, #tpu.memory_space<vmem>> -> memref<32xi32, #tpu.memory_space<vmem>>
      %dma_start3A_583 = arith.constant 0 : i32
      %dma_start3A_584 = arith.constant 0 : i32
      %dma_start3A_585 = tpu.memref_slice %arg2[%dma_start3A_583, %dma_start3A_584] : memref<10240x128xf32, #tpu.memory_space<hbm>> -> memref<10240x128xf32, #tpu.memory_space<hbm>>
      tpu.enqueue_indirect_dma source(%dma_start3A_585 : memref<10240x128xf32, #tpu.memory_space<hbm>>) target(%arg17 : memref<32x128xf32, #tpu.memory_space<vmem>>) offsets(%dma_start3A_582 : memref<32xi32, #tpu.memory_space<vmem>>) semaphore(%arg34 : memref<!tpu.dma_semaphore, #tpu.memory_space<semaphore_mem>>)
      %dma_start3A_586 = arith.constant 0 : i32
      %dma_start3A_587 = arith.constant 0 : i32
      %dma_start3A_588 = tpu.memref_slice %arg22[%dma_start3A_586, %dma_start3A_587] : memref<10240x128xf32, #tpu.memory_space<vmem_shared>> -> memref<10240x128xf32, #tpu.memory_space<vmem_shared>>
      tpu.enqueue_indirect_dma source(%arg19 : memref<32x128xf32, #tpu.memory_space<vmem>>) target(%dma_start3A_588 : memref<10240x128xf32, #tpu.memory_space<vmem_shared>>) offsets(%arg11 : memref<32xi32, #tpu.memory_space<vmem>>) semaphore(%arg44 : memref<!tpu.dma_semaphore, #tpu.memory_space<semaphore_mem>>) {add = true}
      %dma_wait3A_589 = arith.constant 1 : i32
      %dma_wait3A_590 = tpu.memref_slice %arg3[%dma_wait3A_589, %mul3A_2] : memref<2x327680xi32, #tpu.memory_space<hbm>> -> memref<1x32xi32, #tpu.memory_space<hbm>>
      %dma_wait3A_591 = tpu.memref_squeeze %dma_wait3A_590 : memref<1x32xi32, #tpu.memory_space<hbm>> -> memref<32xi32, #tpu.memory_space<hbm>>
      %dma_wait3A_592 = tpu.memref_slice %arg3[%dma_wait3A_589, %mul3A_2] : memref<2x327680xi32, #tpu.memory_space<hbm>> -> memref<1x32xi32, #tpu.memory_space<hbm>>
      %dma_wait3A_593 = tpu.memref_squeeze %dma_wait3A_592 : memref<1x32xi32, #tpu.memory_space<hbm>> -> memref<32xi32, #tpu.memory_space<hbm>>
      tpu.wait_dma2 semaphore(%arg29 : memref<!tpu.dma_semaphore, #tpu.memory_space<semaphore_mem>>) src(%dma_wait3A_593 : memref<32xi32, #tpu.memory_space<hbm>>) dst(%arg12 : memref<32xi32, #tpu.memory_space<vmem>>)
      %dma_wait3A_594 = arith.constant 0 : i32
      %dma_wait3A_595 = tpu.memref_slice %arg5[%dma_wait3A_594] : memref<10240xi32, #tpu.memory_space<vmem>> -> memref<32xi32, #tpu.memory_space<vmem>>
      %dma_wait3A_596 = arith.constant 0 : i32
      %dma_wait3A_597 = arith.constant 0 : i32
      %dma_wait3A_598 = tpu.memref_slice %arg2[%dma_wait3A_596, %dma_wait3A_597] : memref<10240x128xf32, #tpu.memory_space<hbm>> -> memref<10240x128xf32, #tpu.memory_space<hbm>>
      tpu.wait_indirect_dma semaphore(%arg37 : memref<!tpu.dma_semaphore, #tpu.memory_space<semaphore_mem>>) src(%dma_wait3A_598 : memref<10240x128xf32, #tpu.memory_space<hbm>>) dst(%arg20 : memref<32x128xf32, #tpu.memory_space<vmem>>)
      %dma_wait3A_599 = arith.constant 0 : i32
      %dma_wait3A_600 = arith.constant 0 : i32
      %dma_wait3A_601 = tpu.memref_slice %arg22[%dma_wait3A_599, %dma_wait3A_600] : memref<10240x128xf32, #tpu.memory_space<vmem_shared>> -> memref<10240x128xf32, #tpu.memory_space<vmem_shared>>
      tpu.wait_indirect_dma semaphore(%arg43 : memref<!tpu.dma_semaphore, #tpu.memory_space<semaphore_mem>>) src(%arg18 : memref<32x128xf32, #tpu.memory_space<vmem>>) dst(%dma_wait3A_601 : memref<10240x128xf32, #tpu.memory_space<vmem_shared>>)
      %add3A_602 = arith.constant 4 : i32
      %add3A_603 = arith.addi %add3A_452, %add3A_602 : i32
      %add3A_604 = arith.constant 6 : i32
      %add3A_605 = arith.addi %add3A_603, %add3A_604 : i32
      %mul3A_606 = arith.constant 32 : i32
      %mul3A_607 = arith.muli %add3A_605, %mul3A_606 : i32
      %add3A_608 = arith.addi %mul3A_2, %mul3A_607 : i32
      %dma_start3A_609 = arith.constant 1 : i32
      %dma_start3A_610 = tpu.memref_slice %arg3[%dma_start3A_609, %add3A_608] : memref<2x327680xi32, #tpu.memory_space<hbm>> -> memref<1x32xi32, #tpu.memory_space<hbm>>
      %dma_start3A_611 = tpu.memref_squeeze %dma_start3A_610 : memref<1x32xi32, #tpu.memory_space<hbm>> -> memref<32xi32, #tpu.memory_space<hbm>>
      %dma_start3A_612 = tpu.memref_slice %arg3[%dma_start3A_609, %add3A_608] : memref<2x327680xi32, #tpu.memory_space<hbm>> -> memref<1x32xi32, #tpu.memory_space<hbm>>
      %dma_start3A_613 = tpu.memref_squeeze %dma_start3A_612 : memref<1x32xi32, #tpu.memory_space<hbm>> -> memref<32xi32, #tpu.memory_space<hbm>>
      tpu.enqueue_dma source(%dma_start3A_613 : memref<32xi32, #tpu.memory_space<hbm>>) target(%arg10 : memref<32xi32, #tpu.memory_space<vmem>>) target_semaphore(%arg27 : memref<!tpu.dma_semaphore, #tpu.memory_space<semaphore_mem>>)
      %mul3A_614 = arith.constant 32 : i32
      %mul3A_615 = arith.muli %add3A_605, %mul3A_614 : i32
      %dma_start3A_616 = tpu.memref_slice %arg5[%mul3A_615] : memref<10240xi32, #tpu.memory_space<vmem>> -> memref<32xi32, #tpu.memory_space<vmem>>
      %dma_start3A_617 = arith.constant 0 : i32
      %dma_start3A_618 = arith.constant 0 : i32
      %dma_start3A_619 = tpu.memref_slice %arg2[%dma_start3A_617, %dma_start3A_618] : memref<10240x128xf32, #tpu.memory_space<hbm>> -> memref<10240x128xf32, #tpu.memory_space<hbm>>
      tpu.enqueue_indirect_dma source(%dma_start3A_619 : memref<10240x128xf32, #tpu.memory_space<hbm>>) target(%arg18 : memref<32x128xf32, #tpu.memory_space<vmem>>) offsets(%dma_start3A_616 : memref<32xi32, #tpu.memory_space<vmem>>) semaphore(%arg35 : memref<!tpu.dma_semaphore, #tpu.memory_space<semaphore_mem>>)
      %dma_start3A_620 = arith.constant 0 : i32
      %dma_start3A_621 = arith.constant 0 : i32
      %dma_start3A_622 = tpu.memref_slice %arg22[%dma_start3A_620, %dma_start3A_621] : memref<10240x128xf32, #tpu.memory_space<vmem_shared>> -> memref<10240x128xf32, #tpu.memory_space<vmem_shared>>
      tpu.enqueue_indirect_dma source(%arg20 : memref<32x128xf32, #tpu.memory_space<vmem>>) target(%dma_start3A_622 : memref<10240x128xf32, #tpu.memory_space<vmem_shared>>) offsets(%arg12 : memref<32xi32, #tpu.memory_space<vmem>>) semaphore(%arg45 : memref<!tpu.dma_semaphore, #tpu.memory_space<semaphore_mem>>) {add = true}
      %dma_wait3A_623 = arith.constant 1 : i32
      %dma_wait3A_624 = tpu.memref_slice %arg3[%dma_wait3A_623, %mul3A_2] : memref<2x327680xi32, #tpu.memory_space<hbm>> -> memref<1x32xi32, #tpu.memory_space<hbm>>
      %dma_wait3A_625 = tpu.memref_squeeze %dma_wait3A_624 : memref<1x32xi32, #tpu.memory_space<hbm>> -> memref<32xi32, #tpu.memory_space<hbm>>
      %dma_wait3A_626 = tpu.memref_slice %arg3[%dma_wait3A_623, %mul3A_2] : memref<2x327680xi32, #tpu.memory_space<hbm>> -> memref<1x32xi32, #tpu.memory_space<hbm>>
      %dma_wait3A_627 = tpu.memref_squeeze %dma_wait3A_626 : memref<1x32xi32, #tpu.memory_space<hbm>> -> memref<32xi32, #tpu.memory_space<hbm>>
      tpu.wait_dma2 semaphore(%arg30 : memref<!tpu.dma_semaphore, #tpu.memory_space<semaphore_mem>>) src(%dma_wait3A_627 : memref<32xi32, #tpu.memory_space<hbm>>) dst(%arg13 : memref<32xi32, #tpu.memory_space<vmem>>)
      %dma_wait3A_628 = arith.constant 0 : i32
      %dma_wait3A_629 = tpu.memref_slice %arg5[%dma_wait3A_628] : memref<10240xi32, #tpu.memory_space<vmem>> -> memref<32xi32, #tpu.memory_space<vmem>>
      %dma_wait3A_630 = arith.constant 0 : i32
      %dma_wait3A_631 = arith.constant 0 : i32
      %dma_wait3A_632 = tpu.memref_slice %arg2[%dma_wait3A_630, %dma_wait3A_631] : memref<10240x128xf32, #tpu.memory_space<hbm>> -> memref<10240x128xf32, #tpu.memory_space<hbm>>
      tpu.wait_indirect_dma semaphore(%arg38 : memref<!tpu.dma_semaphore, #tpu.memory_space<semaphore_mem>>) src(%dma_wait3A_632 : memref<10240x128xf32, #tpu.memory_space<hbm>>) dst(%arg21 : memref<32x128xf32, #tpu.memory_space<vmem>>)
      %dma_wait3A_633 = arith.constant 0 : i32
      %dma_wait3A_634 = arith.constant 0 : i32
      %dma_wait3A_635 = tpu.memref_slice %arg22[%dma_wait3A_633, %dma_wait3A_634] : memref<10240x128xf32, #tpu.memory_space<vmem_shared>> -> memref<10240x128xf32, #tpu.memory_space<vmem_shared>>
      tpu.wait_indirect_dma semaphore(%arg44 : memref<!tpu.dma_semaphore, #tpu.memory_space<semaphore_mem>>) src(%arg19 : memref<32x128xf32, #tpu.memory_space<vmem>>) dst(%dma_wait3A_635 : memref<10240x128xf32, #tpu.memory_space<vmem_shared>>)
      %add3A_636 = arith.constant 5 : i32
      %add3A_637 = arith.addi %add3A_452, %add3A_636 : i32
      %add3A_638 = arith.constant 6 : i32
      %add3A_639 = arith.addi %add3A_637, %add3A_638 : i32
      %mul3A_640 = arith.constant 32 : i32
      %mul3A_641 = arith.muli %add3A_639, %mul3A_640 : i32
      %add3A_642 = arith.addi %mul3A_2, %mul3A_641 : i32
      %dma_start3A_643 = arith.constant 1 : i32
      %dma_start3A_644 = tpu.memref_slice %arg3[%dma_start3A_643, %add3A_642] : memref<2x327680xi32, #tpu.memory_space<hbm>> -> memref<1x32xi32, #tpu.memory_space<hbm>>
      %dma_start3A_645 = tpu.memref_squeeze %dma_start3A_644 : memref<1x32xi32, #tpu.memory_space<hbm>> -> memref<32xi32, #tpu.memory_space<hbm>>
      %dma_start3A_646 = tpu.memref_slice %arg3[%dma_start3A_643, %add3A_642] : memref<2x327680xi32, #tpu.memory_space<hbm>> -> memref<1x32xi32, #tpu.memory_space<hbm>>
      %dma_start3A_647 = tpu.memref_squeeze %dma_start3A_646 : memref<1x32xi32, #tpu.memory_space<hbm>> -> memref<32xi32, #tpu.memory_space<hbm>>
      tpu.enqueue_dma source(%dma_start3A_647 : memref<32xi32, #tpu.memory_space<hbm>>) target(%arg11 : memref<32xi32, #tpu.memory_space<vmem>>) target_semaphore(%arg28 : memref<!tpu.dma_semaphore, #tpu.memory_space<semaphore_mem>>)
      %mul3A_648 = arith.constant 32 : i32
      %mul3A_649 = arith.muli %add3A_639, %mul3A_648 : i32
      %dma_start3A_650 = tpu.memref_slice %arg5[%mul3A_649] : memref<10240xi32, #tpu.memory_space<vmem>> -> memref<32xi32, #tpu.memory_space<vmem>>
      %dma_start3A_651 = arith.constant 0 : i32
      %dma_start3A_652 = arith.constant 0 : i32
      %dma_start3A_653 = tpu.memref_slice %arg2[%dma_start3A_651, %dma_start3A_652] : memref<10240x128xf32, #tpu.memory_space<hbm>> -> memref<10240x128xf32, #tpu.memory_space<hbm>>
      tpu.enqueue_indirect_dma source(%dma_start3A_653 : memref<10240x128xf32, #tpu.memory_space<hbm>>) target(%arg19 : memref<32x128xf32, #tpu.memory_space<vmem>>) offsets(%dma_start3A_650 : memref<32xi32, #tpu.memory_space<vmem>>) semaphore(%arg36 : memref<!tpu.dma_semaphore, #tpu.memory_space<semaphore_mem>>)
      %dma_start3A_654 = arith.constant 0 : i32
      %dma_start3A_655 = arith.constant 0 : i32
      %dma_start3A_656 = tpu.memref_slice %arg22[%dma_start3A_654, %dma_start3A_655] : memref<10240x128xf32, #tpu.memory_space<vmem_shared>> -> memref<10240x128xf32, #tpu.memory_space<vmem_shared>>
      tpu.enqueue_indirect_dma source(%arg21 : memref<32x128xf32, #tpu.memory_space<vmem>>) target(%dma_start3A_656 : memref<10240x128xf32, #tpu.memory_space<vmem_shared>>) offsets(%arg13 : memref<32xi32, #tpu.memory_space<vmem>>) semaphore(%arg46 : memref<!tpu.dma_semaphore, #tpu.memory_space<semaphore_mem>>) {add = true}
      %dma_wait3A_657 = arith.constant 1 : i32
      %dma_wait3A_658 = tpu.memref_slice %arg3[%dma_wait3A_657, %mul3A_2] : memref<2x327680xi32, #tpu.memory_space<hbm>> -> memref<1x32xi32, #tpu.memory_space<hbm>>
      %dma_wait3A_659 = tpu.memref_squeeze %dma_wait3A_658 : memref<1x32xi32, #tpu.memory_space<hbm>> -> memref<32xi32, #tpu.memory_space<hbm>>
      %dma_wait3A_660 = tpu.memref_slice %arg3[%dma_wait3A_657, %mul3A_2] : memref<2x327680xi32, #tpu.memory_space<hbm>> -> memref<1x32xi32, #tpu.memory_space<hbm>>
      %dma_wait3A_661 = tpu.memref_squeeze %dma_wait3A_660 : memref<1x32xi32, #tpu.memory_space<hbm>> -> memref<32xi32, #tpu.memory_space<hbm>>
      tpu.wait_dma2 semaphore(%arg23 : memref<!tpu.dma_semaphore, #tpu.memory_space<semaphore_mem>>) src(%dma_wait3A_661 : memref<32xi32, #tpu.memory_space<hbm>>) dst(%arg6 : memref<32xi32, #tpu.memory_space<vmem>>)
      %dma_wait3A_662 = arith.constant 0 : i32
      %dma_wait3A_663 = tpu.memref_slice %arg5[%dma_wait3A_662] : memref<10240xi32, #tpu.memory_space<vmem>> -> memref<32xi32, #tpu.memory_space<vmem>>
      %dma_wait3A_664 = arith.constant 0 : i32
      %dma_wait3A_665 = arith.constant 0 : i32
      %dma_wait3A_666 = tpu.memref_slice %arg2[%dma_wait3A_664, %dma_wait3A_665] : memref<10240x128xf32, #tpu.memory_space<hbm>> -> memref<10240x128xf32, #tpu.memory_space<hbm>>
      tpu.wait_indirect_dma semaphore(%arg31 : memref<!tpu.dma_semaphore, #tpu.memory_space<semaphore_mem>>) src(%dma_wait3A_666 : memref<10240x128xf32, #tpu.memory_space<hbm>>) dst(%arg14 : memref<32x128xf32, #tpu.memory_space<vmem>>)
      %dma_wait3A_667 = arith.constant 0 : i32
      %dma_wait3A_668 = arith.constant 0 : i32
      %dma_wait3A_669 = tpu.memref_slice %arg22[%dma_wait3A_667, %dma_wait3A_668] : memref<10240x128xf32, #tpu.memory_space<vmem_shared>> -> memref<10240x128xf32, #tpu.memory_space<vmem_shared>>
      tpu.wait_indirect_dma semaphore(%arg45 : memref<!tpu.dma_semaphore, #tpu.memory_space<semaphore_mem>>) src(%arg20 : memref<32x128xf32, #tpu.memory_space<vmem>>) dst(%dma_wait3A_669 : memref<10240x128xf32, #tpu.memory_space<vmem_shared>>)
      %add3A_670 = arith.constant 6 : i32
      %add3A_671 = arith.addi %add3A_452, %add3A_670 : i32
      %add3A_672 = arith.constant 6 : i32
      %add3A_673 = arith.addi %add3A_671, %add3A_672 : i32
      %mul3A_674 = arith.constant 32 : i32
      %mul3A_675 = arith.muli %add3A_673, %mul3A_674 : i32
      %add3A_676 = arith.addi %mul3A_2, %mul3A_675 : i32
      %dma_start3A_677 = arith.constant 1 : i32
      %dma_start3A_678 = tpu.memref_slice %arg3[%dma_start3A_677, %add3A_676] : memref<2x327680xi32, #tpu.memory_space<hbm>> -> memref<1x32xi32, #tpu.memory_space<hbm>>
      %dma_start3A_679 = tpu.memref_squeeze %dma_start3A_678 : memref<1x32xi32, #tpu.memory_space<hbm>> -> memref<32xi32, #tpu.memory_space<hbm>>
      %dma_start3A_680 = tpu.memref_slice %arg3[%dma_start3A_677, %add3A_676] : memref<2x327680xi32, #tpu.memory_space<hbm>> -> memref<1x32xi32, #tpu.memory_space<hbm>>
      %dma_start3A_681 = tpu.memref_squeeze %dma_start3A_680 : memref<1x32xi32, #tpu.memory_space<hbm>> -> memref<32xi32, #tpu.memory_space<hbm>>
      tpu.enqueue_dma source(%dma_start3A_681 : memref<32xi32, #tpu.memory_space<hbm>>) target(%arg12 : memref<32xi32, #tpu.memory_space<vmem>>) target_semaphore(%arg29 : memref<!tpu.dma_semaphore, #tpu.memory_space<semaphore_mem>>)
      %mul3A_682 = arith.constant 32 : i32
      %mul3A_683 = arith.muli %add3A_673, %mul3A_682 : i32
      %dma_start3A_684 = tpu.memref_slice %arg5[%mul3A_683] : memref<10240xi32, #tpu.memory_space<vmem>> -> memref<32xi32, #tpu.memory_space<vmem>>
      %dma_start3A_685 = arith.constant 0 : i32
      %dma_start3A_686 = arith.constant 0 : i32
      %dma_start3A_687 = tpu.memref_slice %arg2[%dma_start3A_685, %dma_start3A_686] : memref<10240x128xf32, #tpu.memory_space<hbm>> -> memref<10240x128xf32, #tpu.memory_space<hbm>>
      tpu.enqueue_indirect_dma source(%dma_start3A_687 : memref<10240x128xf32, #tpu.memory_space<hbm>>) target(%arg20 : memref<32x128xf32, #tpu.memory_space<vmem>>) offsets(%dma_start3A_684 : memref<32xi32, #tpu.memory_space<vmem>>) semaphore(%arg37 : memref<!tpu.dma_semaphore, #tpu.memory_space<semaphore_mem>>)
      %dma_start3A_688 = arith.constant 0 : i32
      %dma_start3A_689 = arith.constant 0 : i32
      %dma_start3A_690 = tpu.memref_slice %arg22[%dma_start3A_688, %dma_start3A_689] : memref<10240x128xf32, #tpu.memory_space<vmem_shared>> -> memref<10240x128xf32, #tpu.memory_space<vmem_shared>>
      tpu.enqueue_indirect_dma source(%arg14 : memref<32x128xf32, #tpu.memory_space<vmem>>) target(%dma_start3A_690 : memref<10240x128xf32, #tpu.memory_space<vmem_shared>>) offsets(%arg6 : memref<32xi32, #tpu.memory_space<vmem>>) semaphore(%arg39 : memref<!tpu.dma_semaphore, #tpu.memory_space<semaphore_mem>>) {add = true}
      %dma_wait3A_691 = arith.constant 1 : i32
      %dma_wait3A_692 = tpu.memref_slice %arg3[%dma_wait3A_691, %mul3A_2] : memref<2x327680xi32, #tpu.memory_space<hbm>> -> memref<1x32xi32, #tpu.memory_space<hbm>>
      %dma_wait3A_693 = tpu.memref_squeeze %dma_wait3A_692 : memref<1x32xi32, #tpu.memory_space<hbm>> -> memref<32xi32, #tpu.memory_space<hbm>>
      %dma_wait3A_694 = tpu.memref_slice %arg3[%dma_wait3A_691, %mul3A_2] : memref<2x327680xi32, #tpu.memory_space<hbm>> -> memref<1x32xi32, #tpu.memory_space<hbm>>
      %dma_wait3A_695 = tpu.memref_squeeze %dma_wait3A_694 : memref<1x32xi32, #tpu.memory_space<hbm>> -> memref<32xi32, #tpu.memory_space<hbm>>
      tpu.wait_dma2 semaphore(%arg24 : memref<!tpu.dma_semaphore, #tpu.memory_space<semaphore_mem>>) src(%dma_wait3A_695 : memref<32xi32, #tpu.memory_space<hbm>>) dst(%arg7 : memref<32xi32, #tpu.memory_space<vmem>>)
      %dma_wait3A_696 = arith.constant 0 : i32
      %dma_wait3A_697 = tpu.memref_slice %arg5[%dma_wait3A_696] : memref<10240xi32, #tpu.memory_space<vmem>> -> memref<32xi32, #tpu.memory_space<vmem>>
      %dma_wait3A_698 = arith.constant 0 : i32
      %dma_wait3A_699 = arith.constant 0 : i32
      %dma_wait3A_700 = tpu.memref_slice %arg2[%dma_wait3A_698, %dma_wait3A_699] : memref<10240x128xf32, #tpu.memory_space<hbm>> -> memref<10240x128xf32, #tpu.memory_space<hbm>>
      tpu.wait_indirect_dma semaphore(%arg32 : memref<!tpu.dma_semaphore, #tpu.memory_space<semaphore_mem>>) src(%dma_wait3A_700 : memref<10240x128xf32, #tpu.memory_space<hbm>>) dst(%arg15 : memref<32x128xf32, #tpu.memory_space<vmem>>)
      %dma_wait3A_701 = arith.constant 0 : i32
      %dma_wait3A_702 = arith.constant 0 : i32
      %dma_wait3A_703 = tpu.memref_slice %arg22[%dma_wait3A_701, %dma_wait3A_702] : memref<10240x128xf32, #tpu.memory_space<vmem_shared>> -> memref<10240x128xf32, #tpu.memory_space<vmem_shared>>
      tpu.wait_indirect_dma semaphore(%arg46 : memref<!tpu.dma_semaphore, #tpu.memory_space<semaphore_mem>>) src(%arg21 : memref<32x128xf32, #tpu.memory_space<vmem>>) dst(%dma_wait3A_703 : memref<10240x128xf32, #tpu.memory_space<vmem_shared>>)
      %add3A_704 = arith.constant 7 : i32
      %add3A_705 = arith.addi %add3A_452, %add3A_704 : i32
      %add3A_706 = arith.constant 6 : i32
      %add3A_707 = arith.addi %add3A_705, %add3A_706 : i32
      %mul3A_708 = arith.constant 32 : i32
      %mul3A_709 = arith.muli %add3A_707, %mul3A_708 : i32
      %add3A_710 = arith.addi %mul3A_2, %mul3A_709 : i32
      %dma_start3A_711 = arith.constant 1 : i32
      %dma_start3A_712 = tpu.memref_slice %arg3[%dma_start3A_711, %add3A_710] : memref<2x327680xi32, #tpu.memory_space<hbm>> -> memref<1x32xi32, #tpu.memory_space<hbm>>
      %dma_start3A_713 = tpu.memref_squeeze %dma_start3A_712 : memref<1x32xi32, #tpu.memory_space<hbm>> -> memref<32xi32, #tpu.memory_space<hbm>>
      %dma_start3A_714 = tpu.memref_slice %arg3[%dma_start3A_711, %add3A_710] : memref<2x327680xi32, #tpu.memory_space<hbm>> -> memref<1x32xi32, #tpu.memory_space<hbm>>
      %dma_start3A_715 = tpu.memref_squeeze %dma_start3A_714 : memref<1x32xi32, #tpu.memory_space<hbm>> -> memref<32xi32, #tpu.memory_space<hbm>>
      tpu.enqueue_dma source(%dma_start3A_715 : memref<32xi32, #tpu.memory_space<hbm>>) target(%arg13 : memref<32xi32, #tpu.memory_space<vmem>>) target_semaphore(%arg30 : memref<!tpu.dma_semaphore, #tpu.memory_space<semaphore_mem>>)
      %mul3A_716 = arith.constant 32 : i32
      %mul3A_717 = arith.muli %add3A_707, %mul3A_716 : i32
      %dma_start3A_718 = tpu.memref_slice %arg5[%mul3A_717] : memref<10240xi32, #tpu.memory_space<vmem>> -> memref<32xi32, #tpu.memory_space<vmem>>
      %dma_start3A_719 = arith.constant 0 : i32
      %dma_start3A_720 = arith.constant 0 : i32
      %dma_start3A_721 = tpu.memref_slice %arg2[%dma_start3A_719, %dma_start3A_720] : memref<10240x128xf32, #tpu.memory_space<hbm>> -> memref<10240x128xf32, #tpu.memory_space<hbm>>
      tpu.enqueue_indirect_dma source(%dma_start3A_721 : memref<10240x128xf32, #tpu.memory_space<hbm>>) target(%arg21 : memref<32x128xf32, #tpu.memory_space<vmem>>) offsets(%dma_start3A_718 : memref<32xi32, #tpu.memory_space<vmem>>) semaphore(%arg38 : memref<!tpu.dma_semaphore, #tpu.memory_space<semaphore_mem>>)
      %dma_start3A_722 = arith.constant 0 : i32
      %dma_start3A_723 = arith.constant 0 : i32
      %dma_start3A_724 = tpu.memref_slice %arg22[%dma_start3A_722, %dma_start3A_723] : memref<10240x128xf32, #tpu.memory_space<vmem_shared>> -> memref<10240x128xf32, #tpu.memory_space<vmem_shared>>
      tpu.enqueue_indirect_dma source(%arg15 : memref<32x128xf32, #tpu.memory_space<vmem>>) target(%dma_start3A_724 : memref<10240x128xf32, #tpu.memory_space<vmem_shared>>) offsets(%arg7 : memref<32xi32, #tpu.memory_space<vmem>>) semaphore(%arg40 : memref<!tpu.dma_semaphore, #tpu.memory_space<semaphore_mem>>) {add = true}
    }
    %scan3A_344 = arith.constant 39 : i32
    %dma_wait3A_345 = arith.constant 1 : i32
    %dma_wait3A_346 = tpu.memref_slice %arg3[%dma_wait3A_345, %mul3A_2] : memref<2x327680xi32, #tpu.memory_space<hbm>> -> memref<1x32xi32, #tpu.memory_space<hbm>>
    %dma_wait3A_347 = tpu.memref_squeeze %dma_wait3A_346 : memref<1x32xi32, #tpu.memory_space<hbm>> -> memref<32xi32, #tpu.memory_space<hbm>>
    %dma_wait3A_348 = tpu.memref_slice %arg3[%dma_wait3A_345, %mul3A_2] : memref<2x327680xi32, #tpu.memory_space<hbm>> -> memref<1x32xi32, #tpu.memory_space<hbm>>
    %dma_wait3A_349 = tpu.memref_squeeze %dma_wait3A_348 : memref<1x32xi32, #tpu.memory_space<hbm>> -> memref<32xi32, #tpu.memory_space<hbm>>
    tpu.wait_dma2 semaphore(%arg25 : memref<!tpu.dma_semaphore, #tpu.memory_space<semaphore_mem>>) src(%dma_wait3A_349 : memref<32xi32, #tpu.memory_space<hbm>>) dst(%arg8 : memref<32xi32, #tpu.memory_space<vmem>>)
    %dma_wait3A_350 = arith.constant 0 : i32
    %dma_wait3A_351 = tpu.memref_slice %arg5[%dma_wait3A_350] : memref<10240xi32, #tpu.memory_space<vmem>> -> memref<32xi32, #tpu.memory_space<vmem>>
    %dma_wait3A_352 = arith.constant 0 : i32
    %dma_wait3A_353 = arith.constant 0 : i32
    %dma_wait3A_354 = tpu.memref_slice %arg2[%dma_wait3A_352, %dma_wait3A_353] : memref<10240x128xf32, #tpu.memory_space<hbm>> -> memref<10240x128xf32, #tpu.memory_space<hbm>>
    tpu.wait_indirect_dma semaphore(%arg33 : memref<!tpu.dma_semaphore, #tpu.memory_space<semaphore_mem>>) src(%dma_wait3A_354 : memref<10240x128xf32, #tpu.memory_space<hbm>>) dst(%arg16 : memref<32x128xf32, #tpu.memory_space<vmem>>)
    %dma_wait3A_355 = arith.constant 0 : i32
    %dma_wait3A_356 = arith.constant 0 : i32
    %dma_wait3A_357 = tpu.memref_slice %arg22[%dma_wait3A_355, %dma_wait3A_356] : memref<10240x128xf32, #tpu.memory_space<vmem_shared>> -> memref<10240x128xf32, #tpu.memory_space<vmem_shared>>
    tpu.wait_indirect_dma semaphore(%arg39 : memref<!tpu.dma_semaphore, #tpu.memory_space<semaphore_mem>>) src(%arg14 : memref<32x128xf32, #tpu.memory_space<vmem>>) dst(%dma_wait3A_357 : memref<10240x128xf32, #tpu.memory_space<vmem_shared>>)
    %dma_start3A_358 = arith.constant 0 : i32
    %dma_start3A_359 = arith.constant 0 : i32
    %dma_start3A_360 = tpu.memref_slice %arg22[%dma_start3A_358, %dma_start3A_359] : memref<10240x128xf32, #tpu.memory_space<vmem_shared>> -> memref<10240x128xf32, #tpu.memory_space<vmem_shared>>
    tpu.enqueue_indirect_dma source(%arg16 : memref<32x128xf32, #tpu.memory_space<vmem>>) target(%dma_start3A_360 : memref<10240x128xf32, #tpu.memory_space<vmem_shared>>) offsets(%arg8 : memref<32xi32, #tpu.memory_space<vmem>>) semaphore(%arg41 : memref<!tpu.dma_semaphore, #tpu.memory_space<semaphore_mem>>) {add = true}
    %dma_wait3A_361 = arith.constant 1 : i32
    %dma_wait3A_362 = tpu.memref_slice %arg3[%dma_wait3A_361, %mul3A_2] : memref<2x327680xi32, #tpu.memory_space<hbm>> -> memref<1x32xi32, #tpu.memory_space<hbm>>
    %dma_wait3A_363 = tpu.memref_squeeze %dma_wait3A_362 : memref<1x32xi32, #tpu.memory_space<hbm>> -> memref<32xi32, #tpu.memory_space<hbm>>
    %dma_wait3A_364 = tpu.memref_slice %arg3[%dma_wait3A_361, %mul3A_2] : memref<2x327680xi32, #tpu.memory_space<hbm>> -> memref<1x32xi32, #tpu.memory_space<hbm>>
    %dma_wait3A_365 = tpu.memref_squeeze %dma_wait3A_364 : memref<1x32xi32, #tpu.memory_space<hbm>> -> memref<32xi32, #tpu.memory_space<hbm>>
    tpu.wait_dma2 semaphore(%arg26 : memref<!tpu.dma_semaphore, #tpu.memory_space<semaphore_mem>>) src(%dma_wait3A_365 : memref<32xi32, #tpu.memory_space<hbm>>) dst(%arg9 : memref<32xi32, #tpu.memory_space<vmem>>)
    %dma_wait3A_366 = arith.constant 0 : i32
    %dma_wait3A_367 = tpu.memref_slice %arg5[%dma_wait3A_366] : memref<10240xi32, #tpu.memory_space<vmem>> -> memref<32xi32, #tpu.memory_space<vmem>>
    %dma_wait3A_368 = arith.constant 0 : i32
    %dma_wait3A_369 = arith.constant 0 : i32
    %dma_wait3A_370 = tpu.memref_slice %arg2[%dma_wait3A_368, %dma_wait3A_369] : memref<10240x128xf32, #tpu.memory_space<hbm>> -> memref<10240x128xf32, #tpu.memory_space<hbm>>
    tpu.wait_indirect_dma semaphore(%arg34 : memref<!tpu.dma_semaphore, #tpu.memory_space<semaphore_mem>>) src(%dma_wait3A_370 : memref<10240x128xf32, #tpu.memory_space<hbm>>) dst(%arg17 : memref<32x128xf32, #tpu.memory_space<vmem>>)
    %dma_wait3A_371 = arith.constant 0 : i32
    %dma_wait3A_372 = arith.constant 0 : i32
    %dma_wait3A_373 = tpu.memref_slice %arg22[%dma_wait3A_371, %dma_wait3A_372] : memref<10240x128xf32, #tpu.memory_space<vmem_shared>> -> memref<10240x128xf32, #tpu.memory_space<vmem_shared>>
    tpu.wait_indirect_dma semaphore(%arg40 : memref<!tpu.dma_semaphore, #tpu.memory_space<semaphore_mem>>) src(%arg15 : memref<32x128xf32, #tpu.memory_space<vmem>>) dst(%dma_wait3A_373 : memref<10240x128xf32, #tpu.memory_space<vmem_shared>>)
    %dma_start3A_374 = arith.constant 0 : i32
    %dma_start3A_375 = arith.constant 0 : i32
    %dma_start3A_376 = tpu.memref_slice %arg22[%dma_start3A_374, %dma_start3A_375] : memref<10240x128xf32, #tpu.memory_space<vmem_shared>> -> memref<10240x128xf32, #tpu.memory_space<vmem_shared>>
    tpu.enqueue_indirect_dma source(%arg17 : memref<32x128xf32, #tpu.memory_space<vmem>>) target(%dma_start3A_376 : memref<10240x128xf32, #tpu.memory_space<vmem_shared>>) offsets(%arg9 : memref<32xi32, #tpu.memory_space<vmem>>) semaphore(%arg42 : memref<!tpu.dma_semaphore, #tpu.memory_space<semaphore_mem>>) {add = true}
    %dma_wait3A_377 = arith.constant 1 : i32
    %dma_wait3A_378 = tpu.memref_slice %arg3[%dma_wait3A_377, %mul3A_2] : memref<2x327680xi32, #tpu.memory_space<hbm>> -> memref<1x32xi32, #tpu.memory_space<hbm>>
    %dma_wait3A_379 = tpu.memref_squeeze %dma_wait3A_378 : memref<1x32xi32, #tpu.memory_space<hbm>> -> memref<32xi32, #tpu.memory_space<hbm>>
    %dma_wait3A_380 = tpu.memref_slice %arg3[%dma_wait3A_377, %mul3A_2] : memref<2x327680xi32, #tpu.memory_space<hbm>> -> memref<1x32xi32, #tpu.memory_space<hbm>>
    %dma_wait3A_381 = tpu.memref_squeeze %dma_wait3A_380 : memref<1x32xi32, #tpu.memory_space<hbm>> -> memref<32xi32, #tpu.memory_space<hbm>>
    tpu.wait_dma2 semaphore(%arg27 : memref<!tpu.dma_semaphore, #tpu.memory_space<semaphore_mem>>) src(%dma_wait3A_381 : memref<32xi32, #tpu.memory_space<hbm>>) dst(%arg10 : memref<32xi32, #tpu.memory_space<vmem>>)
    %dma_wait3A_382 = arith.constant 0 : i32
    %dma_wait3A_383 = tpu.memref_slice %arg5[%dma_wait3A_382] : memref<10240xi32, #tpu.memory_space<vmem>> -> memref<32xi32, #tpu.memory_space<vmem>>
    %dma_wait3A_384 = arith.constant 0 : i32
    %dma_wait3A_385 = arith.constant 0 : i32
    %dma_wait3A_386 = tpu.memref_slice %arg2[%dma_wait3A_384, %dma_wait3A_385] : memref<10240x128xf32, #tpu.memory_space<hbm>> -> memref<10240x128xf32, #tpu.memory_space<hbm>>
    tpu.wait_indirect_dma semaphore(%arg35 : memref<!tpu.dma_semaphore, #tpu.memory_space<semaphore_mem>>) src(%dma_wait3A_386 : memref<10240x128xf32, #tpu.memory_space<hbm>>) dst(%arg18 : memref<32x128xf32, #tpu.memory_space<vmem>>)
    %dma_wait3A_387 = arith.constant 0 : i32
    %dma_wait3A_388 = arith.constant 0 : i32
    %dma_wait3A_389 = tpu.memref_slice %arg22[%dma_wait3A_387, %dma_wait3A_388] : memref<10240x128xf32, #tpu.memory_space<vmem_shared>> -> memref<10240x128xf32, #tpu.memory_space<vmem_shared>>
    tpu.wait_indirect_dma semaphore(%arg41 : memref<!tpu.dma_semaphore, #tpu.memory_space<semaphore_mem>>) src(%arg16 : memref<32x128xf32, #tpu.memory_space<vmem>>) dst(%dma_wait3A_389 : memref<10240x128xf32, #tpu.memory_space<vmem_shared>>)
    %dma_start3A_390 = arith.constant 0 : i32
    %dma_start3A_391 = arith.constant 0 : i32
    %dma_start3A_392 = tpu.memref_slice %arg22[%dma_start3A_390, %dma_start3A_391] : memref<10240x128xf32, #tpu.memory_space<vmem_shared>> -> memref<10240x128xf32, #tpu.memory_space<vmem_shared>>
    tpu.enqueue_indirect_dma source(%arg18 : memref<32x128xf32, #tpu.memory_space<vmem>>) target(%dma_start3A_392 : memref<10240x128xf32, #tpu.memory_space<vmem_shared>>) offsets(%arg10 : memref<32xi32, #tpu.memory_space<vmem>>) semaphore(%arg43 : memref<!tpu.dma_semaphore, #tpu.memory_space<semaphore_mem>>) {add = true}
    %dma_wait3A_393 = arith.constant 1 : i32
    %dma_wait3A_394 = tpu.memref_slice %arg3[%dma_wait3A_393, %mul3A_2] : memref<2x327680xi32, #tpu.memory_space<hbm>> -> memref<1x32xi32, #tpu.memory_space<hbm>>
    %dma_wait3A_395 = tpu.memref_squeeze %dma_wait3A_394 : memref<1x32xi32, #tpu.memory_space<hbm>> -> memref<32xi32, #tpu.memory_space<hbm>>
    %dma_wait3A_396 = tpu.memref_slice %arg3[%dma_wait3A_393, %mul3A_2] : memref<2x327680xi32, #tpu.memory_space<hbm>> -> memref<1x32xi32, #tpu.memory_space<hbm>>
    %dma_wait3A_397 = tpu.memref_squeeze %dma_wait3A_396 : memref<1x32xi32, #tpu.memory_space<hbm>> -> memref<32xi32, #tpu.memory_space<hbm>>
    tpu.wait_dma2 semaphore(%arg28 : memref<!tpu.dma_semaphore, #tpu.memory_space<semaphore_mem>>) src(%dma_wait3A_397 : memref<32xi32, #tpu.memory_space<hbm>>) dst(%arg11 : memref<32xi32, #tpu.memory_space<vmem>>)
    %dma_wait3A_398 = arith.constant 0 : i32
    %dma_wait3A_399 = tpu.memref_slice %arg5[%dma_wait3A_398] : memref<10240xi32, #tpu.memory_space<vmem>> -> memref<32xi32, #tpu.memory_space<vmem>>
    %dma_wait3A_400 = arith.constant 0 : i32
    %dma_wait3A_401 = arith.constant 0 : i32
    %dma_wait3A_402 = tpu.memref_slice %arg2[%dma_wait3A_400, %dma_wait3A_401] : memref<10240x128xf32, #tpu.memory_space<hbm>> -> memref<10240x128xf32, #tpu.memory_space<hbm>>
    tpu.wait_indirect_dma semaphore(%arg36 : memref<!tpu.dma_semaphore, #tpu.memory_space<semaphore_mem>>) src(%dma_wait3A_402 : memref<10240x128xf32, #tpu.memory_space<hbm>>) dst(%arg19 : memref<32x128xf32, #tpu.memory_space<vmem>>)
    %dma_wait3A_403 = arith.constant 0 : i32
    %dma_wait3A_404 = arith.constant 0 : i32
    %dma_wait3A_405 = tpu.memref_slice %arg22[%dma_wait3A_403, %dma_wait3A_404] : memref<10240x128xf32, #tpu.memory_space<vmem_shared>> -> memref<10240x128xf32, #tpu.memory_space<vmem_shared>>
    tpu.wait_indirect_dma semaphore(%arg42 : memref<!tpu.dma_semaphore, #tpu.memory_space<semaphore_mem>>) src(%arg17 : memref<32x128xf32, #tpu.memory_space<vmem>>) dst(%dma_wait3A_405 : memref<10240x128xf32, #tpu.memory_space<vmem_shared>>)
    %dma_start3A_406 = arith.constant 0 : i32
    %dma_start3A_407 = arith.constant 0 : i32
    %dma_start3A_408 = tpu.memref_slice %arg22[%dma_start3A_406, %dma_start3A_407] : memref<10240x128xf32, #tpu.memory_space<vmem_shared>> -> memref<10240x128xf32, #tpu.memory_space<vmem_shared>>
    tpu.enqueue_indirect_dma source(%arg19 : memref<32x128xf32, #tpu.memory_space<vmem>>) target(%dma_start3A_408 : memref<10240x128xf32, #tpu.memory_space<vmem_shared>>) offsets(%arg11 : memref<32xi32, #tpu.memory_space<vmem>>) semaphore(%arg44 : memref<!tpu.dma_semaphore, #tpu.memory_space<semaphore_mem>>) {add = true}
    %dma_wait3A_409 = arith.constant 1 : i32
    %dma_wait3A_410 = tpu.memref_slice %arg3[%dma_wait3A_409, %mul3A_2] : memref<2x327680xi32, #tpu.memory_space<hbm>> -> memref<1x32xi32, #tpu.memory_space<hbm>>
    %dma_wait3A_411 = tpu.memref_squeeze %dma_wait3A_410 : memref<1x32xi32, #tpu.memory_space<hbm>> -> memref<32xi32, #tpu.memory_space<hbm>>
    %dma_wait3A_412 = tpu.memref_slice %arg3[%dma_wait3A_409, %mul3A_2] : memref<2x327680xi32, #tpu.memory_space<hbm>> -> memref<1x32xi32, #tpu.memory_space<hbm>>
    %dma_wait3A_413 = tpu.memref_squeeze %dma_wait3A_412 : memref<1x32xi32, #tpu.memory_space<hbm>> -> memref<32xi32, #tpu.memory_space<hbm>>
    tpu.wait_dma2 semaphore(%arg29 : memref<!tpu.dma_semaphore, #tpu.memory_space<semaphore_mem>>) src(%dma_wait3A_413 : memref<32xi32, #tpu.memory_space<hbm>>) dst(%arg12 : memref<32xi32, #tpu.memory_space<vmem>>)
    %dma_wait3A_414 = arith.constant 0 : i32
    %dma_wait3A_415 = tpu.memref_slice %arg5[%dma_wait3A_414] : memref<10240xi32, #tpu.memory_space<vmem>> -> memref<32xi32, #tpu.memory_space<vmem>>
    %dma_wait3A_416 = arith.constant 0 : i32
    %dma_wait3A_417 = arith.constant 0 : i32
    %dma_wait3A_418 = tpu.memref_slice %arg2[%dma_wait3A_416, %dma_wait3A_417] : memref<10240x128xf32, #tpu.memory_space<hbm>> -> memref<10240x128xf32, #tpu.memory_space<hbm>>
    tpu.wait_indirect_dma semaphore(%arg37 : memref<!tpu.dma_semaphore, #tpu.memory_space<semaphore_mem>>) src(%dma_wait3A_418 : memref<10240x128xf32, #tpu.memory_space<hbm>>) dst(%arg20 : memref<32x128xf32, #tpu.memory_space<vmem>>)
    %dma_wait3A_419 = arith.constant 0 : i32
    %dma_wait3A_420 = arith.constant 0 : i32
    %dma_wait3A_421 = tpu.memref_slice %arg22[%dma_wait3A_419, %dma_wait3A_420] : memref<10240x128xf32, #tpu.memory_space<vmem_shared>> -> memref<10240x128xf32, #tpu.memory_space<vmem_shared>>
    tpu.wait_indirect_dma semaphore(%arg43 : memref<!tpu.dma_semaphore, #tpu.memory_space<semaphore_mem>>) src(%arg18 : memref<32x128xf32, #tpu.memory_space<vmem>>) dst(%dma_wait3A_421 : memref<10240x128xf32, #tpu.memory_space<vmem_shared>>)
    %dma_start3A_422 = arith.constant 0 : i32
    %dma_start3A_423 = arith.constant 0 : i32
    %dma_start3A_424 = tpu.memref_slice %arg22[%dma_start3A_422, %dma_start3A_423] : memref<10240x128xf32, #tpu.memory_space<vmem_shared>> -> memref<10240x128xf32, #tpu.memory_space<vmem_shared>>
    tpu.enqueue_indirect_dma source(%arg20 : memref<32x128xf32, #tpu.memory_space<vmem>>) target(%dma_start3A_424 : memref<10240x128xf32, #tpu.memory_space<vmem_shared>>) offsets(%arg12 : memref<32xi32, #tpu.memory_space<vmem>>) semaphore(%arg45 : memref<!tpu.dma_semaphore, #tpu.memory_space<semaphore_mem>>) {add = true}
    %dma_wait3A_425 = arith.constant 1 : i32
    %dma_wait3A_426 = tpu.memref_slice %arg3[%dma_wait3A_425, %mul3A_2] : memref<2x327680xi32, #tpu.memory_space<hbm>> -> memref<1x32xi32, #tpu.memory_space<hbm>>
    %dma_wait3A_427 = tpu.memref_squeeze %dma_wait3A_426 : memref<1x32xi32, #tpu.memory_space<hbm>> -> memref<32xi32, #tpu.memory_space<hbm>>
    %dma_wait3A_428 = tpu.memref_slice %arg3[%dma_wait3A_425, %mul3A_2] : memref<2x327680xi32, #tpu.memory_space<hbm>> -> memref<1x32xi32, #tpu.memory_space<hbm>>
    %dma_wait3A_429 = tpu.memref_squeeze %dma_wait3A_428 : memref<1x32xi32, #tpu.memory_space<hbm>> -> memref<32xi32, #tpu.memory_space<hbm>>
    tpu.wait_dma2 semaphore(%arg30 : memref<!tpu.dma_semaphore, #tpu.memory_space<semaphore_mem>>) src(%dma_wait3A_429 : memref<32xi32, #tpu.memory_space<hbm>>) dst(%arg13 : memref<32xi32, #tpu.memory_space<vmem>>)
    %dma_wait3A_430 = arith.constant 0 : i32
    %dma_wait3A_431 = tpu.memref_slice %arg5[%dma_wait3A_430] : memref<10240xi32, #tpu.memory_space<vmem>> -> memref<32xi32, #tpu.memory_space<vmem>>
    %dma_wait3A_432 = arith.constant 0 : i32
    %dma_wait3A_433 = arith.constant 0 : i32
    %dma_wait3A_434 = tpu.memref_slice %arg2[%dma_wait3A_432, %dma_wait3A_433] : memref<10240x128xf32, #tpu.memory_space<hbm>> -> memref<10240x128xf32, #tpu.memory_space<hbm>>
    tpu.wait_indirect_dma semaphore(%arg38 : memref<!tpu.dma_semaphore, #tpu.memory_space<semaphore_mem>>) src(%dma_wait3A_434 : memref<10240x128xf32, #tpu.memory_space<hbm>>) dst(%arg21 : memref<32x128xf32, #tpu.memory_space<vmem>>)
    %dma_wait3A_435 = arith.constant 0 : i32
    %dma_wait3A_436 = arith.constant 0 : i32
    %dma_wait3A_437 = tpu.memref_slice %arg22[%dma_wait3A_435, %dma_wait3A_436] : memref<10240x128xf32, #tpu.memory_space<vmem_shared>> -> memref<10240x128xf32, #tpu.memory_space<vmem_shared>>
    tpu.wait_indirect_dma semaphore(%arg44 : memref<!tpu.dma_semaphore, #tpu.memory_space<semaphore_mem>>) src(%arg19 : memref<32x128xf32, #tpu.memory_space<vmem>>) dst(%dma_wait3A_437 : memref<10240x128xf32, #tpu.memory_space<vmem_shared>>)
    %dma_start3A_438 = arith.constant 0 : i32
    %dma_start3A_439 = arith.constant 0 : i32
    %dma_start3A_440 = tpu.memref_slice %arg22[%dma_start3A_438, %dma_start3A_439] : memref<10240x128xf32, #tpu.memory_space<vmem_shared>> -> memref<10240x128xf32, #tpu.memory_space<vmem_shared>>
    tpu.enqueue_indirect_dma source(%arg21 : memref<32x128xf32, #tpu.memory_space<vmem>>) target(%dma_start3A_440 : memref<10240x128xf32, #tpu.memory_space<vmem_shared>>) offsets(%arg13 : memref<32xi32, #tpu.memory_space<vmem>>) semaphore(%arg46 : memref<!tpu.dma_semaphore, #tpu.memory_space<semaphore_mem>>) {add = true}
    %dma_wait3A_441 = arith.constant 0 : i32
    %dma_wait3A_442 = arith.constant 0 : i32
    %dma_wait3A_443 = tpu.memref_slice %arg22[%dma_wait3A_441, %dma_wait3A_442] : memref<10240x128xf32, #tpu.memory_space<vmem_shared>> -> memref<10240x128xf32, #tpu.memory_space<vmem_shared>>
    tpu.wait_indirect_dma semaphore(%arg45 : memref<!tpu.dma_semaphore, #tpu.memory_space<semaphore_mem>>) src(%arg20 : memref<32x128xf32, #tpu.memory_space<vmem>>) dst(%dma_wait3A_443 : memref<10240x128xf32, #tpu.memory_space<vmem_shared>>)
    %dma_wait3A_444 = arith.constant 0 : i32
    %dma_wait3A_445 = arith.constant 0 : i32
    %dma_wait3A_446 = tpu.memref_slice %arg22[%dma_wait3A_444, %dma_wait3A_445] : memref<10240x128xf32, #tpu.memory_space<vmem_shared>> -> memref<10240x128xf32, #tpu.memory_space<vmem_shared>>
    tpu.wait_indirect_dma semaphore(%arg46 : memref<!tpu.dma_semaphore, #tpu.memory_space<semaphore_mem>>) src(%arg21 : memref<32x128xf32, #tpu.memory_space<vmem>>) dst(%dma_wait3A_446 : memref<10240x128xf32, #tpu.memory_space<vmem_shared>>)
    %barrier3A_447 = arith.constant 0 : index
    tpu.barrier barrier_id(%barrier3A_447)
    "tpu.region"() ({
      %run_scoped3A = tpu.sem_alloc : memref<!tpu.dma_semaphore, #tpu.memory_space<semaphore_mem>>
      %dma_start3A_448 = arith.constant 0 : i32
      %dma_start3A_449 = tpu.memref_slice %arg4[%arg0, %mul3A_101, %dma_start3A_448] : memref<2x10240x128xf32, #tpu.memory_space<hbm>> -> memref<1x640x128xf32, #tpu.memory_space<hbm>>
      %dma_start3A_450 = tpu.memref_squeeze %dma_start3A_449 : memref<1x640x128xf32, #tpu.memory_space<hbm>> -> memref<640x128xf32, #tpu.memory_space<hbm>>
      %dma_start3A_451 = arith.constant 0 : i32
      %dma_start3A_452 = tpu.memref_slice %arg22[%mul3A_101, %dma_start3A_451] : memref<10240x128xf32, #tpu.memory_space<vmem_shared>> -> memref<640x128xf32, #tpu.memory_space<vmem_shared>>
      tpu.enqueue_dma source(%dma_start3A_452 : memref<640x128xf32, #tpu.memory_space<vmem_shared>>) target(%dma_start3A_450 : memref<640x128xf32, #tpu.memory_space<hbm>>) target_semaphore(%run_scoped3A : memref<!tpu.dma_semaphore, #tpu.memory_space<semaphore_mem>>)
      %dma_wait3A_453 = arith.constant 0 : i32
      %dma_wait3A_454 = tpu.memref_slice %arg4[%arg0, %mul3A_101, %dma_wait3A_453] : memref<2x10240x128xf32, #tpu.memory_space<hbm>> -> memref<1x640x128xf32, #tpu.memory_space<hbm>>
      %dma_wait3A_455 = tpu.memref_squeeze %dma_wait3A_454 : memref<1x640x128xf32, #tpu.memory_space<hbm>> -> memref<640x128xf32, #tpu.memory_space<hbm>>
      %dma_wait3A_456 = arith.constant 0 : i32
      %dma_wait3A_457 = tpu.memref_slice %arg22[%mul3A_101, %dma_wait3A_456] : memref<10240x128xf32, #tpu.memory_space<vmem_shared>> -> memref<640x128xf32, #tpu.memory_space<vmem_shared>>
      tpu.wait_dma2 semaphore(%run_scoped3A : memref<!tpu.dma_semaphore, #tpu.memory_space<semaphore_mem>>) src(%dma_wait3A_457 : memref<640x128xf32, #tpu.memory_space<vmem_shared>>) dst(%dma_wait3A_455 : memref<640x128xf32, #tpu.memory_space<hbm>>)
      tpu.yield
    }) : () -> ()
    return
  }
}

module attributes {stable_mosaic.version = 14 : i64} {
  func.func @_prologue_body(%arg0: memref<10000x128xf32, #tpu.memory_space<vmem>>, %arg1: memref<32x10240xf32, #tpu.memory_space<vmem>>, %arg2: memref<32x10240xf32, #tpu.memory_space<vmem>>, %arg3: memref<10240x128xf32, #tpu.memory_space<vmem>>, %arg4: memref<10240x1xf32, #tpu.memory_space<vmem>>, %arg5: memref<10240x1xf32, #tpu.memory_space<vmem>>) attributes {dimension_semantics = [], scalar_prefetch = 0 : i64, scratch_operands = 0 : i64, tpu.core_type = #tpu.core_type<tc>} {
    %get3A = arith.constant 0 : index
    %get3A_0 = arith.constant 0 : index
    %get3A_1 = vector.load %arg1[%get3A, %get3A_0] : memref<32x10240xf32, #tpu.memory_space<vmem>>, vector<32x10240xf32>
    %reduce_sum3A = arith.constant dense<0.000000e+00> : vector<10240xf32>
    %reduce_sum3A_2 = vector.multi_reduction <add>, %get3A_1, %reduce_sum3A [0] : vector<32x10240xf32> to vector<10240xf32>
    %get3A_3 = arith.constant 0 : index
    %get3A_4 = arith.constant 0 : index
    %get3A_5 = vector.load %arg2[%get3A_3, %get3A_4] : memref<32x10240xf32, #tpu.memory_space<vmem>>, vector<32x10240xf32>
    %reduce_sum3A_6 = arith.constant dense<0.000000e+00> : vector<10240xf32>
    %reduce_sum3A_7 = vector.multi_reduction <add>, %get3A_5, %reduce_sum3A_6 [0] : vector<32x10240xf32> to vector<10240xf32>
    %jit3A = arith.constant 1.000000e+00 : f32
    %max3A = vector.broadcast %jit3A : f32 to vector<10240xf32>
    %max3A_8 = arith.maximumf %max3A, %reduce_sum3A_2 : vector<10240xf32>
    %rsqrt3A = math.rsqrt %max3A_8 : vector<10240xf32>
    %jit3A_9 = arith.constant 1.000000e+00 : f32
    %max3A_10 = vector.broadcast %jit3A_9 : f32 to vector<10240xf32>
    %max3A_11 = arith.maximumf %max3A_10, %reduce_sum3A_7 : vector<10240xf32>
    %rsqrt3A_12 = math.rsqrt %max3A_11 : vector<10240xf32>
    %broadcast_in_dim3A = vector.shape_cast %rsqrt3A : vector<10240xf32> to vector<10240x1xf32>
    %swap3A = arith.constant 0 : index
    %swap3A_13 = arith.constant 0 : index
    %swap3A_14 = vector.load %arg4[%swap3A, %swap3A_13] : memref<10240x1xf32, #tpu.memory_space<vmem>>, vector<10240x1xf32>
    tpu.vector_store %arg4[%swap3A, %swap3A_13], %broadcast_in_dim3A {strides = array<i32>} : memref<10240x1xf32, #tpu.memory_space<vmem>>, vector<10240x1xf32>,
    %broadcast_in_dim3A_15 = vector.shape_cast %rsqrt3A_12 : vector<10240xf32> to vector<10240x1xf32>
    %swap3A_16 = arith.constant 0 : index
    %swap3A_17 = arith.constant 0 : index
    %swap3A_18 = vector.load %arg5[%swap3A_16, %swap3A_17] : memref<10240x1xf32, #tpu.memory_space<vmem>>, vector<10240x1xf32>
    tpu.vector_store %arg5[%swap3A_16, %swap3A_17], %broadcast_in_dim3A_15 {strides = array<i32>} : memref<10240x1xf32, #tpu.memory_space<vmem>>, vector<10240x1xf32>,
    %get3A_19 = arith.constant 0 : index
    %get3A_20 = arith.constant 0 : index
    %get3A_21 = vector.load %arg0[%get3A_19, %get3A_20] : memref<10000x128xf32, #tpu.memory_space<vmem>>, vector<10000x128xf32>
    %slice3A = vector.extract_strided_slice %rsqrt3A {offsets = [0], sizes = [10000], strides = [1]} : vector<10240xf32> to vector<10000xf32>
    %broadcast_in_dim3A_22 = vector.shape_cast %slice3A : vector<10000xf32> to vector<10000x1xf32>
    %mul3A = vector.broadcast %broadcast_in_dim3A_22 : vector<10000x1xf32> to vector<10000x128xf32>
    %mul3A_23 = arith.mulf %get3A_21, %mul3A : vector<10000x128xf32>
    %broadcast_in_dim3A_24 = arith.constant 0.000000e+00 : f32
    %broadcast_in_dim3A_25 = vector.broadcast %broadcast_in_dim3A_24 : f32 to vector<240x128xf32>
    %concatenate3A = tpu.concatenate %mul3A_23, %broadcast_in_dim3A_25 in 0 : vector<10000x128xf32>, vector<240x128xf32> -> vector<10240x128xf32>
    %swap3A_26 = arith.constant 0 : index
    %swap3A_27 = arith.constant 0 : index
    %swap3A_28 = vector.load %arg3[%swap3A_26, %swap3A_27] : memref<10240x128xf32, #tpu.memory_space<vmem>>, vector<10240x128xf32>
    tpu.vector_store %arg3[%swap3A_26, %swap3A_27], %concatenate3A {strides = array<i32>} : memref<10240x128xf32, #tpu.memory_space<vmem>>, vector<10240x128xf32>,
    return
  }
}

module attributes {stable_mosaic.version = 14 : i64} {
  func.func @_mid_body(%arg0: i32, %arg1: memref<2x1280x128xf32, #tpu.memory_space<vmem>>, %arg2: memref<1280x1xf32, #tpu.memory_space<vmem>>, %arg3: memref<1280x1xf32, #tpu.memory_space<vmem>>, %arg4: memref<128x128xf32, #tpu.memory_space<vmem>>, %arg5: memref<128xf32, #tpu.memory_space<vmem>>, %arg6: memref<128x64xf32, #tpu.memory_space<vmem>>, %arg7: memref<1280x64xf32, #tpu.memory_space<vmem>>) attributes {dimension_semantics = [#tpu.dimension_semantics<arbitrary>], iteration_bounds = array<i64: 8>, scalar_prefetch = 0 : i64, scratch_operands = 0 : i64, tpu.core_type = #tpu.core_type<tc>, window_params = [{transform_indices = @transform_0, window_bounds = array<i64: 2, 1280, 128>}, {transform_indices = @transform_1, window_bounds = array<i64: 1280, 1>}, {transform_indices = @transform_2, window_bounds = array<i64: 1280, 1>}, {pipeline_mode = #tpu.pipeline_mode<synchronous>, transform_indices = @transform_3, window_bounds = array<i64: 128, 128>}, {pipeline_mode = #tpu.pipeline_mode<synchronous>, transform_indices = @transform_4, window_bounds = array<i64: 128>}, {pipeline_mode = #tpu.pipeline_mode<synchronous>, transform_indices = @transform_5, window_bounds = array<i64: 128, 64>}, {transform_indices = @transform_6, window_bounds = array<i64: 1280, 64>}]} {
    %get3A = arith.constant 0 : index
    %get3A_0 = arith.constant 0 : index
    %get3A_1 = arith.constant 0 : index
    %get3A_2 = vector.load %arg1[%get3A, %get3A_0, %get3A_1] : memref<2x1280x128xf32, #tpu.memory_space<vmem>>, vector<1x1280x128xf32>
    %get3A_3 = vector.shape_cast %get3A_2 : vector<1x1280x128xf32> to vector<1280x128xf32>
    %get3A_4 = arith.constant 1 : index
    %get3A_5 = arith.constant 0 : index
    %get3A_6 = arith.constant 0 : index
    %get3A_7 = vector.load %arg1[%get3A_4, %get3A_5, %get3A_6] : memref<2x1280x128xf32, #tpu.memory_space<vmem>>, vector<1x1280x128xf32>
    %get3A_8 = vector.shape_cast %get3A_7 : vector<1x1280x128xf32> to vector<1280x128xf32>
    %add3A = arith.addf %get3A_3, %get3A_8 : vector<1280x128xf32>
    %get3A_9 = arith.constant 0 : index
    %get3A_10 = arith.constant 0 : index
    %get3A_11 = vector.load %arg2[%get3A_9, %get3A_10] : memref<1280x1xf32, #tpu.memory_space<vmem>>, vector<1280x1xf32>
    %mul3A = vector.broadcast %get3A_11 : vector<1280x1xf32> to vector<1280x128xf32>
    %mul3A_12 = arith.mulf %add3A, %mul3A : vector<1280x128xf32>
    %get3A_13 = arith.constant 0 : index
    %get3A_14 = arith.constant 0 : index
    %get3A_15 = vector.load %arg4[%get3A_13, %get3A_14] : memref<128x128xf32, #tpu.memory_space<vmem>>, vector<128x128xf32>
    %dot_general3A = arith.constant dense<0.000000e+00> : vector<1280x128xf32>
    %dot_general3A_16 = tpu.matmul %mul3A_12, %get3A_15, %dot_general3A {dimension_numbers = #tpu.dot_dimension_numbers<[1], [0], [0], [1], [0, 0, 1, 1], [], []>, transpose_lhs_hint = false} : vector<1280x128xf32>, vector<128x128xf32>, vector<1280x128xf32> -> vector<1280x128xf32>
    %get3A_17 = arith.constant 0 : index
    %get3A_18 = vector.load %arg5[%get3A_17] : memref<128xf32, #tpu.memory_space<vmem>>, vector<128xf32>
    %broadcast_in_dim3A = vector.shape_cast %get3A_18 : vector<128xf32> to vector<1x128xf32>
    %add3A_19 = vector.broadcast %broadcast_in_dim3A : vector<1x128xf32> to vector<1280x128xf32>
    %add3A_20 = arith.addf %dot_general3A_16, %add3A_19 : vector<1280x128xf32>
    %max3A = arith.constant 0.000000e+00 : f32
    %max3A_21 = vector.broadcast %max3A : f32 to vector<1280x128xf32>
    %max3A_22 = arith.maximumf %add3A_20, %max3A_21 : vector<1280x128xf32>
    %get3A_23 = arith.constant 0 : index
    %get3A_24 = arith.constant 0 : index
    %get3A_25 = vector.load %arg3[%get3A_23, %get3A_24] : memref<1280x1xf32, #tpu.memory_space<vmem>>, vector<1280x1xf32>
    %mul3A_26 = vector.broadcast %get3A_25 : vector<1280x1xf32> to vector<1280x128xf32>
    %mul3A_27 = arith.mulf %max3A_22, %mul3A_26 : vector<1280x128xf32>
    %get3A_28 = arith.constant 0 : index
    %get3A_29 = arith.constant 0 : index
    %get3A_30 = vector.load %arg6[%get3A_28, %get3A_29] : memref<128x64xf32, #tpu.memory_space<vmem>>, vector<128x64xf32>
    %dot_general3A_31 = arith.constant dense<0.000000e+00> : vector<1280x64xf32>
    %dot_general3A_32 = tpu.matmul %mul3A_27, %get3A_30, %dot_general3A_31 {dimension_numbers = #tpu.dot_dimension_numbers<[1], [0], [0], [1], [0, 0, 1, 1], [], []>, transpose_lhs_hint = false} : vector<1280x128xf32>, vector<128x64xf32>, vector<1280x64xf32> -> vector<1280x64xf32>
    %swap3A = arith.constant 0 : index
    %swap3A_33 = arith.constant 0 : index
    %swap3A_34 = vector.load %arg7[%swap3A, %swap3A_33] : memref<1280x64xf32, #tpu.memory_space<vmem>>, vector<1280x64xf32>
    tpu.vector_store %arg7[%swap3A, %swap3A_33], %dot_general3A_32 {strides = array<i32>} : memref<1280x64xf32, #tpu.memory_space<vmem>>, vector<1280x64xf32>,
    return
  }
  func.func @transform_0(%arg0: i32) -> (i32, i32, i32) {
    %c0_i32 = arith.constant 0 : i32
    %c0_i32_0 = arith.constant 0 : i32
    %c0_i32_1 = arith.constant 0 : i32
    return %c0_i32, %arg0, %c0_i32_0 : i32, i32, i32
  }
  func.func @transform_1(%arg0: i32) -> (i32, i32) {
    %c0_i32 = arith.constant 0 : i32
    %c0_i32_0 = arith.constant 0 : i32
    return %arg0, %c0_i32 : i32, i32
  }
  func.func @transform_2(%arg0: i32) -> (i32, i32) {
    %c0_i32 = arith.constant 0 : i32
    %c0_i32_0 = arith.constant 0 : i32
    return %arg0, %c0_i32 : i32, i32
  }
  func.func @transform_3(%arg0: i32) -> (i32, i32) {
    %c0_i32 = arith.constant 0 : i32
    %c0_i32_0 = arith.constant 0 : i32
    %c0_i32_1 = arith.constant 0 : i32
    return %c0_i32, %c0_i32_0 : i32, i32
  }
  func.func @transform_4(%arg0: i32) -> i32 {
    %c0_i32 = arith.constant 0 : i32
    %c0_i32_0 = arith.constant 0 : i32
    return %c0_i32 : i32
  }
  func.func @transform_5(%arg0: i32) -> (i32, i32) {
    %c0_i32 = arith.constant 0 : i32
    %c0_i32_0 = arith.constant 0 : i32
    %c0_i32_1 = arith.constant 0 : i32
    return %c0_i32, %c0_i32_0 : i32, i32
  }
  func.func @transform_6(%arg0: i32) -> (i32, i32) {
    %c0_i32 = arith.constant 0 : i32
    %c0_i32_0 = arith.constant 0 : i32
    return %arg0, %c0_i32 : i32, i32
  }
}

module attributes {stable_mosaic.version = 14 : i64} {
  func.func @_final_body(%arg0: i32, %arg1: memref<2x2000x64xf32, #tpu.memory_space<vmem>>, %arg2: memref<2000x1xf32, #tpu.memory_space<vmem>>, %arg3: memref<64xf32, #tpu.memory_space<vmem>>, %arg4: memref<2000x64xf32, #tpu.memory_space<vmem>>) attributes {dimension_semantics = [#tpu.dimension_semantics<arbitrary>], iteration_bounds = array<i64: 5>, scalar_prefetch = 0 : i64, scratch_operands = 0 : i64, tpu.core_type = #tpu.core_type<tc>, window_params = [{transform_indices = @transform_0, window_bounds = array<i64: 2, 2000, 64>}, {transform_indices = @transform_1, window_bounds = array<i64: 2000, 1>}, {pipeline_mode = #tpu.pipeline_mode<synchronous>, transform_indices = @transform_2, window_bounds = array<i64: 64>}, {transform_indices = @transform_3, window_bounds = array<i64: 2000, 64>}]} {
    %get3A = arith.constant 0 : index
    %get3A_0 = arith.constant 0 : index
    %get3A_1 = arith.constant 0 : index
    %get3A_2 = vector.load %arg1[%get3A, %get3A_0, %get3A_1] : memref<2x2000x64xf32, #tpu.memory_space<vmem>>, vector<1x2000x64xf32>
    %get3A_3 = vector.shape_cast %get3A_2 : vector<1x2000x64xf32> to vector<2000x64xf32>
    %get3A_4 = arith.constant 1 : index
    %get3A_5 = arith.constant 0 : index
    %get3A_6 = arith.constant 0 : index
    %get3A_7 = vector.load %arg1[%get3A_4, %get3A_5, %get3A_6] : memref<2x2000x64xf32, #tpu.memory_space<vmem>>, vector<1x2000x64xf32>
    %get3A_8 = vector.shape_cast %get3A_7 : vector<1x2000x64xf32> to vector<2000x64xf32>
    %add3A = arith.addf %get3A_3, %get3A_8 : vector<2000x64xf32>
    %get3A_9 = arith.constant 0 : index
    %get3A_10 = arith.constant 0 : index
    %get3A_11 = vector.load %arg2[%get3A_9, %get3A_10] : memref<2000x1xf32, #tpu.memory_space<vmem>>, vector<2000x1xf32>
    %mul3A = vector.broadcast %get3A_11 : vector<2000x1xf32> to vector<2000x64xf32>
    %mul3A_12 = arith.mulf %add3A, %mul3A : vector<2000x64xf32>
    %get3A_13 = arith.constant 0 : index
    %get3A_14 = vector.load %arg3[%get3A_13] : memref<64xf32, #tpu.memory_space<vmem>>, vector<64xf32>
    %broadcast_in_dim3A = vector.shape_cast %get3A_14 : vector<64xf32> to vector<1x64xf32>
    %add3A_15 = vector.broadcast %broadcast_in_dim3A : vector<1x64xf32> to vector<2000x64xf32>
    %add3A_16 = arith.addf %mul3A_12, %add3A_15 : vector<2000x64xf32>
    %max3A = arith.constant 0.000000e+00 : f32
    %max3A_17 = vector.broadcast %max3A : f32 to vector<2000x64xf32>
    %max3A_18 = arith.maximumf %add3A_16, %max3A_17 : vector<2000x64xf32>
    %swap3A = arith.constant 0 : index
    %swap3A_19 = arith.constant 0 : index
    %swap3A_20 = vector.load %arg4[%swap3A, %swap3A_19] : memref<2000x64xf32, #tpu.memory_space<vmem>>, vector<2000x64xf32>
    tpu.vector_store %arg4[%swap3A, %swap3A_19], %max3A_18 {strides = array<i32>} : memref<2000x64xf32, #tpu.memory_space<vmem>>, vector<2000x64xf32>,
    return
  }
  func.func @transform_0(%arg0: i32) -> (i32, i32, i32) {
    %c0_i32 = arith.constant 0 : i32
    %c0_i32_0 = arith.constant 0 : i32
    %c0_i32_1 = arith.constant 0 : i32
    return %c0_i32, %arg0, %c0_i32_0 : i32, i32, i32
  }
  func.func @transform_1(%arg0: i32) -> (i32, i32) {
    %c0_i32 = arith.constant 0 : i32
    %c0_i32_0 = arith.constant 0 : i32
    return %arg0, %c0_i32 : i32, i32
  }
  func.func @transform_2(%arg0: i32) -> i32 {
    %c0_i32 = arith.constant 0 : i32
    %c0_i32_0 = arith.constant 0 : i32
    return %c0_i32 : i32
  }
  func.func @transform_3(%arg0: i32) -> (i32, i32) {
    %c0_i32 = arith.constant 0 : i32
    %c0_i32_0 = arith.constant 0 : i32
    return %arg0, %c0_i32 : i32, i32
  }
}

</mosaic_0001>

<sc_bundles>
// kernel: kernel.11.cloned.1.call-start
scs
__scs_entry_jumppad:
0x0: {  	(pc) =	sbr.rel $0x88, $3  }
0x1: {  	(tag) =	ssettag $0x0;
	lr =	simm.s32 $0x1  }
0x2: {  	[smem:$0x3F9B] =	sst lr;
	_ =	strace $0xD0000000  }
0x3: {  	_ = 	snop  }
0x4: {  	_ = 	snop  }
0x5: {  	_ = 	snop  }
0x6: {  	_ = 	snop  }
0x7: {  	_ = 	snop  }
__scs_overlays_trampoline_lowered:
0x8: {  	[smem:$0x3FAA] =	sst s0  }
0x9: {  	[smem:$0x3FAB] =	sst s1  }
0xa: {  	[smem:$0x3FAC] =	sst s2  }
0xb: {  	[smem:$0x3FAD] =	sst s3  }
0xc: {  	[smem:$0x3FAE] =	sst s4  }
0xd: {  	[smem:$0x3FAF] =	sst s5  }
0xe: {  	[smem:$0x3FB0] =	sst s6  }
0xf: {  	[smem:$0x3FB1] =	sst s7  }
0x10: {  	[smem:$0x3FB2] =	sst s8  }
0x11: {  	[smem:$0x3FB3] =	sst s9;
	s0 =	simm.s32 @!p0 $0x0  }
0x12: {  	s1 =	sld [smem:$0x3F99];
	s0 =	simm.s32 @p0 $0x1  }
0x13: {  	[smem:$0x3FB4] =	sst s0;
	s0 =	simm.s32 @!p1 $0x0  }
0x14: {  	s2 =	sld [smem:$0x3F98];
	s0 =	simm.s32 @p1 $0x1  }
0x15: {  	[smem:$0x3FB5] =	sst s0;
	s0 =	simm.s32 @!p2 $0x0  }
0x16: {  	s3 =	sld [smem:$0x3FDB];
	s0 =	simm.s32 @p2 $0x1  }
0x17: {  	s4 =	simm.s32 $0x1BF5;
	[smem:$0x3FB7] =	sst s0  }
0x18: {  	s0 =	sld [smem:$0x3F9A];
	_ =	swait.ge [sflag:s4], $0x0  }
0x19: {  	s7 =	sld [smem:$0x3F9B]  }
0x1a: {  	s8 =	sadd.s32 $0xFFFFE003, lr  }
0x1b: {  	s9 =	sadd.s32 $0xFFFFFEF7, lr;
	s5 =	simm.s32 $0xFFFFFFFF;
	p2 =	slt.u32 s8, $0xFFFFF086  }
0x1c: {  	p1 =	slt.u32 s9, $0xF7A;
	s5 =	simm.s32 @!p2 $0x0  }
0x1d: {  	s5 =	simm.s32 @p1 $0x1;
	p0 =	seq.s32 s7, s2  }
0x1e: {  	s7 =	smul.u32 @!p0 $0xF7A, s2;
	p2 =	seq.s32 @!p0 s5, $0x0  }
0x1f: {  	s9 =	smul.u32 $0xF7A, s1;
	s8 =	simm.s32 @!p0 $0x1BF5;
	p2 =	por !p2, p0  }
0x20: {  	[sflag:s8] =	ssyncset.s32 @!p0 $0xFFFFF086;
	s6 =	sadd.s32 @!p0 s3, s7;
	s7 =	simm.s32 @!p0 $0x108  }
0x21: {  	s3 =	sadd.s32 s3, s9;
	s6 =	sadd.s32 @!p0 $0x88, s6;
	s7 =	simm.s32 @p2 $0x1082  }
0x22: {  	[simem:s7], [sflag:s8] =	dma.local @!p0 [hbm:s6], $0xF7A  }
0x23: {  	s9 =	sor.u32 $0xD0000000, s2;
	s6 =	simm.s32 $0x108;
	_ =	swait.ge @!p0 [sflag:s8], $0x0  }
0x24: {  	s3 =	sadd.s32 $0x88, s3;
	s6 =	simm.s32 @!p1 $0x1082;
	[sflag:s4] =	ssyncset.s32 $0xFFFFF086  }
0x25: {  	[simem:s6], [sflag:s4] =	dma.local [hbm:s3], $0xF7A  }
0x26: {  	[smem:$0x3F9B] =	sst s1;
	(tag) =	ssettag s2;
	_ =	strace s9  }
0x27: {  	s1 =	sld [smem:$0x3FAB]  }
0x28: {  	s2 =	sld [smem:$0x3FAC]  }
0x29: {  	s4 =	sld [smem:$0x3FAE]  }
0x2a: {  	p0 =	seq.s32 s5, $0x0;
	s5 =	sld [smem:$0x3FAF]  }
0x2b: {  	s6 =	sld [smem:$0x3FB0]  }
0x2c: {  	s7 =	sld [smem:$0x3FB1]  }
0x2d: {  	s3 =	simm.s32 $0x108;
	s8 =	sld [smem:$0x3FB2]  }
0x2e: {  	s3 =	simm.s32 @!p0 $0x1082;
	s9 =	sld [smem:$0x3FB3]  }
0x2f: {  	lr =	sadd.s32 s0, s3;
	s0 =	sld [smem:$0x3FAA]  }
0x30: {  	s3 =	sld [smem:$0x3FAD]  }
0x31: {  	[smem:$0x3FB6] =	sst s10  }
0x32: {  	s10 =	sld [smem:$0x3FB4];
	_ =	sdelay $0x3  }
0x33: {  	p0 =	seq.s32 s10, $0x1;
	s10 =	sld [smem:$0x3FB6];
	_ =	sdelay $0x3  }
0x34: {  	[smem:$0x3FB6] =	sst s10  }
0x35: {  	s10 =	sld [smem:$0x3FB5];
	_ =	sdelay $0x3  }
0x36: {  	p1 =	seq.s32 s10, $0x1;
	s10 =	sld [smem:$0x3FB6];
	_ =	sdelay $0x3  }
0x37: {  	[smem:$0x3FB6] =	sst s10  }
0x38: {  	s10 =	sld [smem:$0x3FB7]  }
0x39: {  	_ = 	snop;
	(pc) =	sbr.ind lr, $3  }
0x3a: {  	_ = 	snop  }
0x3b: {  	_ = 	snop  }
0x3c: {  	p2 =	seq.s32 s10, $0x1;
	s10 =	sld [smem:$0x3FB6]  }
0x3d: {  	_ =	shalt  }
0x3e: {  	_ =	shalt  }
0x3f: {  	_ =	shalt  }
0x40: {  	_ =	shalt  }
0x41: {  	_ =	shalt  }
0x42: {  	_ =	shalt  }
0x43: {  	_ =	shalt  }
0x44: {  	_ =	shalt  }
0x45: {  	_ =	shalt  }
0x46: {  	_ =	shalt  }
0x47: {  	_ =	shalt  }
0x48: {  	_ =	shalt  }
0x49: {  	_ =	shalt  }
0x4a: {  	_ =	shalt  }
0x4b: {  	_ =	shalt  }
0x4c: {  	_ =	shalt  }
0x4d: {  	_ =	shalt  }
0x4e: {  	_ =	shalt  }
0x4f: {  	_ =	shalt  }
0x50: {  	_ =	shalt  }
0x51: {  	_ =	shalt  }
0x52: {  	_ =	shalt  }
0x53: {  	_ =	shalt  }
0x54: {  	_ =	shalt  }
0x55: {  	_ =	shalt  }
0x56: {  	_ =	shalt  }
0x57: {  	_ =	shalt  }
0x58: {  	_ =	shalt  }
0x59: {  	_ =	shalt  }
0x5a: {  	_ =	shalt  }
0x5b: {  	_ =	shalt  }
0x5c: {  	_ =	shalt  }
0x5d: {  	_ =	shalt  }
0x5e: {  	_ =	shalt  }
0x5f: {  	_ =	shalt  }
0x60: {  	_ =	shalt  }
0x61: {  	_ =	shalt  }
0x62: {  	_ =	shalt  }
0x63: {  	_ =	shalt  }
0x64: {  	_ =	shalt  }
0x65: {  	_ =	shalt  }
0x66: {  	_ =	shalt  }
0x67: {  	_ =	shalt  }
0x68: {  	_ =	shalt  }
0x69: {  	_ =	shalt  }
0x6a: {  	_ =	shalt  }
0x6b: {  	_ =	shalt  }
0x6c: {  	_ =	shalt  }
0x6d: {  	_ =	shalt  }
0x6e: {  	_ =	shalt  }
0x6f: {  	_ =	shalt  }
0x70: {  	_ =	shalt  }
0x71: {  	_ =	shalt  }
0x72: {  	_ =	shalt  }
0x73: {  	_ =	shalt  }
0x74: {  	_ =	shalt  }
0x75: {  	_ =	shalt  }
0x76: {  	_ =	shalt  }
0x77: {  	_ =	shalt  }
0x78: {  	_ =	shalt  }
0x79: {  	_ =	shalt  }
0x7a: {  	_ =	shalt  }
0x7b: {  	_ =	shalt  }
0x7c: {  	_ =	shalt  }
0x7d: {  	_ =	shalt  }
0x7e: {  	_ =	shalt  }
0x7f: {  	_ =	shalt  }
0x80: {  	_ =	shalt  }
0x81: {  	_ =	shalt  }
0x82: {  	_ =	shalt  }
0x83: {  	_ =	shalt  }
0x84: {  	_ =	shalt  }
0x85: {  	_ =	shalt  }
0x86: {  	_ =	shalt  }
0x87: {  	_ =	shalt  }
.Lfunc_end0:
.L_simem_size_0:
called_computation.1_lowered:
.L_overlay_start_0:
0x88: {  	s2 =	sld [smem:$0x3FD9]  }
0x89: {  	s3 =	sld [smem:$0x3FFE];
	_ =	sdelay $0x1  }
0x8a: {  	s1 =	srdreg.scid  }
0x8b: {  	s0 =	sand.u32 $0x1, s1  }
0x8c: {  	s16 =	sshll.u32 s0, $0xA;
	s2 =	sadd.s32 s3, s2  }
0x8d: {  	s2 =	sadd.s32 s2, s16  }
0x8e: {  	[smem:$0x3FC2] =	sst s2  }
0x8f: {  	_ = 	snop  }
0x90: {  	(tm) =	ssettm $0x1  }
0x91: {  	s17 =	sld [smem:$0x3FFB];
	_ =	sdelay $0x3  }
0x92: {  	_ =	strace s17  }
0x93: {  	s2 =	sld [smem:$0x3FFC];
	_ =	sdelay $0x3  }
0x94: {  	_ =	strace s2  }
0x95: {  	s2 =	sld [smem:$0x3FFD];
	_ =	sdelay $0x3  }
0x96: {  	_ =	strace s2  }
0x97: {  	_ =	strace $0x8FFFFFFF  }
0x98: {  	s18 =	sld [smem:$0x3FDB];
	_ =	sdelay $0x1  }
0x99: {  	s19 =	simm.s32 $_scs_section_size  }
0x9a: {  	s4 =	simm.s32 $_size__tile_overlayer_lowered;
	s5 =	simm.s32 $_tile_overlayer_lowered  }
0x9b: {  	s22 =	simm.s32 $0x1BFF;
	s21 =	sshll.u32 s5, $0x1;
	s2 =	sadd.s32 s19, s18  }
0x9c: {  	s6 =	simm.s32 $0x0;
	s20 =	sshll.u32 s4, $0x1;
	s4 =	sadd.s32 s21, s2  }
0x9d: {  	[timem:s6], [sflag:s22] =	dma.local [hbm:s4], s20  }
0x9e: {  	_ =	swait.ge [sflag:s22], s20  }
0x9f: {  	s3 =	ssub.s32 $0x0, s20;
	[sflag:s22] =	ssyncset.done $0x0  }
0xa0: {  	[sflag:s22] =	ssyncadd.s32 s3;
	_ =	sdelay $0x1  }
0xa1: {  	s23 =	simm.s32 $0x1B8B  }
0xa2: {  	_ =	swait.ge [sflag:s23], $0x1  }
0xa3: {  	[sflag:s23] =	ssyncset.done $0x0  }
0xa4: {  	s25 =	simm.s32 $0x1B8E;
	s24 =	sld [smem:$0x3FFE];
	[sflag:s23] =	ssyncadd.s32 $0xFFFFFFFF  }
0xa5: {  	s26 =	simm.s32 $execute0_lowered;
	[smem:$0x3FD2] =	sst s25  }
0xa6: {  	s4 =	sshll.u32 s26, $0x1;
	_ =	strace $0x80000049;
	[dreg:$0x1] =	wrdreg $0xFFFFFFFF  }
0xa7: {  	s28 =	simm.s32 $_size_execute0_lowered;
	s2 =	sadd.s32 s2, s4;
	[dreg:$0x0] =	wrdreg $0x0  }
0xa8: {  	s4 =	sshll.u32 s28, $0x1;
	[dreg:$0x2] =	wrdreg s2  }
0xa9: {  	[dreg:$0x3] =	wrdreg s4  }
0xaa: {  	[dreg:$0x4] =	wrdreg $0xC0  }
0xab: {  	_ =	task [dreg:s6], $0x5FFFF  }
0xac: {  	[dreg:$0x1] =	wrdreg $0xFFFFFFFF  }
0xad: {  	[dreg:$0x0] =	wrdreg $0x60  }
0xae: {  	[dreg:$0x2] =	wrdreg s24  }
0xaf: {  	[dreg:$0x3] =	wrdreg $0xAC000  }
0xb0: {  	[dreg:$0x4] =	wrdreg $0x9  }
0xb1: {  	_ =	task.clear_ibuf [dreg:s6], $0x5FFFF;
	_ =	strace $0x90000049  }
0xb2: {  	s29 =	simm.s32 $0x9;
	_ =	strace $0x8000004B  }
0xb3: {  	_ =	swait.ge [sflag:s29], $0x1  }
0xb4: {  	[sflag:s29] =	ssyncadd.s32 $0xFFFFFFFF  }
0xb5: {  	_ =	strace $0x9000004B  }
0xb6: {  	_ =	sfence  }
0xb7: {  	s30 =	sld [smem:$0x0];
	_ =	sdelay $0x2  }
0xb8: {  	s31 =	sshll.u32 s1, $0xD;
	s1 =	sshrl.u32 s1, $0x2  }
0xb9: {  	s3 =	sand.u32 $0x4000, s31;
	s1 =	sadd.s32 s1, s30  }
0xba: {  	s0 =	sor.u32 s3, s0;
	s1 =	sshll.u32 s1, $0x11  }
0xbb: {  	s0 =	sor.u32 s1, s0  }
0xbc: {  	s0 =	sadd.s32 $0x8F2B, s0  }
0xbd: {  	[sflag:s0] =	ssyncadd.remote.s32 $0x1  }
0xbe: {  	_ =	sfence.sel $0xFFFF  }
0xbf: {  	[dreg:$0x0] =	wrdreg $0xFFFFFFFF;
	(pc) =	sbr.abs _section_cstart, $3  }
0xc0: {  	[dreg:$0x1] =	wrdreg $0xFFFFFFFF  }
0xc1: {  	_ =	task.clear_ibuf [dreg:s6], $0x2FFFF;
	_ =	strace $0x9FFFFFFF  }
0xc2: {  	(tm) =	ssettm $0x7FFFFFFF  }
0xc3: {  	_ =	shalt  }
tec
execute0_lowered:
.L_overlay_start_1:
0x0: {  	(tag) =	ssettag $0x1  }
0x1: {  	s0 =	rddreg [dreg:$0x0]  }
0x2: {  	s1 =	rddreg [dreg:$0x1]  }
0x3: {  	s2 =	srdreg.scid;
	s3 =	simm.s32 $0x0;
	s11 =	stileid.u32  }
0x4: {  	s2 =	sand.u32 $0x1, s2;
	[smem:$0x7FF] =	sst s3;
	s7 =	smul.u32 $0x14000, s11  }
0x5: {  	s4 =	sadd.s32 $0x3F200, s0;
	s20 =	sadd.s32 $0x3200, s0;
	s28 =	smul.u32 $0x2800, s11  }
0x6: {  	s6 =	smul.u32 $0x140000, s2;
	_ =	strace $0x8000004A;
	s8 =	ssub.s32 $0x2, s2  }
0x7: {  	s26 =	sshll.u32 s2, $0x4;
	s2 =	smul.u32 $0x28000, s2;
	s9 =	sshrl.u32 s8, $0x1  }
0x8: {  	s6 =	sadd.s32 s7, s6;
	s7 =	sor.u32 s11, s26;
	s11 =	smul.u32 $0x50000, s11  }
0x9: {  	s8 =	ssub.s32 s8, s9;
	s2 =	sadd.s32 s28, s2;
	s7 =	smul.u32 $0xA00, s7  }
0xa: {  	s9 =	sadd.s32 $0x3214, s0;
	s6 =	sshrl.u32 s6, $0x3;
	s19 =	sor.u32 $0x180, s2  }
0xb: {  	s6 =	sadd.s32 s6, s0;
	s15 =	sshrl.u32 s11, $0x2;
	s10 =	sadd.s32 s7, s9  }
0xc: {  	s11 =	sshrl.u32 s19, $0x2;
	s12 =	sadd.s32 s20, s7;
	[dreg:$0xc] =	wrdreg s10  }
0xd: {  	s0 =	sadd.s32 $0x3210, s0;
	s22 =	sadd.s32 s11, s9;
	[dreg:$0xb] =	wrdreg s12  }
0xe: {  	s23 =	sadd.s32 s11, s0;
	[dreg:$0x4] =	wrdreg s22  }
0xf: {  	s16 =	sor.u32 $0x1C0, s2;
	s7 =	sadd.s32 s7, s0;
	[dreg:$0x5] =	wrdreg s23  }
0x10: {  	s17 =	sshrl.u32 s16, $0x2;
	s16 =	sadd.s32 $0x67200, s6;
	[dreg:$0x19] =	wrdreg s7  }
0x11: {  	s31 =	sadd.s32 s15, s1;
	[dreg:$0x1d] =	wrdreg s16  }
0x12: {  	s13 =	sadd.s32 $0x18, s12;
	[dreg:$0x13] =	wrdreg s31  }
0x13: {  	s29 =	sadd.s32 $0x1C, s12;
	[dreg:$0xd] =	wrdreg s13  }
0x14: {  	s30 =	sadd.s32 $0x30, s12;
	[dreg:$0xe] =	wrdreg s29  }
0x15: {  	s5 =	sadd.s32 $0x34, s12;
	[dreg:$0xf] =	wrdreg s30  }
0x16: {  	s14 =	sadd.s32 $0x38, s12;
	[dreg:$0x10] =	wrdreg s5  }
0x17: {  	s24 =	sor.u32 $0x140, s2;
	s12 =	sadd.s32 $0x3C, s12;
	[dreg:$0x11] =	wrdreg s14  }
0x18: {  	s25 =	sor.u32 $0x160, s2;
	s18 =	sadd.s32 $0x1000, s31;
	[dreg:$0x12] =	wrdreg s12  }
0x19: {  	s26 =	sor.u32 $0x100, s2;
	s21 =	sadd.s32 $0x2000, s31;
	[dreg:$0x14] =	wrdreg s18  }
0x1a: {  	s2 =	sor.u32 $0x1E0, s2;
	s15 =	sadd.s32 $0x8000, s31;
	[dreg:$0x15] =	wrdreg s21  }
0x1b: {  	s10 =	sadd.s32 s17, s20;
	s17 =	smax.u32 s8, $0x1;
	[dreg:$0x1c] =	wrdreg s15  }
0x1c: {  	s11 =	sshrl.u32 s24, $0x2;
	s19 =	sadd.s32 $0xA000, s31;
	[dreg:$0x1e] =	wrdreg s17  }
0x1d: {  	s6 =	simm.s32 $0x2980;
	s22 =	sadd.s32 $0xC000, s31;
	[smem:$0x7F4] =	sst s19  }
0x1e: {  	s11 =	sadd.s32 s11, s20;
	s23 =	sadd.s32 $0xD000, s31;
	[smem:$0x7F6] =	sst s22  }
0x1f: {  	s24 =	sadd.s32 $0xE000, s31;
	s7 =	simm.s32 $0x3C00;
	[smem:$0x7F7] =	sst s23  }
0x20: {  	s8 =	simm.s32 $0x2900;
	s10 =	sadd.s32 $0x8, s10;
	[smem:$0x7F8] =	sst s24  }
0x21: {  	s16 =	simm.s32 $0x2A80;
	s30 =	sadd.s32 $0x3000, s31;
	[dreg:$0x3] =	wrdreg s10  }
0x22: {  	s28 =	sadd.s32 $0x8, s11;
	s29 =	sshrl.u32 s26, $0x2;
	[dreg:$0x16] =	wrdreg s30  }
0x23: {  	s5 =	sadd.s32 $0x4000, s31;
	s12 =	sadd.s32 $0x6000, s31;
	[dreg:$0x7] =	wrdreg s28  }
0x24: {  	s13 =	sshrl.u32 s2, $0x2;
	s14 =	sadd.s32 $0x7000, s31;
	[dreg:$0x17] =	wrdreg s5  }
0x25: {  	s18 =	sadd.s32 $0x9000, s31;
	s21 =	sadd.s32 $0xB000, s31;
	[dreg:$0x1a] =	wrdreg s12  }
0x26: {  	s26 =	sadd.s32 $0x10000, s31;
	s2 =	simm.s32 $0x2880;
	[dreg:$0x1b] =	wrdreg s14  }
0x27: {  	s15 =	simm.s32 $0x20;
	s17 =	simm.s32 $0x7C00;
	[dreg:$0xa] =	wrdreg s13  }
0x28: {  	s19 =	simm.s32 $0x8C00;
	s22 =	simm.s32 $0x2C00;
	[dreg:$0x1f] =	wrdreg s18  }
0x29: {  	s23 =	simm.s32 $0x2800;
	s24 =	simm.s32 $0x1;
	[smem:$0x7F5] =	sst s21  }
0x2a: {  	s11 =	simm.s32 $0x0;
	s10 =	sshrl.u32 s25, $0x2;
	[smem:$0x7FA] =	sst s26  }
0x2b: {  	s9 =	sadd.s32 s29, s9;
	s0 =	sadd.s32 s29, s0;
	[dreg:$0x6] =	wrdreg s10  }
0x2c: {  	s25 =	sadd.s32 $0xF000, s31;
	s28 =	sadd.s32 $0x11000, s31;
	[dreg:$0x8] =	wrdreg s9  }
0x2d: {  	s29 =	sadd.s32 $0x12000, s31;
	s30 =	sadd.s32 $0x13000, s31;
	[dreg:$0x9] =	wrdreg s0  }
0x2e: {  	s13 =	simm.s32 $0x2A00;
	s14 =	simm.s32 $0x6C00;
	[smem:$0x7F9] =	sst s25  }
0x2f: {  	s18 =	simm.s32 $0x2B00;
	s5 =	simm.s32 $0x2B80;
	[smem:$0x7FB] =	sst s28  }
0x30: {  	s21 =	simm.s32 $0x9C00;
	s26 =	simm.s32 $0xA;
	[smem:$0x7FC] =	sst s29  }
0x31: {  	s10 =	sadd.s32 $0x5000, s31;
	[smem:$0x7FD] =	sst s30;
	s9 =	simm.s32 $0x4C00  }
0x32: {  	v0 =	vimm.f32 $0.0e+00;
	s25 =	simm.s32 $0x2;
	[dreg:$0x18] =	wrdreg s10;
	s10 =	simm.s32 $0x5C00  }
.LBB2_1:
0x33: {  	[smem:$0x7F3] =	sst s11  }
0x34: {  	s0 =	rddreg [dreg:$0xb]  }
0x35: {  	s12 =	simm.s32 $0x80;
	s29 =	simm.s32 $0x100;
	s28 =	simm.s32 $0x9  }
0x36: {  	[tilespmem:s3], [sflag:$0x9] =	stream.strided.gather [hbm4b:s0+s12], $0x2800, s29, s12, $0x38;
	[tilespmem:$0x1EC00] =	vst v63  }
0x37: {  	_ =	swait.ge [sflag:s28], $0x2800  }
0x38: {  	[sflag:s28] =	ssyncset.done $0x0  }
0x39: {  	s30 =	rddreg [dreg:$0xc];
	[sflag:s28] =	ssyncadd.s32 $0xFFFFD800  }
0x3a: {  	[tilespmem:s2], [sflag:$0x2] =	stream.linear.gather [hbm4b:s30+s3], $0x20, $0x38;
	[tilespmem:$0x1EC00] =	vst v63  }
0x3b: {  	_ = 	snop  }
0x3c: {  	[tilespmem:s7], [sflag:$0xA] =	stream.indirect.gather [hbm4b:s4+s15], $0x80, s15, s15, $0xb8;
	[tilespmem:$0x1EC00] =	vst v63  }
0x3d: {  	s2 =	rddreg [dreg:$0xd]  }
0x3e: {  	[tilespmem:s8], [sflag:$0x3] =	stream.linear.gather [hbm4b:s2+s3], $0x20, $0x38;
	[tilespmem:$0x1EC00] =	vst v63  }
0x3f: {  	s7 =	simm.s32 $0x40  }
0x40: {  	[tilespmem:s9], [sflag:$0xB] =	stream.indirect.gather [hbm4b:s4+s15], $0x80, s7, s15, $0xb8;
	[tilespmem:$0x1EC00] =	vst v63  }
0x41: {  	s8 =	rddreg [dreg:$0xe]  }
0x42: {  	[tilespmem:s6], [sflag:$0x4] =	stream.linear.gather [hbm4b:s8+s3], $0x20, $0x38;
	[tilespmem:$0x1EC00] =	vst v63  }
0x43: {  	s9 =	simm.s32 $0x60  }
0x44: {  	[tilespmem:s10], [sflag:$0xC] =	stream.indirect.gather [hbm4b:s4+s15], $0x80, s9, s15, $0xb8;
	[tilespmem:$0x1EC00] =	vst v63  }
0x45: {  	s11 =	rddreg [dreg:$0xf]  }
0x46: {  	[tilespmem:s13], [sflag:$0x5] =	stream.linear.gather [hbm4b:s11+s3], $0x20, $0x38;
	[tilespmem:$0x1EC00] =	vst v63  }
0x47: {  	_ = 	snop  }
0x48: {  	[tilespmem:s14], [sflag:$0xD] =	stream.indirect.gather [hbm4b:s4+s15], $0x80, s12, s15, $0xb8;
	[tilespmem:$0x1EC00] =	vst v63  }
0x49: {  	s14 =	rddreg [dreg:$0x10]  }
0x4a: {  	[tilespmem:s16], [sflag:$0x6] =	stream.linear.gather [hbm4b:s14+s3], $0x20, $0x38;
	[tilespmem:$0x1EC00] =	vst v63  }
0x4b: {  	s16 =	simm.s32 $0xA0  }
0x4c: {  	[tilespmem:s17], [sflag:$0xE] =	stream.indirect.gather [hbm4b:s4+s15], $0x80, s16, s15, $0xb8;
	[tilespmem:$0x1EC00] =	vst v63  }
0x4d: {  	s17 =	rddreg [dreg:$0x11]  }
0x4e: {  	[tilespmem:s18], [sflag:$0x7] =	stream.linear.gather [hbm4b:s17+s3], $0x20, $0x38;
	[tilespmem:$0x1EC00] =	vst v63  }
0x4f: {  	s18 =	simm.s32 $0xC0  }
0x50: {  	[tilespmem:s19], [sflag:$0xF] =	stream.indirect.gather [hbm4b:s4+s15], $0x80, s18, s15, $0xb8;
	[tilespmem:$0x1EC00] =	vst v63  }
0x51: {  	s28 =	rddreg [dreg:$0x12]  }
0x52: {  	[tilespmem:s5], [sflag:$0x8] =	stream.linear.gather [hbm4b:s28+s3], $0x20, $0x38;
	[tilespmem:$0x1EC00] =	vst v63  }
0x53: {  	s29 =	simm.s32 $0x200;
	s30 =	simm.s32 $0xE0;
	s12 =	simm.s32 $0x0  }
0x54: {  	[tilespmem:s21], [sflag:$0x10] =	stream.indirect.gather [hbm4b:s4+s15], $0x80, s30, s15, $0xb8;
	[tilespmem:$0x1EC00] =	vst v63  }
.LBB2_2:
0x55: {  	p0 =	sne.s32 s29, $0x3E00;
	[tilespmem:s12+$0x2C70] =	vst v0  }
0x56: {  	[tilespmem:s12+$0x2C00] =	vst v0  }
0x57: {  	[tilespmem:s12+$0x2C10] =	vst v0  }
.Ltmp0:
0x58: {  	[tilespmem:s12+$0x2C20] =	vst v0;
	(pc) =	sbr.rel @p0 .LBB2_2-.Ltmp0, $4  }
0x59: {  	[tilespmem:s12+$0x2C30] =	vst v0  }
0x5a: {  	[tilespmem:s12+$0x2C40] =	vst v0  }
0x5b: {  	[tilespmem:s12+$0x2C50] =	vst v0  }
0x5c: {  	[tilespmem:s12+$0x2C60] =	vst v0;
	s12 =	sshra.s32 s29, $0x2;
	s29 =	sadd.s32 $0x200, s29  }
0x5d: {  	[tilespmem:s12+$0x2C70] =	vst v0  }
0x5e: {  	[tilespmem:s12+$0x2C00] =	vst v0  }
0x5f: {  	[tilespmem:s12+$0x2C10] =	vst v0  }
0x60: {  	[tilespmem:s12+$0x2C20] =	vst v0  }
0x61: {  	[tilespmem:s12+$0x2C30] =	vst v0  }
0x62: {  	[tilespmem:s12+$0x2C40] =	vst v0  }
0x63: {  	[tilespmem:s12+$0x2C50] =	vst v0  }
0x64: {  	[tilespmem:s12+$0x2C60] =	vst v0;
	s0 =	rddreg [dreg:$0x14]  }
0x65: {  	[spmem:s31] =	stream.linear.scatter [tilespmem:s22], [sflag:$0x11], $0x1000, $0x38;
	[tilespmem:$0x1EC00] =	vst v63  }
0x66: {  	s8 =	rddreg [dreg:$0x15]  }
0x67: {  	[spmem:s0] =	stream.linear.scatter [tilespmem:s22], [sflag:$0x11], $0x1000, $0x38;
	[tilespmem:$0x1EC00] =	vst v63  }
0x68: {  	s9 =	rddreg [dreg:$0x16]  }
0x69: {  	[spmem:s8] =	stream.linear.scatter [tilespmem:s22], [sflag:$0x11], $0x1000, $0x38;
	[tilespmem:$0x1EC00] =	vst v63  }
0x6a: {  	s10 =	rddreg [dreg:$0x17]  }
0x6b: {  	[spmem:s9] =	stream.linear.scatter [tilespmem:s22], [sflag:$0x11], $0x1000, $0x38;
	[tilespmem:$0x1EC00] =	vst v63  }
0x6c: {  	s11 =	rddreg [dreg:$0x18]  }
0x6d: {  	[spmem:s10] =	stream.linear.scatter [tilespmem:s22], [sflag:$0x11], $0x1000, $0x38;
	[tilespmem:$0x1EC00] =	vst v63  }
0x6e: {  	s12 =	rddreg [dreg:$0x1a]  }
0x6f: {  	[spmem:s11] =	stream.linear.scatter [tilespmem:s22], [sflag:$0x11], $0x1000, $0x38;
	[tilespmem:$0x1EC00] =	vst v63  }
0x70: {  	s13 =	rddreg [dreg:$0x1b]  }
0x71: {  	[spmem:s12] =	stream.linear.scatter [tilespmem:s22], [sflag:$0x11], $0x1000, $0x38;
	[tilespmem:$0x1EC00] =	vst v63  }
0x72: {  	s14 =	rddreg [dreg:$0x1c]  }
0x73: {  	[spmem:s13] =	stream.linear.scatter [tilespmem:s22], [sflag:$0x11], $0x1000, $0x38;
	[tilespmem:$0x1EC00] =	vst v63  }
0x74: {  	s16 =	rddreg [dreg:$0x1f]  }
0x75: {  	[spmem:s14] =	stream.linear.scatter [tilespmem:s22], [sflag:$0x11], $0x1000, $0x38;
	[tilespmem:$0x1EC00] =	vst v63  }
0x76: {  	s17 =	sld [smem:$0x7F4]  }
0x77: {  	[spmem:s16] =	stream.linear.scatter [tilespmem:s22], [sflag:$0x11], $0x1000, $0x38;
	[tilespmem:$0x1EC00] =	vst v63  }
0x78: {  	s18 =	sld [smem:$0x7F5]  }
0x79: {  	[spmem:s17] =	stream.linear.scatter [tilespmem:s22], [sflag:$0x11], $0x1000, $0x38;
	[tilespmem:$0x1EC00] =	vst v63  }
0x7a: {  	s19 =	sld [smem:$0x7F6]  }
0x7b: {  	[spmem:s18] =	stream.linear.scatter [tilespmem:s22], [sflag:$0x11], $0x1000, $0x38;
	[tilespmem:$0x1EC00] =	vst v63  }
0x7c: {  	s28 =	sld [smem:$0x7F7]  }
0x7d: {  	[spmem:s19] =	stream.linear.scatter [tilespmem:s22], [sflag:$0x11], $0x1000, $0x38;
	[tilespmem:$0x1EC00] =	vst v63  }
0x7e: {  	s30 =	sld [smem:$0x7F8]  }
0x7f: {  	[spmem:s28] =	stream.linear.scatter [tilespmem:s22], [sflag:$0x11], $0x1000, $0x38;
	[tilespmem:$0x1EC00] =	vst v63  }
0x80: {  	s2 =	sld [smem:$0x7F9]  }
0x81: {  	[spmem:s30] =	stream.linear.scatter [tilespmem:s22], [sflag:$0x11], $0x1000, $0x38;
	[tilespmem:$0x1EC00] =	vst v63  }
0x82: {  	s5 =	sld [smem:$0x7FA]  }
0x83: {  	[spmem:s2] =	stream.linear.scatter [tilespmem:s22], [sflag:$0x11], $0x1000, $0x38;
	[tilespmem:$0x1EC00] =	vst v63  }
0x84: {  	s6 =	sld [smem:$0x7FB]  }
0x85: {  	[spmem:s5] =	stream.linear.scatter [tilespmem:s22], [sflag:$0x11], $0x1000, $0x38;
	[tilespmem:$0x1EC00] =	vst v63  }
0x86: {  	s7 =	sld [smem:$0x7FC]  }
0x87: {  	[spmem:s6] =	stream.linear.scatter [tilespmem:s22], [sflag:$0x11], $0x1000, $0x38;
	[tilespmem:$0x1EC00] =	vst v63  }
0x88: {  	s8 =	sld [smem:$0x7FD]  }
0x89: {  	[spmem:s7] =	stream.linear.scatter [tilespmem:s22], [sflag:$0x11], $0x1000, $0x38;
	[tilespmem:$0x1EC00] =	vst v63  }
0x8a: {  	s9 =	simm.s32 $0x11  }
0x8b: {  	[spmem:s8] =	stream.linear.scatter [tilespmem:s22], [sflag:$0x11], $0x1000, $0x38;
	[tilespmem:$0x1EC00] =	vst v63  }
0x8c: {  	_ =	swait.ge [sflag:s9], $0x1000  }
0x8d: {  	[sflag:s9] =	ssyncset.done $0x0  }
0x8e: {  	[sflag:s9] =	ssyncadd.s32 $0xFFFFF000  }
0x8f: {  	_ =	swait.ge [sflag:s9], $0x1000  }
0x90: {  	[sflag:s9] =	ssyncset.done $0x0  }
0x91: {  	[sflag:s9] =	ssyncadd.s32 $0xFFFFF000  }
0x92: {  	_ =	swait.ge [sflag:s9], $0x1000  }
0x93: {  	[sflag:s9] =	ssyncset.done $0x0  }
0x94: {  	[sflag:s9] =	ssyncadd.s32 $0xFFFFF000  }
0x95: {  	_ =	swait.ge [sflag:s9], $0x1000  }
0x96: {  	[sflag:s9] =	ssyncset.done $0x0  }
0x97: {  	[sflag:s9] =	ssyncadd.s32 $0xFFFFF000  }
0x98: {  	_ =	swait.ge [sflag:s9], $0x1000  }
0x99: {  	[sflag:s9] =	ssyncset.done $0x0  }
0x9a: {  	[sflag:s9] =	ssyncadd.s32 $0xFFFFF000  }
0x9b: {  	_ =	swait.ge [sflag:s9], $0x1000  }
0x9c: {  	[sflag:s9] =	ssyncset.done $0x0  }
0x9d: {  	[sflag:s9] =	ssyncadd.s32 $0xFFFFF000  }
0x9e: {  	_ =	swait.ge [sflag:s9], $0x1000  }
0x9f: {  	[sflag:s9] =	ssyncset.done $0x0  }
0xa0: {  	[sflag:s9] =	ssyncadd.s32 $0xFFFFF000  }
0xa1: {  	_ =	swait.ge [sflag:s9], $0x1000  }
0xa2: {  	[sflag:s9] =	ssyncset.done $0x0  }
0xa3: {  	[sflag:s9] =	ssyncadd.s32 $0xFFFFF000  }
0xa4: {  	_ =	swait.ge [sflag:s9], $0x1000  }
0xa5: {  	[sflag:s9] =	ssyncset.done $0x0  }
0xa6: {  	[sflag:s9] =	ssyncadd.s32 $0xFFFFF000  }
0xa7: {  	_ =	swait.ge [sflag:s9], $0x1000  }
0xa8: {  	[sflag:s9] =	ssyncset.done $0x0  }
0xa9: {  	[sflag:s9] =	ssyncadd.s32 $0xFFFFF000  }
0xaa: {  	_ =	swait.ge [sflag:s9], $0x1000  }
0xab: {  	[sflag:s9] =	ssyncset.done $0x0  }
0xac: {  	[sflag:s9] =	ssyncadd.s32 $0xFFFFF000  }
0xad: {  	_ =	swait.ge [sflag:s9], $0x1000  }
0xae: {  	[sflag:s9] =	ssyncset.done $0x0  }
0xaf: {  	[sflag:s9] =	ssyncadd.s32 $0xFFFFF000  }
0xb0: {  	_ =	swait.ge [sflag:s9], $0x1000  }
0xb1: {  	[sflag:s9] =	ssyncset.done $0x0  }
0xb2: {  	[sflag:s9] =	ssyncadd.s32 $0xFFFFF000  }
0xb3: {  	_ =	swait.ge [sflag:s9], $0x1000  }
0xb4: {  	[sflag:s9] =	ssyncset.done $0x0  }
0xb5: {  	[sflag:s9] =	ssyncadd.s32 $0xFFFFF000  }
0xb6: {  	_ =	swait.ge [sflag:s9], $0x1000  }
0xb7: {  	[sflag:s9] =	ssyncset.done $0x0  }
0xb8: {  	[sflag:s9] =	ssyncadd.s32 $0xFFFFF000  }
0xb9: {  	_ =	swait.ge [sflag:s9], $0x1000  }
0xba: {  	[sflag:s9] =	ssyncset.done $0x0  }
0xbb: {  	[sflag:s9] =	ssyncadd.s32 $0xFFFFF000  }
0xbc: {  	_ =	swait.ge [sflag:s9], $0x1000  }
0xbd: {  	[sflag:s9] =	ssyncset.done $0x0  }
0xbe: {  	[sflag:s9] =	ssyncadd.s32 $0xFFFFF000  }
0xbf: {  	_ =	swait.ge [sflag:s9], $0x1000  }
0xc0: {  	[sflag:s9] =	ssyncset.done $0x0  }
0xc1: {  	[sflag:s9] =	ssyncadd.s32 $0xFFFFF000  }
0xc2: {  	_ =	swait.ge [sflag:s9], $0x1000  }
0xc3: {  	[sflag:s9] =	ssyncset.done $0x0  }
0xc4: {  	[sflag:s9] =	ssyncadd.s32 $0xFFFFF000  }
0xc5: {  	_ =	swait.ge [sflag:s9], $0x1000  }
0xc6: {  	[sflag:s9] =	ssyncset.done $0x0  }
0xc7: {  	s10 =	simm.s32 $0x0;
	s11 =	rddreg [dreg:$0x19];
	[sflag:s9] =	ssyncadd.s32 $0xFFFFF000  }
0xc8: {  	[tilespmem:s23], [sflag:$0x1] =	stream.linear.gather [hbm4b:s11+s10], $0x20, $0x38;
	[tilespmem:$0x1EC00] =	vst v63  }
0xc9: {  	_ = 	snop  }
0xca: {  	[tilespmem:s22], [sflag:$0x9] =	stream.indirect.gather [hbm4b:s4+s15], $0x80, s10, s15, $0xb8;
	[tilespmem:$0x1EC00] =	vst v63  }
0xcb: {  	[bflag:$0x0] =	sbarrier.arrive $0xFFFF  }
0xcc: {  	_ =	swait.ge [sflag:s24], $0x20  }
0xcd: {  	[sflag:s24] =	ssyncset.done $0x0  }
0xce: {  	s2 =	simm.s32 $0x9;
	[sflag:s24] =	ssyncadd.s32 $0xFFFFFFE0  }
0xcf: {  	_ =	swait.ge [sflag:s2], $0x1000  }
0xd0: {  	[sflag:s2] =	ssyncset.done $0x0  }
0xd1: {  	[sflag:s2] =	ssyncadd.s32 $0xFFFFF000  }
0xd2: {  	[spmem:s1] =	stream.indirect.scatter.add.f32 [tilespmem:s22], [sflag:$0x11], $0x80, s23, s15, $0xb8;
	[tilespmem:$0x1EC00] =	vst v63  }
0xd3: {  	_ =	swait.ge [sflag:s25], $0x20  }
0xd4: {  	[sflag:s25] =	ssyncset.done $0x0  }
0xd5: {  	[sflag:s25] =	ssyncadd.s32 $0xFFFFFFE0  }
0xd6: {  	_ =	swait.ge [sflag:s26], $0x1000  }
0xd7: {  	s5 =	simm.s32 $0x3;
	[sflag:s26] =	ssyncset.done $0x0  }
0xd8: {  	s6 =	simm.s32 $0x2880;
	s7 =	simm.s32 $0x3C00;
	[sflag:s26] =	ssyncadd.s32 $0xFFFFF000  }
0xd9: {  	[spmem:s1] =	stream.indirect.scatter.add.f32 [tilespmem:s7], [sflag:$0x12], $0x80, s6, s15, $0xb8;
	[tilespmem:$0x1EC00] =	vst v63  }
0xda: {  	_ =	swait.ge [sflag:s5], $0x20  }
0xdb: {  	[sflag:s5] =	ssyncset.done $0x0  }
0xdc: {  	s12 =	simm.s32 $0xB;
	[sflag:s5] =	ssyncadd.s32 $0xFFFFFFE0  }
0xdd: {  	_ =	swait.ge [sflag:s12], $0x1000  }
0xde: {  	[sflag:s12] =	ssyncset.done $0x0  }
0xdf: {  	s0 =	simm.s32 $0x11;
	[sflag:s12] =	ssyncadd.s32 $0xFFFFF000  }
0xe0: {  	_ =	swait.ge [sflag:s0], $0x1000  }
0xe1: {  	s13 =	rddreg [dreg:$0x9];
	[sflag:s0] =	ssyncset.done $0x0  }
0xe2: {  	[sflag:s0] =	ssyncadd.s32 $0xFFFFF000;
	s12 =	sadd.s32 $0x0, s13  }
0xe3: {  	[tilespmem:s23], [sflag:$0x1] =	stream.linear.gather [hbm4b:s12+s3], $0x20, $0x38;
	[tilespmem:$0x1EC00] =	vst v63  }
0xe4: {  	s14 =	simm.s32 $0x100  }
0xe5: {  	[tilespmem:s22], [sflag:$0x9] =	stream.indirect.gather [hbm4b:s4+s15], $0x80, s14, s15, $0xb8;
	[tilespmem:$0x1EC00] =	vst v63  }
0xe6: {  	s16 =	simm.s32 $0x4;
	s8 =	simm.s32 $0x2900;
	s9 =	simm.s32 $0x4C00  }
0xe7: {  	[spmem:s1] =	stream.indirect.scatter.add.f32 [tilespmem:s9], [sflag:$0x13], $0x80, s8, s15, $0xb8;
	[tilespmem:$0x1EC00] =	vst v63  }
0xe8: {  	_ =	swait.ge [sflag:s16], $0x20  }
0xe9: {  	[sflag:s16] =	ssyncset.done $0x0  }
0xea: {  	s17 =	simm.s32 $0xC;
	[sflag:s16] =	ssyncadd.s32 $0xFFFFFFE0  }
0xeb: {  	_ =	swait.ge [sflag:s17], $0x1000  }
0xec: {  	[sflag:s17] =	ssyncset.done $0x0  }
0xed: {  	s18 =	simm.s32 $0x12;
	[sflag:s17] =	ssyncadd.s32 $0xFFFFF000  }
0xee: {  	_ =	swait.ge [sflag:s18], $0x1000  }
0xef: {  	s19 =	rddreg [dreg:$0x8];
	[sflag:s18] =	ssyncset.done $0x0  }
0xf0: {  	[sflag:s18] =	ssyncadd.s32 $0xFFFFF000;
	s12 =	sadd.s32 $0x0, s19  }
0xf1: {  	[tilespmem:s6], [sflag:$0x2] =	stream.linear.gather [hbm4b:s12+s3], $0x20, $0x38;
	[tilespmem:$0x1EC00] =	vst v63  }
0xf2: {  	s22 =	simm.s32 $0x120  }
0xf3: {  	[tilespmem:s7], [sflag:$0xA] =	stream.indirect.gather [hbm4b:s4+s15], $0x80, s22, s15, $0xb8;
	[tilespmem:$0x1EC00] =	vst v63  }
0xf4: {  	s24 =	simm.s32 $0x5C00;
	s25 =	simm.s32 $0x5;
	s23 =	simm.s32 $0x2980  }
0xf5: {  	[spmem:s1] =	stream.indirect.scatter.add.f32 [tilespmem:s24], [sflag:$0x14], $0x80, s23, s15, $0xb8;
	[tilespmem:$0x1EC00] =	vst v63  }
0xf6: {  	_ =	swait.ge [sflag:s25], $0x20  }
0xf7: {  	[sflag:s25] =	ssyncset.done $0x0  }
0xf8: {  	s26 =	simm.s32 $0xD;
	[sflag:s25] =	ssyncadd.s32 $0xFFFFFFE0  }
0xf9: {  	_ =	swait.ge [sflag:s26], $0x1000  }
0xfa: {  	[sflag:s26] =	ssyncset.done $0x0  }
0xfb: {  	s28 =	simm.s32 $0x13;
	[sflag:s26] =	ssyncadd.s32 $0xFFFFF000  }
0xfc: {  	_ =	swait.ge [sflag:s28], $0x1000  }
0xfd: {  	s30 =	rddreg [dreg:$0x7];
	[sflag:s28] =	ssyncset.done $0x0  }
0xfe: {  	[sflag:s28] =	ssyncadd.s32 $0xFFFFF000;
	s12 =	sadd.s32 $0x0, s30  }
0xff: {  	[tilespmem:s8], [sflag:$0x3] =	stream.linear.gather [hbm4b:s12+s3], $0x20, $0x38;
	[tilespmem:$0x1EC00] =	vst v63  }
0x100: {  	s8 =	simm.s32 $0x140  }
0x101: {  	[tilespmem:s9], [sflag:$0xB] =	stream.indirect.gather [hbm4b:s4+s15], $0x80, s8, s15, $0xb8;
	[tilespmem:$0x1EC00] =	vst v63  }
0x102: {  	s11 =	simm.s32 $0x6C00;
	s10 =	simm.s32 $0x2A00;
	s13 =	simm.s32 $0x6  }
0x103: {  	[spmem:s1] =	stream.indirect.scatter.add.f32 [tilespmem:s11], [sflag:$0x15], $0x80, s10, s15, $0xb8;
	[tilespmem:$0x1EC00] =	vst v63  }
0x104: {  	_ =	swait.ge [sflag:s13], $0x20  }
0x105: {  	[sflag:s13] =	ssyncset.done $0x0  }
0x106: {  	s14 =	simm.s32 $0xE;
	[sflag:s13] =	ssyncadd.s32 $0xFFFFFFE0  }
0x107: {  	_ =	swait.ge [sflag:s14], $0x1000  }
0x108: {  	[sflag:s14] =	ssyncset.done $0x0  }
0x109: {  	s16 =	simm.s32 $0x14;
	[sflag:s14] =	ssyncadd.s32 $0xFFFFF000  }
0x10a: {  	_ =	swait.ge [sflag:s16], $0x1000  }
0x10b: {  	s17 =	rddreg [dreg:$0x6]  }
0x10c: {  	s12 =	sadd.s32 $0x0, s17  }
0x10d: {  	[sflag:s16] =	ssyncset.done $0x0;
	s12 =	sor.u32 $0xC, s12  }
0x10e: {  	[sflag:s16] =	ssyncadd.s32 $0xFFFFF000;
	s12 =	sadd.s32 s20, s12  }
0x10f: {  	[tilespmem:s23], [sflag:$0x4] =	stream.linear.gather [hbm4b:s12+s3], $0x20, $0x38;
	[tilespmem:$0x1EC00] =	vst v63  }
0x110: {  	s18 =	simm.s32 $0x160  }
0x111: {  	[tilespmem:s24], [sflag:$0xC] =	stream.indirect.gather [hbm4b:s4+s15], $0x80, s18, s15, $0xb8;
	[tilespmem:$0x1EC00] =	vst v63  }
0x112: {  	s19 =	simm.s32 $0x2A80;
	s22 =	simm.s32 $0x7C00;
	s23 =	simm.s32 $0x7  }
0x113: {  	[spmem:s1] =	stream.indirect.scatter.add.f32 [tilespmem:s22], [sflag:$0x16], $0x80, s19, s15, $0xb8;
	[tilespmem:$0x1EC00] =	vst v63  }
0x114: {  	_ =	swait.ge [sflag:s23], $0x20  }
0x115: {  	[sflag:s23] =	ssyncset.done $0x0  }
0x116: {  	s24 =	simm.s32 $0xF;
	[sflag:s23] =	ssyncadd.s32 $0xFFFFFFE0  }
0x117: {  	_ =	swait.ge [sflag:s24], $0x1000  }
0x118: {  	[sflag:s24] =	ssyncset.done $0x0  }
0x119: {  	s25 =	simm.s32 $0x15;
	[sflag:s24] =	ssyncadd.s32 $0xFFFFF000  }
0x11a: {  	_ =	swait.ge [sflag:s25], $0x1000  }
0x11b: {  	s26 =	rddreg [dreg:$0x5];
	[sflag:s25] =	ssyncset.done $0x0  }
0x11c: {  	[sflag:s25] =	ssyncadd.s32 $0xFFFFF000;
	s12 =	sadd.s32 $0x0, s26  }
0x11d: {  	[tilespmem:s10], [sflag:$0x5] =	stream.linear.gather [hbm4b:s12+s3], $0x20, $0x38;
	[tilespmem:$0x1EC00] =	vst v63  }
0x11e: {  	s28 =	simm.s32 $0x180  }
0x11f: {  	[tilespmem:s11], [sflag:$0xD] =	stream.indirect.gather [hbm4b:s4+s15], $0x80, s28, s15, $0xb8;
	[tilespmem:$0x1EC00] =	vst v63  }
0x120: {  	s9 =	simm.s32 $0x2B00;
	s13 =	simm.s32 $0x8C00;
	s10 =	simm.s32 $0x8  }
0x121: {  	[spmem:s1] =	stream.indirect.scatter.add.f32 [tilespmem:s13], [sflag:$0x17], $0x80, s9, s15, $0xb8;
	[tilespmem:$0x1EC00] =	vst v63  }
0x122: {  	_ =	swait.ge [sflag:s10], $0x20  }
0x123: {  	[sflag:s10] =	ssyncset.done $0x0  }
0x124: {  	s14 =	simm.s32 $0x10;
	[sflag:s10] =	ssyncadd.s32 $0xFFFFFFE0  }
0x125: {  	_ =	swait.ge [sflag:s14], $0x1000  }
0x126: {  	[sflag:s14] =	ssyncset.done $0x0  }
0x127: {  	s16 =	simm.s32 $0x16;
	[sflag:s14] =	ssyncadd.s32 $0xFFFFF000  }
0x128: {  	_ =	swait.ge [sflag:s16], $0x1000  }
0x129: {  	s17 =	rddreg [dreg:$0x4];
	[sflag:s16] =	ssyncset.done $0x0  }
0x12a: {  	[sflag:s16] =	ssyncadd.s32 $0xFFFFF000;
	s12 =	sadd.s32 $0x0, s17  }
0x12b: {  	[tilespmem:s19], [sflag:$0x6] =	stream.linear.gather [hbm4b:s12+s3], $0x20, $0x38;
	[tilespmem:$0x1EC00] =	vst v63  }
0x12c: {  	s18 =	simm.s32 $0x1A0  }
0x12d: {  	[tilespmem:s22], [sflag:$0xE] =	stream.indirect.gather [hbm4b:s4+s15], $0x80, s18, s15, $0xb8;
	[tilespmem:$0x1EC00] =	vst v63  }
0x12e: {  	s24 =	simm.s32 $0x1;
	s19 =	simm.s32 $0x2B80  }
0x12f: {  	[spmem:s1] =	stream.indirect.scatter.add.f32 [tilespmem:s21], [sflag:$0x18], $0x80, s19, s15, $0xb8;
	[tilespmem:$0x1EC00] =	vst v63  }
0x130: {  	_ =	swait.ge [sflag:s24], $0x20  }
0x131: {  	[sflag:s24] =	ssyncset.done $0x0  }
0x132: {  	[sflag:s24] =	ssyncadd.s32 $0xFFFFFFE0  }
0x133: {  	_ =	swait.ge [sflag:s2], $0x1000  }
0x134: {  	[sflag:s2] =	ssyncset.done $0x0  }
0x135: {  	[sflag:s2] =	ssyncadd.s32 $0xFFFFF000;
	s2 =	simm.s32 $0x17  }
0x136: {  	_ =	swait.ge [sflag:s2], $0x1000  }
0x137: {  	s22 =	rddreg [dreg:$0x3];
	[sflag:s2] =	ssyncset.done $0x0  }
0x138: {  	[sflag:s2] =	ssyncadd.s32 $0xFFFFF000;
	s12 =	sadd.s32 $0x0, s22  }
0x139: {  	[tilespmem:s9], [sflag:$0x7] =	stream.linear.gather [hbm4b:s12+s3], $0x20, $0x38;
	[tilespmem:$0x1EC00] =	vst v63  }
0x13a: {  	s23 =	simm.s32 $0x1C0  }
0x13b: {  	[tilespmem:s13], [sflag:$0xF] =	stream.indirect.gather [hbm4b:s4+s15], $0x80, s23, s15, $0xb8;
	[tilespmem:$0x1EC00] =	vst v63  }
0x13c: {  	s30 =	simm.s32 $0x2800;
	s25 =	simm.s32 $0x2;
	s11 =	simm.s32 $0x2C00  }
0x13d: {  	[spmem:s1] =	stream.indirect.scatter.add.f32 [tilespmem:s11], [sflag:$0x11], $0x80, s30, s15, $0xb8;
	[tilespmem:$0x1EC00] =	vst v63  }
0x13e: {  	_ =	swait.ge [sflag:s25], $0x20  }
0x13f: {  	[sflag:s25] =	ssyncset.done $0x0  }
0x140: {  	s26 =	simm.s32 $0xA;
	[sflag:s25] =	ssyncadd.s32 $0xFFFFFFE0  }
0x141: {  	_ =	swait.ge [sflag:s26], $0x1000  }
0x142: {  	[sflag:s26] =	ssyncset.done $0x0  }
0x143: {  	s11 =	simm.s32 $0x18;
	[sflag:s26] =	ssyncadd.s32 $0xFFFFF000  }
0x144: {  	_ =	swait.ge [sflag:s11], $0x1000  }
0x145: {  	s28 =	rddreg [dreg:$0xa]  }
0x146: {  	s12 =	sadd.s32 $0x0, s28  }
0x147: {  	[sflag:s11] =	ssyncset.done $0x0;
	s12 =	sor.u32 $0xC, s12  }
0x148: {  	[sflag:s11] =	ssyncadd.s32 $0xFFFFF000;
	s12 =	sadd.s32 s20, s12  }
0x149: {  	[tilespmem:s19], [sflag:$0x8] =	stream.linear.gather [hbm4b:s12+s3], $0x20, $0x38;
	[tilespmem:$0x1EC00] =	vst v63  }
0x14a: {  	s29 =	simm.s32 $0x40;
	s31 =	simm.s32 $0x400;
	s30 =	simm.s32 $0x1E0  }
0x14b: {  	[tilespmem:s21], [sflag:$0x10] =	stream.indirect.gather [hbm4b:s4+s15], $0x80, s30, s15, $0xb8;
	[tilespmem:$0x1EC00] =	vst v63  }
.LBB2_4:
0x14c: {  	s7 =	simm.s32 $0x2880;
	s8 =	simm.s32 $0x3C00;
	s21 =	simm.s32 $0x3  }
0x14d: {  	[spmem:s1] =	stream.indirect.scatter.add.f32 [tilespmem:s8], [sflag:$0x12], $0x80, s7, s15, $0xb8;
	[tilespmem:$0x1EC00] =	vst v63  }
0x14e: {  	_ =	swait.ge [sflag:s21], $0x20  }
0x14f: {  	[sflag:s21] =	ssyncset.done $0x0  }
0x150: {  	s10 =	simm.s32 $0xB;
	[sflag:s21] =	ssyncadd.s32 $0xFFFFFFE0  }
0x151: {  	_ =	swait.ge [sflag:s10], $0x1000  }
0x152: {  	[sflag:s10] =	ssyncset.done $0x0  }
0x153: {  	[sflag:s10] =	ssyncadd.s32 $0xFFFFF000  }
0x154: {  	s12 =	smov.u32 s31;
	s13 =	simm.s32 $0x11;
	_ =	swait.ge [sflag:s0], $0x1000  }
0x155: {  	s5 =	simm.s32 $0x2800;
	s0 =	rddreg [dreg:$0x9];
	[sflag:s13] =	ssyncset.done $0x0  }
0x156: {  	s12 =	sshra.s32 s12, $0x2;
	[sflag:s13] =	ssyncadd.s32 $0xFFFFF000;
	s0 =	sadd.s32 s29, s0  }
0x157: {  	[tilespmem:s5], [sflag:$0x1] =	stream.linear.gather [hbm4b:s0+s3], $0x20, $0x38;
	[tilespmem:$0x1EC00] =	vst v63  }
0x158: {  	s22 =	simm.s32 $0x2C00;
	s14 =	sadd.s32 $0x100, s12  }
0x159: {  	[tilespmem:s22], [sflag:$0x9] =	stream.indirect.gather [hbm4b:s4+s15], $0x80, s14, s15, $0xb8;
	[tilespmem:$0x1EC00] =	vst v63  }
0x15a: {  	s9 =	simm.s32 $0x2900;
	s6 =	simm.s32 $0x4C00;
	s16 =	simm.s32 $0x4  }
0x15b: {  	[spmem:s1] =	stream.indirect.scatter.add.f32 [tilespmem:s6], [sflag:$0x13], $0x80, s9, s15, $0xb8;
	[tilespmem:$0x1EC00] =	vst v63  }
0x15c: {  	_ =	swait.ge [sflag:s16], $0x20  }
0x15d: {  	[sflag:s16] =	ssyncset.done $0x0  }
0x15e: {  	s17 =	simm.s32 $0xC;
	[sflag:s16] =	ssyncadd.s32 $0xFFFFFFE0  }
0x15f: {  	_ =	swait.ge [sflag:s17], $0x1000  }
0x160: {  	[sflag:s17] =	ssyncset.done $0x0  }
0x161: {  	s28 =	simm.s32 $0x12;
	[sflag:s17] =	ssyncadd.s32 $0xFFFFF000  }
0x162: {  	_ =	swait.ge [sflag:s28], $0x1000  }
0x163: {  	s18 =	rddreg [dreg:$0x8];
	[sflag:s28] =	ssyncset.done $0x0  }
0x164: {  	[sflag:s28] =	ssyncadd.s32 $0xFFFFF000;
	s0 =	sadd.s32 s29, s18  }
0x165: {  	[tilespmem:s7], [sflag:$0x2] =	stream.linear.gather [hbm4b:s0+s3], $0x20, $0x38;
	[tilespmem:$0x1EC00] =	vst v63  }
0x166: {  	s19 =	sadd.s32 $0x120, s12  }
0x167: {  	[tilespmem:s8], [sflag:$0xA] =	stream.indirect.gather [hbm4b:s4+s15], $0x80, s19, s15, $0xb8;
	[tilespmem:$0x1EC00] =	vst v63  }
0x168: {  	s23 =	simm.s32 $0x5;
	s10 =	simm.s32 $0x2980;
	s14 =	simm.s32 $0x5C00  }
0x169: {  	[spmem:s1] =	stream.indirect.scatter.add.f32 [tilespmem:s14], [sflag:$0x14], $0x80, s10, s15, $0xb8;
	[tilespmem:$0x1EC00] =	vst v63  }
0x16a: {  	_ =	swait.ge [sflag:s23], $0x20  }
0x16b: {  	[sflag:s23] =	ssyncset.done $0x0  }
0x16c: {  	s8 =	simm.s32 $0xD;
	[sflag:s23] =	ssyncadd.s32 $0xFFFFFFE0  }
0x16d: {  	_ =	swait.ge [sflag:s8], $0x1000  }
0x16e: {  	[sflag:s8] =	ssyncset.done $0x0  }
0x16f: {  	s13 =	simm.s32 $0x13;
	[sflag:s8] =	ssyncadd.s32 $0xFFFFF000  }
0x170: {  	_ =	swait.ge [sflag:s13], $0x1000  }
0x171: {  	s16 =	rddreg [dreg:$0x7];
	[sflag:s13] =	ssyncset.done $0x0  }
0x172: {  	[sflag:s13] =	ssyncadd.s32 $0xFFFFF000;
	s0 =	sadd.s32 s29, s16  }
0x173: {  	[tilespmem:s9], [sflag:$0x3] =	stream.linear.gather [hbm4b:s0+s3], $0x20, $0x38;
	[tilespmem:$0x1EC00] =	vst v63  }
0x174: {  	s17 =	sadd.s32 $0x140, s12  }
0x175: {  	[tilespmem:s6], [sflag:$0xB] =	stream.indirect.gather [hbm4b:s4+s15], $0x80, s17, s15, $0xb8;
	[tilespmem:$0x1EC00] =	vst v63  }
0x176: {  	s18 =	simm.s32 $0x6;
	s13 =	simm.s32 $0x2A00;
	s16 =	simm.s32 $0x6C00  }
0x177: {  	[spmem:s1] =	stream.indirect.scatter.add.f32 [tilespmem:s16], [sflag:$0x15], $0x80, s13, s15, $0xb8;
	[tilespmem:$0x1EC00] =	vst v63  }
0x178: {  	_ =	swait.ge [sflag:s18], $0x20  }
0x179: {  	[sflag:s18] =	ssyncset.done $0x0  }
0x17a: {  	s19 =	simm.s32 $0xE;
	[sflag:s18] =	ssyncadd.s32 $0xFFFFFFE0  }
0x17b: {  	_ =	swait.ge [sflag:s19], $0x1000  }
0x17c: {  	[sflag:s19] =	ssyncset.done $0x0  }
0x17d: {  	s23 =	simm.s32 $0x14;
	[sflag:s19] =	ssyncadd.s32 $0xFFFFF000  }
0x17e: {  	_ =	swait.ge [sflag:s23], $0x1000  }
0x17f: {  	s17 =	rddreg [dreg:$0x6]  }
0x180: {  	s0 =	sadd.s32 s29, s17  }
0x181: {  	[sflag:s23] =	ssyncset.done $0x0;
	s0 =	sor.u32 $0xC, s0  }
0x182: {  	[sflag:s23] =	ssyncadd.s32 $0xFFFFF000;
	s0 =	sadd.s32 s20, s0  }
0x183: {  	[tilespmem:s10], [sflag:$0x4] =	stream.linear.gather [hbm4b:s0+s3], $0x20, $0x38;
	[tilespmem:$0x1EC00] =	vst v63  }
0x184: {  	s18 =	sadd.s32 $0x160, s12  }
0x185: {  	[tilespmem:s14], [sflag:$0xC] =	stream.indirect.gather [hbm4b:s4+s15], $0x80, s18, s15, $0xb8;
	[tilespmem:$0x1EC00] =	vst v63  }
0x186: {  	s19 =	simm.s32 $0x7;
	s17 =	simm.s32 $0x2A80;
	s18 =	simm.s32 $0x7C00  }
0x187: {  	[spmem:s1] =	stream.indirect.scatter.add.f32 [tilespmem:s18], [sflag:$0x16], $0x80, s17, s15, $0xb8;
	[tilespmem:$0x1EC00] =	vst v63  }
0x188: {  	_ =	swait.ge [sflag:s19], $0x20  }
0x189: {  	[sflag:s19] =	ssyncset.done $0x0  }
0x18a: {  	s23 =	simm.s32 $0xF;
	[sflag:s19] =	ssyncadd.s32 $0xFFFFFFE0  }
0x18b: {  	_ =	swait.ge [sflag:s23], $0x1000  }
0x18c: {  	[sflag:s23] =	ssyncset.done $0x0  }
0x18d: {  	s0 =	simm.s32 $0x15;
	[sflag:s23] =	ssyncadd.s32 $0xFFFFF000  }
0x18e: {  	_ =	swait.ge [sflag:s0], $0x1000  }
0x18f: {  	s19 =	rddreg [dreg:$0x5];
	[sflag:s0] =	ssyncset.done $0x0  }
0x190: {  	[sflag:s0] =	ssyncadd.s32 $0xFFFFF000;
	s0 =	sadd.s32 s29, s19  }
0x191: {  	[tilespmem:s13], [sflag:$0x5] =	stream.linear.gather [hbm4b:s0+s3], $0x20, $0x38;
	[tilespmem:$0x1EC00] =	vst v63  }
0x192: {  	s23 =	sadd.s32 $0x180, s12  }
0x193: {  	[tilespmem:s16], [sflag:$0xD] =	stream.indirect.gather [hbm4b:s4+s15], $0x80, s23, s15, $0xb8;
	[tilespmem:$0x1EC00] =	vst v63  }
0x194: {  	s30 =	simm.s32 $0x8C00;
	s19 =	simm.s32 $0x2B00;
	s16 =	simm.s32 $0x8  }
0x195: {  	[spmem:s1] =	stream.indirect.scatter.add.f32 [tilespmem:s30], [sflag:$0x17], $0x80, s19, s15, $0xb8;
	[tilespmem:$0x1EC00] =	vst v63  }
0x196: {  	_ =	swait.ge [sflag:s16], $0x20  }
0x197: {  	[sflag:s16] =	ssyncset.done $0x0  }
0x198: {  	s23 =	simm.s32 $0x10;
	[sflag:s16] =	ssyncadd.s32 $0xFFFFFFE0  }
0x199: {  	_ =	swait.ge [sflag:s23], $0x1000  }
0x19a: {  	[sflag:s23] =	ssyncset.done $0x0  }
0x19b: {  	s0 =	simm.s32 $0x16;
	[sflag:s23] =	ssyncadd.s32 $0xFFFFF000  }
0x19c: {  	_ =	swait.ge [sflag:s0], $0x1000  }
0x19d: {  	s23 =	rddreg [dreg:$0x4];
	[sflag:s0] =	ssyncset.done $0x0  }
0x19e: {  	[sflag:s0] =	ssyncadd.s32 $0xFFFFF000;
	s0 =	sadd.s32 s29, s23  }
0x19f: {  	[tilespmem:s17], [sflag:$0x6] =	stream.linear.gather [hbm4b:s0+s3], $0x20, $0x38;
	[tilespmem:$0x1EC00] =	vst v63  }
0x1a0: {  	s23 =	sadd.s32 $0x1A0, s12  }
0x1a1: {  	[tilespmem:s18], [sflag:$0xE] =	stream.indirect.gather [hbm4b:s4+s15], $0x80, s23, s15, $0xb8;
	[tilespmem:$0x1EC00] =	vst v63  }
0x1a2: {  	s21 =	simm.s32 $0x9C00;
	s23 =	simm.s32 $0x2B80  }
0x1a3: {  	[spmem:s1] =	stream.indirect.scatter.add.f32 [tilespmem:s21], [sflag:$0x18], $0x80, s23, s15, $0xb8;
	[tilespmem:$0x1EC00] =	vst v63  }
0x1a4: {  	_ =	swait.ge [sflag:s24], $0x20  }
0x1a5: {  	[sflag:s24] =	ssyncset.done $0x0  }
0x1a6: {  	s18 =	simm.s32 $0x9;
	[sflag:s24] =	ssyncadd.s32 $0xFFFFFFE0  }
0x1a7: {  	_ =	swait.ge [sflag:s18], $0x1000  }
0x1a8: {  	[sflag:s18] =	ssyncset.done $0x0  }
0x1a9: {  	[sflag:s18] =	ssyncadd.s32 $0xFFFFF000  }
0x1aa: {  	_ =	swait.ge [sflag:s2], $0x1000  }
0x1ab: {  	s18 =	rddreg [dreg:$0x3];
	[sflag:s2] =	ssyncset.done $0x0  }
0x1ac: {  	[sflag:s2] =	ssyncadd.s32 $0xFFFFF000;
	s0 =	sadd.s32 s29, s18  }
0x1ad: {  	[tilespmem:s19], [sflag:$0x7] =	stream.linear.gather [hbm4b:s0+s3], $0x20, $0x38;
	[tilespmem:$0x1EC00] =	vst v63  }
0x1ae: {  	s0 =	sadd.s32 $0x1C0, s12  }
0x1af: {  	[tilespmem:s30], [sflag:$0xF] =	stream.indirect.gather [hbm4b:s4+s15], $0x80, s0, s15, $0xb8;
	[tilespmem:$0x1EC00] =	vst v63  }
0x1b0: {  	_ = 	snop  }
0x1b1: {  	[spmem:s1] =	stream.indirect.scatter.add.f32 [tilespmem:s22], [sflag:$0x11], $0x80, s5, s15, $0xb8;
	[tilespmem:$0x1EC00] =	vst v63  }
0x1b2: {  	_ =	swait.ge [sflag:s25], $0x20  }
0x1b3: {  	[sflag:s25] =	ssyncset.done $0x0  }
0x1b4: {  	p0 =	sne.s32 s31, $0x9800;
	s31 =	sadd.s32 $0x400, s31;
	[sflag:s25] =	ssyncadd.s32 $0xFFFFFFE0  }
0x1b5: {  	s28 =	simm.s32 $0x2880;
	s7 =	simm.s32 $0x3C00;
	_ =	swait.ge [sflag:s26], $0x1000  }
0x1b6: {  	s8 =	simm.s32 $0x2900;
	s9 =	simm.s32 $0x4C00;
	[sflag:s26] =	ssyncset.done $0x0  }
0x1b7: {  	s6 =	simm.s32 $0x2980;
	s10 =	simm.s32 $0x5C00;
	[sflag:s26] =	ssyncadd.s32 $0xFFFFF000  }
0x1b8: {  	s14 =	simm.s32 $0x2A00;
	s13 =	simm.s32 $0x6C00;
	_ =	swait.ge [sflag:s11], $0x1000  }
0x1b9: {  	s16 =	simm.s32 $0x2A80;
	s17 =	simm.s32 $0x7C00;
	s22 =	rddreg [dreg:$0xa]  }
0x1ba: {  	s18 =	simm.s32 $0x2B00;
	s19 =	simm.s32 $0x8C00;
	s0 =	sadd.s32 s29, s22  }
.Ltmp1:
0x1bb: {  	[sflag:s11] =	ssyncset.done $0x0;
	s0 =	sor.u32 $0xC, s0;
	(pc) =	sbr.rel @p0 .LBB2_4-.Ltmp1, $4  }
0x1bc: {  	s30 =	simm.s32 $0x2B80;
	[sflag:s11] =	ssyncadd.s32 $0xFFFFF000;
	s0 =	sadd.s32 s20, s0  }
0x1bd: {  	[tilespmem:s23], [sflag:$0x8] =	stream.linear.gather [hbm4b:s0+s3], $0x20, $0x38;
	[tilespmem:$0x1EC00] =	vst v63  }
0x1be: {  	s29 =	sadd.s32 $0x40, s29;
	s23 =	sadd.s32 $0x1E0, s12;
	s0 =	simm.s32 $0x11  }
0x1bf: {  	[tilespmem:s21], [sflag:$0x10] =	stream.indirect.gather [hbm4b:s4+s15], $0x80, s23, s15, $0xb8;
	[tilespmem:$0x1EC00] =	vst v63  }
0x1c0: {  	[spmem:s1] =	stream.indirect.scatter.add.f32 [tilespmem:s7], [sflag:$0x12], $0x80, s28, s15, $0xb8;
	[tilespmem:$0x1EC00] =	vst v63  }
0x1c1: {  	s12 =	simm.s32 $0x3  }
0x1c2: {  	_ =	swait.ge [sflag:s12], $0x20  }
0x1c3: {  	[sflag:s12] =	ssyncset.done $0x0  }
0x1c4: {  	s26 =	simm.s32 $0xB;
	[sflag:s12] =	ssyncadd.s32 $0xFFFFFFE0  }
0x1c5: {  	_ =	swait.ge [sflag:s26], $0x1000  }
0x1c6: {  	[sflag:s26] =	ssyncset.done $0x0  }
0x1c7: {  	[sflag:s26] =	ssyncadd.s32 $0xFFFFF000  }
0x1c8: {  	_ =	swait.ge [sflag:s0], $0x1000  }
0x1c9: {  	[sflag:s0] =	ssyncset.done $0x0  }
0x1ca: {  	s28 =	simm.s32 $0x4;
	[sflag:s0] =	ssyncadd.s32 $0xFFFFF000  }
0x1cb: {  	[spmem:s1] =	stream.indirect.scatter.add.f32 [tilespmem:s9], [sflag:$0x13], $0x80, s8, s15, $0xb8;
	[tilespmem:$0x1EC00] =	vst v63  }
0x1cc: {  	_ =	swait.ge [sflag:s28], $0x20  }
0x1cd: {  	[sflag:s28] =	ssyncset.done $0x0  }
0x1ce: {  	s29 =	simm.s32 $0xC;
	[sflag:s28] =	ssyncadd.s32 $0xFFFFFFE0  }
0x1cf: {  	_ =	swait.ge [sflag:s29], $0x1000  }
0x1d0: {  	[sflag:s29] =	ssyncset.done $0x0  }
0x1d1: {  	s5 =	simm.s32 $0x12;
	[sflag:s29] =	ssyncadd.s32 $0xFFFFF000  }
0x1d2: {  	_ =	swait.ge [sflag:s5], $0x1000  }
0x1d3: {  	[sflag:s5] =	ssyncset.done $0x0  }
0x1d4: {  	s7 =	simm.s32 $0x5;
	[sflag:s5] =	ssyncadd.s32 $0xFFFFF000  }
0x1d5: {  	[spmem:s1] =	stream.indirect.scatter.add.f32 [tilespmem:s10], [sflag:$0x14], $0x80, s6, s15, $0xb8;
	[tilespmem:$0x1EC00] =	vst v63  }
0x1d6: {  	_ =	swait.ge [sflag:s7], $0x20  }
0x1d7: {  	[sflag:s7] =	ssyncset.done $0x0  }
0x1d8: {  	s8 =	simm.s32 $0xD;
	[sflag:s7] =	ssyncadd.s32 $0xFFFFFFE0  }
0x1d9: {  	_ =	swait.ge [sflag:s8], $0x1000  }
0x1da: {  	[sflag:s8] =	ssyncset.done $0x0  }
0x1db: {  	s9 =	simm.s32 $0x13;
	[sflag:s8] =	ssyncadd.s32 $0xFFFFF000  }
0x1dc: {  	_ =	swait.ge [sflag:s9], $0x1000  }
0x1dd: {  	[sflag:s9] =	ssyncset.done $0x0  }
0x1de: {  	s10 =	simm.s32 $0x6;
	[sflag:s9] =	ssyncadd.s32 $0xFFFFF000  }
0x1df: {  	[spmem:s1] =	stream.indirect.scatter.add.f32 [tilespmem:s13], [sflag:$0x15], $0x80, s14, s15, $0xb8;
	[tilespmem:$0x1EC00] =	vst v63  }
0x1e0: {  	_ =	swait.ge [sflag:s10], $0x20  }
0x1e1: {  	[sflag:s10] =	ssyncset.done $0x0  }
0x1e2: {  	s12 =	simm.s32 $0xE;
	[sflag:s10] =	ssyncadd.s32 $0xFFFFFFE0  }
0x1e3: {  	_ =	swait.ge [sflag:s12], $0x1000  }
0x1e4: {  	[sflag:s12] =	ssyncset.done $0x0  }
0x1e5: {  	s13 =	simm.s32 $0x14;
	[sflag:s12] =	ssyncadd.s32 $0xFFFFF000  }
0x1e6: {  	_ =	swait.ge [sflag:s13], $0x1000  }
0x1e7: {  	[sflag:s13] =	ssyncset.done $0x0  }
0x1e8: {  	s14 =	simm.s32 $0x7;
	[sflag:s13] =	ssyncadd.s32 $0xFFFFF000  }
0x1e9: {  	[spmem:s1] =	stream.indirect.scatter.add.f32 [tilespmem:s17], [sflag:$0x16], $0x80, s16, s15, $0xb8;
	[tilespmem:$0x1EC00] =	vst v63  }
0x1ea: {  	_ =	swait.ge [sflag:s14], $0x20  }
0x1eb: {  	[sflag:s14] =	ssyncset.done $0x0  }
0x1ec: {  	s16 =	simm.s32 $0xF;
	[sflag:s14] =	ssyncadd.s32 $0xFFFFFFE0  }
0x1ed: {  	_ =	swait.ge [sflag:s16], $0x1000  }
0x1ee: {  	[sflag:s16] =	ssyncset.done $0x0  }
0x1ef: {  	s17 =	simm.s32 $0x15;
	[sflag:s16] =	ssyncadd.s32 $0xFFFFF000  }
0x1f0: {  	_ =	swait.ge [sflag:s17], $0x1000  }
0x1f1: {  	[sflag:s17] =	ssyncset.done $0x0  }
0x1f2: {  	s22 =	simm.s32 $0x8;
	[sflag:s17] =	ssyncadd.s32 $0xFFFFF000  }
0x1f3: {  	[spmem:s1] =	stream.indirect.scatter.add.f32 [tilespmem:s19], [sflag:$0x17], $0x80, s18, s15, $0xb8;
	[tilespmem:$0x1EC00] =	vst v63  }
0x1f4: {  	_ =	swait.ge [sflag:s22], $0x20  }
0x1f5: {  	[sflag:s22] =	ssyncset.done $0x0  }
0x1f6: {  	s23 =	simm.s32 $0x10;
	[sflag:s22] =	ssyncadd.s32 $0xFFFFFFE0  }
0x1f7: {  	_ =	swait.ge [sflag:s23], $0x1000  }
0x1f8: {  	[sflag:s23] =	ssyncset.done $0x0  }
0x1f9: {  	s24 =	simm.s32 $0x16;
	[sflag:s23] =	ssyncadd.s32 $0xFFFFF000  }
0x1fa: {  	_ =	swait.ge [sflag:s24], $0x1000  }
0x1fb: {  	[sflag:s24] =	ssyncset.done $0x0  }
0x1fc: {  	[sflag:s24] =	ssyncadd.s32 $0xFFFFF000  }
0x1fd: {  	[spmem:s1] =	stream.indirect.scatter.add.f32 [tilespmem:s21], [sflag:$0x18], $0x80, s30, s15, $0xb8;
	[tilespmem:$0x1EC00] =	vst v63  }
0x1fe: {  	_ =	swait.ge [sflag:s2], $0x1000  }
0x1ff: {  	[sflag:s2] =	ssyncset.done $0x0  }
0x200: {  	[sflag:s2] =	ssyncadd.s32 $0xFFFFF000  }
0x201: {  	_ =	swait.ge [sflag:s11], $0x1000  }
0x202: {  	[sflag:s11] =	ssyncset.done $0x0  }
0x203: {  	s25 =	stileid.u32;
	[sflag:s11] =	ssyncadd.s32 $0xFFFFF000  }
0x204: {  	s0 =	sshll.u32 s25, $0x6;
	[bflag:$0x0] =	sbarrier.arrive $0xFFFF  }
0x205: {  	s0 =	sor.u32 $0x1C19, s0;
	s31 =	rddreg [dreg:$0x13]  }
0x206: {  	s28 =	simm.s32 $0x19;
	s29 =	rddreg [dreg:$0x1d];
	s26 =	sshrl.u32 s31, $0x3  }
0x207: {  	[hbm:s29], [sflag:s0] =	dma.local [spmem:s26], $0x2800  }
0x208: {  	_ =	swait.ge [sflag:s28], $0x2800  }
0x209: {  	s29 =	sld [smem:$0x7F3];
	_ =	sdelay $0x1  }
0x20a: {  	s25 =	simm.s32 $0x2;
	s5 =	simm.s32 $0x2B80;
	s6 =	simm.s32 $0x2980  }
0x20b: {  	s7 =	simm.s32 $0x3C00;
	s30 =	rddreg [dreg:$0x1e];
	s11 =	sadd.s32 $0x1, s29  }
0x20c: {  	s8 =	simm.s32 $0x2900;
	s9 =	simm.s32 $0x4C00;
	p0 =	sne.s32 s11, s30  }
.Ltmp2:
0x20d: {  	s10 =	simm.s32 $0x5C00;
	s13 =	simm.s32 $0x2A00;
	(pc) =	sbr.rel @p0 .LBB2_1-.Ltmp2, $4  }
0x20e: {  	s14 =	simm.s32 $0x6C00;
	s16 =	simm.s32 $0x2A80;
	s17 =	simm.s32 $0x7C00  }
0x20f: {  	s18 =	simm.s32 $0x2B00;
	s19 =	simm.s32 $0x8C00;
	s22 =	simm.s32 $0x2C00  }
0x210: {  	s23 =	simm.s32 $0x2800;
	s24 =	simm.s32 $0x1;
	[sflag:s28] =	ssyncset.done $0x0  }
0x211: {  	s2 =	simm.s32 $0x2880;
	s26 =	simm.s32 $0xA;
	[sflag:s28] =	ssyncadd.s32 $0xFFFFD800  }
0x212: {  	_ =	sfence.sel $0x180000  }
0x213: {  	[bflag:$0x0] =	sbarrier.arrive $0xFFFF  }
0x214: {  	_ =	strace $0x9000004A  }
0x215: {  	s0 =	stileid.u32;
	[bflag:$0x2] =	sbarrier.arrive $0xFFFF  }
0x216: {  	p0 =	sne.s32 s0, $0x0;
	s0 =	rddreg [dreg:$0x2]  }
0x217: {  	s0 =	sadd.s32 @!p0 $0x100000, s0  }
0x218: {  	[sflag:s0] =	ssyncadd.tile.s32 @!p0 $0x1;
	_ =	shalt  }
.Lfunc_end2:
_tile_overlayer_lowered:
.L_overlay_start_2:
0x219: {  	(tag) =	ssettag $0x2  }
0x21a: {  	s0 =	rddreg [dreg:$0x0];
	s2 =	stileid.u32  }
0x21b: {  	s1 =	rddreg [dreg:$0x1];
	p0 =	sne.s32 s2, $0x0  }
0x21c: {  	s3 =	rddreg [dreg:$0x2];
	[bflag:$0x3] =	sbarrier.arrive $0xFFFF;
	s2 =	simm.s32 @!p0 $0x1C19  }
0x21d: {  	[timem:s3], [sflag:s2] =	dma.local @!p0 [hbm:s0], s1  }
0x21e: {  	s0 =	simm.s32 @!p0 $0x19  }
0x21f: {  	_ =	swait.ge @!p0 [sflag:s0], s1  }
0x220: {  	s1 =	ssub.s32 @!p0 $0x0, s1;
	[sflag:s0] =	ssyncset.done @!p0 $0x0  }
0x221: {  	[sflag:s0] =	ssyncadd.s32 @!p0 s1  }
0x222: {  	[bflag:$0x3] =	sbarrier.arrive $0xFFFF  }
0x223: {  	_ =	shalt  }

// kernel: kernel.14.cloned.1.call-start
scs
__scs_entry_jumppad:
0x0: {  	(pc) =	sbr.rel $0x88, $3  }
0x1: {  	(tag) =	ssettag $0x0;
	lr =	simm.s32 $0x1  }
0x2: {  	[smem:$0x3F9B] =	sst lr;
	_ =	strace $0xD0000000  }
0x3: {  	_ = 	snop  }
0x4: {  	_ = 	snop  }
0x5: {  	_ = 	snop  }
0x6: {  	_ = 	snop  }
0x7: {  	_ = 	snop  }
__scs_overlays_trampoline_lowered:
0x8: {  	[smem:$0x3FAA] =	sst s0  }
0x9: {  	[smem:$0x3FAB] =	sst s1  }
0xa: {  	[smem:$0x3FAC] =	sst s2  }
0xb: {  	[smem:$0x3FAD] =	sst s3  }
0xc: {  	[smem:$0x3FAE] =	sst s4  }
0xd: {  	[smem:$0x3FAF] =	sst s5  }
0xe: {  	[smem:$0x3FB0] =	sst s6  }
0xf: {  	[smem:$0x3FB1] =	sst s7  }
0x10: {  	[smem:$0x3FB2] =	sst s8  }
0x11: {  	[smem:$0x3FB3] =	sst s9;
	s0 =	simm.s32 @!p0 $0x0  }
0x12: {  	s1 =	sld [smem:$0x3F99];
	s0 =	simm.s32 @p0 $0x1  }
0x13: {  	[smem:$0x3FB4] =	sst s0;
	s0 =	simm.s32 @!p1 $0x0  }
0x14: {  	s2 =	sld [smem:$0x3F98];
	s0 =	simm.s32 @p1 $0x1  }
0x15: {  	[smem:$0x3FB5] =	sst s0;
	s0 =	simm.s32 @!p2 $0x0  }
0x16: {  	s3 =	sld [smem:$0x3FDB];
	s0 =	simm.s32 @p2 $0x1  }
0x17: {  	s4 =	simm.s32 $0x1BF5;
	[smem:$0x3FB7] =	sst s0  }
0x18: {  	s0 =	sld [smem:$0x3F9A];
	_ =	swait.ge [sflag:s4], $0x0  }
0x19: {  	s7 =	sld [smem:$0x3F9B]  }
0x1a: {  	s8 =	sadd.s32 $0xFFFFE003, lr  }
0x1b: {  	s9 =	sadd.s32 $0xFFFFFEF7, lr;
	s5 =	simm.s32 $0xFFFFFFFF;
	p2 =	slt.u32 s8, $0xFFFFF086  }
0x1c: {  	p1 =	slt.u32 s9, $0xF7A;
	s5 =	simm.s32 @!p2 $0x0  }
0x1d: {  	s5 =	simm.s32 @p1 $0x1;
	p0 =	seq.s32 s7, s2  }
0x1e: {  	s7 =	smul.u32 @!p0 $0xF7A, s2;
	p2 =	seq.s32 @!p0 s5, $0x0  }
0x1f: {  	s9 =	smul.u32 $0xF7A, s1;
	s8 =	simm.s32 @!p0 $0x1BF5;
	p2 =	por !p2, p0  }
0x20: {  	[sflag:s8] =	ssyncset.s32 @!p0 $0xFFFFF086;
	s6 =	sadd.s32 @!p0 s3, s7;
	s7 =	simm.s32 @!p0 $0x108  }
0x21: {  	s3 =	sadd.s32 s3, s9;
	s6 =	sadd.s32 @!p0 $0x88, s6;
	s7 =	simm.s32 @p2 $0x1082  }
0x22: {  	[simem:s7], [sflag:s8] =	dma.local @!p0 [hbm:s6], $0xF7A  }
0x23: {  	s9 =	sor.u32 $0xD0000000, s2;
	s6 =	simm.s32 $0x108;
	_ =	swait.ge @!p0 [sflag:s8], $0x0  }
0x24: {  	s3 =	sadd.s32 $0x88, s3;
	s6 =	simm.s32 @!p1 $0x1082;
	[sflag:s4] =	ssyncset.s32 $0xFFFFF086  }
0x25: {  	[simem:s6], [sflag:s4] =	dma.local [hbm:s3], $0xF7A  }
0x26: {  	[smem:$0x3F9B] =	sst s1;
	(tag) =	ssettag s2;
	_ =	strace s9  }
0x27: {  	s1 =	sld [smem:$0x3FAB]  }
0x28: {  	s2 =	sld [smem:$0x3FAC]  }
0x29: {  	s4 =	sld [smem:$0x3FAE]  }
0x2a: {  	p0 =	seq.s32 s5, $0x0;
	s5 =	sld [smem:$0x3FAF]  }
0x2b: {  	s6 =	sld [smem:$0x3FB0]  }
0x2c: {  	s7 =	sld [smem:$0x3FB1]  }
0x2d: {  	s3 =	simm.s32 $0x108;
	s8 =	sld [smem:$0x3FB2]  }
0x2e: {  	s3 =	simm.s32 @!p0 $0x1082;
	s9 =	sld [smem:$0x3FB3]  }
0x2f: {  	lr =	sadd.s32 s0, s3;
	s0 =	sld [smem:$0x3FAA]  }
0x30: {  	s3 =	sld [smem:$0x3FAD]  }
0x31: {  	[smem:$0x3FB6] =	sst s10  }
0x32: {  	s10 =	sld [smem:$0x3FB4];
	_ =	sdelay $0x3  }
0x33: {  	p0 =	seq.s32 s10, $0x1;
	s10 =	sld [smem:$0x3FB6];
	_ =	sdelay $0x3  }
0x34: {  	[smem:$0x3FB6] =	sst s10  }
0x35: {  	s10 =	sld [smem:$0x3FB5];
	_ =	sdelay $0x3  }
0x36: {  	p1 =	seq.s32 s10, $0x1;
	s10 =	sld [smem:$0x3FB6];
	_ =	sdelay $0x3  }
0x37: {  	[smem:$0x3FB6] =	sst s10  }
0x38: {  	s10 =	sld [smem:$0x3FB7]  }
0x39: {  	_ = 	snop;
	(pc) =	sbr.ind lr, $3  }
0x3a: {  	_ = 	snop  }
0x3b: {  	_ = 	snop  }
0x3c: {  	p2 =	seq.s32 s10, $0x1;
	s10 =	sld [smem:$0x3FB6]  }
0x3d: {  	_ =	shalt  }
0x3e: {  	_ =	shalt  }
0x3f: {  	_ =	shalt  }
0x40: {  	_ =	shalt  }
0x41: {  	_ =	shalt  }
0x42: {  	_ =	shalt  }
0x43: {  	_ =	shalt  }
0x44: {  	_ =	shalt  }
0x45: {  	_ =	shalt  }
0x46: {  	_ =	shalt  }
0x47: {  	_ =	shalt  }
0x48: {  	_ =	shalt  }
0x49: {  	_ =	shalt  }
0x4a: {  	_ =	shalt  }
0x4b: {  	_ =	shalt  }
0x4c: {  	_ =	shalt  }
0x4d: {  	_ =	shalt  }
0x4e: {  	_ =	shalt  }
0x4f: {  	_ =	shalt  }
0x50: {  	_ =	shalt  }
0x51: {  	_ =	shalt  }
0x52: {  	_ =	shalt  }
0x53: {  	_ =	shalt  }
0x54: {  	_ =	shalt  }
0x55: {  	_ =	shalt  }
0x56: {  	_ =	shalt  }
0x57: {  	_ =	shalt  }
0x58: {  	_ =	shalt  }
0x59: {  	_ =	shalt  }
0x5a: {  	_ =	shalt  }
0x5b: {  	_ =	shalt  }
0x5c: {  	_ =	shalt  }
0x5d: {  	_ =	shalt  }
0x5e: {  	_ =	shalt  }
0x5f: {  	_ =	shalt  }
0x60: {  	_ =	shalt  }
0x61: {  	_ =	shalt  }
0x62: {  	_ =	shalt  }
0x63: {  	_ =	shalt  }
0x64: {  	_ =	shalt  }
0x65: {  	_ =	shalt  }
0x66: {  	_ =	shalt  }
0x67: {  	_ =	shalt  }
0x68: {  	_ =	shalt  }
0x69: {  	_ =	shalt  }
0x6a: {  	_ =	shalt  }
0x6b: {  	_ =	shalt  }
0x6c: {  	_ =	shalt  }
0x6d: {  	_ =	shalt  }
0x6e: {  	_ =	shalt  }
0x6f: {  	_ =	shalt  }
0x70: {  	_ =	shalt  }
0x71: {  	_ =	shalt  }
0x72: {  	_ =	shalt  }
0x73: {  	_ =	shalt  }
0x74: {  	_ =	shalt  }
0x75: {  	_ =	shalt  }
0x76: {  	_ =	shalt  }
0x77: {  	_ =	shalt  }
0x78: {  	_ =	shalt  }
0x79: {  	_ =	shalt  }
0x7a: {  	_ =	shalt  }
0x7b: {  	_ =	shalt  }
0x7c: {  	_ =	shalt  }
0x7d: {  	_ =	shalt  }
0x7e: {  	_ =	shalt  }
0x7f: {  	_ =	shalt  }
0x80: {  	_ =	shalt  }
0x81: {  	_ =	shalt  }
0x82: {  	_ =	shalt  }
0x83: {  	_ =	shalt  }
0x84: {  	_ =	shalt  }
0x85: {  	_ =	shalt  }
0x86: {  	_ =	shalt  }
0x87: {  	_ =	shalt  }
.Lfunc_end0:
.L_simem_size_0:
called_computation.2_lowered:
.L_overlay_start_0:
0x88: {  	s2 =	sld [smem:$0x3FD9]  }
0x89: {  	s3 =	sld [smem:$0x3FFE];
	_ =	sdelay $0x1  }
0x8a: {  	s1 =	srdreg.scid  }
0x8b: {  	s0 =	sand.u32 $0x1, s1  }
0x8c: {  	s16 =	sshll.u32 s0, $0xA;
	s2 =	sadd.s32 s3, s2  }
0x8d: {  	s2 =	sadd.s32 s2, s16  }
0x8e: {  	[smem:$0x3FC2] =	sst s2  }
0x8f: {  	_ = 	snop  }
0x90: {  	(tm) =	ssettm $0x1  }
0x91: {  	s17 =	sld [smem:$0x3FFB];
	_ =	sdelay $0x3  }
0x92: {  	_ =	strace s17  }
0x93: {  	s2 =	sld [smem:$0x3FFC];
	_ =	sdelay $0x3  }
0x94: {  	_ =	strace s2  }
0x95: {  	s2 =	sld [smem:$0x3FFD];
	_ =	sdelay $0x3  }
0x96: {  	_ =	strace s2  }
0x97: {  	_ =	strace $0x8FFFFFFF  }
0x98: {  	s18 =	sld [smem:$0x3FDB];
	_ =	sdelay $0x1  }
0x99: {  	s19 =	simm.s32 $_scs_section_size  }
0x9a: {  	s4 =	simm.s32 $_size__tile_overlayer_lowered;
	s5 =	simm.s32 $_tile_overlayer_lowered  }
0x9b: {  	s22 =	simm.s32 $0x1BFF;
	s21 =	sshll.u32 s5, $0x1;
	s2 =	sadd.s32 s19, s18  }
0x9c: {  	s6 =	simm.s32 $0x0;
	s20 =	sshll.u32 s4, $0x1;
	s4 =	sadd.s32 s21, s2  }
0x9d: {  	[timem:s6], [sflag:s22] =	dma.local [hbm:s4], s20  }
0x9e: {  	_ =	swait.ge [sflag:s22], s20  }
0x9f: {  	s3 =	ssub.s32 $0x0, s20;
	[sflag:s22] =	ssyncset.done $0x0  }
0xa0: {  	[sflag:s22] =	ssyncadd.s32 s3;
	_ =	sdelay $0x1  }
0xa1: {  	s23 =	simm.s32 $0x1B8B  }
0xa2: {  	_ =	swait.ge [sflag:s23], $0x1  }
0xa3: {  	[sflag:s23] =	ssyncset.done $0x0  }
0xa4: {  	s25 =	simm.s32 $0x1B8E;
	s24 =	sld [smem:$0x3FFE];
	[sflag:s23] =	ssyncadd.s32 $0xFFFFFFFF  }
0xa5: {  	s26 =	simm.s32 $execute0_lowered;
	[smem:$0x3FD2] =	sst s25  }
0xa6: {  	s4 =	sshll.u32 s26, $0x1;
	_ =	strace $0x8000004C;
	[dreg:$0x1] =	wrdreg $0xFFFFFFFF  }
0xa7: {  	s28 =	simm.s32 $_size_execute0_lowered;
	s2 =	sadd.s32 s2, s4;
	[dreg:$0x0] =	wrdreg $0x0  }
0xa8: {  	s4 =	sshll.u32 s28, $0x1;
	[dreg:$0x2] =	wrdreg s2  }
0xa9: {  	[dreg:$0x3] =	wrdreg s4  }
0xaa: {  	[dreg:$0x4] =	wrdreg $0xC0  }
0xab: {  	_ =	task [dreg:s6], $0x5FFFF  }
0xac: {  	[dreg:$0x1] =	wrdreg $0xFFFFFFFF  }
0xad: {  	[dreg:$0x0] =	wrdreg $0x60  }
0xae: {  	[dreg:$0x2] =	wrdreg s24  }
0xaf: {  	[dreg:$0x3] =	wrdreg $0x12C000  }
0xb0: {  	[dreg:$0x4] =	wrdreg $0x9  }
0xb1: {  	_ =	task.clear_ibuf [dreg:s6], $0x5FFFF;
	_ =	strace $0x9000004C  }
0xb2: {  	s29 =	simm.s32 $0x9;
	_ =	strace $0x8000004E  }
0xb3: {  	_ =	swait.ge [sflag:s29], $0x1  }
0xb4: {  	[sflag:s29] =	ssyncadd.s32 $0xFFFFFFFF  }
0xb5: {  	_ =	strace $0x9000004E  }
0xb6: {  	_ =	sfence  }
0xb7: {  	s30 =	sld [smem:$0x0];
	_ =	sdelay $0x2  }
0xb8: {  	s31 =	sshll.u32 s1, $0xD;
	s1 =	sshrl.u32 s1, $0x2  }
0xb9: {  	s3 =	sand.u32 $0x4000, s31;
	s1 =	sadd.s32 s1, s30  }
0xba: {  	s0 =	sor.u32 s3, s0;
	s1 =	sshll.u32 s1, $0x11  }
0xbb: {  	s0 =	sor.u32 s1, s0  }
0xbc: {  	s0 =	sadd.s32 $0x8F2B, s0  }
0xbd: {  	[sflag:s0] =	ssyncadd.remote.s32 $0x1  }
0xbe: {  	_ =	sfence.sel $0xFFFF  }
0xbf: {  	[dreg:$0x0] =	wrdreg $0xFFFFFFFF;
	(pc) =	sbr.abs _section_cstart, $3  }
0xc0: {  	[dreg:$0x1] =	wrdreg $0xFFFFFFFF  }
0xc1: {  	_ =	task.clear_ibuf [dreg:s6], $0x2FFFF;
	_ =	strace $0x9FFFFFFF  }
0xc2: {  	(tm) =	ssettm $0x7FFFFFFF  }
0xc3: {  	_ =	shalt  }
tec
execute0_lowered:
.L_overlay_start_1:
0x0: {  	(tag) =	ssettag $0x1  }
0x1: {  	s0 =	rddreg [dreg:$0x0]  }
0x2: {  	s2 =	rddreg [dreg:$0x1]  }
0x3: {  	s1 =	srdreg.scid;
	s11 =	stileid.u32;
	s3 =	simm.s32 $0x0  }
0x4: {  	s28 =	simm.s32 $0x2800;
	s29 =	simm.s32 $0x17;
	s5 =	smul.u32 $0xA000, s11  }
0x5: {  	s31 =	simm.s32 $0x2880;
	s1 =	sand.u32 $0x1, s1;
	s18 =	smul.u32 $0x28000, s11  }
0x6: {  	[smem:$0x7FF] =	sst s3;
	s8 =	sadd.s32 $0xB7200, s0;
	s22 =	smul.u32 $0x2800, s11  }
0x7: {  	s4 =	sshll.u32 s1, $0x4;
	s6 =	smul.u32 $0xA0000, s1;
	_ =	strace $0x8000004D  }
0x8: {  	s9 =	ssub.s32 $0x2, s1;
	s1 =	smul.u32 $0x28000, s1;
	s7 =	sor.u32 s11, s4  }
0x9: {  	s4 =	sadd.s32 $0x3200, s0;
	s7 =	smul.u32 $0x2800, s7;
	s6 =	sadd.s32 s5, s6  }
0xa: {  	s10 =	sshrl.u32 s9, $0x1;
	s1 =	sadd.s32 s22, s1;
	s6 =	sshrl.u32 s6, $0x3  }
0xb: {  	s11 =	sadd.s32 $0x50680, s1;
	s14 =	sadd.s32 $0x50600, s1;
	s7 =	sshrl.u32 s7, $0x3  }
0xc: {  	s22 =	sadd.s32 $0x50480, s1;
	s0 =	sadd.s32 s6, s0;
	s16 =	sadd.s32 s8, s7  }
0xd: {  	s6 =	ssub.s32 s9, s10;
	s0 =	sadd.s32 $0x17200, s0;
	[dreg:$0xb] =	wrdreg s16  }
0xe: {  	s9 =	sadd.s32 $0x50700, s1;
	s7 =	sadd.s32 $0xA010, s16;
	[dreg:$0x19] =	wrdreg s0  }
0xf: {  	s15 =	sshrl.u32 s14, $0x3;
	s17 =	sadd.s32 $0xA020, s16;
	[dreg:$0xc] =	wrdreg s7  }
0x10: {  	s10 =	simm.s32 $0x9;
	s19 =	sadd.s32 $0xA030, s16;
	[dreg:$0xd] =	wrdreg s17  }
0x11: {  	s14 =	simm.s32 $0x4C00;
	s20 =	sadd.s32 $0xA040, s16;
	[dreg:$0xe] =	wrdreg s19  }
0x12: {  	s21 =	sadd.s32 $0xA050, s16;
	s23 =	sadd.s32 $0xA060, s16;
	[dreg:$0xf] =	wrdreg s20  }
0x13: {  	s24 =	sadd.s32 $0xA070, s16;
	s12 =	sadd.s32 $0xA000, s16;
	[dreg:$0x10] =	wrdreg s21  }
0x14: {  	s16 =	sadd.s32 $0x50580, s1;
	s7 =	sshrl.u32 s18, $0x2;
	[dreg:$0x11] =	wrdreg s23  }
0x15: {  	[dreg:$0x12] =	wrdreg s24;
	s21 =	sadd.s32 s5, s2;
	s5 =	sshrl.u32 s9, $0x3  }
0x16: {  	[dreg:$0x18] =	wrdreg s12;
	s17 =	sadd.s32 $0x50500, s1;
	s23 =	sshrl.u32 s22, $0x3  }
0x17: {  	s24 =	sadd.s32 $0x50400, s1;
	s1 =	sadd.s32 $0x50780, s1;
	s12 =	simm.s32 $0x2880  }
0x18: {  	s7 =	sadd.s32 s7, s2;
	s5 =	sadd.s32 s5, s8;
	[dreg:$0x13] =	wrdreg s21  }
0x19: {  	s22 =	simm.s32 $0xEC00;
	s25 =	sadd.s32 $0x2000, s7;
	[dreg:$0x3] =	wrdreg s5  }
0x1a: {  	s19 =	sshrl.u32 s17, $0x3;
	s26 =	sadd.s32 $0x4000, s7;
	[dreg:$0x14] =	wrdreg s25  }
0x1b: {  	s1 =	sshrl.u32 s1, $0x3;
	s30 =	sadd.s32 $0x6000, s7;
	[dreg:$0x15] =	wrdreg s26  }
0x1c: {  	s17 =	simm.s32 $0x8C00;
	s7 =	sadd.s32 $0x8000, s7;
	[dreg:$0x16] =	wrdreg s30  }
0x1d: {  	s5 =	sadd.s32 s15, s8;
	s20 =	sadd.s32 s19, s8;
	[dreg:$0x17] =	wrdreg s7  }
0x1e: {  	s15 =	simm.s32 $0x6C00;
	s19 =	simm.s32 $0xAC00;
	[dreg:$0x5] =	wrdreg s5  }
0x1f: {  	s7 =	sshrl.u32 s11, $0x3;
	[dreg:$0x7] =	wrdreg s20;
	s5 =	sadd.s32 s23, s8  }
0x20: {  	s26 =	sadd.s32 s1, s8;
	s30 =	smax.u32 s6, $0x1;
	s23 =	simm.s32 $0x80  }
0x21: {  	s11 =	simm.s32 $0x2900;
	s20 =	simm.s32 $0x2A80;
	[dreg:$0x8] =	wrdreg s5  }
0x22: {  	s1 =	simm.s32 $0x0;
	s13 =	sadd.s32 s7, s8;
	[dreg:$0x1a] =	wrdreg s30  }
0x23: {  	s7 =	sshrl.u32 s16, $0x3;
	[dreg:$0xa] =	wrdreg s26;
	s16 =	simm.s32 $0x2980  }
0x24: {  	s5 =	simm.s32 $0xCC00;
	[dreg:$0x4] =	wrdreg s13;
	s18 =	sadd.s32 s7, s8  }
0x25: {  	s7 =	sshrl.u32 s24, $0x3;
	s13 =	simm.s32 $0x2B00;
	s24 =	simm.s32 $0x2B80  }
0x26: {  	[dreg:$0x6] =	wrdreg s18;
	s25 =	sadd.s32 s7, s8;
	s18 =	simm.s32 $0x2A00  }
0x27: {  	v0 =	vimm.f32 $0.0e+00;
	s8 =	simm.s32 $0x10;
	[dreg:$0x9] =	wrdreg s25;
	s25 =	simm.s32 $0x10C00  }
.LBB2_1:
0x28: {  	[dreg:$0x1b] =	wrdreg s1  }
0x29: {  	s9 =	rddreg [dreg:$0xb]  }
0x2a: {  	[tilespmem:s3], [sflag:$0x9] =	stream.linear.gather [hbm4b:s9+s3], $0x2800, $0x38;
	[tilespmem:$0x1CC00] =	vst v63  }
0x2b: {  	_ =	swait.ge [sflag:s10], $0x2800  }
0x2c: {  	[sflag:s10] =	ssyncset.done $0x0  }
0x2d: {  	s7 =	rddreg [dreg:$0xc];
	[sflag:s10] =	ssyncadd.s32 $0xFFFFD800  }
0x2e: {  	[tilespmem:s12], [sflag:$0x2] =	stream.linear.gather [hbm4b:s7+s3], $0x80, $0x38;
	[tilespmem:$0x1CC00] =	vst v63  }
0x2f: {  	_ = 	snop  }
0x30: {  	[tilespmem:s14], [sflag:$0xA] =	stream.indirect.gather [hbm4b:s4+s23], $0x40, s23, s23, $0xb8;
	[tilespmem:$0x1CC00] =	vst v63  }
0x31: {  	s10 =	rddreg [dreg:$0xd]  }
0x32: {  	[tilespmem:s11], [sflag:$0x3] =	stream.linear.gather [hbm4b:s10+s3], $0x80, $0x38;
	[tilespmem:$0x1CC00] =	vst v63  }
0x33: {  	s11 =	simm.s32 $0x100  }
0x34: {  	[tilespmem:s15], [sflag:$0xB] =	stream.indirect.gather [hbm4b:s4+s23], $0x40, s11, s23, $0xb8;
	[tilespmem:$0x1CC00] =	vst v63  }
0x35: {  	s12 =	rddreg [dreg:$0xe]  }
0x36: {  	[tilespmem:s16], [sflag:$0x4] =	stream.linear.gather [hbm4b:s12+s3], $0x80, $0x38;
	[tilespmem:$0x1CC00] =	vst v63  }
0x37: {  	s14 =	simm.s32 $0x180  }
0x38: {  	[tilespmem:s17], [sflag:$0xC] =	stream.indirect.gather [hbm4b:s4+s23], $0x40, s14, s23, $0xb8;
	[tilespmem:$0x1CC00] =	vst v63  }
0x39: {  	s15 =	rddreg [dreg:$0xf]  }
0x3a: {  	[tilespmem:s18], [sflag:$0x5] =	stream.linear.gather [hbm4b:s15+s3], $0x80, $0x38;
	[tilespmem:$0x1CC00] =	vst v63  }
0x3b: {  	s16 =	simm.s32 $0x200  }
0x3c: {  	[tilespmem:s19], [sflag:$0xD] =	stream.indirect.gather [hbm4b:s4+s23], $0x40, s16, s23, $0xb8;
	[tilespmem:$0x1CC00] =	vst v63  }
0x3d: {  	s17 =	rddreg [dreg:$0x10]  }
0x3e: {  	[tilespmem:s20], [sflag:$0x6] =	stream.linear.gather [hbm4b:s17+s3], $0x80, $0x38;
	[tilespmem:$0x1CC00] =	vst v63  }
0x3f: {  	s18 =	simm.s32 $0x280  }
0x40: {  	[tilespmem:s5], [sflag:$0xE] =	stream.indirect.gather [hbm4b:s4+s23], $0x40, s18, s23, $0xb8;
	[tilespmem:$0x1CC00] =	vst v63  }
0x41: {  	s19 =	rddreg [dreg:$0x11]  }
0x42: {  	[tilespmem:s13], [sflag:$0x7] =	stream.linear.gather [hbm4b:s19+s3], $0x80, $0x38;
	[tilespmem:$0x1CC00] =	vst v63  }
0x43: {  	s20 =	simm.s32 $0x300  }
0x44: {  	[tilespmem:s22], [sflag:$0xF] =	stream.indirect.gather [hbm4b:s4+s23], $0x40, s20, s23, $0xb8;
	[tilespmem:$0x1CC00] =	vst v63  }
0x45: {  	s30 =	simm.s32 $0x380;
	s26 =	rddreg [dreg:$0x12]  }
0x46: {  	[tilespmem:s24], [sflag:$0x8] =	stream.linear.gather [hbm4b:s26+s3], $0x80, $0x38;
	[tilespmem:$0x1CC00] =	vst v63  }
0x47: {  	s9 =	simm.s32 $0x0;
	s10 =	simm.s32 $0x100;
	s11 =	simm.s32 $0x10C00  }
0x48: {  	[tilespmem:s25], [sflag:$0x10] =	stream.indirect.gather [hbm4b:s4+s23], $0x40, s30, s23, $0xb8;
	[tilespmem:$0x1CC00] =	vst v63  }
.LBB2_2:
0x49: {  	p0 =	sne.s32 s10, $0x7F00;
	[tilespmem:s9+$0x2C30] =	vst v0;
	s12 =	smov.u32 s10;
	s10 =	sadd.s32 $0x100, s10  }
.Ltmp0:
0x4a: {  	[tilespmem:s9+$0x2C20] =	vst v0;
	(pc) =	sbr.rel @p0 .LBB2_2-.Ltmp0, $3  }
0x4b: {  	[tilespmem:s9+$0x2C00] =	vst v0  }
0x4c: {  	[tilespmem:s9+$0x2C10] =	vst v0;
	_ =	sdelay $0x1  }
0x4d: {  	s9 =	sshra.s32 s12, $0x2  }
0x4e: {  	[tilespmem:s9+$0x2C30] =	vst v0  }
0x4f: {  	[tilespmem:s9+$0x2C20] =	vst v0  }
0x50: {  	[tilespmem:s9+$0x2C00] =	vst v0  }
0x51: {  	[tilespmem:s9+$0x2C10] =	vst v0;
	s12 =	simm.s32 $0x2C00  }
0x52: {  	[spmem:s21] =	stream.linear.scatter [tilespmem:s12], [sflag:$0x11], $0x2000, $0x38;
	[tilespmem:$0x1CC00] =	vst v63  }
0x53: {  	s25 =	rddreg [dreg:$0x14]  }
0x54: {  	[spmem:s25] =	stream.linear.scatter [tilespmem:s12], [sflag:$0x11], $0x2000, $0x38;
	[tilespmem:$0x1CC00] =	vst v63  }
0x55: {  	s26 =	rddreg [dreg:$0x15]  }
0x56: {  	[spmem:s26] =	stream.linear.scatter [tilespmem:s12], [sflag:$0x11], $0x2000, $0x38;
	[tilespmem:$0x1CC00] =	vst v63  }
0x57: {  	s30 =	rddreg [dreg:$0x16]  }
0x58: {  	[spmem:s30] =	stream.linear.scatter [tilespmem:s12], [sflag:$0x11], $0x2000, $0x38;
	[tilespmem:$0x1CC00] =	vst v63  }
0x59: {  	s0 =	rddreg [dreg:$0x17];
	s25 =	simm.s32 $0x11  }
0x5a: {  	[spmem:s0] =	stream.linear.scatter [tilespmem:s12], [sflag:$0x11], $0x2000, $0x38;
	[tilespmem:$0x1CC00] =	vst v63  }
0x5b: {  	_ =	swait.ge [sflag:s25], $0x2000  }
0x5c: {  	[sflag:s25] =	ssyncset.done $0x0  }
0x5d: {  	[sflag:s25] =	ssyncadd.s32 $0xFFFFE000  }
0x5e: {  	_ =	swait.ge [sflag:s25], $0x2000  }
0x5f: {  	[sflag:s25] =	ssyncset.done $0x0  }
0x60: {  	[sflag:s25] =	ssyncadd.s32 $0xFFFFE000  }
0x61: {  	_ =	swait.ge [sflag:s25], $0x2000  }
0x62: {  	[sflag:s25] =	ssyncset.done $0x0  }
0x63: {  	[sflag:s25] =	ssyncadd.s32 $0xFFFFE000  }
0x64: {  	_ =	swait.ge [sflag:s25], $0x2000  }
0x65: {  	[sflag:s25] =	ssyncset.done $0x0  }
0x66: {  	[sflag:s25] =	ssyncadd.s32 $0xFFFFE000  }
0x67: {  	_ =	swait.ge [sflag:s25], $0x2000  }
0x68: {  	[sflag:s25] =	ssyncset.done $0x0  }
0x69: {  	s1 =	simm.s32 $0x0;
	s10 =	rddreg [dreg:$0x18];
	[sflag:s25] =	ssyncadd.s32 $0xFFFFE000  }
0x6a: {  	[tilespmem:s28], [sflag:$0x1] =	stream.linear.gather [hbm4b:s10+s1], $0x80, $0x38;
	[tilespmem:$0x1CC00] =	vst v63  }
0x6b: {  	_ = 	snop  }
0x6c: {  	[tilespmem:s12], [sflag:$0x9] =	stream.indirect.gather [hbm4b:s4+s23], $0x40, s1, s23, $0xb8;
	[tilespmem:$0x1CC00] =	vst v63  }
0x6d: {  	s21 =	simm.s32 $0x1;
	[bflag:$0x0] =	sbarrier.arrive $0xFFFF  }
0x6e: {  	_ =	swait.ge [sflag:s21], $0x80  }
0x6f: {  	[sflag:s21] =	ssyncset.done $0x0  }
0x70: {  	s26 =	simm.s32 $0x9;
	[sflag:s21] =	ssyncadd.s32 $0xFFFFFF80  }
0x71: {  	_ =	swait.ge [sflag:s26], $0x2000  }
0x72: {  	[sflag:s26] =	ssyncset.done $0x0  }
0x73: {  	s30 =	simm.s32 $0x2;
	[sflag:s26] =	ssyncadd.s32 $0xFFFFE000  }
0x74: {  	[spmem:s2] =	stream.indirect.scatter.add.f32 [tilespmem:s12], [sflag:$0x11], $0x40, s28, s23, $0xb8;
	[tilespmem:$0x1CC00] =	vst v63  }
0x75: {  	_ =	swait.ge [sflag:s30], $0x80  }
0x76: {  	[sflag:s30] =	ssyncset.done $0x0  }
0x77: {  	s24 =	simm.s32 $0xA;
	[sflag:s30] =	ssyncadd.s32 $0xFFFFFF80  }
0x78: {  	_ =	swait.ge [sflag:s24], $0x2000  }
0x79: {  	s6 =	simm.s32 $0x4C00;
	[sflag:s24] =	ssyncset.done $0x0  }
0x7a: {  	s0 =	simm.s32 $0x3;
	s1 =	simm.s32 $0x2880;
	[sflag:s24] =	ssyncadd.s32 $0xFFFFE000  }
0x7b: {  	[spmem:s2] =	stream.indirect.scatter.add.f32 [tilespmem:s6], [sflag:$0x12], $0x40, s1, s23, $0xb8;
	[tilespmem:$0x1CC00] =	vst v63  }
0x7c: {  	_ =	swait.ge [sflag:s0], $0x80  }
0x7d: {  	[sflag:s0] =	ssyncset.done $0x0  }
0x7e: {  	s5 =	simm.s32 $0xB;
	[sflag:s0] =	ssyncadd.s32 $0xFFFFFF80  }
0x7f: {  	_ =	swait.ge [sflag:s5], $0x2000  }
0x80: {  	[sflag:s5] =	ssyncset.done $0x0  }
0x81: {  	[sflag:s5] =	ssyncadd.s32 $0xFFFFE000  }
0x82: {  	_ =	swait.ge [sflag:s25], $0x2000  }
0x83: {  	s7 =	rddreg [dreg:$0x9];
	[sflag:s25] =	ssyncset.done $0x0  }
0x84: {  	[sflag:s25] =	ssyncadd.s32 $0xFFFFE000;
	s9 =	sadd.s32 $0x0, s7  }
0x85: {  	[tilespmem:s28], [sflag:$0x1] =	stream.linear.gather [hbm4b:s9+s3], $0x80, $0x38;
	[tilespmem:$0x1CC00] =	vst v63  }
0x86: {  	s10 =	simm.s32 $0x400  }
0x87: {  	[tilespmem:s12], [sflag:$0x9] =	stream.indirect.gather [hbm4b:s4+s23], $0x40, s10, s23, $0xb8;
	[tilespmem:$0x1CC00] =	vst v63  }
0x88: {  	s13 =	simm.s32 $0x2900;
	s5 =	simm.s32 $0x6C00;
	s7 =	simm.s32 $0x4  }
0x89: {  	[spmem:s2] =	stream.indirect.scatter.add.f32 [tilespmem:s5], [sflag:$0x13], $0x40, s13, s23, $0xb8;
	[tilespmem:$0x1CC00] =	vst v63  }
0x8a: {  	_ =	swait.ge [sflag:s7], $0x80  }
0x8b: {  	[sflag:s7] =	ssyncset.done $0x0  }
0x8c: {  	s14 =	simm.s32 $0xC;
	[sflag:s7] =	ssyncadd.s32 $0xFFFFFF80  }
0x8d: {  	_ =	swait.ge [sflag:s14], $0x2000  }
0x8e: {  	[sflag:s14] =	ssyncset.done $0x0  }
0x8f: {  	s15 =	simm.s32 $0x12;
	[sflag:s14] =	ssyncadd.s32 $0xFFFFE000  }
0x90: {  	_ =	swait.ge [sflag:s15], $0x2000  }
0x91: {  	s16 =	rddreg [dreg:$0x8];
	[sflag:s15] =	ssyncset.done $0x0  }
0x92: {  	[sflag:s15] =	ssyncadd.s32 $0xFFFFE000;
	s9 =	sadd.s32 $0x0, s16  }
0x93: {  	[tilespmem:s1], [sflag:$0x2] =	stream.linear.gather [hbm4b:s9+s3], $0x80, $0x38;
	[tilespmem:$0x1CC00] =	vst v63  }
0x94: {  	s17 =	simm.s32 $0x480  }
0x95: {  	[tilespmem:s6], [sflag:$0xA] =	stream.indirect.gather [hbm4b:s4+s23], $0x40, s17, s23, $0xb8;
	[tilespmem:$0x1CC00] =	vst v63  }
0x96: {  	s18 =	simm.s32 $0x5;
	s16 =	simm.s32 $0x2980;
	s17 =	simm.s32 $0x8C00  }
0x97: {  	[spmem:s2] =	stream.indirect.scatter.add.f32 [tilespmem:s17], [sflag:$0x14], $0x40, s16, s23, $0xb8;
	[tilespmem:$0x1CC00] =	vst v63  }
0x98: {  	_ =	swait.ge [sflag:s18], $0x80  }
0x99: {  	[sflag:s18] =	ssyncset.done $0x0  }
0x9a: {  	s19 =	simm.s32 $0xD;
	[sflag:s18] =	ssyncadd.s32 $0xFFFFFF80  }
0x9b: {  	_ =	swait.ge [sflag:s19], $0x2000  }
0x9c: {  	[sflag:s19] =	ssyncset.done $0x0  }
0x9d: {  	s20 =	simm.s32 $0x13;
	[sflag:s19] =	ssyncadd.s32 $0xFFFFE000  }
0x9e: {  	_ =	swait.ge [sflag:s20], $0x2000  }
0x9f: {  	s22 =	rddreg [dreg:$0x7];
	[sflag:s20] =	ssyncset.done $0x0  }
0xa0: {  	[sflag:s20] =	ssyncadd.s32 $0xFFFFE000;
	s9 =	sadd.s32 $0x0, s22  }
0xa1: {  	[tilespmem:s13], [sflag:$0x3] =	stream.linear.gather [hbm4b:s9+s3], $0x80, $0x38;
	[tilespmem:$0x1CC00] =	vst v63  }
0xa2: {  	s0 =	simm.s32 $0x500  }
0xa3: {  	[tilespmem:s5], [sflag:$0xB] =	stream.indirect.gather [hbm4b:s4+s23], $0x40, s0, s23, $0xb8;
	[tilespmem:$0x1CC00] =	vst v63  }
0xa4: {  	s1 =	simm.s32 $0x6;
	s18 =	simm.s32 $0x2A00;
	s19 =	simm.s32 $0xAC00  }
0xa5: {  	[spmem:s2] =	stream.indirect.scatter.add.f32 [tilespmem:s19], [sflag:$0x15], $0x40, s18, s23, $0xb8;
	[tilespmem:$0x1CC00] =	vst v63  }
0xa6: {  	_ =	swait.ge [sflag:s1], $0x80  }
0xa7: {  	[sflag:s1] =	ssyncset.done $0x0  }
0xa8: {  	s5 =	simm.s32 $0xE;
	[sflag:s1] =	ssyncadd.s32 $0xFFFFFF80  }
0xa9: {  	_ =	swait.ge [sflag:s5], $0x2000  }
0xaa: {  	[sflag:s5] =	ssyncset.done $0x0  }
0xab: {  	s6 =	simm.s32 $0x14;
	[sflag:s5] =	ssyncadd.s32 $0xFFFFE000  }
0xac: {  	_ =	swait.ge [sflag:s6], $0x2000  }
0xad: {  	s7 =	rddreg [dreg:$0x6];
	[sflag:s6] =	ssyncset.done $0x0  }
0xae: {  	[sflag:s6] =	ssyncadd.s32 $0xFFFFE000;
	s9 =	sadd.s32 $0x0, s7  }
0xaf: {  	[tilespmem:s16], [sflag:$0x4] =	stream.linear.gather [hbm4b:s9+s3], $0x80, $0x38;
	[tilespmem:$0x1CC00] =	vst v63  }
0xb0: {  	s10 =	simm.s32 $0x580  }
0xb1: {  	[tilespmem:s17], [sflag:$0xC] =	stream.indirect.gather [hbm4b:s4+s23], $0x40, s10, s23, $0xb8;
	[tilespmem:$0x1CC00] =	vst v63  }
0xb2: {  	s20 =	simm.s32 $0x2A80;
	s13 =	simm.s32 $0x7;
	s5 =	simm.s32 $0xCC00  }
0xb3: {  	[spmem:s2] =	stream.indirect.scatter.add.f32 [tilespmem:s5], [sflag:$0x16], $0x40, s20, s23, $0xb8;
	[tilespmem:$0x1CC00] =	vst v63  }
0xb4: {  	_ =	swait.ge [sflag:s13], $0x80  }
0xb5: {  	[sflag:s13] =	ssyncset.done $0x0  }
0xb6: {  	s14 =	simm.s32 $0xF;
	[sflag:s13] =	ssyncadd.s32 $0xFFFFFF80  }
0xb7: {  	_ =	swait.ge [sflag:s14], $0x2000  }
0xb8: {  	[sflag:s14] =	ssyncset.done $0x0  }
0xb9: {  	s15 =	simm.s32 $0x15;
	[sflag:s14] =	ssyncadd.s32 $0xFFFFE000  }
0xba: {  	_ =	swait.ge [sflag:s15], $0x2000  }
0xbb: {  	s22 =	rddreg [dreg:$0x5];
	[sflag:s15] =	ssyncset.done $0x0  }
0xbc: {  	[sflag:s15] =	ssyncadd.s32 $0xFFFFE000;
	s9 =	sadd.s32 $0x0, s22  }
0xbd: {  	[tilespmem:s18], [sflag:$0x5] =	stream.linear.gather [hbm4b:s9+s3], $0x80, $0x38;
	[tilespmem:$0x1CC00] =	vst v63  }
0xbe: {  	s1 =	simm.s32 $0x600  }
0xbf: {  	[tilespmem:s19], [sflag:$0xD] =	stream.indirect.gather [hbm4b:s4+s23], $0x40, s1, s23, $0xb8;
	[tilespmem:$0x1CC00] =	vst v63  }
0xc0: {  	s7 =	simm.s32 $0x8;
	s13 =	simm.s32 $0x2B00;
	s22 =	simm.s32 $0xEC00  }
0xc1: {  	[spmem:s2] =	stream.indirect.scatter.add.f32 [tilespmem:s22], [sflag:$0x17], $0x40, s13, s23, $0xb8;
	[tilespmem:$0x1CC00] =	vst v63  }
0xc2: {  	_ =	swait.ge [sflag:s7], $0x80  }
0xc3: {  	[sflag:s7] =	ssyncset.done $0x0  }
0xc4: {  	[sflag:s7] =	ssyncadd.s32 $0xFFFFFF80  }
0xc5: {  	_ =	swait.ge [sflag:s8], $0x2000  }
0xc6: {  	[sflag:s8] =	ssyncset.done $0x0  }
0xc7: {  	s14 =	simm.s32 $0x16;
	[sflag:s8] =	ssyncadd.s32 $0xFFFFE000  }
0xc8: {  	_ =	swait.ge [sflag:s14], $0x2000  }
0xc9: {  	s6 =	rddreg [dreg:$0x4];
	[sflag:s14] =	ssyncset.done $0x0  }
0xca: {  	[sflag:s14] =	ssyncadd.s32 $0xFFFFE000;
	s9 =	sadd.s32 $0x0, s6  }
0xcb: {  	[tilespmem:s20], [sflag:$0x6] =	stream.linear.gather [hbm4b:s9+s3], $0x80, $0x38;
	[tilespmem:$0x1CC00] =	vst v63  }
0xcc: {  	s10 =	simm.s32 $0x680  }
0xcd: {  	[tilespmem:s5], [sflag:$0xE] =	stream.indirect.gather [hbm4b:s4+s23], $0x40, s10, s23, $0xb8;
	[tilespmem:$0x1CC00] =	vst v63  }
0xce: {  	s15 =	simm.s32 $0x2B80  }
0xcf: {  	[spmem:s2] =	stream.indirect.scatter.add.f32 [tilespmem:s11], [sflag:$0x18], $0x40, s15, s23, $0xb8;
	[tilespmem:$0x1CC00] =	vst v63  }
0xd0: {  	_ =	swait.ge [sflag:s21], $0x80  }
0xd1: {  	[sflag:s21] =	ssyncset.done $0x0  }
0xd2: {  	[sflag:s21] =	ssyncadd.s32 $0xFFFFFF80  }
0xd3: {  	_ =	swait.ge [sflag:s26], $0x2000  }
0xd4: {  	[sflag:s26] =	ssyncset.done $0x0  }
0xd5: {  	[sflag:s26] =	ssyncadd.s32 $0xFFFFE000  }
0xd6: {  	_ =	swait.ge [sflag:s29], $0x2000  }
0xd7: {  	s21 =	rddreg [dreg:$0x3];
	[sflag:s29] =	ssyncset.done $0x0  }
0xd8: {  	[sflag:s29] =	ssyncadd.s32 $0xFFFFE000;
	s9 =	sadd.s32 $0x0, s21  }
0xd9: {  	[tilespmem:s13], [sflag:$0x7] =	stream.linear.gather [hbm4b:s9+s3], $0x80, $0x38;
	[tilespmem:$0x1CC00] =	vst v63  }
0xda: {  	s26 =	simm.s32 $0x700  }
0xdb: {  	[tilespmem:s22], [sflag:$0xF] =	stream.indirect.gather [hbm4b:s4+s23], $0x40, s26, s23, $0xb8;
	[tilespmem:$0x1CC00] =	vst v63  }
0xdc: {  	_ = 	snop  }
0xdd: {  	[spmem:s2] =	stream.indirect.scatter.add.f32 [tilespmem:s12], [sflag:$0x11], $0x40, s28, s23, $0xb8;
	[tilespmem:$0x1CC00] =	vst v63  }
0xde: {  	_ =	swait.ge [sflag:s30], $0x80  }
0xdf: {  	[sflag:s30] =	ssyncset.done $0x0  }
0xe0: {  	[sflag:s30] =	ssyncadd.s32 $0xFFFFFF80  }
0xe1: {  	_ =	swait.ge [sflag:s24], $0x2000  }
0xe2: {  	[sflag:s24] =	ssyncset.done $0x0  }
0xe3: {  	s26 =	simm.s32 $0x18;
	[sflag:s24] =	ssyncadd.s32 $0xFFFFE000  }
0xe4: {  	_ =	swait.ge [sflag:s26], $0x2000  }
0xe5: {  	s28 =	rddreg [dreg:$0xa];
	[sflag:s26] =	ssyncset.done $0x0  }
0xe6: {  	[sflag:s26] =	ssyncadd.s32 $0xFFFFE000;
	s9 =	sadd.s32 $0x0, s28  }
0xe7: {  	[tilespmem:s15], [sflag:$0x8] =	stream.linear.gather [hbm4b:s9+s3], $0x80, $0x38;
	[tilespmem:$0x1CC00] =	vst v63  }
0xe8: {  	s10 =	simm.s32 $0x800;
	s30 =	simm.s32 $0x780;
	s9 =	simm.s32 $0x80  }
0xe9: {  	[tilespmem:s11], [sflag:$0x10] =	stream.indirect.gather [hbm4b:s4+s23], $0x40, s30, s23, $0xb8;
	[tilespmem:$0x1CC00] =	vst v63  }
.LBB2_4:
0xea: {  	s11 =	simm.s32 $0x2880;
	s6 =	simm.s32 $0x4C00;
	s21 =	simm.s32 $0x3  }
0xeb: {  	[spmem:s2] =	stream.indirect.scatter.add.f32 [tilespmem:s6], [sflag:$0x12], $0x40, s11, s23, $0xb8;
	[tilespmem:$0x1CC00] =	vst v63  }
0xec: {  	_ =	swait.ge [sflag:s21], $0x80  }
0xed: {  	[sflag:s21] =	ssyncset.done $0x0  }
0xee: {  	s1 =	simm.s32 $0xB;
	[sflag:s21] =	ssyncadd.s32 $0xFFFFFF80  }
0xef: {  	_ =	swait.ge [sflag:s1], $0x2000  }
0xf0: {  	[sflag:s1] =	ssyncset.done $0x0  }
0xf1: {  	[sflag:s1] =	ssyncadd.s32 $0xFFFFE000  }
0xf2: {  	s28 =	simm.s32 $0x11;
	_ =	swait.ge [sflag:s25], $0x2000  }
0xf3: {  	s12 =	smov.u32 s9;
	s15 =	rddreg [dreg:$0x9];
	[sflag:s28] =	ssyncset.done $0x0  }
0xf4: {  	[sflag:s28] =	ssyncadd.s32 $0xFFFFE000;
	s28 =	simm.s32 $0x2800;
	s21 =	sadd.s32 s12, s15  }
0xf5: {  	[tilespmem:s28], [sflag:$0x1] =	stream.linear.gather [hbm4b:s21+s3], $0x80, $0x38;
	[tilespmem:$0x1CC00] =	vst v63  }
0xf6: {  	s30 =	simm.s32 $0x2C00  }
0xf7: {  	[tilespmem:s30], [sflag:$0x9] =	stream.indirect.gather [hbm4b:s4+s23], $0x40, s10, s23, $0xb8;
	[tilespmem:$0x1CC00] =	vst v63  }
0xf8: {  	s0 =	simm.s32 $0x6C00;
	s1 =	simm.s32 $0x4;
	s15 =	simm.s32 $0x2900  }
0xf9: {  	[spmem:s2] =	stream.indirect.scatter.add.f32 [tilespmem:s0], [sflag:$0x13], $0x40, s15, s23, $0xb8;
	[tilespmem:$0x1CC00] =	vst v63  }
0xfa: {  	_ =	swait.ge [sflag:s1], $0x80  }
0xfb: {  	[sflag:s1] =	ssyncset.done $0x0  }
0xfc: {  	s21 =	simm.s32 $0xC;
	[sflag:s1] =	ssyncadd.s32 $0xFFFFFF80  }
0xfd: {  	_ =	swait.ge [sflag:s21], $0x2000  }
0xfe: {  	[sflag:s21] =	ssyncset.done $0x0  }
0xff: {  	s1 =	simm.s32 $0x12;
	[sflag:s21] =	ssyncadd.s32 $0xFFFFE000  }
0x100: {  	_ =	swait.ge [sflag:s1], $0x2000  }
0x101: {  	s21 =	rddreg [dreg:$0x8];
	[sflag:s1] =	ssyncset.done $0x0  }
0x102: {  	[sflag:s1] =	ssyncadd.s32 $0xFFFFE000;
	s21 =	sadd.s32 s12, s21  }
0x103: {  	[tilespmem:s11], [sflag:$0x2] =	stream.linear.gather [hbm4b:s21+s3], $0x80, $0x38;
	[tilespmem:$0x1CC00] =	vst v63  }
0x104: {  	s11 =	sadd.s32 $0x80, s10  }
0x105: {  	[tilespmem:s6], [sflag:$0xA] =	stream.indirect.gather [hbm4b:s4+s23], $0x40, s11, s23, $0xb8;
	[tilespmem:$0x1CC00] =	vst v63  }
0x106: {  	s21 =	simm.s32 $0x5  }
0x107: {  	[spmem:s2] =	stream.indirect.scatter.add.f32 [tilespmem:s17], [sflag:$0x14], $0x40, s16, s23, $0xb8;
	[tilespmem:$0x1CC00] =	vst v63  }
0x108: {  	_ =	swait.ge [sflag:s21], $0x80  }
0x109: {  	[sflag:s21] =	ssyncset.done $0x0  }
0x10a: {  	s11 =	simm.s32 $0xD;
	[sflag:s21] =	ssyncadd.s32 $0xFFFFFF80  }
0x10b: {  	_ =	swait.ge [sflag:s11], $0x2000  }
0x10c: {  	[sflag:s11] =	ssyncset.done $0x0  }
0x10d: {  	s21 =	simm.s32 $0x13;
	[sflag:s11] =	ssyncadd.s32 $0xFFFFE000  }
0x10e: {  	_ =	swait.ge [sflag:s21], $0x2000  }
0x10f: {  	s11 =	rddreg [dreg:$0x7];
	[sflag:s21] =	ssyncset.done $0x0  }
0x110: {  	[sflag:s21] =	ssyncadd.s32 $0xFFFFE000;
	s21 =	sadd.s32 s12, s11  }
0x111: {  	[tilespmem:s15], [sflag:$0x3] =	stream.linear.gather [hbm4b:s21+s3], $0x80, $0x38;
	[tilespmem:$0x1CC00] =	vst v63  }
0x112: {  	s6 =	sadd.s32 $0x100, s10  }
0x113: {  	[tilespmem:s0], [sflag:$0xB] =	stream.indirect.gather [hbm4b:s4+s23], $0x40, s6, s23, $0xb8;
	[tilespmem:$0x1CC00] =	vst v63  }
0x114: {  	s21 =	simm.s32 $0x6  }
0x115: {  	[spmem:s2] =	stream.indirect.scatter.add.f32 [tilespmem:s19], [sflag:$0x15], $0x40, s18, s23, $0xb8;
	[tilespmem:$0x1CC00] =	vst v63  }
0x116: {  	_ =	swait.ge [sflag:s21], $0x80  }
0x117: {  	[sflag:s21] =	ssyncset.done $0x0  }
0x118: {  	s6 =	simm.s32 $0xE;
	[sflag:s21] =	ssyncadd.s32 $0xFFFFFF80  }
0x119: {  	_ =	swait.ge [sflag:s6], $0x2000  }
0x11a: {  	[sflag:s6] =	ssyncset.done $0x0  }
0x11b: {  	s21 =	simm.s32 $0x14;
	[sflag:s6] =	ssyncadd.s32 $0xFFFFE000  }
0x11c: {  	_ =	swait.ge [sflag:s21], $0x2000  }
0x11d: {  	s6 =	rddreg [dreg:$0x6];
	[sflag:s21] =	ssyncset.done $0x0  }
0x11e: {  	[sflag:s21] =	ssyncadd.s32 $0xFFFFE000;
	s21 =	sadd.s32 s12, s6  }
0x11f: {  	[tilespmem:s16], [sflag:$0x4] =	stream.linear.gather [hbm4b:s21+s3], $0x80, $0x38;
	[tilespmem:$0x1CC00] =	vst v63  }
0x120: {  	s6 =	sadd.s32 $0x180, s10  }
0x121: {  	[tilespmem:s17], [sflag:$0xC] =	stream.indirect.gather [hbm4b:s4+s23], $0x40, s6, s23, $0xb8;
	[tilespmem:$0x1CC00] =	vst v63  }
0x122: {  	s21 =	simm.s32 $0x7  }
0x123: {  	[spmem:s2] =	stream.indirect.scatter.add.f32 [tilespmem:s5], [sflag:$0x16], $0x40, s20, s23, $0xb8;
	[tilespmem:$0x1CC00] =	vst v63  }
0x124: {  	_ =	swait.ge [sflag:s21], $0x80  }
0x125: {  	[sflag:s21] =	ssyncset.done $0x0  }
0x126: {  	s6 =	simm.s32 $0xF;
	[sflag:s21] =	ssyncadd.s32 $0xFFFFFF80  }
0x127: {  	_ =	swait.ge [sflag:s6], $0x2000  }
0x128: {  	[sflag:s6] =	ssyncset.done $0x0  }
0x129: {  	s21 =	simm.s32 $0x15;
	[sflag:s6] =	ssyncadd.s32 $0xFFFFE000  }
0x12a: {  	_ =	swait.ge [sflag:s21], $0x2000  }
0x12b: {  	s6 =	rddreg [dreg:$0x5];
	[sflag:s21] =	ssyncset.done $0x0  }
0x12c: {  	[sflag:s21] =	ssyncadd.s32 $0xFFFFE000;
	s21 =	sadd.s32 s12, s6  }
0x12d: {  	[tilespmem:s18], [sflag:$0x5] =	stream.linear.gather [hbm4b:s21+s3], $0x80, $0x38;
	[tilespmem:$0x1CC00] =	vst v63  }
0x12e: {  	s6 =	sadd.s32 $0x200, s10  }
0x12f: {  	[tilespmem:s19], [sflag:$0xD] =	stream.indirect.gather [hbm4b:s4+s23], $0x40, s6, s23, $0xb8;
	[tilespmem:$0x1CC00] =	vst v63  }
0x130: {  	_ = 	snop  }
0x131: {  	[spmem:s2] =	stream.indirect.scatter.add.f32 [tilespmem:s22], [sflag:$0x17], $0x40, s13, s23, $0xb8;
	[tilespmem:$0x1CC00] =	vst v63  }
0x132: {  	_ =	swait.ge [sflag:s7], $0x80  }
0x133: {  	[sflag:s7] =	ssyncset.done $0x0  }
0x134: {  	[sflag:s7] =	ssyncadd.s32 $0xFFFFFF80  }
0x135: {  	_ =	swait.ge [sflag:s8], $0x2000  }
0x136: {  	[sflag:s8] =	ssyncset.done $0x0  }
0x137: {  	[sflag:s8] =	ssyncadd.s32 $0xFFFFE000  }
0x138: {  	_ =	swait.ge [sflag:s14], $0x2000  }
0x139: {  	s0 =	rddreg [dreg:$0x4];
	[sflag:s14] =	ssyncset.done $0x0  }
0x13a: {  	[sflag:s14] =	ssyncadd.s32 $0xFFFFE000;
	s21 =	sadd.s32 s12, s0  }
0x13b: {  	[tilespmem:s20], [sflag:$0x6] =	stream.linear.gather [hbm4b:s21+s3], $0x80, $0x38;
	[tilespmem:$0x1CC00] =	vst v63  }
0x13c: {  	s6 =	sadd.s32 $0x280, s10  }
0x13d: {  	[tilespmem:s5], [sflag:$0xE] =	stream.indirect.gather [hbm4b:s4+s23], $0x40, s6, s23, $0xb8;
	[tilespmem:$0x1CC00] =	vst v63  }
0x13e: {  	s24 =	simm.s32 $0x2B80;
	s25 =	simm.s32 $0x10C00;
	s0 =	simm.s32 $0x1  }
0x13f: {  	[spmem:s2] =	stream.indirect.scatter.add.f32 [tilespmem:s25], [sflag:$0x18], $0x40, s24, s23, $0xb8;
	[tilespmem:$0x1CC00] =	vst v63  }
0x140: {  	_ =	swait.ge [sflag:s0], $0x80  }
0x141: {  	[sflag:s0] =	ssyncset.done $0x0  }
0x142: {  	s6 =	simm.s32 $0x9;
	[sflag:s0] =	ssyncadd.s32 $0xFFFFFF80  }
0x143: {  	_ =	swait.ge [sflag:s6], $0x2000  }
0x144: {  	[sflag:s6] =	ssyncset.done $0x0  }
0x145: {  	[sflag:s6] =	ssyncadd.s32 $0xFFFFE000  }
0x146: {  	_ =	swait.ge [sflag:s29], $0x2000  }
0x147: {  	s0 =	rddreg [dreg:$0x3];
	[sflag:s29] =	ssyncset.done $0x0  }
0x148: {  	[sflag:s29] =	ssyncadd.s32 $0xFFFFE000;
	s21 =	sadd.s32 s12, s0  }
0x149: {  	[tilespmem:s13], [sflag:$0x7] =	stream.linear.gather [hbm4b:s21+s3], $0x80, $0x38;
	[tilespmem:$0x1CC00] =	vst v63  }
0x14a: {  	s6 =	sadd.s32 $0x300, s10  }
0x14b: {  	[tilespmem:s22], [sflag:$0xF] =	stream.indirect.gather [hbm4b:s4+s23], $0x40, s6, s23, $0xb8;
	[tilespmem:$0x1CC00] =	vst v63  }
0x14c: {  	_ = 	snop  }
0x14d: {  	[spmem:s2] =	stream.indirect.scatter.add.f32 [tilespmem:s30], [sflag:$0x11], $0x40, s28, s23, $0xb8;
	[tilespmem:$0x1CC00] =	vst v63  }
0x14e: {  	s30 =	simm.s32 $0x2  }
0x14f: {  	_ =	swait.ge [sflag:s30], $0x80  }
0x150: {  	[sflag:s30] =	ssyncset.done $0x0  }
0x151: {  	s0 =	simm.s32 $0xA;
	[sflag:s30] =	ssyncadd.s32 $0xFFFFFF80  }
0x152: {  	_ =	swait.ge [sflag:s0], $0x2000  }
0x153: {  	p0 =	sne.s32 s9, $0x400;
	s9 =	sadd.s32 $0x80, s9;
	[sflag:s0] =	ssyncset.done $0x0  }
0x154: {  	s1 =	simm.s32 $0x4C00;
	s11 =	simm.s32 $0x2900;
	[sflag:s0] =	ssyncadd.s32 $0xFFFFE000  }
0x155: {  	s15 =	simm.s32 $0x6C00;
	s25 =	simm.s32 $0x11;
	_ =	swait.ge [sflag:s26], $0x2000  }
.Ltmp1:
0x156: {  	s6 =	rddreg [dreg:$0xa];
	[sflag:s26] =	ssyncset.done $0x0;
	(pc) =	sbr.rel @p0 .LBB2_4-.Ltmp1, $4  }
0x157: {  	s21 =	simm.s32 $0x2B80;
	[sflag:s26] =	ssyncadd.s32 $0xFFFFE000;
	s12 =	sadd.s32 s12, s6  }
0x158: {  	[tilespmem:s21], [sflag:$0x8] =	stream.linear.gather [hbm4b:s12+s3], $0x80, $0x38;
	[tilespmem:$0x1CC00] =	vst v63  }
0x159: {  	s24 =	simm.s32 $0x10C00;
	s30 =	sadd.s32 $0x380, s10;
	s10 =	sadd.s32 $0x400, s10  }
0x15a: {  	[tilespmem:s24], [sflag:$0x10] =	stream.indirect.gather [hbm4b:s4+s23], $0x40, s30, s23, $0xb8;
	[tilespmem:$0x1CC00] =	vst v63  }
0x15b: {  	[spmem:s2] =	stream.indirect.scatter.add.f32 [tilespmem:s1], [sflag:$0x12], $0x40, s31, s23, $0xb8;
	[tilespmem:$0x1CC00] =	vst v63  }
0x15c: {  	s9 =	simm.s32 $0x3  }
0x15d: {  	_ =	swait.ge [sflag:s9], $0x80  }
0x15e: {  	[sflag:s9] =	ssyncset.done $0x0  }
0x15f: {  	s0 =	simm.s32 $0xB;
	[sflag:s9] =	ssyncadd.s32 $0xFFFFFF80  }
0x160: {  	_ =	swait.ge [sflag:s0], $0x2000  }
0x161: {  	[sflag:s0] =	ssyncset.done $0x0  }
0x162: {  	[sflag:s0] =	ssyncadd.s32 $0xFFFFE000  }
0x163: {  	_ =	swait.ge [sflag:s25], $0x2000  }
0x164: {  	[sflag:s25] =	ssyncset.done $0x0  }
0x165: {  	s0 =	simm.s32 $0x4;
	[sflag:s25] =	ssyncadd.s32 $0xFFFFE000  }
0x166: {  	[spmem:s2] =	stream.indirect.scatter.add.f32 [tilespmem:s15], [sflag:$0x13], $0x40, s11, s23, $0xb8;
	[tilespmem:$0x1CC00] =	vst v63  }
0x167: {  	_ =	swait.ge [sflag:s0], $0x80  }
0x168: {  	[sflag:s0] =	ssyncset.done $0x0  }
0x169: {  	s1 =	simm.s32 $0xC;
	[sflag:s0] =	ssyncadd.s32 $0xFFFFFF80  }
0x16a: {  	_ =	swait.ge [sflag:s1], $0x2000  }
0x16b: {  	[sflag:s1] =	ssyncset.done $0x0  }
0x16c: {  	s6 =	simm.s32 $0x12;
	[sflag:s1] =	ssyncadd.s32 $0xFFFFE000  }
0x16d: {  	_ =	swait.ge [sflag:s6], $0x2000  }
0x16e: {  	[sflag:s6] =	ssyncset.done $0x0  }
0x16f: {  	s9 =	simm.s32 $0x5;
	[sflag:s6] =	ssyncadd.s32 $0xFFFFE000  }
0x170: {  	[spmem:s2] =	stream.indirect.scatter.add.f32 [tilespmem:s17], [sflag:$0x14], $0x40, s16, s23, $0xb8;
	[tilespmem:$0x1CC00] =	vst v63  }
0x171: {  	_ =	swait.ge [sflag:s9], $0x80  }
0x172: {  	[sflag:s9] =	ssyncset.done $0x0  }
0x173: {  	s10 =	simm.s32 $0xD;
	[sflag:s9] =	ssyncadd.s32 $0xFFFFFF80  }
0x174: {  	_ =	swait.ge [sflag:s10], $0x2000  }
0x175: {  	[sflag:s10] =	ssyncset.done $0x0  }
0x176: {  	s12 =	simm.s32 $0x13;
	[sflag:s10] =	ssyncadd.s32 $0xFFFFE000  }
0x177: {  	_ =	swait.ge [sflag:s12], $0x2000  }
0x178: {  	[sflag:s12] =	ssyncset.done $0x0  }
0x179: {  	s25 =	simm.s32 $0x6;
	[sflag:s12] =	ssyncadd.s32 $0xFFFFE000  }
0x17a: {  	[spmem:s2] =	stream.indirect.scatter.add.f32 [tilespmem:s19], [sflag:$0x15], $0x40, s18, s23, $0xb8;
	[tilespmem:$0x1CC00] =	vst v63  }
0x17b: {  	_ =	swait.ge [sflag:s25], $0x80  }
0x17c: {  	[sflag:s25] =	ssyncset.done $0x0  }
0x17d: {  	s30 =	simm.s32 $0xE;
	[sflag:s25] =	ssyncadd.s32 $0xFFFFFF80  }
0x17e: {  	_ =	swait.ge [sflag:s30], $0x2000  }
0x17f: {  	[sflag:s30] =	ssyncset.done $0x0  }
0x180: {  	s1 =	simm.s32 $0x14;
	[sflag:s30] =	ssyncadd.s32 $0xFFFFE000  }
0x181: {  	_ =	swait.ge [sflag:s1], $0x2000  }
0x182: {  	[sflag:s1] =	ssyncset.done $0x0  }
0x183: {  	s6 =	simm.s32 $0x7;
	[sflag:s1] =	ssyncadd.s32 $0xFFFFE000  }
0x184: {  	[spmem:s2] =	stream.indirect.scatter.add.f32 [tilespmem:s5], [sflag:$0x16], $0x40, s20, s23, $0xb8;
	[tilespmem:$0x1CC00] =	vst v63  }
0x185: {  	_ =	swait.ge [sflag:s6], $0x80  }
0x186: {  	[sflag:s6] =	ssyncset.done $0x0  }
0x187: {  	s9 =	simm.s32 $0xF;
	[sflag:s6] =	ssyncadd.s32 $0xFFFFFF80  }
0x188: {  	_ =	swait.ge [sflag:s9], $0x2000  }
0x189: {  	[sflag:s9] =	ssyncset.done $0x0  }
0x18a: {  	s10 =	simm.s32 $0x15;
	[sflag:s9] =	ssyncadd.s32 $0xFFFFE000  }
0x18b: {  	_ =	swait.ge [sflag:s10], $0x2000  }
0x18c: {  	[sflag:s10] =	ssyncset.done $0x0  }
0x18d: {  	[sflag:s10] =	ssyncadd.s32 $0xFFFFE000  }
0x18e: {  	[spmem:s2] =	stream.indirect.scatter.add.f32 [tilespmem:s22], [sflag:$0x17], $0x40, s13, s23, $0xb8;
	[tilespmem:$0x1CC00] =	vst v63  }
0x18f: {  	_ =	swait.ge [sflag:s7], $0x80  }
0x190: {  	[sflag:s7] =	ssyncset.done $0x0  }
0x191: {  	[sflag:s7] =	ssyncadd.s32 $0xFFFFFF80  }
0x192: {  	_ =	swait.ge [sflag:s8], $0x2000  }
0x193: {  	[sflag:s8] =	ssyncset.done $0x0  }
0x194: {  	[sflag:s8] =	ssyncadd.s32 $0xFFFFE000  }
0x195: {  	_ =	swait.ge [sflag:s14], $0x2000  }
0x196: {  	[sflag:s14] =	ssyncset.done $0x0  }
0x197: {  	[sflag:s14] =	ssyncadd.s32 $0xFFFFE000  }
0x198: {  	[spmem:s2] =	stream.indirect.scatter.add.f32 [tilespmem:s24], [sflag:$0x18], $0x40, s21, s23, $0xb8;
	[tilespmem:$0x1CC00] =	vst v63  }
0x199: {  	_ =	swait.ge [sflag:s29], $0x2000  }
0x19a: {  	[sflag:s29] =	ssyncset.done $0x0  }
0x19b: {  	[sflag:s29] =	ssyncadd.s32 $0xFFFFE000  }
0x19c: {  	_ =	swait.ge [sflag:s26], $0x2000  }
0x19d: {  	[sflag:s26] =	ssyncset.done $0x0  }
0x19e: {  	s12 =	stileid.u32;
	[sflag:s26] =	ssyncadd.s32 $0xFFFFE000  }
0x19f: {  	s9 =	sshll.u32 s12, $0x6;
	[bflag:$0x0] =	sbarrier.arrive $0xFFFF  }
0x1a0: {  	s9 =	sor.u32 $0x1C19, s9;
	s21 =	rddreg [dreg:$0x13]  }
0x1a1: {  	s14 =	simm.s32 $0x19;
	s12 =	rddreg [dreg:$0x19];
	s10 =	sshrl.u32 s21, $0x3  }
0x1a2: {  	[hbm:s12], [sflag:s9] =	dma.local [spmem:s10], $0x1400  }
0x1a3: {  	_ =	swait.ge [sflag:s14], $0x1400  }
0x1a4: {  	s26 =	rddreg [dreg:$0x1b]  }
0x1a5: {  	s30 =	rddreg [dreg:$0x1a];
	s1 =	sadd.s32 $0x1, s26  }
0x1a6: {  	p0 =	sne.s32 s1, s30  }
.Ltmp2:
0x1a7: {  	_ = 	snop;
	(pc) =	sbr.rel @p0 .LBB2_1-.Ltmp2, $4  }
0x1a8: {  	_ = 	snop  }
0x1a9: {  	s25 =	simm.s32 $0x10C00  }
0x1aa: {  	s24 =	simm.s32 $0x2B80;
	s10 =	simm.s32 $0x9;
	[sflag:s14] =	ssyncset.done $0x0  }
0x1ab: {  	s12 =	simm.s32 $0x2880;
	[sflag:s14] =	ssyncadd.s32 $0xFFFFEC00;
	s14 =	simm.s32 $0x4C00  }
0x1ac: {  	_ =	sfence.sel $0x180000  }
0x1ad: {  	[bflag:$0x0] =	sbarrier.arrive $0xFFFF  }
0x1ae: {  	_ =	strace $0x9000004D  }
0x1af: {  	s0 =	stileid.u32;
	[bflag:$0x2] =	sbarrier.arrive $0xFFFF  }
0x1b0: {  	p0 =	sne.s32 s0, $0x0;
	s0 =	rddreg [dreg:$0x2]  }
0x1b1: {  	s0 =	sadd.s32 @!p0 $0x100000, s0  }
0x1b2: {  	[sflag:s0] =	ssyncadd.tile.s32 @!p0 $0x1;
	_ =	shalt  }
.Lfunc_end2:
_tile_overlayer_lowered:
.L_overlay_start_2:
0x1b3: {  	(tag) =	ssettag $0x2  }
0x1b4: {  	s0 =	rddreg [dreg:$0x0];
	s2 =	stileid.u32  }
0x1b5: {  	s1 =	rddreg [dreg:$0x1];
	p0 =	sne.s32 s2, $0x0  }
0x1b6: {  	s3 =	rddreg [dreg:$0x2];
	[bflag:$0x3] =	sbarrier.arrive $0xFFFF;
	s2 =	simm.s32 @!p0 $0x1C19  }
0x1b7: {  	[timem:s3], [sflag:s2] =	dma.local @!p0 [hbm:s0], s1  }
0x1b8: {  	s0 =	simm.s32 @!p0 $0x19  }
0x1b9: {  	_ =	swait.ge @!p0 [sflag:s0], s1  }
0x1ba: {  	s1 =	ssub.s32 @!p0 $0x0, s1;
	[sflag:s0] =	ssyncset.done @!p0 $0x0  }
0x1bb: {  	[sflag:s0] =	ssyncadd.s32 @!p0 s1  }
0x1bc: {  	[bflag:$0x3] =	sbarrier.arrive $0xFFFF  }
0x1bd: {  	_ =	shalt  }

// kernel: kernel.8.cloned.1.call-start
scs
__scs_entry_jumppad:
0x0: {  	(pc) =	sbr.rel $0x88, $3  }
0x1: {  	(tag) =	ssettag $0x0;
	lr =	simm.s32 $0x1  }
0x2: {  	[smem:$0x3F9B] =	sst lr;
	_ =	strace $0xD0000000  }
0x3: {  	_ = 	snop  }
0x4: {  	_ = 	snop  }
0x5: {  	_ = 	snop  }
0x6: {  	_ = 	snop  }
0x7: {  	_ = 	snop  }
__scs_overlays_trampoline_lowered:
0x8: {  	[smem:$0x3FAA] =	sst s0  }
0x9: {  	[smem:$0x3FAB] =	sst s1  }
0xa: {  	[smem:$0x3FAC] =	sst s2  }
0xb: {  	[smem:$0x3FAD] =	sst s3  }
0xc: {  	[smem:$0x3FAE] =	sst s4  }
0xd: {  	[smem:$0x3FAF] =	sst s5  }
0xe: {  	[smem:$0x3FB0] =	sst s6  }
0xf: {  	[smem:$0x3FB1] =	sst s7  }
0x10: {  	[smem:$0x3FB2] =	sst s8  }
0x11: {  	[smem:$0x3FB3] =	sst s9;
	s0 =	simm.s32 @!p0 $0x0  }
0x12: {  	s1 =	sld [smem:$0x3F99];
	s0 =	simm.s32 @p0 $0x1  }
0x13: {  	[smem:$0x3FB4] =	sst s0;
	s0 =	simm.s32 @!p1 $0x0  }
0x14: {  	s2 =	sld [smem:$0x3F98];
	s0 =	simm.s32 @p1 $0x1  }
0x15: {  	[smem:$0x3FB5] =	sst s0;
	s0 =	simm.s32 @!p2 $0x0  }
0x16: {  	s3 =	sld [smem:$0x3FDB];
	s0 =	simm.s32 @p2 $0x1  }
0x17: {  	s4 =	simm.s32 $0x1BF5;
	[smem:$0x3FB7] =	sst s0  }
0x18: {  	s0 =	sld [smem:$0x3F9A];
	_ =	swait.ge [sflag:s4], $0x0  }
0x19: {  	s7 =	sld [smem:$0x3F9B]  }
0x1a: {  	s8 =	sadd.s32 $0xFFFFE003, lr  }
0x1b: {  	s9 =	sadd.s32 $0xFFFFFEF7, lr;
	s5 =	simm.s32 $0xFFFFFFFF;
	p2 =	slt.u32 s8, $0xFFFFF086  }
0x1c: {  	p1 =	slt.u32 s9, $0xF7A;
	s5 =	simm.s32 @!p2 $0x0  }
0x1d: {  	s5 =	simm.s32 @p1 $0x1;
	p0 =	seq.s32 s7, s2  }
0x1e: {  	s7 =	smul.u32 @!p0 $0xF7A, s2;
	p2 =	seq.s32 @!p0 s5, $0x0  }
0x1f: {  	s9 =	smul.u32 $0xF7A, s1;
	s8 =	simm.s32 @!p0 $0x1BF5;
	p2 =	por !p2, p0  }
0x20: {  	[sflag:s8] =	ssyncset.s32 @!p0 $0xFFFFF086;
	s6 =	sadd.s32 @!p0 s3, s7;
	s7 =	simm.s32 @!p0 $0x108  }
0x21: {  	s3 =	sadd.s32 s3, s9;
	s6 =	sadd.s32 @!p0 $0x88, s6;
	s7 =	simm.s32 @p2 $0x1082  }
0x22: {  	[simem:s7], [sflag:s8] =	dma.local @!p0 [hbm:s6], $0xF7A  }
0x23: {  	s9 =	sor.u32 $0xD0000000, s2;
	s6 =	simm.s32 $0x108;
	_ =	swait.ge @!p0 [sflag:s8], $0x0  }
0x24: {  	s3 =	sadd.s32 $0x88, s3;
	s6 =	simm.s32 @!p1 $0x1082;
	[sflag:s4] =	ssyncset.s32 $0xFFFFF086  }
0x25: {  	[simem:s6], [sflag:s4] =	dma.local [hbm:s3], $0xF7A  }
0x26: {  	[smem:$0x3F9B] =	sst s1;
	(tag) =	ssettag s2;
	_ =	strace s9  }
0x27: {  	s1 =	sld [smem:$0x3FAB]  }
0x28: {  	s2 =	sld [smem:$0x3FAC]  }
0x29: {  	s4 =	sld [smem:$0x3FAE]  }
0x2a: {  	p0 =	seq.s32 s5, $0x0;
	s5 =	sld [smem:$0x3FAF]  }
0x2b: {  	s6 =	sld [smem:$0x3FB0]  }
0x2c: {  	s7 =	sld [smem:$0x3FB1]  }
0x2d: {  	s3 =	simm.s32 $0x108;
	s8 =	sld [smem:$0x3FB2]  }
0x2e: {  	s3 =	simm.s32 @!p0 $0x1082;
	s9 =	sld [smem:$0x3FB3]  }
0x2f: {  	lr =	sadd.s32 s0, s3;
	s0 =	sld [smem:$0x3FAA]  }
0x30: {  	s3 =	sld [smem:$0x3FAD]  }
0x31: {  	[smem:$0x3FB6] =	sst s10  }
0x32: {  	s10 =	sld [smem:$0x3FB4];
	_ =	sdelay $0x3  }
0x33: {  	p0 =	seq.s32 s10, $0x1;
	s10 =	sld [smem:$0x3FB6];
	_ =	sdelay $0x3  }
0x34: {  	[smem:$0x3FB6] =	sst s10  }
0x35: {  	s10 =	sld [smem:$0x3FB5];
	_ =	sdelay $0x3  }
0x36: {  	p1 =	seq.s32 s10, $0x1;
	s10 =	sld [smem:$0x3FB6];
	_ =	sdelay $0x3  }
0x37: {  	[smem:$0x3FB6] =	sst s10  }
0x38: {  	s10 =	sld [smem:$0x3FB7]  }
0x39: {  	_ = 	snop;
	(pc) =	sbr.ind lr, $3  }
0x3a: {  	_ = 	snop  }
0x3b: {  	_ = 	snop  }
0x3c: {  	p2 =	seq.s32 s10, $0x1;
	s10 =	sld [smem:$0x3FB6]  }
0x3d: {  	_ =	shalt  }
0x3e: {  	_ =	shalt  }
0x3f: {  	_ =	shalt  }
0x40: {  	_ =	shalt  }
0x41: {  	_ =	shalt  }
0x42: {  	_ =	shalt  }
0x43: {  	_ =	shalt  }
0x44: {  	_ =	shalt  }
0x45: {  	_ =	shalt  }
0x46: {  	_ =	shalt  }
0x47: {  	_ =	shalt  }
0x48: {  	_ =	shalt  }
0x49: {  	_ =	shalt  }
0x4a: {  	_ =	shalt  }
0x4b: {  	_ =	shalt  }
0x4c: {  	_ =	shalt  }
0x4d: {  	_ =	shalt  }
0x4e: {  	_ =	shalt  }
0x4f: {  	_ =	shalt  }
0x50: {  	_ =	shalt  }
0x51: {  	_ =	shalt  }
0x52: {  	_ =	shalt  }
0x53: {  	_ =	shalt  }
0x54: {  	_ =	shalt  }
0x55: {  	_ =	shalt  }
0x56: {  	_ =	shalt  }
0x57: {  	_ =	shalt  }
0x58: {  	_ =	shalt  }
0x59: {  	_ =	shalt  }
0x5a: {  	_ =	shalt  }
0x5b: {  	_ =	shalt  }
0x5c: {  	_ =	shalt  }
0x5d: {  	_ =	shalt  }
0x5e: {  	_ =	shalt  }
0x5f: {  	_ =	shalt  }
0x60: {  	_ =	shalt  }
0x61: {  	_ =	shalt  }
0x62: {  	_ =	shalt  }
0x63: {  	_ =	shalt  }
0x64: {  	_ =	shalt  }
0x65: {  	_ =	shalt  }
0x66: {  	_ =	shalt  }
0x67: {  	_ =	shalt  }
0x68: {  	_ =	shalt  }
0x69: {  	_ =	shalt  }
0x6a: {  	_ =	shalt  }
0x6b: {  	_ =	shalt  }
0x6c: {  	_ =	shalt  }
0x6d: {  	_ =	shalt  }
0x6e: {  	_ =	shalt  }
0x6f: {  	_ =	shalt  }
0x70: {  	_ =	shalt  }
0x71: {  	_ =	shalt  }
0x72: {  	_ =	shalt  }
0x73: {  	_ =	shalt  }
0x74: {  	_ =	shalt  }
0x75: {  	_ =	shalt  }
0x76: {  	_ =	shalt  }
0x77: {  	_ =	shalt  }
0x78: {  	_ =	shalt  }
0x79: {  	_ =	shalt  }
0x7a: {  	_ =	shalt  }
0x7b: {  	_ =	shalt  }
0x7c: {  	_ =	shalt  }
0x7d: {  	_ =	shalt  }
0x7e: {  	_ =	shalt  }
0x7f: {  	_ =	shalt  }
0x80: {  	_ =	shalt  }
0x81: {  	_ =	shalt  }
0x82: {  	_ =	shalt  }
0x83: {  	_ =	shalt  }
0x84: {  	_ =	shalt  }
0x85: {  	_ =	shalt  }
0x86: {  	_ =	shalt  }
0x87: {  	_ =	shalt  }
.Lfunc_end0:
.L_simem_size_0:
called_computation_lowered:
.L_overlay_start_0:
0x88: {  	s2 =	sld [smem:$0x3FD9]  }
0x89: {  	s3 =	sld [smem:$0x3FFE];
	_ =	sdelay $0x1  }
0x8a: {  	s1 =	srdreg.scid  }
0x8b: {  	s0 =	sand.u32 $0x1, s1  }
0x8c: {  	s17 =	sshll.u32 s0, $0xA;
	s2 =	sadd.s32 s3, s2  }
0x8d: {  	s2 =	sadd.s32 s2, s17  }
0x8e: {  	[smem:$0x3FC2] =	sst s2  }
0x8f: {  	_ = 	snop  }
0x90: {  	s2 =	sld [smem:$0x3FD0];
	(tm) =	ssettm $0x1  }
0x91: {  	s18 =	sld [smem:$0x3FFB];
	_ =	sdelay $0x3  }
0x92: {  	_ =	strace s18  }
0x93: {  	s3 =	sld [smem:$0x3FFC];
	_ =	sdelay $0x3  }
0x94: {  	_ =	strace s3  }
0x95: {  	s3 =	sld [smem:$0x3FFD];
	_ =	sdelay $0x3  }
0x96: {  	_ =	strace s3  }
0x97: {  	_ =	strace $0x8FFFFFFF  }
0x98: {  	s19 =	sld [smem:$0x3FDB];
	_ =	sdelay $0x1  }
0x99: {  	s4 =	simm.s32 $_scs_section_size  }
0x9a: {  	s5 =	simm.s32 $_size__tile_overlayer_lowered;
	s6 =	simm.s32 $_tile_overlayer_lowered  }
0x9b: {  	s22 =	simm.s32 $0x1BFF;
	s21 =	sshll.u32 s6, $0x1;
	s3 =	sadd.s32 s4, s19  }
0x9c: {  	s7 =	simm.s32 $0x0;
	s20 =	sshll.u32 s5, $0x1;
	s5 =	sadd.s32 s21, s3  }
0x9d: {  	[timem:s7], [sflag:s22] =	dma.local [hbm:s5], s20  }
0x9e: {  	_ =	swait.ge [sflag:s22], s20  }
0x9f: {  	s4 =	ssub.s32 $0x0, s20;
	[sflag:s22] =	ssyncset.done $0x0  }
0xa0: {  	[sflag:s22] =	ssyncadd.s32 s4;
	_ =	sdelay $0x1  }
0xa1: {  	s23 =	simm.s32 $0x1B8B  }
0xa2: {  	_ =	swait.ge [sflag:s23], $0x1  }
0xa3: {  	[sflag:s23] =	ssyncset.done $0x0  }
0xa4: {  	s25 =	simm.s32 $0x1B8E;
	s24 =	sld [smem:$0x3FFE];
	[sflag:s23] =	ssyncadd.s32 $0xFFFFFFFF  }
0xa5: {  	s26 =	simm.s32 $execute0_lowered;
	[smem:$0x3FD2] =	sst s25  }
0xa6: {  	s5 =	sshll.u32 s26, $0x1;
	_ =	strace $0x80000046;
	[dreg:$0x1] =	wrdreg $0xFFFFFFFF  }
0xa7: {  	s28 =	simm.s32 $_size_execute0_lowered;
	s3 =	sadd.s32 s3, s5;
	[dreg:$0x0] =	wrdreg $0x0  }
0xa8: {  	s5 =	sshll.u32 s28, $0x1;
	[dreg:$0x2] =	wrdreg s3  }
0xa9: {  	[dreg:$0x3] =	wrdreg s5  }
0xaa: {  	[dreg:$0x4] =	wrdreg $0xC0  }
0xab: {  	_ =	task [dreg:s7], $0x5FFFF  }
0xac: {  	[dreg:$0x1] =	wrdreg $0xFFFFFFFF  }
0xad: {  	[dreg:$0x0] =	wrdreg $0x60  }
0xae: {  	[dreg:$0x2] =	wrdreg s24  }
0xaf: {  	[dreg:$0x3] =	wrdreg s2  }
0xb0: {  	[dreg:$0x4] =	wrdreg $0x9  }
0xb1: {  	_ =	task.clear_ibuf [dreg:s7], $0x5FFFF;
	_ =	strace $0x90000046  }
0xb2: {  	s29 =	simm.s32 $0x9;
	_ =	strace $0x80000048  }
0xb3: {  	_ =	swait.ge [sflag:s29], $0x1  }
0xb4: {  	[sflag:s29] =	ssyncadd.s32 $0xFFFFFFFF  }
0xb5: {  	_ =	strace $0x90000048  }
0xb6: {  	_ =	sfence  }
0xb7: {  	s30 =	sld [smem:$0x0];
	_ =	sdelay $0x2  }
0xb8: {  	s31 =	sshll.u32 s1, $0xD;
	s1 =	sshrl.u32 s1, $0x2  }
0xb9: {  	s3 =	sand.u32 $0x4000, s31;
	s1 =	sadd.s32 s1, s30  }
0xba: {  	s0 =	sor.u32 s3, s0;
	s1 =	sshll.u32 s1, $0x11  }
0xbb: {  	s0 =	sor.u32 s1, s0  }
0xbc: {  	s0 =	sadd.s32 $0x8F2B, s0  }
0xbd: {  	[sflag:s0] =	ssyncadd.remote.s32 $0x1  }
0xbe: {  	_ =	sfence.sel $0xFFFF  }
0xbf: {  	[dreg:$0x0] =	wrdreg $0xFFFFFFFF;
	(pc) =	sbr.abs _section_cstart, $3  }
0xc0: {  	[dreg:$0x1] =	wrdreg $0xFFFFFFFF  }
0xc1: {  	_ =	task.clear_ibuf [dreg:s7], $0x2FFFF;
	_ =	strace $0x9FFFFFFF  }
0xc2: {  	(tm) =	ssettm $0x7FFFFFFF  }
0xc3: {  	_ =	shalt  }
tec
execute0_lowered:
.L_overlay_start_1:
0x0: {  	(tag) =	ssettag $0x1  }
0x1: {  	s0 =	srdreg.scid;
	s4 =	rddreg [dreg:$0x0]  }
0x2: {  	s5 =	rddreg [dreg:$0x1];
	s2 =	simm.s32 $0x0;
	s10 =	simm.s32 $0x5000  }
0x3: {  	s11 =	simm.s32 $0x7800;
	s12 =	simm.s32 $0x1;
	s3 =	sand.u32 $0x1, s0  }
0x4: {  	s13 =	simm.s32 $0x2;
	s0 =	stileid.u32;
	s1 =	sshll.u32 s3, $0x4  }
0x5: {  	s14 =	simm.s32 $0x2800;
	s15 =	simm.s32 $0x400;
	s6 =	sor.u32 s0, s1  }
0x6: {  	s16 =	simm.s32 $0x3;
	s17 =	simm.s32 $0x0;
	s7 =	sshrl.u32 s6, $0x3  }
0x7: {  	[smem:$0x7FF] =	sst s2;
	s8 =	sshll.u32 s0, $0x7;
	s7 =	smul.u32 $0x14000, s7  }
0x8: {  	s3 =	ssub.s32 $0x2, s3;
	s8 =	sand.u32 $0x380, s8;
	s6 =	smul.u32 $0xA00, s6  }
0x9: {  	s1 =	rddreg [dreg:$0x2];
	_ =	strace $0x80000047;
	s7 =	sor.u32 s8, s7  }
0xa: {  	s31 =	sshrl.u32 s3, $0x1;
	s6 =	sadd.s32 s6, s4;
	s7 =	sshrl.u32 s7, $0x3  }
0xb: {  	s8 =	ssub.s32 s3, s31;
	s3 =	sadd.s32 $0x3200, s6;
	s9 =	sadd.s32 s7, s4  }
0xc: {  	s4 =	sadd.s32 $0x3210, s6;
	s5 =	sadd.s32 s5, s7;
	s7 =	smax.u32 s8, $0x1  }
0xd: {  	v0 =	vimm.f32 $0.0e+00;
	v1 =	vimm.f32 $1.000000000e+00;
	s8 =	simm.s32 $0x80;
	s6 =	sadd.s32 $0x17200, s9;
	s9 =	simm.s32 $0x100  }
.LBB2_1:
0xe: {  	[tilespmem:s10], [sflag:$0x1] =	stream.strided.gather [hbm4b:s3+s8], $0x2800, s9, s8, $0x38;
	[tilespmem:$0xA000] =	vst v63  }
0xf: {  	s18 =	simm.s32 $0x40;
	s19 =	simm.s32 $0x0  }
0x10: {  	[tilespmem:s11], [sflag:$0x2] =	stream.strided.gather [hbm4b:s4+s8], $0x2800, s9, s8, $0x38;
	[tilespmem:$0xA000] =	vst v63  }
.LBB2_2:
0x11: {  	p0 =	sne.s32 s18, $0x9FC0;
	[tilespmem:s19+$0x0] =	vst v0;
	s20 =	smov.u32 s18;
	s18 =	sadd.s32 $0x40, s18  }
.Ltmp0:
0x12: {  	[tilespmem:s19+$0x2800] =	vst v0;
	(pc) =	sbr.rel @p0 .LBB2_2-.Ltmp0, $2  }
0x13: {  	_ =	sdelay $0x2  }
0x14: {  	s19 =	sshra.s32 s20, $0x2  }
0x15: {  	[tilespmem:s19+$0x0] =	vst v0  }
0x16: {  	[tilespmem:s19+$0x2800] =	vst v0  }
0x17: {  	_ =	swait.ge [sflag:s12], $0x2800  }
0x18: {  	[sflag:s12] =	ssyncset.done $0x0  }
0x19: {  	[sflag:s12] =	ssyncadd.s32 $0xFFFFD800  }
0x1a: {  	_ =	swait.ge [sflag:s13], $0x2800  }
0x1b: {  	[sflag:s13] =	ssyncset.done $0x0  }
0x1c: {  	s19 =	simm.s32 $0x0;
	[sflag:s13] =	ssyncadd.s32 $0xFFFFD800  }
0x1d: {  	s18 =	simm.s32 $0x40;
	v2 =	vld [tilespmem:s19+$0x5000]  }
.LBB2_4:
0x1e: {  	p0 =	sne.s32 s18, $0x9FC0;
	v3 =	vld [tilespmem:s19+$0x7800];
	_ =	sdelay $0x4  }
.Ltmp1:
0x1f: {  	(pc) =	sbr.rel @p0 .LBB2_4-.Ltmp1, $4  }
0x20: {  	_ = 	snop  }
0x21: {  	[tilespmem:v2+s2+$0x0] =	vst.idx.add.f32.msk $0xffff, v1  }
0x22: {  	s19 =	sshra.s32 s18, $0x2;
	[tilespmem:v3+s14+$0x0] =	vst.idx.add.f32.msk $0xffff, v1  }
0x23: {  	s18 =	sadd.s32 $0x40, s18;
	v2 =	vld [tilespmem:s19+$0x5000]  }
0x24: {  	_ = 	snop  }
0x25: {  	v3 =	vld [tilespmem:s19+$0x7800];
	_ =	sdelay $0x6  }
0x26: {  	[tilespmem:v2+s2+$0x0] =	vst.idx.add.f32.msk $0xffff, v1  }
0x27: {  	[tilespmem:v3+s14+$0x0] =	vst.idx.add.f32.msk $0xffff, v1  }
0x28: {  	[hbm4b:s5+s8] =	stream.strided.scatter [tilespmem:s2], [sflag:$0x3], $0x2800, s15, s8, $0x38;
	[tilespmem:$0xA000] =	vst v63  }
0x29: {  	s17 =	sadd.s32 $0x1, s17;
	_ =	swait.ge [sflag:s16], $0x2800  }
0x2a: {  	p0 =	sne.s32 s17, s7;
	[sflag:s16] =	ssyncset.done $0x0  }
.Ltmp2:
0x2b: {  	[sflag:s16] =	ssyncadd.s32 $0xFFFFD800;
	(pc) =	sbr.rel @p0 .LBB2_1-.Ltmp2, $4  }
0x2c: {  	[hbm4b:s6+s8] =	stream.strided.scatter [tilespmem:s14], [sflag:$0x3], $0x2800, s15, s8, $0x38;
	[tilespmem:$0xA000] =	vst v63  }
0x2d: {  	_ =	swait.ge [sflag:s16], $0x2800  }
0x2e: {  	[sflag:s16] =	ssyncset.done $0x0  }
0x2f: {  	[sflag:s16] =	ssyncadd.s32 $0xFFFFD800  }
0x30: {  	_ =	sfence.sel $0x180000  }
0x31: {  	[bflag:$0x0] =	sbarrier.arrive $0xFFFF  }
0x32: {  	p0 =	sne.s32 s0, $0x0;
	_ =	strace $0x90000047  }
0x33: {  	s0 =	sadd.s32 @!p0 $0x100000, s1;
	[bflag:$0x2] =	sbarrier.arrive $0xFFFF  }
0x34: {  	[sflag:s0] =	ssyncadd.tile.s32 @!p0 $0x1;
	_ =	shalt  }
.Lfunc_end2:
_tile_overlayer_lowered:
.L_overlay_start_2:
0x35: {  	(tag) =	ssettag $0x2  }
0x36: {  	s0 =	rddreg [dreg:$0x0];
	s2 =	stileid.u32  }
0x37: {  	s1 =	rddreg [dreg:$0x1];
	p0 =	sne.s32 s2, $0x0  }
0x38: {  	s3 =	rddreg [dreg:$0x2];
	[bflag:$0x3] =	sbarrier.arrive $0xFFFF;
	s2 =	simm.s32 @!p0 $0x1C03  }
0x39: {  	[timem:s3], [sflag:s2] =	dma.local @!p0 [hbm:s0], s1  }
0x3a: {  	s0 =	simm.s32 @!p0 $0x3  }
0x3b: {  	_ =	swait.ge @!p0 [sflag:s0], s1  }
0x3c: {  	s1 =	ssub.s32 @!p0 $0x0, s1;
	[sflag:s0] =	ssyncset.done @!p0 $0x0  }
0x3d: {  	[sflag:s0] =	ssyncadd.s32 @!p0 s1  }
0x3e: {  	[bflag:$0x3] =	sbarrier.arrive $0xFFFF  }
0x3f: {  	_ =	shalt  }

</sc_bundles>
